<compile_context>
chip_gen: v7x
topology: tpu7x:2x2x1
jax: 0.10.2.dev20260603
libtpu: 0.0.44.dev20260713+nightly
codegen_flags: <defaults>
</compile_context>

<pallas_src>
import functools

import jax
import jax.numpy as jnp
from jax import lax
from jax.experimental import pallas as pl
from jax.experimental.pallas import tpu as pltpu
from jax.experimental.pallas import tpu_sc as plsc

NX = 496
NY = 496
C = 64
B = 4
P = 25000

L = 16
NCELL = NX * NY
P_PAD = 25600
T = P
SLICE1 = NCELL // 8
W = 1984
N_WIN = NCELL // W
SENT = 1 << 28

_mesh = plsc.VectorSubcoreMesh(core_axis_name="c", subcore_axis_name="s")
_params = pltpu.CompilerParams(needs_layout_passes=False)


@functools.partial(
    pl.kernel,
    out_type=jax.ShapeDtypeStruct((B * NCELL,), jnp.int32),
    mesh=_mesh,
    compiler_params=_params,
    scratch_types=[
        pltpu.VMEM((SLICE1,), jnp.int32),
        pltpu.VMEM((P_PAD,), jnp.int32),
    ],
)
def _winner_kernel(cells_hbm, map_hbm, map_v, cells_v):
    core = lax.axis_index("c")
    sub = lax.axis_index("s")
    iota = jnp.arange(L, dtype=jnp.int32)
    zeros_i = jnp.zeros((L,), jnp.int32)
    base = jnp.remainder(sub, 8) * SLICE1
    b = 2 * core + sub // 8
    pltpu.sync_copy(cells_hbm.at[b], cells_v)

    def _zero(i, _):
        map_v[pl.ds(i * L, L)] = zeros_i
        return 0
    lax.fori_loop(0, SLICE1 // L, _zero, 0)

    def _scan(k2, _):
        locs, oks, valss = [], [], []
        for u in range(2):
            k = 2 * k2 + u
            cell = cells_v[pl.ds(k * L, L)]
            rel = cell - base
            ok = (rel >= 0) & (rel < SLICE1)
            loc = jnp.clip(rel, 0, SLICE1 - 1)
            vals = k * L + 1 + iota
            plsc.store_scatter(map_v, [loc], vals, mask=ok)
            locs.append(loc)
            oks.append(ok)
            valss.append(vals)
        for _fix in range(2):
            for u in range(2):
                rb = plsc.load_gather(map_v, [locs[u]], mask=oks[u])
                redo = oks[u] & (rb < valss[u])
                plsc.store_scatter(map_v, [locs[u]], valss[u], mask=redo)
        return 0
    lax.fori_loop(0, P_PAD // (2 * L), _scan, 0)

    pltpu.sync_copy(map_v, map_hbm.at[pl.ds(b * NCELL + base, SLICE1)])


@functools.partial(
    pl.kernel,
    out_type=jax.ShapeDtypeStruct((B, C, NX, NY), jnp.float32),
    mesh=_mesh,
    compiler_params=_params,
    scratch_types=[
        pltpu.VMEM((4 * T,), jnp.float32),
        pltpu.VMEM((2 * W,), jnp.int32),
        pltpu.VMEM((8, W // NY, NY), jnp.float32),
        pltpu.SemaphoreType.DMA,
        pltpu.SemaphoreType.DMA,
        pltpu.SemaphoreType.DMA,
        pltpu.SemaphoreType.DMA,
    ],
)
def _expand_kernel(map_hbm, feat_hbm, out_hbm,
                   tab_v, idx_v, outw_v, sem_i0, sem_i1, sem_o0, sem_o1):
    sem_i = (sem_i0, sem_i1)
    sem_o = (sem_o0, sem_o1)
    core = lax.axis_index("c")
    sub = lax.axis_index("s")
    c_base = 4 * sub

    for lb in range(2):
        b = 2 * core + lb
        c0 = c_base
        pltpu.sync_copy(feat_hbm.at[pl.ds((b * C + c0) * T, 4 * T)], tab_v)

        def idx_copy(w, j):
            return pltpu.make_async_copy(
                map_hbm.at[pl.ds(b * NCELL + w * W, W)],
                idx_v.at[pl.ds(j * W, W)], sem_i[j])

        def out_copy(w, j):
            return pltpu.make_async_copy(
                outw_v.at[pl.ds(4 * j, 4)],
                out_hbm.at[b, pl.ds(c0, 4), pl.ds(w * (W // NY), W // NY)],
                sem_o[j])

        def gather_win(j):
            r0 = 4 * j

            def _row(rr, _):
                @plsc.parallel_loop(0, NY // L, unroll=4)
                def _chunk(i):
                    idx = idx_v[pl.ds(j * W + rr * NY + i * L, L)]
                    live = idx > 0
                    p0 = jnp.maximum(idx - 1, 0)
                    zero = jnp.zeros((L,), jnp.float32)
                    for ch in range(4):
                        g = plsc.load_gather(tab_v, [p0 + ch * T])
                        outw_v[r0 + ch, rr, pl.ds(i * L, L)] = jnp.where(
                            live, g, zero)
                return 0
            lax.fori_loop(0, W // NY, _row, 0)

        idx_copy(0, 0).start()
        idx_copy(1, 1).start()
        for j in range(2):
            idx_copy(j, j).wait()
            gather_win(j)
            out_copy(j, j).start()
            idx_copy(j + 2, j).start()

        def _dbl(k, _):
            for j in range(2):
                w = 2 * k + j
                idx_copy(w, j).wait()
                out_copy(w - 2, j).wait()
                gather_win(j)
                out_copy(w, j).start()
                idx_copy(jnp.minimum(w + 2, N_WIN - 1), j).start()
            return 0
        lax.fori_loop(1, N_WIN // 2, _dbl, 0)

        for j in range(2):
            idx_copy(N_WIN - 2 + j, j).wait()
            out_copy(N_WIN - 2 + j, j).wait()


def kernel(pillar_features, coords):
    x = coords[:, :, 1]
    y = coords[:, :, 2]
    keep = (x + y) > 0
    cells = jnp.where(keep, x * NY + y, SENT).astype(jnp.int32)
    cells = jnp.pad(cells, ((0, 0), (0, P_PAD - P)), constant_values=SENT)

    feat_t = jnp.transpose(pillar_features, (0, 2, 1))
    feat_flat = feat_t.reshape(B * C * T)

    winner_map = _winner_kernel(cells)
    return _expand_kernel(winner_map, feat_flat)

# --- scband reference (transcript-rebuilt; emitter-appended) ---
"""Pipeline reference for scband-point-pillars-scatter-58737972740529 (READ-ONLY COPY).

The authoritative reference and input builder live on the scoring server;
editing this copy changes nothing except your own understanding.
"""

import jax, jax.numpy as jnp
import numpy as np

NX, NY, OUT_CHANNELS = 496, 496, 64
BATCH, MAX_PILLARS = 4, 25000


def setup_inputs(seed: int = 0) -> dict:
    key = jax.random.key(seed)
    k1, k2 = jax.random.split(key)
    pillar_features = jax.random.normal(k1, (BATCH, MAX_PILLARS, OUT_CHANNELS), dtype=jnp.float32)
    coords = jax.random.randint(k2, (BATCH, MAX_PILLARS, 3), 0, 496, dtype=jnp.int32)
    return {"pillar_features": pillar_features, "coords": coords}


def reference(pillar_features, coords):
    # pillar_features: (B, P, C) float32; coords: (B, P, 3) int [batch_idx, x_idx, y_idx]
    # Faithful to torch loop: only pillars with x_idx + y_idx > 0 and in-bounds are
    # scattered (overwrite semantics) into a zero-initialized BEV map (B, C, nx, ny).
    mask = (coords[:, :, 1] + coords[:, :, 2]) > 0
    # Route masked-out pillars to an out-of-bounds index and drop them in the scatter.
    x_idx = jnp.where(mask, coords[:, :, 1], NX)
    y_idx = jnp.where(mask, coords[:, :, 2], NY)

    def scatter_one(x_i, y_i, feat_i):
        bev = jnp.zeros((NX, NY, feat_i.shape[-1]), dtype=feat_i.dtype)
        return bev.at[x_i, y_i].set(feat_i, mode="drop")

    bev = jax.vmap(scatter_one)(x_idx, y_idx, pillar_features)  # (B, nx, ny, C)
    return jnp.transpose(bev, (0, 3, 1, 2))  # (B, C, nx, ny)

if __name__ == "__main__":
    import jax
    _d = setup_inputs()
    print(jax.jit(kernel)(*tuple(_d.values())))

</pallas_src>

<mosaic_0001>
#map = affine_map<(d0, d1) -> (0)>
#map1 = affine_map<(d0, d1) -> (0, 0, 0, 0)>
module attributes {stable_mosaic.version = 14 : i64} {
  func.func @_expand_kernel(%arg0: i32, %arg1: i32, %arg2: memref<984064xi32, #tpu.memory_space<hbm>>, %arg3: memref<6400000xf32, #tpu.memory_space<hbm>>, %arg4: memref<4x64x496x496xf32, #tpu.memory_space<hbm>>, %arg5: memref<100000xf32, #tpu.memory_space<vmem>>, %arg6: memref<3968xi32, #tpu.memory_space<vmem>>, %arg7: memref<8x4x496xf32, #tpu.memory_space<vmem>>, %arg8: memref<!tpu.dma_semaphore, #tpu.memory_space<semaphore_mem>>, %arg9: memref<!tpu.dma_semaphore, #tpu.memory_space<semaphore_mem>>, %arg10: memref<!tpu.dma_semaphore, #tpu.memory_space<semaphore_mem>>, %arg11: memref<!tpu.dma_semaphore, #tpu.memory_space<semaphore_mem>>) attributes {dimension_semantics = [#tpu.dimension_semantics<core_parallel>, #tpu.dimension_semantics<subcore_parallel>], iteration_bounds = array<i64: 2, 16>, scalar_prefetch = 0 : i64, scratch_operands = 7 : i64, tpu.core_type = #tpu.core_type<sc_vector_subcore>, window_params = [{transform_indices = #map}, {transform_indices = #map}, {transform_indices = #map1}]} {
    %mul3A = arith.constant 4 : i32
    %mul3A_0 = arith.muli %mul3A, %arg1 : i32
    %mul3A_1 = arith.constant 2 : i32
    %mul3A_2 = arith.muli %mul3A_1, %arg0 : i32
    %add3A = arith.constant 0 : i32
    %add3A_3 = arith.addi %mul3A_2, %add3A : i32
    %mul3A_4 = arith.constant 64 : i32
    %mul3A_5 = arith.muli %add3A_3, %mul3A_4 : i32
    %add3A_6 = arith.addi %mul3A_5, %mul3A_0 : i32
    %mul3A_7 = arith.constant 25000 : i32
    %mul3A_8 = arith.muli %add3A_6, %mul3A_7 : i32
    "tpu.region"() ({
      %run_scoped3A = tpu.sem_alloc : memref<!tpu.dma_semaphore, #tpu.memory_space<semaphore_mem>>
      %dma_start3A_345 = tpu.memref_slice %arg3[%mul3A_8] : memref<6400000xf32, #tpu.memory_space<hbm>> -> memref<100000xf32, #tpu.memory_space<hbm>>
      %dma_start3A_346 = tpu.memref_slice %arg3[%mul3A_8] : memref<6400000xf32, #tpu.memory_space<hbm>> -> memref<100000xf32, #tpu.memory_space<hbm>>
      tpu.enqueue_dma source(%dma_start3A_346 : memref<100000xf32, #tpu.memory_space<hbm>>) target(%arg5 : memref<100000xf32, #tpu.memory_space<vmem>>) target_semaphore(%run_scoped3A : memref<!tpu.dma_semaphore, #tpu.memory_space<semaphore_mem>>)
      %dma_wait3A_347 = tpu.memref_slice %arg3[%mul3A_8] : memref<6400000xf32, #tpu.memory_space<hbm>> -> memref<100000xf32, #tpu.memory_space<hbm>>
      %dma_wait3A_348 = tpu.memref_slice %arg3[%mul3A_8] : memref<6400000xf32, #tpu.memory_space<hbm>> -> memref<100000xf32, #tpu.memory_space<hbm>>
      tpu.wait_dma2 semaphore(%run_scoped3A : memref<!tpu.dma_semaphore, #tpu.memory_space<semaphore_mem>>) src(%dma_wait3A_348 : memref<100000xf32, #tpu.memory_space<hbm>>) dst(%arg5 : memref<100000xf32, #tpu.memory_space<vmem>>)
      tpu.yield
    }) : () -> ()
    %mul3A_9 = arith.constant 246016 : i32
    %mul3A_10 = arith.muli %add3A_3, %mul3A_9 : i32
    %add3A_11 = arith.constant 0 : i32
    %add3A_12 = arith.addi %mul3A_10, %add3A_11 : i32
    %dma_start3A = arith.constant 0 : i32
    %dma_start3A_13 = tpu.memref_slice %arg6[%dma_start3A] : memref<3968xi32, #tpu.memory_space<vmem>> -> memref<1984xi32, #tpu.memory_space<vmem>>
    %dma_start3A_14 = tpu.memref_slice %arg2[%add3A_12] : memref<984064xi32, #tpu.memory_space<hbm>> -> memref<1984xi32, #tpu.memory_space<hbm>>
    %dma_start3A_15 = arith.constant 0 : i32
    %dma_start3A_16 = tpu.memref_slice %arg6[%dma_start3A_15] : memref<3968xi32, #tpu.memory_space<vmem>> -> memref<1984xi32, #tpu.memory_space<vmem>>
    %dma_start3A_17 = tpu.memref_slice %arg2[%add3A_12] : memref<984064xi32, #tpu.memory_space<hbm>> -> memref<1984xi32, #tpu.memory_space<hbm>>
    tpu.enqueue_dma source(%dma_start3A_17 : memref<1984xi32, #tpu.memory_space<hbm>>) target(%dma_start3A_16 : memref<1984xi32, #tpu.memory_space<vmem>>) target_semaphore(%arg8 : memref<!tpu.dma_semaphore, #tpu.memory_space<semaphore_mem>>)
    %mul3A_18 = arith.constant 246016 : i32
    %mul3A_19 = arith.muli %add3A_3, %mul3A_18 : i32
    %add3A_20 = arith.constant 1984 : i32
    %add3A_21 = arith.addi %mul3A_19, %add3A_20 : i32
    %dma_start3A_22 = arith.constant 1984 : i32
    %dma_start3A_23 = tpu.memref_slice %arg6[%dma_start3A_22] : memref<3968xi32, #tpu.memory_space<vmem>> -> memref<1984xi32, #tpu.memory_space<vmem>>
    %dma_start3A_24 = tpu.memref_slice %arg2[%add3A_21] : memref<984064xi32, #tpu.memory_space<hbm>> -> memref<1984xi32, #tpu.memory_space<hbm>>
    %dma_start3A_25 = arith.constant 1984 : i32
    %dma_start3A_26 = tpu.memref_slice %arg6[%dma_start3A_25] : memref<3968xi32, #tpu.memory_space<vmem>> -> memref<1984xi32, #tpu.memory_space<vmem>>
    %dma_start3A_27 = tpu.memref_slice %arg2[%add3A_21] : memref<984064xi32, #tpu.memory_space<hbm>> -> memref<1984xi32, #tpu.memory_space<hbm>>
    tpu.enqueue_dma source(%dma_start3A_27 : memref<1984xi32, #tpu.memory_space<hbm>>) target(%dma_start3A_26 : memref<1984xi32, #tpu.memory_space<vmem>>) target_semaphore(%arg9 : memref<!tpu.dma_semaphore, #tpu.memory_space<semaphore_mem>>)
    %mul3A_28 = arith.constant 246016 : i32
    %mul3A_29 = arith.muli %add3A_3, %mul3A_28 : i32
    %add3A_30 = arith.constant 0 : i32
    %add3A_31 = arith.addi %mul3A_29, %add3A_30 : i32
    %dma_wait3A = arith.constant 0 : i32
    %dma_wait3A_32 = tpu.memref_slice %arg6[%dma_wait3A] : memref<3968xi32, #tpu.memory_space<vmem>> -> memref<1984xi32, #tpu.memory_space<vmem>>
    %dma_wait3A_33 = tpu.memref_slice %arg2[%add3A_31] : memref<984064xi32, #tpu.memory_space<hbm>> -> memref<1984xi32, #tpu.memory_space<hbm>>
    %dma_wait3A_34 = arith.constant 0 : i32
    %dma_wait3A_35 = tpu.memref_slice %arg6[%dma_wait3A_34] : memref<3968xi32, #tpu.memory_space<vmem>> -> memref<1984xi32, #tpu.memory_space<vmem>>
    %dma_wait3A_36 = tpu.memref_slice %arg2[%add3A_31] : memref<984064xi32, #tpu.memory_space<hbm>> -> memref<1984xi32, #tpu.memory_space<hbm>>
    tpu.wait_dma2 semaphore(%arg8 : memref<!tpu.dma_semaphore, #tpu.memory_space<semaphore_mem>>) src(%dma_wait3A_36 : memref<1984xi32, #tpu.memory_space<hbm>>) dst(%dma_wait3A_35 : memref<1984xi32, #tpu.memory_space<vmem>>)
    %scan3A = arith.constant 0 : i32
    %scan3A_37 = arith.constant 0 : i32
    %scan3A_38 = arith.constant 4 : i32
    %scan3A_39 = arith.addi %scan3A_37, %scan3A_38 : i32
    %scan3A_40 = arith.constant 1 : i32
    %scan3A_41 = scf.for %scan3A_345 = %scan3A_37 to %scan3A_39 step %scan3A_40 iter_args(%scan3A_346 = %scan3A) -> (i32)  : i32 {
      %parallel_loop3A = arith.constant 0 : i32
      %parallel_loop3A_347 = arith.constant 31 : i32
      %parallel_loop3A_348 = arith.constant 1 : i32
      scf.for %parallel_loop3A_350 = %parallel_loop3A to %parallel_loop3A_347 step %parallel_loop3A_348  : i32 {
        %parallel_loop3A_351 = arith.constant 496 : i32
        %parallel_loop3A_352 = arith.muli %scan3A_345, %parallel_loop3A_351 : i32
        %parallel_loop3A_353 = arith.constant 0 : i32
        %parallel_loop3A_354 = arith.addi %parallel_loop3A_353, %parallel_loop3A_352 : i32
        %parallel_loop3A_355 = arith.constant 16 : i32
        %parallel_loop3A_356 = arith.muli %parallel_loop3A_350, %parallel_loop3A_355 : i32
        %parallel_loop3A_357 = arith.addi %parallel_loop3A_354, %parallel_loop3A_356 : i32
        %parallel_loop3A_358 = arith.index_cast %parallel_loop3A_357 : i32 to index
        %parallel_loop3A_359 = tpu.vector_load %arg6[%parallel_loop3A_358] {strides = array<i32>} : memref<3968xi32, #tpu.memory_space<vmem>>, vector<16xi32>,
        %parallel_loop3A_360 = arith.constant 0 : i32
        %parallel_loop3A_361 = vector.broadcast %parallel_loop3A_360 : i32 to vector<16xi32>
        %parallel_loop3A_362 = arith.cmpi sgt, %parallel_loop3A_359, %parallel_loop3A_361 : vector<16xi32>
        %parallel_loop3A_363 = arith.constant 1 : i32
        %parallel_loop3A_364 = vector.broadcast %parallel_loop3A_363 : i32 to vector<16xi32>
        %parallel_loop3A_365 = arith.subi %parallel_loop3A_359, %parallel_loop3A_364 : vector<16xi32>
        %parallel_loop3A_366 = arith.constant 0 : i32
        %parallel_loop3A_367 = vector.broadcast %parallel_loop3A_366 : i32 to vector<16xi32>
        %parallel_loop3A_368 = arith.maxsi %parallel_loop3A_365, %parallel_loop3A_367 : vector<16xi32>
        %parallel_loop3A_369 = arith.constant 0.000000e+00 : f32
        %parallel_loop3A_370 = vector.broadcast %parallel_loop3A_369 : f32 to vector<16xf32>
        %parallel_loop3A_371 = arith.constant 0 : i32
        %parallel_loop3A_372 = vector.broadcast %parallel_loop3A_371 : i32 to vector<16xi32>
        %parallel_loop3A_373 = arith.addi %parallel_loop3A_368, %parallel_loop3A_372 : vector<16xi32>
        %parallel_loop3A_374 = tpu.vector_load_idx %arg5[%parallel_loop3A_373] : memref<100000xf32, #tpu.memory_space<vmem>>[vector<16xi32>], vector<16xf32>,
        %parallel_loop3A_375 = arith.select %parallel_loop3A_362, %parallel_loop3A_374, %parallel_loop3A_370 : vector<16xi1>, vector<16xf32>
        %parallel_loop3A_376 = arith.constant 16 : i32
        %parallel_loop3A_377 = arith.muli %parallel_loop3A_350, %parallel_loop3A_376 : i32
        %parallel_loop3A_378 = arith.constant 0 : i32
        %parallel_loop3A_379 = arith.index_cast %parallel_loop3A_378 : i32 to index
        %parallel_loop3A_380 = arith.index_cast %scan3A_345 : i32 to index
        %parallel_loop3A_381 = arith.index_cast %parallel_loop3A_377 : i32 to index
        %parallel_loop3A_382 = tpu.vector_load %arg7[%parallel_loop3A_379, %parallel_loop3A_380, %parallel_loop3A_381] {strides = array<i32>} : memref<8x4x496xf32, #tpu.memory_space<vmem>>, vector<16xf32>,
        tpu.vector_store %arg7[%parallel_loop3A_379, %parallel_loop3A_380, %parallel_loop3A_381], %parallel_loop3A_375 {strides = array<i32>} : memref<8x4x496xf32, #tpu.memory_space<vmem>>, vector<16xf32>,
        %parallel_loop3A_383 = arith.constant 25000 : i32
        %parallel_loop3A_384 = vector.broadcast %parallel_loop3A_383 : i32 to vector<16xi32>
        %parallel_loop3A_385 = arith.addi %parallel_loop3A_368, %parallel_loop3A_384 : vector<16xi32>
        %parallel_loop3A_386 = tpu.vector_load_idx %arg5[%parallel_loop3A_385] : memref<100000xf32, #tpu.memory_space<vmem>>[vector<16xi32>], vector<16xf32>,
        %parallel_loop3A_387 = arith.select %parallel_loop3A_362, %parallel_loop3A_386, %parallel_loop3A_370 : vector<16xi1>, vector<16xf32>
        %parallel_loop3A_388 = arith.constant 16 : i32
        %parallel_loop3A_389 = arith.muli %parallel_loop3A_350, %parallel_loop3A_388 : i32
        %parallel_loop3A_390 = arith.constant 1 : i32
        %parallel_loop3A_391 = arith.index_cast %parallel_loop3A_390 : i32 to index
        %parallel_loop3A_392 = arith.index_cast %scan3A_345 : i32 to index
        %parallel_loop3A_393 = arith.index_cast %parallel_loop3A_389 : i32 to index
        %parallel_loop3A_394 = tpu.vector_load %arg7[%parallel_loop3A_391, %parallel_loop3A_392, %parallel_loop3A_393] {strides = array<i32>} : memref<8x4x496xf32, #tpu.memory_space<vmem>>, vector<16xf32>,
        tpu.vector_store %arg7[%parallel_loop3A_391, %parallel_loop3A_392, %parallel_loop3A_393], %parallel_loop3A_387 {strides = array<i32>} : memref<8x4x496xf32, #tpu.memory_space<vmem>>, vector<16xf32>,
        %parallel_loop3A_395 = arith.constant 50000 : i32
        %parallel_loop3A_396 = vector.broadcast %parallel_loop3A_395 : i32 to vector<16xi32>
        %parallel_loop3A_397 = arith.addi %parallel_loop3A_368, %parallel_loop3A_396 : vector<16xi32>
        %parallel_loop3A_398 = tpu.vector_load_idx %arg5[%parallel_loop3A_397] : memref<100000xf32, #tpu.memory_space<vmem>>[vector<16xi32>], vector<16xf32>,
        %parallel_loop3A_399 = arith.select %parallel_loop3A_362, %parallel_loop3A_398, %parallel_loop3A_370 : vector<16xi1>, vector<16xf32>
        %parallel_loop3A_400 = arith.constant 16 : i32
        %parallel_loop3A_401 = arith.muli %parallel_loop3A_350, %parallel_loop3A_400 : i32
        %parallel_loop3A_402 = arith.constant 2 : i32
        %parallel_loop3A_403 = arith.index_cast %parallel_loop3A_402 : i32 to index
        %parallel_loop3A_404 = arith.index_cast %scan3A_345 : i32 to index
        %parallel_loop3A_405 = arith.index_cast %parallel_loop3A_401 : i32 to index
        %parallel_loop3A_406 = tpu.vector_load %arg7[%parallel_loop3A_403, %parallel_loop3A_404, %parallel_loop3A_405] {strides = array<i32>} : memref<8x4x496xf32, #tpu.memory_space<vmem>>, vector<16xf32>,
        tpu.vector_store %arg7[%parallel_loop3A_403, %parallel_loop3A_404, %parallel_loop3A_405], %parallel_loop3A_399 {strides = array<i32>} : memref<8x4x496xf32, #tpu.memory_space<vmem>>, vector<16xf32>,
        %parallel_loop3A_407 = arith.constant 75000 : i32
        %parallel_loop3A_408 = vector.broadcast %parallel_loop3A_407 : i32 to vector<16xi32>
        %parallel_loop3A_409 = arith.addi %parallel_loop3A_368, %parallel_loop3A_408 : vector<16xi32>
        %parallel_loop3A_410 = tpu.vector_load_idx %arg5[%parallel_loop3A_409] : memref<100000xf32, #tpu.memory_space<vmem>>[vector<16xi32>], vector<16xf32>,
        %parallel_loop3A_411 = arith.select %parallel_loop3A_362, %parallel_loop3A_410, %parallel_loop3A_370 : vector<16xi1>, vector<16xf32>
        %parallel_loop3A_412 = arith.constant 16 : i32
        %parallel_loop3A_413 = arith.muli %parallel_loop3A_350, %parallel_loop3A_412 : i32
        %parallel_loop3A_414 = arith.constant 3 : i32
        %parallel_loop3A_415 = arith.index_cast %parallel_loop3A_414 : i32 to index
        %parallel_loop3A_416 = arith.index_cast %scan3A_345 : i32 to index
        %parallel_loop3A_417 = arith.index_cast %parallel_loop3A_413 : i32 to index
        %parallel_loop3A_418 = tpu.vector_load %arg7[%parallel_loop3A_415, %parallel_loop3A_416, %parallel_loop3A_417] {strides = array<i32>} : memref<8x4x496xf32, #tpu.memory_space<vmem>>, vector<16xf32>,
        tpu.vector_store %arg7[%parallel_loop3A_415, %parallel_loop3A_416, %parallel_loop3A_417], %parallel_loop3A_411 {strides = array<i32>} : memref<8x4x496xf32, #tpu.memory_space<vmem>>, vector<16xf32>,
      } {sc.loop_unroll_factor = 4 : i64, sc.parallel_access}
      %scan3A_349 = arith.constant 0 : i32
      scf.yield %scan3A_349 : i32
    }
    %scan3A_42 = arith.constant 4 : i32
    %dma_start3A_43 = arith.constant 0 : i32
    %dma_start3A_44 = arith.constant 0 : i32
    %dma_start3A_45 = arith.constant 0 : i32
    %dma_start3A_46 = tpu.memref_slice %arg7[%dma_start3A_43, %dma_start3A_44, %dma_start3A_45] : memref<8x4x496xf32, #tpu.memory_space<vmem>> -> memref<4x4x496xf32, #tpu.memory_space<vmem>>
    %dma_start3A_47 = arith.constant 0 : i32
    %dma_start3A_48 = arith.constant 0 : i32
    %dma_start3A_49 = tpu.memref_slice %arg4[%add3A_3, %mul3A_0, %dma_start3A_47, %dma_start3A_48] : memref<4x64x496x496xf32, #tpu.memory_space<hbm>> -> memref<1x4x4x496xf32, #tpu.memory_space<hbm>>
    %dma_start3A_50 = tpu.memref_squeeze %dma_start3A_49 : memref<1x4x4x496xf32, #tpu.memory_space<hbm>> -> memref<4x4x496xf32, #tpu.memory_space<hbm>>
    %dma_start3A_51 = arith.constant 0 : i32
    %dma_start3A_52 = arith.constant 0 : i32
    %dma_start3A_53 = tpu.memref_slice %arg4[%add3A_3, %mul3A_0, %dma_start3A_51, %dma_start3A_52] : memref<4x64x496x496xf32, #tpu.memory_space<hbm>> -> memref<1x4x4x496xf32, #tpu.memory_space<hbm>>
    %dma_start3A_54 = tpu.memref_squeeze %dma_start3A_53 : memref<1x4x4x496xf32, #tpu.memory_space<hbm>> -> memref<4x4x496xf32, #tpu.memory_space<hbm>>
    %dma_start3A_55 = arith.constant 0 : i32
    %dma_start3A_56 = arith.constant 0 : i32
    %dma_start3A_57 = arith.constant 0 : i32
    %dma_start3A_58 = tpu.memref_slice %arg7[%dma_start3A_55, %dma_start3A_56, %dma_start3A_57] : memref<8x4x496xf32, #tpu.memory_space<vmem>> -> memref<4x4x496xf32, #tpu.memory_space<vmem>>
    tpu.enqueue_dma source(%dma_start3A_58 : memref<4x4x496xf32, #tpu.memory_space<vmem>>) target(%dma_start3A_54 : memref<4x4x496xf32, #tpu.memory_space<hbm>>) target_semaphore(%arg10 : memref<!tpu.dma_semaphore, #tpu.memory_space<semaphore_mem>>)
    %mul3A_59 = arith.constant 246016 : i32
    %mul3A_60 = arith.muli %add3A_3, %mul3A_59 : i32
    %add3A_61 = arith.constant 3968 : i32
    %add3A_62 = arith.addi %mul3A_60, %add3A_61 : i32
    %dma_start3A_63 = arith.constant 0 : i32
    %dma_start3A_64 = tpu.memref_slice %arg6[%dma_start3A_63] : memref<3968xi32, #tpu.memory_space<vmem>> -> memref<1984xi32, #tpu.memory_space<vmem>>
    %dma_start3A_65 = tpu.memref_slice %arg2[%add3A_62] : memref<984064xi32, #tpu.memory_space<hbm>> -> memref<1984xi32, #tpu.memory_space<hbm>>
    %dma_start3A_66 = arith.constant 0 : i32
    %dma_start3A_67 = tpu.memref_slice %arg6[%dma_start3A_66] : memref<3968xi32, #tpu.memory_space<vmem>> -> memref<1984xi32, #tpu.memory_space<vmem>>
    %dma_start3A_68 = tpu.memref_slice %arg2[%add3A_62] : memref<984064xi32, #tpu.memory_space<hbm>> -> memref<1984xi32, #tpu.memory_space<hbm>>
    tpu.enqueue_dma source(%dma_start3A_68 : memref<1984xi32, #tpu.memory_space<hbm>>) target(%dma_start3A_67 : memref<1984xi32, #tpu.memory_space<vmem>>) target_semaphore(%arg8 : memref<!tpu.dma_semaphore, #tpu.memory_space<semaphore_mem>>)
    %mul3A_69 = arith.constant 246016 : i32
    %mul3A_70 = arith.muli %add3A_3, %mul3A_69 : i32
    %add3A_71 = arith.constant 1984 : i32
    %add3A_72 = arith.addi %mul3A_70, %add3A_71 : i32
    %dma_wait3A_73 = arith.constant 1984 : i32
    %dma_wait3A_74 = tpu.memref_slice %arg6[%dma_wait3A_73] : memref<3968xi32, #tpu.memory_space<vmem>> -> memref<1984xi32, #tpu.memory_space<vmem>>
    %dma_wait3A_75 = tpu.memref_slice %arg2[%add3A_72] : memref<984064xi32, #tpu.memory_space<hbm>> -> memref<1984xi32, #tpu.memory_space<hbm>>
    %dma_wait3A_76 = arith.constant 1984 : i32
    %dma_wait3A_77 = tpu.memref_slice %arg6[%dma_wait3A_76] : memref<3968xi32, #tpu.memory_space<vmem>> -> memref<1984xi32, #tpu.memory_space<vmem>>
    %dma_wait3A_78 = tpu.memref_slice %arg2[%add3A_72] : memref<984064xi32, #tpu.memory_space<hbm>> -> memref<1984xi32, #tpu.memory_space<hbm>>
    tpu.wait_dma2 semaphore(%arg9 : memref<!tpu.dma_semaphore, #tpu.memory_space<semaphore_mem>>) src(%dma_wait3A_78 : memref<1984xi32, #tpu.memory_space<hbm>>) dst(%dma_wait3A_77 : memref<1984xi32, #tpu.memory_space<vmem>>)
    %scan3A_79 = arith.constant 0 : i32
    %scan3A_80 = arith.constant 0 : i32
    %scan3A_81 = arith.constant 4 : i32
    %scan3A_82 = arith.addi %scan3A_80, %scan3A_81 : i32
    %scan3A_83 = arith.constant 1 : i32
    %scan3A_84 = scf.for %scan3A_345 = %scan3A_80 to %scan3A_82 step %scan3A_83 iter_args(%scan3A_346 = %scan3A_79) -> (i32)  : i32 {
      %parallel_loop3A = arith.constant 0 : i32
      %parallel_loop3A_347 = arith.constant 31 : i32
      %parallel_loop3A_348 = arith.constant 1 : i32
      scf.for %parallel_loop3A_350 = %parallel_loop3A to %parallel_loop3A_347 step %parallel_loop3A_348  : i32 {
        %parallel_loop3A_351 = arith.constant 496 : i32
        %parallel_loop3A_352 = arith.muli %scan3A_345, %parallel_loop3A_351 : i32
        %parallel_loop3A_353 = arith.constant 1984 : i32
        %parallel_loop3A_354 = arith.addi %parallel_loop3A_353, %parallel_loop3A_352 : i32
        %parallel_loop3A_355 = arith.constant 16 : i32
        %parallel_loop3A_356 = arith.muli %parallel_loop3A_350, %parallel_loop3A_355 : i32
        %parallel_loop3A_357 = arith.addi %parallel_loop3A_354, %parallel_loop3A_356 : i32
        %parallel_loop3A_358 = arith.index_cast %parallel_loop3A_357 : i32 to index
        %parallel_loop3A_359 = tpu.vector_load %arg6[%parallel_loop3A_358] {strides = array<i32>} : memref<3968xi32, #tpu.memory_space<vmem>>, vector<16xi32>,
        %parallel_loop3A_360 = arith.constant 0 : i32
        %parallel_loop3A_361 = vector.broadcast %parallel_loop3A_360 : i32 to vector<16xi32>
        %parallel_loop3A_362 = arith.cmpi sgt, %parallel_loop3A_359, %parallel_loop3A_361 : vector<16xi32>
        %parallel_loop3A_363 = arith.constant 1 : i32
        %parallel_loop3A_364 = vector.broadcast %parallel_loop3A_363 : i32 to vector<16xi32>
        %parallel_loop3A_365 = arith.subi %parallel_loop3A_359, %parallel_loop3A_364 : vector<16xi32>
        %parallel_loop3A_366 = arith.constant 0 : i32
        %parallel_loop3A_367 = vector.broadcast %parallel_loop3A_366 : i32 to vector<16xi32>
        %parallel_loop3A_368 = arith.maxsi %parallel_loop3A_365, %parallel_loop3A_367 : vector<16xi32>
        %parallel_loop3A_369 = arith.constant 0.000000e+00 : f32
        %parallel_loop3A_370 = vector.broadcast %parallel_loop3A_369 : f32 to vector<16xf32>
        %parallel_loop3A_371 = arith.constant 0 : i32
        %parallel_loop3A_372 = vector.broadcast %parallel_loop3A_371 : i32 to vector<16xi32>
        %parallel_loop3A_373 = arith.addi %parallel_loop3A_368, %parallel_loop3A_372 : vector<16xi32>
        %parallel_loop3A_374 = tpu.vector_load_idx %arg5[%parallel_loop3A_373] : memref<100000xf32, #tpu.memory_space<vmem>>[vector<16xi32>], vector<16xf32>,
        %parallel_loop3A_375 = arith.select %parallel_loop3A_362, %parallel_loop3A_374, %parallel_loop3A_370 : vector<16xi1>, vector<16xf32>
        %parallel_loop3A_376 = arith.constant 16 : i32
        %parallel_loop3A_377 = arith.muli %parallel_loop3A_350, %parallel_loop3A_376 : i32
        %parallel_loop3A_378 = arith.constant 4 : i32
        %parallel_loop3A_379 = arith.index_cast %parallel_loop3A_378 : i32 to index
        %parallel_loop3A_380 = arith.index_cast %scan3A_345 : i32 to index
        %parallel_loop3A_381 = arith.index_cast %parallel_loop3A_377 : i32 to index
        %parallel_loop3A_382 = tpu.vector_load %arg7[%parallel_loop3A_379, %parallel_loop3A_380, %parallel_loop3A_381] {strides = array<i32>} : memref<8x4x496xf32, #tpu.memory_space<vmem>>, vector<16xf32>,
        tpu.vector_store %arg7[%parallel_loop3A_379, %parallel_loop3A_380, %parallel_loop3A_381], %parallel_loop3A_375 {strides = array<i32>} : memref<8x4x496xf32, #tpu.memory_space<vmem>>, vector<16xf32>,
        %parallel_loop3A_383 = arith.constant 25000 : i32
        %parallel_loop3A_384 = vector.broadcast %parallel_loop3A_383 : i32 to vector<16xi32>
        %parallel_loop3A_385 = arith.addi %parallel_loop3A_368, %parallel_loop3A_384 : vector<16xi32>
        %parallel_loop3A_386 = tpu.vector_load_idx %arg5[%parallel_loop3A_385] : memref<100000xf32, #tpu.memory_space<vmem>>[vector<16xi32>], vector<16xf32>,
        %parallel_loop3A_387 = arith.select %parallel_loop3A_362, %parallel_loop3A_386, %parallel_loop3A_370 : vector<16xi1>, vector<16xf32>
        %parallel_loop3A_388 = arith.constant 16 : i32
        %parallel_loop3A_389 = arith.muli %parallel_loop3A_350, %parallel_loop3A_388 : i32
        %parallel_loop3A_390 = arith.constant 5 : i32
        %parallel_loop3A_391 = arith.index_cast %parallel_loop3A_390 : i32 to index
        %parallel_loop3A_392 = arith.index_cast %scan3A_345 : i32 to index
        %parallel_loop3A_393 = arith.index_cast %parallel_loop3A_389 : i32 to index
        %parallel_loop3A_394 = tpu.vector_load %arg7[%parallel_loop3A_391, %parallel_loop3A_392, %parallel_loop3A_393] {strides = array<i32>} : memref<8x4x496xf32, #tpu.memory_space<vmem>>, vector<16xf32>,
        tpu.vector_store %arg7[%parallel_loop3A_391, %parallel_loop3A_392, %parallel_loop3A_393], %parallel_loop3A_387 {strides = array<i32>} : memref<8x4x496xf32, #tpu.memory_space<vmem>>, vector<16xf32>,
        %parallel_loop3A_395 = arith.constant 50000 : i32
        %parallel_loop3A_396 = vector.broadcast %parallel_loop3A_395 : i32 to vector<16xi32>
        %parallel_loop3A_397 = arith.addi %parallel_loop3A_368, %parallel_loop3A_396 : vector<16xi32>
        %parallel_loop3A_398 = tpu.vector_load_idx %arg5[%parallel_loop3A_397] : memref<100000xf32, #tpu.memory_space<vmem>>[vector<16xi32>], vector<16xf32>,
        %parallel_loop3A_399 = arith.select %parallel_loop3A_362, %parallel_loop3A_398, %parallel_loop3A_370 : vector<16xi1>, vector<16xf32>
        %parallel_loop3A_400 = arith.constant 16 : i32
        %parallel_loop3A_401 = arith.muli %parallel_loop3A_350, %parallel_loop3A_400 : i32
        %parallel_loop3A_402 = arith.constant 6 : i32
        %parallel_loop3A_403 = arith.index_cast %parallel_loop3A_402 : i32 to index
        %parallel_loop3A_404 = arith.index_cast %scan3A_345 : i32 to index
        %parallel_loop3A_405 = arith.index_cast %parallel_loop3A_401 : i32 to index
        %parallel_loop3A_406 = tpu.vector_load %arg7[%parallel_loop3A_403, %parallel_loop3A_404, %parallel_loop3A_405] {strides = array<i32>} : memref<8x4x496xf32, #tpu.memory_space<vmem>>, vector<16xf32>,
        tpu.vector_store %arg7[%parallel_loop3A_403, %parallel_loop3A_404, %parallel_loop3A_405], %parallel_loop3A_399 {strides = array<i32>} : memref<8x4x496xf32, #tpu.memory_space<vmem>>, vector<16xf32>,
        %parallel_loop3A_407 = arith.constant 75000 : i32
        %parallel_loop3A_408 = vector.broadcast %parallel_loop3A_407 : i32 to vector<16xi32>
        %parallel_loop3A_409 = arith.addi %parallel_loop3A_368, %parallel_loop3A_408 : vector<16xi32>
        %parallel_loop3A_410 = tpu.vector_load_idx %arg5[%parallel_loop3A_409] : memref<100000xf32, #tpu.memory_space<vmem>>[vector<16xi32>], vector<16xf32>,
        %parallel_loop3A_411 = arith.select %parallel_loop3A_362, %parallel_loop3A_410, %parallel_loop3A_370 : vector<16xi1>, vector<16xf32>
        %parallel_loop3A_412 = arith.constant 16 : i32
        %parallel_loop3A_413 = arith.muli %parallel_loop3A_350, %parallel_loop3A_412 : i32
        %parallel_loop3A_414 = arith.constant 7 : i32
        %parallel_loop3A_415 = arith.index_cast %parallel_loop3A_414 : i32 to index
        %parallel_loop3A_416 = arith.index_cast %scan3A_345 : i32 to index
        %parallel_loop3A_417 = arith.index_cast %parallel_loop3A_413 : i32 to index
        %parallel_loop3A_418 = tpu.vector_load %arg7[%parallel_loop3A_415, %parallel_loop3A_416, %parallel_loop3A_417] {strides = array<i32>} : memref<8x4x496xf32, #tpu.memory_space<vmem>>, vector<16xf32>,
        tpu.vector_store %arg7[%parallel_loop3A_415, %parallel_loop3A_416, %parallel_loop3A_417], %parallel_loop3A_411 {strides = array<i32>} : memref<8x4x496xf32, #tpu.memory_space<vmem>>, vector<16xf32>,
      } {sc.loop_unroll_factor = 4 : i64, sc.parallel_access}
      %scan3A_349 = arith.constant 0 : i32
      scf.yield %scan3A_349 : i32
    }
    %scan3A_85 = arith.constant 4 : i32
    %dma_start3A_86 = arith.constant 4 : i32
    %dma_start3A_87 = arith.constant 0 : i32
    %dma_start3A_88 = arith.constant 0 : i32
    %dma_start3A_89 = tpu.memref_slice %arg7[%dma_start3A_86, %dma_start3A_87, %dma_start3A_88] : memref<8x4x496xf32, #tpu.memory_space<vmem>> -> memref<4x4x496xf32, #tpu.memory_space<vmem>>
    %dma_start3A_90 = arith.constant 4 : i32
    %dma_start3A_91 = arith.constant 0 : i32
    %dma_start3A_92 = tpu.memref_slice %arg4[%add3A_3, %mul3A_0, %dma_start3A_90, %dma_start3A_91] : memref<4x64x496x496xf32, #tpu.memory_space<hbm>> -> memref<1x4x4x496xf32, #tpu.memory_space<hbm>>
    %dma_start3A_93 = tpu.memref_squeeze %dma_start3A_92 : memref<1x4x4x496xf32, #tpu.memory_space<hbm>> -> memref<4x4x496xf32, #tpu.memory_space<hbm>>
    %dma_start3A_94 = arith.constant 4 : i32
    %dma_start3A_95 = arith.constant 0 : i32
    %dma_start3A_96 = tpu.memref_slice %arg4[%add3A_3, %mul3A_0, %dma_start3A_94, %dma_start3A_95] : memref<4x64x496x496xf32, #tpu.memory_space<hbm>> -> memref<1x4x4x496xf32, #tpu.memory_space<hbm>>
    %dma_start3A_97 = tpu.memref_squeeze %dma_start3A_96 : memref<1x4x4x496xf32, #tpu.memory_space<hbm>> -> memref<4x4x496xf32, #tpu.memory_space<hbm>>
    %dma_start3A_98 = arith.constant 4 : i32
    %dma_start3A_99 = arith.constant 0 : i32
    %dma_start3A_100 = arith.constant 0 : i32
    %dma_start3A_101 = tpu.memref_slice %arg7[%dma_start3A_98, %dma_start3A_99, %dma_start3A_100] : memref<8x4x496xf32, #tpu.memory_space<vmem>> -> memref<4x4x496xf32, #tpu.memory_space<vmem>>
    tpu.enqueue_dma source(%dma_start3A_101 : memref<4x4x496xf32, #tpu.memory_space<vmem>>) target(%dma_start3A_97 : memref<4x4x496xf32, #tpu.memory_space<hbm>>) target_semaphore(%arg11 : memref<!tpu.dma_semaphore, #tpu.memory_space<semaphore_mem>>)
    %mul3A_102 = arith.constant 246016 : i32
    %mul3A_103 = arith.muli %add3A_3, %mul3A_102 : i32
    %add3A_104 = arith.constant 5952 : i32
    %add3A_105 = arith.addi %mul3A_103, %add3A_104 : i32
    %dma_start3A_106 = arith.constant 1984 : i32
    %dma_start3A_107 = tpu.memref_slice %arg6[%dma_start3A_106] : memref<3968xi32, #tpu.memory_space<vmem>> -> memref<1984xi32, #tpu.memory_space<vmem>>
    %dma_start3A_108 = tpu.memref_slice %arg2[%add3A_105] : memref<984064xi32, #tpu.memory_space<hbm>> -> memref<1984xi32, #tpu.memory_space<hbm>>
    %dma_start3A_109 = arith.constant 1984 : i32
    %dma_start3A_110 = tpu.memref_slice %arg6[%dma_start3A_109] : memref<3968xi32, #tpu.memory_space<vmem>> -> memref<1984xi32, #tpu.memory_space<vmem>>
    %dma_start3A_111 = tpu.memref_slice %arg2[%add3A_105] : memref<984064xi32, #tpu.memory_space<hbm>> -> memref<1984xi32, #tpu.memory_space<hbm>>
    tpu.enqueue_dma source(%dma_start3A_111 : memref<1984xi32, #tpu.memory_space<hbm>>) target(%dma_start3A_110 : memref<1984xi32, #tpu.memory_space<vmem>>) target_semaphore(%arg9 : memref<!tpu.dma_semaphore, #tpu.memory_space<semaphore_mem>>)
    %scan3A_112 = arith.constant 0 : i32
    %scan3A_113 = arith.constant 1 : i32
    %scan3A_114 = arith.constant 61 : i32
    %scan3A_115 = arith.addi %scan3A_113, %scan3A_114 : i32
    %scan3A_116 = arith.constant 1 : i32
    %scan3A_117 = scf.for %scan3A_345 = %scan3A_113 to %scan3A_115 step %scan3A_116 iter_args(%scan3A_346 = %scan3A_112) -> (i32)  : i32 {
      %mul3A_347 = arith.constant 2 : i32
      %mul3A_348 = arith.muli %mul3A_347, %scan3A_345 : i32
      %add3A_349 = arith.constant 0 : i32
      %add3A_350 = arith.addi %mul3A_348, %add3A_349 : i32
      %mul3A_351 = arith.constant 246016 : i32
      %mul3A_352 = arith.muli %add3A_3, %mul3A_351 : i32
      %mul3A_353 = arith.constant 1984 : i32
      %mul3A_354 = arith.muli %add3A_350, %mul3A_353 : i32
      %add3A_355 = arith.addi %mul3A_352, %mul3A_354 : i32
      %dma_wait3A_356 = arith.constant 0 : i32
      %dma_wait3A_357 = tpu.memref_slice %arg6[%dma_wait3A_356] : memref<3968xi32, #tpu.memory_space<vmem>> -> memref<1984xi32, #tpu.memory_space<vmem>>
      %dma_wait3A_358 = tpu.memref_slice %arg2[%add3A_355] : memref<984064xi32, #tpu.memory_space<hbm>> -> memref<1984xi32, #tpu.memory_space<hbm>>
      %dma_wait3A_359 = arith.constant 0 : i32
      %dma_wait3A_360 = tpu.memref_slice %arg6[%dma_wait3A_359] : memref<3968xi32, #tpu.memory_space<vmem>> -> memref<1984xi32, #tpu.memory_space<vmem>>
      %dma_wait3A_361 = tpu.memref_slice %arg2[%add3A_355] : memref<984064xi32, #tpu.memory_space<hbm>> -> memref<1984xi32, #tpu.memory_space<hbm>>
      tpu.wait_dma2 semaphore(%arg8 : memref<!tpu.dma_semaphore, #tpu.memory_space<semaphore_mem>>) src(%dma_wait3A_361 : memref<1984xi32, #tpu.memory_space<hbm>>) dst(%dma_wait3A_360 : memref<1984xi32, #tpu.memory_space<vmem>>)
      %sub3A = arith.constant 2 : i32
      %sub3A_362 = arith.subi %add3A_350, %sub3A : i32
      %mul3A_363 = arith.constant 4 : i32
      %mul3A_364 = arith.muli %sub3A_362, %mul3A_363 : i32
      %dma_wait3A_365 = arith.constant 0 : i32
      %dma_wait3A_366 = arith.constant 0 : i32
      %dma_wait3A_367 = arith.constant 0 : i32
      %dma_wait3A_368 = tpu.memref_slice %arg7[%dma_wait3A_365, %dma_wait3A_366, %dma_wait3A_367] : memref<8x4x496xf32, #tpu.memory_space<vmem>> -> memref<4x4x496xf32, #tpu.memory_space<vmem>>
      %dma_wait3A_369 = arith.constant 0 : i32
      %dma_wait3A_370 = tpu.memref_slice %arg4[%add3A_3, %mul3A_0, %mul3A_364, %dma_wait3A_369] : memref<4x64x496x496xf32, #tpu.memory_space<hbm>> -> memref<1x4x4x496xf32, #tpu.memory_space<hbm>>
      %dma_wait3A_371 = tpu.memref_squeeze %dma_wait3A_370 : memref<1x4x4x496xf32, #tpu.memory_space<hbm>> -> memref<4x4x496xf32, #tpu.memory_space<hbm>>
      %dma_wait3A_372 = arith.constant 0 : i32
      %dma_wait3A_373 = tpu.memref_slice %arg4[%add3A_3, %mul3A_0, %mul3A_364, %dma_wait3A_372] : memref<4x64x496x496xf32, #tpu.memory_space<hbm>> -> memref<1x4x4x496xf32, #tpu.memory_space<hbm>>
      %dma_wait3A_374 = tpu.memref_squeeze %dma_wait3A_373 : memref<1x4x4x496xf32, #tpu.memory_space<hbm>> -> memref<4x4x496xf32, #tpu.memory_space<hbm>>
      %dma_wait3A_375 = arith.constant 0 : i32
      %dma_wait3A_376 = arith.constant 0 : i32
      %dma_wait3A_377 = arith.constant 0 : i32
      %dma_wait3A_378 = tpu.memref_slice %arg7[%dma_wait3A_375, %dma_wait3A_376, %dma_wait3A_377] : memref<8x4x496xf32, #tpu.memory_space<vmem>> -> memref<4x4x496xf32, #tpu.memory_space<vmem>>
      tpu.wait_dma2 semaphore(%arg10 : memref<!tpu.dma_semaphore, #tpu.memory_space<semaphore_mem>>) src(%dma_wait3A_378 : memref<4x4x496xf32, #tpu.memory_space<vmem>>) dst(%dma_wait3A_374 : memref<4x4x496xf32, #tpu.memory_space<hbm>>)
      %scan3A_379 = arith.constant 0 : i32
      %scan3A_380 = arith.constant 0 : i32
      %scan3A_381 = arith.constant 4 : i32
      %scan3A_382 = arith.addi %scan3A_380, %scan3A_381 : i32
      %scan3A_383 = arith.constant 1 : i32
      %scan3A_384 = scf.for %scan3A_488 = %scan3A_380 to %scan3A_382 step %scan3A_383 iter_args(%scan3A_489 = %scan3A_379) -> (i32)  : i32 {
        %parallel_loop3A = arith.constant 0 : i32
        %parallel_loop3A_490 = arith.constant 31 : i32
        %parallel_loop3A_491 = arith.constant 1 : i32
        scf.for %parallel_loop3A_493 = %parallel_loop3A to %parallel_loop3A_490 step %parallel_loop3A_491  : i32 {
          %parallel_loop3A_494 = arith.constant 496 : i32
          %parallel_loop3A_495 = arith.muli %scan3A_488, %parallel_loop3A_494 : i32
          %parallel_loop3A_496 = arith.constant 0 : i32
          %parallel_loop3A_497 = arith.addi %parallel_loop3A_496, %parallel_loop3A_495 : i32
          %parallel_loop3A_498 = arith.constant 16 : i32
          %parallel_loop3A_499 = arith.muli %parallel_loop3A_493, %parallel_loop3A_498 : i32
          %parallel_loop3A_500 = arith.addi %parallel_loop3A_497, %parallel_loop3A_499 : i32
          %parallel_loop3A_501 = arith.index_cast %parallel_loop3A_500 : i32 to index
          %parallel_loop3A_502 = tpu.vector_load %arg6[%parallel_loop3A_501] {strides = array<i32>} : memref<3968xi32, #tpu.memory_space<vmem>>, vector<16xi32>,
          %parallel_loop3A_503 = arith.constant 0 : i32
          %parallel_loop3A_504 = vector.broadcast %parallel_loop3A_503 : i32 to vector<16xi32>
          %parallel_loop3A_505 = arith.cmpi sgt, %parallel_loop3A_502, %parallel_loop3A_504 : vector<16xi32>
          %parallel_loop3A_506 = arith.constant 1 : i32
          %parallel_loop3A_507 = vector.broadcast %parallel_loop3A_506 : i32 to vector<16xi32>
          %parallel_loop3A_508 = arith.subi %parallel_loop3A_502, %parallel_loop3A_507 : vector<16xi32>
          %parallel_loop3A_509 = arith.constant 0 : i32
          %parallel_loop3A_510 = vector.broadcast %parallel_loop3A_509 : i32 to vector<16xi32>
          %parallel_loop3A_511 = arith.maxsi %parallel_loop3A_508, %parallel_loop3A_510 : vector<16xi32>
          %parallel_loop3A_512 = arith.constant 0.000000e+00 : f32
          %parallel_loop3A_513 = vector.broadcast %parallel_loop3A_512 : f32 to vector<16xf32>
          %parallel_loop3A_514 = arith.constant 0 : i32
          %parallel_loop3A_515 = vector.broadcast %parallel_loop3A_514 : i32 to vector<16xi32>
          %parallel_loop3A_516 = arith.addi %parallel_loop3A_511, %parallel_loop3A_515 : vector<16xi32>
          %parallel_loop3A_517 = tpu.vector_load_idx %arg5[%parallel_loop3A_516] : memref<100000xf32, #tpu.memory_space<vmem>>[vector<16xi32>], vector<16xf32>,
          %parallel_loop3A_518 = arith.select %parallel_loop3A_505, %parallel_loop3A_517, %parallel_loop3A_513 : vector<16xi1>, vector<16xf32>
          %parallel_loop3A_519 = arith.constant 16 : i32
          %parallel_loop3A_520 = arith.muli %parallel_loop3A_493, %parallel_loop3A_519 : i32
          %parallel_loop3A_521 = arith.constant 0 : i32
          %parallel_loop3A_522 = arith.index_cast %parallel_loop3A_521 : i32 to index
          %parallel_loop3A_523 = arith.index_cast %scan3A_488 : i32 to index
          %parallel_loop3A_524 = arith.index_cast %parallel_loop3A_520 : i32 to index
          %parallel_loop3A_525 = tpu.vector_load %arg7[%parallel_loop3A_522, %parallel_loop3A_523, %parallel_loop3A_524] {strides = array<i32>} : memref<8x4x496xf32, #tpu.memory_space<vmem>>, vector<16xf32>,
          tpu.vector_store %arg7[%parallel_loop3A_522, %parallel_loop3A_523, %parallel_loop3A_524], %parallel_loop3A_518 {strides = array<i32>} : memref<8x4x496xf32, #tpu.memory_space<vmem>>, vector<16xf32>,
          %parallel_loop3A_526 = arith.constant 25000 : i32
          %parallel_loop3A_527 = vector.broadcast %parallel_loop3A_526 : i32 to vector<16xi32>
          %parallel_loop3A_528 = arith.addi %parallel_loop3A_511, %parallel_loop3A_527 : vector<16xi32>
          %parallel_loop3A_529 = tpu.vector_load_idx %arg5[%parallel_loop3A_528] : memref<100000xf32, #tpu.memory_space<vmem>>[vector<16xi32>], vector<16xf32>,
          %parallel_loop3A_530 = arith.select %parallel_loop3A_505, %parallel_loop3A_529, %parallel_loop3A_513 : vector<16xi1>, vector<16xf32>
          %parallel_loop3A_531 = arith.constant 16 : i32
          %parallel_loop3A_532 = arith.muli %parallel_loop3A_493, %parallel_loop3A_531 : i32
          %parallel_loop3A_533 = arith.constant 1 : i32
          %parallel_loop3A_534 = arith.index_cast %parallel_loop3A_533 : i32 to index
          %parallel_loop3A_535 = arith.index_cast %scan3A_488 : i32 to index
          %parallel_loop3A_536 = arith.index_cast %parallel_loop3A_532 : i32 to index
          %parallel_loop3A_537 = tpu.vector_load %arg7[%parallel_loop3A_534, %parallel_loop3A_535, %parallel_loop3A_536] {strides = array<i32>} : memref<8x4x496xf32, #tpu.memory_space<vmem>>, vector<16xf32>,
          tpu.vector_store %arg7[%parallel_loop3A_534, %parallel_loop3A_535, %parallel_loop3A_536], %parallel_loop3A_530 {strides = array<i32>} : memref<8x4x496xf32, #tpu.memory_space<vmem>>, vector<16xf32>,
          %parallel_loop3A_538 = arith.constant 50000 : i32
          %parallel_loop3A_539 = vector.broadcast %parallel_loop3A_538 : i32 to vector<16xi32>
          %parallel_loop3A_540 = arith.addi %parallel_loop3A_511, %parallel_loop3A_539 : vector<16xi32>
          %parallel_loop3A_541 = tpu.vector_load_idx %arg5[%parallel_loop3A_540] : memref<100000xf32, #tpu.memory_space<vmem>>[vector<16xi32>], vector<16xf32>,
          %parallel_loop3A_542 = arith.select %parallel_loop3A_505, %parallel_loop3A_541, %parallel_loop3A_513 : vector<16xi1>, vector<16xf32>
          %parallel_loop3A_543 = arith.constant 16 : i32
          %parallel_loop3A_544 = arith.muli %parallel_loop3A_493, %parallel_loop3A_543 : i32
          %parallel_loop3A_545 = arith.constant 2 : i32
          %parallel_loop3A_546 = arith.index_cast %parallel_loop3A_545 : i32 to index
          %parallel_loop3A_547 = arith.index_cast %scan3A_488 : i32 to index
          %parallel_loop3A_548 = arith.index_cast %parallel_loop3A_544 : i32 to index
          %parallel_loop3A_549 = tpu.vector_load %arg7[%parallel_loop3A_546, %parallel_loop3A_547, %parallel_loop3A_548] {strides = array<i32>} : memref<8x4x496xf32, #tpu.memory_space<vmem>>, vector<16xf32>,
          tpu.vector_store %arg7[%parallel_loop3A_546, %parallel_loop3A_547, %parallel_loop3A_548], %parallel_loop3A_542 {strides = array<i32>} : memref<8x4x496xf32, #tpu.memory_space<vmem>>, vector<16xf32>,
          %parallel_loop3A_550 = arith.constant 75000 : i32
          %parallel_loop3A_551 = vector.broadcast %parallel_loop3A_550 : i32 to vector<16xi32>
          %parallel_loop3A_552 = arith.addi %parallel_loop3A_511, %parallel_loop3A_551 : vector<16xi32>
          %parallel_loop3A_553 = tpu.vector_load_idx %arg5[%parallel_loop3A_552] : memref<100000xf32, #tpu.memory_space<vmem>>[vector<16xi32>], vector<16xf32>,
          %parallel_loop3A_554 = arith.select %parallel_loop3A_505, %parallel_loop3A_553, %parallel_loop3A_513 : vector<16xi1>, vector<16xf32>
          %parallel_loop3A_555 = arith.constant 16 : i32
          %parallel_loop3A_556 = arith.muli %parallel_loop3A_493, %parallel_loop3A_555 : i32
          %parallel_loop3A_557 = arith.constant 3 : i32
          %parallel_loop3A_558 = arith.index_cast %parallel_loop3A_557 : i32 to index
          %parallel_loop3A_559 = arith.index_cast %scan3A_488 : i32 to index
          %parallel_loop3A_560 = arith.index_cast %parallel_loop3A_556 : i32 to index
          %parallel_loop3A_561 = tpu.vector_load %arg7[%parallel_loop3A_558, %parallel_loop3A_559, %parallel_loop3A_560] {strides = array<i32>} : memref<8x4x496xf32, #tpu.memory_space<vmem>>, vector<16xf32>,
          tpu.vector_store %arg7[%parallel_loop3A_558, %parallel_loop3A_559, %parallel_loop3A_560], %parallel_loop3A_554 {strides = array<i32>} : memref<8x4x496xf32, #tpu.memory_space<vmem>>, vector<16xf32>,
        } {sc.loop_unroll_factor = 4 : i64, sc.parallel_access}
        %scan3A_492 = arith.constant 0 : i32
        scf.yield %scan3A_492 : i32
      }
      %scan3A_385 = arith.constant 4 : i32
      %mul3A_386 = arith.constant 4 : i32
      %mul3A_387 = arith.muli %add3A_350, %mul3A_386 : i32
      %dma_start3A_388 = arith.constant 0 : i32
      %dma_start3A_389 = arith.constant 0 : i32
      %dma_start3A_390 = arith.constant 0 : i32
      %dma_start3A_391 = tpu.memref_slice %arg7[%dma_start3A_388, %dma_start3A_389, %dma_start3A_390] : memref<8x4x496xf32, #tpu.memory_space<vmem>> -> memref<4x4x496xf32, #tpu.memory_space<vmem>>
      %dma_start3A_392 = arith.constant 0 : i32
      %dma_start3A_393 = tpu.memref_slice %arg4[%add3A_3, %mul3A_0, %mul3A_387, %dma_start3A_392] : memref<4x64x496x496xf32, #tpu.memory_space<hbm>> -> memref<1x4x4x496xf32, #tpu.memory_space<hbm>>
      %dma_start3A_394 = tpu.memref_squeeze %dma_start3A_393 : memref<1x4x4x496xf32, #tpu.memory_space<hbm>> -> memref<4x4x496xf32, #tpu.memory_space<hbm>>
      %dma_start3A_395 = arith.constant 0 : i32
      %dma_start3A_396 = tpu.memref_slice %arg4[%add3A_3, %mul3A_0, %mul3A_387, %dma_start3A_395] : memref<4x64x496x496xf32, #tpu.memory_space<hbm>> -> memref<1x4x4x496xf32, #tpu.memory_space<hbm>>
      %dma_start3A_397 = tpu.memref_squeeze %dma_start3A_396 : memref<1x4x4x496xf32, #tpu.memory_space<hbm>> -> memref<4x4x496xf32, #tpu.memory_space<hbm>>
      %dma_start3A_398 = arith.constant 0 : i32
      %dma_start3A_399 = arith.constant 0 : i32
      %dma_start3A_400 = arith.constant 0 : i32
      %dma_start3A_401 = tpu.memref_slice %arg7[%dma_start3A_398, %dma_start3A_399, %dma_start3A_400] : memref<8x4x496xf32, #tpu.memory_space<vmem>> -> memref<4x4x496xf32, #tpu.memory_space<vmem>>
      tpu.enqueue_dma source(%dma_start3A_401 : memref<4x4x496xf32, #tpu.memory_space<vmem>>) target(%dma_start3A_397 : memref<4x4x496xf32, #tpu.memory_space<hbm>>) target_semaphore(%arg10 : memref<!tpu.dma_semaphore, #tpu.memory_space<semaphore_mem>>)
      %add3A_402 = arith.constant 2 : i32
      %add3A_403 = arith.addi %add3A_350, %add3A_402 : i32
      %min3A = arith.constant 123 : i32
      %min3A_404 = arith.minsi %add3A_403, %min3A : i32
      %mul3A_405 = arith.constant 246016 : i32
      %mul3A_406 = arith.muli %add3A_3, %mul3A_405 : i32
      %mul3A_407 = arith.constant 1984 : i32
      %mul3A_408 = arith.muli %min3A_404, %mul3A_407 : i32
      %add3A_409 = arith.addi %mul3A_406, %mul3A_408 : i32
      %dma_start3A_410 = arith.constant 0 : i32
      %dma_start3A_411 = tpu.memref_slice %arg6[%dma_start3A_410] : memref<3968xi32, #tpu.memory_space<vmem>> -> memref<1984xi32, #tpu.memory_space<vmem>>
      %dma_start3A_412 = tpu.memref_slice %arg2[%add3A_409] : memref<984064xi32, #tpu.memory_space<hbm>> -> memref<1984xi32, #tpu.memory_space<hbm>>
      %dma_start3A_413 = arith.constant 0 : i32
      %dma_start3A_414 = tpu.memref_slice %arg6[%dma_start3A_413] : memref<3968xi32, #tpu.memory_space<vmem>> -> memref<1984xi32, #tpu.memory_space<vmem>>
      %dma_start3A_415 = tpu.memref_slice %arg2[%add3A_409] : memref<984064xi32, #tpu.memory_space<hbm>> -> memref<1984xi32, #tpu.memory_space<hbm>>
      tpu.enqueue_dma source(%dma_start3A_415 : memref<1984xi32, #tpu.memory_space<hbm>>) target(%dma_start3A_414 : memref<1984xi32, #tpu.memory_space<vmem>>) target_semaphore(%arg8 : memref<!tpu.dma_semaphore, #tpu.memory_space<semaphore_mem>>)
      %mul3A_416 = arith.constant 2 : i32
      %mul3A_417 = arith.muli %mul3A_416, %scan3A_345 : i32
      %add3A_418 = arith.constant 1 : i32
      %add3A_419 = arith.addi %mul3A_417, %add3A_418 : i32
      %mul3A_420 = arith.constant 246016 : i32
      %mul3A_421 = arith.muli %add3A_3, %mul3A_420 : i32
      %mul3A_422 = arith.constant 1984 : i32
      %mul3A_423 = arith.muli %add3A_419, %mul3A_422 : i32
      %add3A_424 = arith.addi %mul3A_421, %mul3A_423 : i32
      %dma_wait3A_425 = arith.constant 1984 : i32
      %dma_wait3A_426 = tpu.memref_slice %arg6[%dma_wait3A_425] : memref<3968xi32, #tpu.memory_space<vmem>> -> memref<1984xi32, #tpu.memory_space<vmem>>
      %dma_wait3A_427 = tpu.memref_slice %arg2[%add3A_424] : memref<984064xi32, #tpu.memory_space<hbm>> -> memref<1984xi32, #tpu.memory_space<hbm>>
      %dma_wait3A_428 = arith.constant 1984 : i32
      %dma_wait3A_429 = tpu.memref_slice %arg6[%dma_wait3A_428] : memref<3968xi32, #tpu.memory_space<vmem>> -> memref<1984xi32, #tpu.memory_space<vmem>>
      %dma_wait3A_430 = tpu.memref_slice %arg2[%add3A_424] : memref<984064xi32, #tpu.memory_space<hbm>> -> memref<1984xi32, #tpu.memory_space<hbm>>
      tpu.wait_dma2 semaphore(%arg9 : memref<!tpu.dma_semaphore, #tpu.memory_space<semaphore_mem>>) src(%dma_wait3A_430 : memref<1984xi32, #tpu.memory_space<hbm>>) dst(%dma_wait3A_429 : memref<1984xi32, #tpu.memory_space<vmem>>)
      %sub3A_431 = arith.constant 2 : i32
      %sub3A_432 = arith.subi %add3A_419, %sub3A_431 : i32
      %mul3A_433 = arith.constant 4 : i32
      %mul3A_434 = arith.muli %sub3A_432, %mul3A_433 : i32
      %dma_wait3A_435 = arith.constant 4 : i32
      %dma_wait3A_436 = arith.constant 0 : i32
      %dma_wait3A_437 = arith.constant 0 : i32
      %dma_wait3A_438 = tpu.memref_slice %arg7[%dma_wait3A_435, %dma_wait3A_436, %dma_wait3A_437] : memref<8x4x496xf32, #tpu.memory_space<vmem>> -> memref<4x4x496xf32, #tpu.memory_space<vmem>>
      %dma_wait3A_439 = arith.constant 0 : i32
      %dma_wait3A_440 = tpu.memref_slice %arg4[%add3A_3, %mul3A_0, %mul3A_434, %dma_wait3A_439] : memref<4x64x496x496xf32, #tpu.memory_space<hbm>> -> memref<1x4x4x496xf32, #tpu.memory_space<hbm>>
      %dma_wait3A_441 = tpu.memref_squeeze %dma_wait3A_440 : memref<1x4x4x496xf32, #tpu.memory_space<hbm>> -> memref<4x4x496xf32, #tpu.memory_space<hbm>>
      %dma_wait3A_442 = arith.constant 0 : i32
      %dma_wait3A_443 = tpu.memref_slice %arg4[%add3A_3, %mul3A_0, %mul3A_434, %dma_wait3A_442] : memref<4x64x496x496xf32, #tpu.memory_space<hbm>> -> memref<1x4x4x496xf32, #tpu.memory_space<hbm>>
      %dma_wait3A_444 = tpu.memref_squeeze %dma_wait3A_443 : memref<1x4x4x496xf32, #tpu.memory_space<hbm>> -> memref<4x4x496xf32, #tpu.memory_space<hbm>>
      %dma_wait3A_445 = arith.constant 4 : i32
      %dma_wait3A_446 = arith.constant 0 : i32
      %dma_wait3A_447 = arith.constant 0 : i32
      %dma_wait3A_448 = tpu.memref_slice %arg7[%dma_wait3A_445, %dma_wait3A_446, %dma_wait3A_447] : memref<8x4x496xf32, #tpu.memory_space<vmem>> -> memref<4x4x496xf32, #tpu.memory_space<vmem>>
      tpu.wait_dma2 semaphore(%arg11 : memref<!tpu.dma_semaphore, #tpu.memory_space<semaphore_mem>>) src(%dma_wait3A_448 : memref<4x4x496xf32, #tpu.memory_space<vmem>>) dst(%dma_wait3A_444 : memref<4x4x496xf32, #tpu.memory_space<hbm>>)
      %scan3A_449 = arith.constant 0 : i32
      %scan3A_450 = arith.constant 0 : i32
      %scan3A_451 = arith.constant 4 : i32
      %scan3A_452 = arith.addi %scan3A_450, %scan3A_451 : i32
      %scan3A_453 = arith.constant 1 : i32
      %scan3A_454 = scf.for %scan3A_488 = %scan3A_450 to %scan3A_452 step %scan3A_453 iter_args(%scan3A_489 = %scan3A_449) -> (i32)  : i32 {
        %parallel_loop3A = arith.constant 0 : i32
        %parallel_loop3A_490 = arith.constant 31 : i32
        %parallel_loop3A_491 = arith.constant 1 : i32
        scf.for %parallel_loop3A_493 = %parallel_loop3A to %parallel_loop3A_490 step %parallel_loop3A_491  : i32 {
          %parallel_loop3A_494 = arith.constant 496 : i32
          %parallel_loop3A_495 = arith.muli %scan3A_488, %parallel_loop3A_494 : i32
          %parallel_loop3A_496 = arith.constant 1984 : i32
          %parallel_loop3A_497 = arith.addi %parallel_loop3A_496, %parallel_loop3A_495 : i32
          %parallel_loop3A_498 = arith.constant 16 : i32
          %parallel_loop3A_499 = arith.muli %parallel_loop3A_493, %parallel_loop3A_498 : i32
          %parallel_loop3A_500 = arith.addi %parallel_loop3A_497, %parallel_loop3A_499 : i32
          %parallel_loop3A_501 = arith.index_cast %parallel_loop3A_500 : i32 to index
          %parallel_loop3A_502 = tpu.vector_load %arg6[%parallel_loop3A_501] {strides = array<i32>} : memref<3968xi32, #tpu.memory_space<vmem>>, vector<16xi32>,
          %parallel_loop3A_503 = arith.constant 0 : i32
          %parallel_loop3A_504 = vector.broadcast %parallel_loop3A_503 : i32 to vector<16xi32>
          %parallel_loop3A_505 = arith.cmpi sgt, %parallel_loop3A_502, %parallel_loop3A_504 : vector<16xi32>
          %parallel_loop3A_506 = arith.constant 1 : i32
          %parallel_loop3A_507 = vector.broadcast %parallel_loop3A_506 : i32 to vector<16xi32>
          %parallel_loop3A_508 = arith.subi %parallel_loop3A_502, %parallel_loop3A_507 : vector<16xi32>
          %parallel_loop3A_509 = arith.constant 0 : i32
          %parallel_loop3A_510 = vector.broadcast %parallel_loop3A_509 : i32 to vector<16xi32>
          %parallel_loop3A_511 = arith.maxsi %parallel_loop3A_508, %parallel_loop3A_510 : vector<16xi32>
          %parallel_loop3A_512 = arith.constant 0.000000e+00 : f32
          %parallel_loop3A_513 = vector.broadcast %parallel_loop3A_512 : f32 to vector<16xf32>
          %parallel_loop3A_514 = arith.constant 0 : i32
          %parallel_loop3A_515 = vector.broadcast %parallel_loop3A_514 : i32 to vector<16xi32>
          %parallel_loop3A_516 = arith.addi %parallel_loop3A_511, %parallel_loop3A_515 : vector<16xi32>
          %parallel_loop3A_517 = tpu.vector_load_idx %arg5[%parallel_loop3A_516] : memref<100000xf32, #tpu.memory_space<vmem>>[vector<16xi32>], vector<16xf32>,
          %parallel_loop3A_518 = arith.select %parallel_loop3A_505, %parallel_loop3A_517, %parallel_loop3A_513 : vector<16xi1>, vector<16xf32>
          %parallel_loop3A_519 = arith.constant 16 : i32
          %parallel_loop3A_520 = arith.muli %parallel_loop3A_493, %parallel_loop3A_519 : i32
          %parallel_loop3A_521 = arith.constant 4 : i32
          %parallel_loop3A_522 = arith.index_cast %parallel_loop3A_521 : i32 to index
          %parallel_loop3A_523 = arith.index_cast %scan3A_488 : i32 to index
          %parallel_loop3A_524 = arith.index_cast %parallel_loop3A_520 : i32 to index
          %parallel_loop3A_525 = tpu.vector_load %arg7[%parallel_loop3A_522, %parallel_loop3A_523, %parallel_loop3A_524] {strides = array<i32>} : memref<8x4x496xf32, #tpu.memory_space<vmem>>, vector<16xf32>,
          tpu.vector_store %arg7[%parallel_loop3A_522, %parallel_loop3A_523, %parallel_loop3A_524], %parallel_loop3A_518 {strides = array<i32>} : memref<8x4x496xf32, #tpu.memory_space<vmem>>, vector<16xf32>,
          %parallel_loop3A_526 = arith.constant 25000 : i32
          %parallel_loop3A_527 = vector.broadcast %parallel_loop3A_526 : i32 to vector<16xi32>
          %parallel_loop3A_528 = arith.addi %parallel_loop3A_511, %parallel_loop3A_527 : vector<16xi32>
          %parallel_loop3A_529 = tpu.vector_load_idx %arg5[%parallel_loop3A_528] : memref<100000xf32, #tpu.memory_space<vmem>>[vector<16xi32>], vector<16xf32>,
          %parallel_loop3A_530 = arith.select %parallel_loop3A_505, %parallel_loop3A_529, %parallel_loop3A_513 : vector<16xi1>, vector<16xf32>
          %parallel_loop3A_531 = arith.constant 16 : i32
          %parallel_loop3A_532 = arith.muli %parallel_loop3A_493, %parallel_loop3A_531 : i32
          %parallel_loop3A_533 = arith.constant 5 : i32
          %parallel_loop3A_534 = arith.index_cast %parallel_loop3A_533 : i32 to index
          %parallel_loop3A_535 = arith.index_cast %scan3A_488 : i32 to index
          %parallel_loop3A_536 = arith.index_cast %parallel_loop3A_532 : i32 to index
          %parallel_loop3A_537 = tpu.vector_load %arg7[%parallel_loop3A_534, %parallel_loop3A_535, %parallel_loop3A_536] {strides = array<i32>} : memref<8x4x496xf32, #tpu.memory_space<vmem>>, vector<16xf32>,
          tpu.vector_store %arg7[%parallel_loop3A_534, %parallel_loop3A_535, %parallel_loop3A_536], %parallel_loop3A_530 {strides = array<i32>} : memref<8x4x496xf32, #tpu.memory_space<vmem>>, vector<16xf32>,
          %parallel_loop3A_538 = arith.constant 50000 : i32
          %parallel_loop3A_539 = vector.broadcast %parallel_loop3A_538 : i32 to vector<16xi32>
          %parallel_loop3A_540 = arith.addi %parallel_loop3A_511, %parallel_loop3A_539 : vector<16xi32>
          %parallel_loop3A_541 = tpu.vector_load_idx %arg5[%parallel_loop3A_540] : memref<100000xf32, #tpu.memory_space<vmem>>[vector<16xi32>], vector<16xf32>,
          %parallel_loop3A_542 = arith.select %parallel_loop3A_505, %parallel_loop3A_541, %parallel_loop3A_513 : vector<16xi1>, vector<16xf32>
          %parallel_loop3A_543 = arith.constant 16 : i32
          %parallel_loop3A_544 = arith.muli %parallel_loop3A_493, %parallel_loop3A_543 : i32
          %parallel_loop3A_545 = arith.constant 6 : i32
          %parallel_loop3A_546 = arith.index_cast %parallel_loop3A_545 : i32 to index
          %parallel_loop3A_547 = arith.index_cast %scan3A_488 : i32 to index
          %parallel_loop3A_548 = arith.index_cast %parallel_loop3A_544 : i32 to index
          %parallel_loop3A_549 = tpu.vector_load %arg7[%parallel_loop3A_546, %parallel_loop3A_547, %parallel_loop3A_548] {strides = array<i32>} : memref<8x4x496xf32, #tpu.memory_space<vmem>>, vector<16xf32>,
          tpu.vector_store %arg7[%parallel_loop3A_546, %parallel_loop3A_547, %parallel_loop3A_548], %parallel_loop3A_542 {strides = array<i32>} : memref<8x4x496xf32, #tpu.memory_space<vmem>>, vector<16xf32>,
          %parallel_loop3A_550 = arith.constant 75000 : i32
          %parallel_loop3A_551 = vector.broadcast %parallel_loop3A_550 : i32 to vector<16xi32>
          %parallel_loop3A_552 = arith.addi %parallel_loop3A_511, %parallel_loop3A_551 : vector<16xi32>
          %parallel_loop3A_553 = tpu.vector_load_idx %arg5[%parallel_loop3A_552] : memref<100000xf32, #tpu.memory_space<vmem>>[vector<16xi32>], vector<16xf32>,
          %parallel_loop3A_554 = arith.select %parallel_loop3A_505, %parallel_loop3A_553, %parallel_loop3A_513 : vector<16xi1>, vector<16xf32>
          %parallel_loop3A_555 = arith.constant 16 : i32
          %parallel_loop3A_556 = arith.muli %parallel_loop3A_493, %parallel_loop3A_555 : i32
          %parallel_loop3A_557 = arith.constant 7 : i32
          %parallel_loop3A_558 = arith.index_cast %parallel_loop3A_557 : i32 to index
          %parallel_loop3A_559 = arith.index_cast %scan3A_488 : i32 to index
          %parallel_loop3A_560 = arith.index_cast %parallel_loop3A_556 : i32 to index
          %parallel_loop3A_561 = tpu.vector_load %arg7[%parallel_loop3A_558, %parallel_loop3A_559, %parallel_loop3A_560] {strides = array<i32>} : memref<8x4x496xf32, #tpu.memory_space<vmem>>, vector<16xf32>,
          tpu.vector_store %arg7[%parallel_loop3A_558, %parallel_loop3A_559, %parallel_loop3A_560], %parallel_loop3A_554 {strides = array<i32>} : memref<8x4x496xf32, #tpu.memory_space<vmem>>, vector<16xf32>,
        } {sc.loop_unroll_factor = 4 : i64, sc.parallel_access}
        %scan3A_492 = arith.constant 0 : i32
        scf.yield %scan3A_492 : i32
      }
      %scan3A_455 = arith.constant 4 : i32
      %mul3A_456 = arith.constant 4 : i32
      %mul3A_457 = arith.muli %add3A_419, %mul3A_456 : i32
      %dma_start3A_458 = arith.constant 4 : i32
      %dma_start3A_459 = arith.constant 0 : i32
      %dma_start3A_460 = arith.constant 0 : i32
      %dma_start3A_461 = tpu.memref_slice %arg7[%dma_start3A_458, %dma_start3A_459, %dma_start3A_460] : memref<8x4x496xf32, #tpu.memory_space<vmem>> -> memref<4x4x496xf32, #tpu.memory_space<vmem>>
      %dma_start3A_462 = arith.constant 0 : i32
      %dma_start3A_463 = tpu.memref_slice %arg4[%add3A_3, %mul3A_0, %mul3A_457, %dma_start3A_462] : memref<4x64x496x496xf32, #tpu.memory_space<hbm>> -> memref<1x4x4x496xf32, #tpu.memory_space<hbm>>
      %dma_start3A_464 = tpu.memref_squeeze %dma_start3A_463 : memref<1x4x4x496xf32, #tpu.memory_space<hbm>> -> memref<4x4x496xf32, #tpu.memory_space<hbm>>
      %dma_start3A_465 = arith.constant 0 : i32
      %dma_start3A_466 = tpu.memref_slice %arg4[%add3A_3, %mul3A_0, %mul3A_457, %dma_start3A_465] : memref<4x64x496x496xf32, #tpu.memory_space<hbm>> -> memref<1x4x4x496xf32, #tpu.memory_space<hbm>>
      %dma_start3A_467 = tpu.memref_squeeze %dma_start3A_466 : memref<1x4x4x496xf32, #tpu.memory_space<hbm>> -> memref<4x4x496xf32, #tpu.memory_space<hbm>>
      %dma_start3A_468 = arith.constant 4 : i32
      %dma_start3A_469 = arith.constant 0 : i32
      %dma_start3A_470 = arith.constant 0 : i32
      %dma_start3A_471 = tpu.memref_slice %arg7[%dma_start3A_468, %dma_start3A_469, %dma_start3A_470] : memref<8x4x496xf32, #tpu.memory_space<vmem>> -> memref<4x4x496xf32, #tpu.memory_space<vmem>>
      tpu.enqueue_dma source(%dma_start3A_471 : memref<4x4x496xf32, #tpu.memory_space<vmem>>) target(%dma_start3A_467 : memref<4x4x496xf32, #tpu.memory_space<hbm>>) target_semaphore(%arg11 : memref<!tpu.dma_semaphore, #tpu.memory_space<semaphore_mem>>)
      %add3A_472 = arith.constant 2 : i32
      %add3A_473 = arith.addi %add3A_419, %add3A_472 : i32
      %min3A_474 = arith.constant 123 : i32
      %min3A_475 = arith.minsi %add3A_473, %min3A_474 : i32
      %mul3A_476 = arith.constant 246016 : i32
      %mul3A_477 = arith.muli %add3A_3, %mul3A_476 : i32
      %mul3A_478 = arith.constant 1984 : i32
      %mul3A_479 = arith.muli %min3A_475, %mul3A_478 : i32
      %add3A_480 = arith.addi %mul3A_477, %mul3A_479 : i32
      %dma_start3A_481 = arith.constant 1984 : i32
      %dma_start3A_482 = tpu.memref_slice %arg6[%dma_start3A_481] : memref<3968xi32, #tpu.memory_space<vmem>> -> memref<1984xi32, #tpu.memory_space<vmem>>
      %dma_start3A_483 = tpu.memref_slice %arg2[%add3A_480] : memref<984064xi32, #tpu.memory_space<hbm>> -> memref<1984xi32, #tpu.memory_space<hbm>>
      %dma_start3A_484 = arith.constant 1984 : i32
      %dma_start3A_485 = tpu.memref_slice %arg6[%dma_start3A_484] : memref<3968xi32, #tpu.memory_space<vmem>> -> memref<1984xi32, #tpu.memory_space<vmem>>
      %dma_start3A_486 = tpu.memref_slice %arg2[%add3A_480] : memref<984064xi32, #tpu.memory_space<hbm>> -> memref<1984xi32, #tpu.memory_space<hbm>>
      tpu.enqueue_dma source(%dma_start3A_486 : memref<1984xi32, #tpu.memory_space<hbm>>) target(%dma_start3A_485 : memref<1984xi32, #tpu.memory_space<vmem>>) target_semaphore(%arg9 : memref<!tpu.dma_semaphore, #tpu.memory_space<semaphore_mem>>)
      %scan3A_487 = arith.constant 0 : i32
      scf.yield %scan3A_487 : i32
    }
    %scan3A_118 = arith.constant 61 : i32
    %mul3A_119 = arith.constant 246016 : i32
    %mul3A_120 = arith.muli %add3A_3, %mul3A_119 : i32
    %add3A_121 = arith.constant 242048 : i32
    %add3A_122 = arith.addi %mul3A_120, %add3A_121 : i32
    %dma_wait3A_123 = arith.constant 0 : i32
    %dma_wait3A_124 = tpu.memref_slice %arg6[%dma_wait3A_123] : memref<3968xi32, #tpu.memory_space<vmem>> -> memref<1984xi32, #tpu.memory_space<vmem>>
    %dma_wait3A_125 = tpu.memref_slice %arg2[%add3A_122] : memref<984064xi32, #tpu.memory_space<hbm>> -> memref<1984xi32, #tpu.memory_space<hbm>>
    %dma_wait3A_126 = arith.constant 0 : i32
    %dma_wait3A_127 = tpu.memref_slice %arg6[%dma_wait3A_126] : memref<3968xi32, #tpu.memory_space<vmem>> -> memref<1984xi32, #tpu.memory_space<vmem>>
    %dma_wait3A_128 = tpu.memref_slice %arg2[%add3A_122] : memref<984064xi32, #tpu.memory_space<hbm>> -> memref<1984xi32, #tpu.memory_space<hbm>>
    tpu.wait_dma2 semaphore(%arg8 : memref<!tpu.dma_semaphore, #tpu.memory_space<semaphore_mem>>) src(%dma_wait3A_128 : memref<1984xi32, #tpu.memory_space<hbm>>) dst(%dma_wait3A_127 : memref<1984xi32, #tpu.memory_space<vmem>>)
    %dma_wait3A_129 = arith.constant 0 : i32
    %dma_wait3A_130 = arith.constant 0 : i32
    %dma_wait3A_131 = arith.constant 0 : i32
    %dma_wait3A_132 = tpu.memref_slice %arg7[%dma_wait3A_129, %dma_wait3A_130, %dma_wait3A_131] : memref<8x4x496xf32, #tpu.memory_space<vmem>> -> memref<4x4x496xf32, #tpu.memory_space<vmem>>
    %dma_wait3A_133 = arith.constant 488 : i32
    %dma_wait3A_134 = arith.constant 0 : i32
    %dma_wait3A_135 = tpu.memref_slice %arg4[%add3A_3, %mul3A_0, %dma_wait3A_133, %dma_wait3A_134] : memref<4x64x496x496xf32, #tpu.memory_space<hbm>> -> memref<1x4x4x496xf32, #tpu.memory_space<hbm>>
    %dma_wait3A_136 = tpu.memref_squeeze %dma_wait3A_135 : memref<1x4x4x496xf32, #tpu.memory_space<hbm>> -> memref<4x4x496xf32, #tpu.memory_space<hbm>>
    %dma_wait3A_137 = arith.constant 488 : i32
    %dma_wait3A_138 = arith.constant 0 : i32
    %dma_wait3A_139 = tpu.memref_slice %arg4[%add3A_3, %mul3A_0, %dma_wait3A_137, %dma_wait3A_138] : memref<4x64x496x496xf32, #tpu.memory_space<hbm>> -> memref<1x4x4x496xf32, #tpu.memory_space<hbm>>
    %dma_wait3A_140 = tpu.memref_squeeze %dma_wait3A_139 : memref<1x4x4x496xf32, #tpu.memory_space<hbm>> -> memref<4x4x496xf32, #tpu.memory_space<hbm>>
    %dma_wait3A_141 = arith.constant 0 : i32
    %dma_wait3A_142 = arith.constant 0 : i32
    %dma_wait3A_143 = arith.constant 0 : i32
    %dma_wait3A_144 = tpu.memref_slice %arg7[%dma_wait3A_141, %dma_wait3A_142, %dma_wait3A_143] : memref<8x4x496xf32, #tpu.memory_space<vmem>> -> memref<4x4x496xf32, #tpu.memory_space<vmem>>
    tpu.wait_dma2 semaphore(%arg10 : memref<!tpu.dma_semaphore, #tpu.memory_space<semaphore_mem>>) src(%dma_wait3A_144 : memref<4x4x496xf32, #tpu.memory_space<vmem>>) dst(%dma_wait3A_140 : memref<4x4x496xf32, #tpu.memory_space<hbm>>)
    %mul3A_145 = arith.constant 246016 : i32
    %mul3A_146 = arith.muli %add3A_3, %mul3A_145 : i32
    %add3A_147 = arith.constant 244032 : i32
    %add3A_148 = arith.addi %mul3A_146, %add3A_147 : i32
    %dma_wait3A_149 = arith.constant 1984 : i32
    %dma_wait3A_150 = tpu.memref_slice %arg6[%dma_wait3A_149] : memref<3968xi32, #tpu.memory_space<vmem>> -> memref<1984xi32, #tpu.memory_space<vmem>>
    %dma_wait3A_151 = tpu.memref_slice %arg2[%add3A_148] : memref<984064xi32, #tpu.memory_space<hbm>> -> memref<1984xi32, #tpu.memory_space<hbm>>
    %dma_wait3A_152 = arith.constant 1984 : i32
    %dma_wait3A_153 = tpu.memref_slice %arg6[%dma_wait3A_152] : memref<3968xi32, #tpu.memory_space<vmem>> -> memref<1984xi32, #tpu.memory_space<vmem>>
    %dma_wait3A_154 = tpu.memref_slice %arg2[%add3A_148] : memref<984064xi32, #tpu.memory_space<hbm>> -> memref<1984xi32, #tpu.memory_space<hbm>>
    tpu.wait_dma2 semaphore(%arg9 : memref<!tpu.dma_semaphore, #tpu.memory_space<semaphore_mem>>) src(%dma_wait3A_154 : memref<1984xi32, #tpu.memory_space<hbm>>) dst(%dma_wait3A_153 : memref<1984xi32, #tpu.memory_space<vmem>>)
    %dma_wait3A_155 = arith.constant 4 : i32
    %dma_wait3A_156 = arith.constant 0 : i32
    %dma_wait3A_157 = arith.constant 0 : i32
    %dma_wait3A_158 = tpu.memref_slice %arg7[%dma_wait3A_155, %dma_wait3A_156, %dma_wait3A_157] : memref<8x4x496xf32, #tpu.memory_space<vmem>> -> memref<4x4x496xf32, #tpu.memory_space<vmem>>
    %dma_wait3A_159 = arith.constant 492 : i32
    %dma_wait3A_160 = arith.constant 0 : i32
    %dma_wait3A_161 = tpu.memref_slice %arg4[%add3A_3, %mul3A_0, %dma_wait3A_159, %dma_wait3A_160] : memref<4x64x496x496xf32, #tpu.memory_space<hbm>> -> memref<1x4x4x496xf32, #tpu.memory_space<hbm>>
    %dma_wait3A_162 = tpu.memref_squeeze %dma_wait3A_161 : memref<1x4x4x496xf32, #tpu.memory_space<hbm>> -> memref<4x4x496xf32, #tpu.memory_space<hbm>>
    %dma_wait3A_163 = arith.constant 492 : i32
    %dma_wait3A_164 = arith.constant 0 : i32
    %dma_wait3A_165 = tpu.memref_slice %arg4[%add3A_3, %mul3A_0, %dma_wait3A_163, %dma_wait3A_164] : memref<4x64x496x496xf32, #tpu.memory_space<hbm>> -> memref<1x4x4x496xf32, #tpu.memory_space<hbm>>
    %dma_wait3A_166 = tpu.memref_squeeze %dma_wait3A_165 : memref<1x4x4x496xf32, #tpu.memory_space<hbm>> -> memref<4x4x496xf32, #tpu.memory_space<hbm>>
    %dma_wait3A_167 = arith.constant 4 : i32
    %dma_wait3A_168 = arith.constant 0 : i32
    %dma_wait3A_169 = arith.constant 0 : i32
    %dma_wait3A_170 = tpu.memref_slice %arg7[%dma_wait3A_167, %dma_wait3A_168, %dma_wait3A_169] : memref<8x4x496xf32, #tpu.memory_space<vmem>> -> memref<4x4x496xf32, #tpu.memory_space<vmem>>
    tpu.wait_dma2 semaphore(%arg11 : memref<!tpu.dma_semaphore, #tpu.memory_space<semaphore_mem>>) src(%dma_wait3A_170 : memref<4x4x496xf32, #tpu.memory_space<vmem>>) dst(%dma_wait3A_166 : memref<4x4x496xf32, #tpu.memory_space<hbm>>)
    %mul3A_171 = arith.constant 2 : i32
    %mul3A_172 = arith.muli %mul3A_171, %arg0 : i32
    %add3A_173 = arith.constant 1 : i32
    %add3A_174 = arith.addi %mul3A_172, %add3A_173 : i32
    %mul3A_175 = arith.constant 64 : i32
    %mul3A_176 = arith.muli %add3A_174, %mul3A_175 : i32
    %add3A_177 = arith.addi %mul3A_176, %mul3A_0 : i32
    %mul3A_178 = arith.constant 25000 : i32
    %mul3A_179 = arith.muli %add3A_177, %mul3A_178 : i32
    "tpu.region"() ({
      %run_scoped3A = tpu.sem_alloc : memref<!tpu.dma_semaphore, #tpu.memory_space<semaphore_mem>>
      %dma_start3A_345 = tpu.memref_slice %arg3[%mul3A_179] : memref<6400000xf32, #tpu.memory_space<hbm>> -> memref<100000xf32, #tpu.memory_space<hbm>>
      %dma_start3A_346 = tpu.memref_slice %arg3[%mul3A_179] : memref<6400000xf32, #tpu.memory_space<hbm>> -> memref<100000xf32, #tpu.memory_space<hbm>>
      tpu.enqueue_dma source(%dma_start3A_346 : memref<100000xf32, #tpu.memory_space<hbm>>) target(%arg5 : memref<100000xf32, #tpu.memory_space<vmem>>) target_semaphore(%run_scoped3A : memref<!tpu.dma_semaphore, #tpu.memory_space<semaphore_mem>>)
      %dma_wait3A_347 = tpu.memref_slice %arg3[%mul3A_179] : memref<6400000xf32, #tpu.memory_space<hbm>> -> memref<100000xf32, #tpu.memory_space<hbm>>
      %dma_wait3A_348 = tpu.memref_slice %arg3[%mul3A_179] : memref<6400000xf32, #tpu.memory_space<hbm>> -> memref<100000xf32, #tpu.memory_space<hbm>>
      tpu.wait_dma2 semaphore(%run_scoped3A : memref<!tpu.dma_semaphore, #tpu.memory_space<semaphore_mem>>) src(%dma_wait3A_348 : memref<100000xf32, #tpu.memory_space<hbm>>) dst(%arg5 : memref<100000xf32, #tpu.memory_space<vmem>>)
      tpu.yield
    }) : () -> ()
    %mul3A_180 = arith.constant 246016 : i32
    %mul3A_181 = arith.muli %add3A_174, %mul3A_180 : i32
    %add3A_182 = arith.constant 0 : i32
    %add3A_183 = arith.addi %mul3A_181, %add3A_182 : i32
    %dma_start3A_184 = arith.constant 0 : i32
    %dma_start3A_185 = tpu.memref_slice %arg6[%dma_start3A_184] : memref<3968xi32, #tpu.memory_space<vmem>> -> memref<1984xi32, #tpu.memory_space<vmem>>
    %dma_start3A_186 = tpu.memref_slice %arg2[%add3A_183] : memref<984064xi32, #tpu.memory_space<hbm>> -> memref<1984xi32, #tpu.memory_space<hbm>>
    %dma_start3A_187 = arith.constant 0 : i32
    %dma_start3A_188 = tpu.memref_slice %arg6[%dma_start3A_187] : memref<3968xi32, #tpu.memory_space<vmem>> -> memref<1984xi32, #tpu.memory_space<vmem>>
    %dma_start3A_189 = tpu.memref_slice %arg2[%add3A_183] : memref<984064xi32, #tpu.memory_space<hbm>> -> memref<1984xi32, #tpu.memory_space<hbm>>
    tpu.enqueue_dma source(%dma_start3A_189 : memref<1984xi32, #tpu.memory_space<hbm>>) target(%dma_start3A_188 : memref<1984xi32, #tpu.memory_space<vmem>>) target_semaphore(%arg8 : memref<!tpu.dma_semaphore, #tpu.memory_space<semaphore_mem>>)
    %mul3A_190 = arith.constant 246016 : i32
    %mul3A_191 = arith.muli %add3A_174, %mul3A_190 : i32
    %add3A_192 = arith.constant 1984 : i32
    %add3A_193 = arith.addi %mul3A_191, %add3A_192 : i32
    %dma_start3A_194 = arith.constant 1984 : i32
    %dma_start3A_195 = tpu.memref_slice %arg6[%dma_start3A_194] : memref<3968xi32, #tpu.memory_space<vmem>> -> memref<1984xi32, #tpu.memory_space<vmem>>
    %dma_start3A_196 = tpu.memref_slice %arg2[%add3A_193] : memref<984064xi32, #tpu.memory_space<hbm>> -> memref<1984xi32, #tpu.memory_space<hbm>>
    %dma_start3A_197 = arith.constant 1984 : i32
    %dma_start3A_198 = tpu.memref_slice %arg6[%dma_start3A_197] : memref<3968xi32, #tpu.memory_space<vmem>> -> memref<1984xi32, #tpu.memory_space<vmem>>
    %dma_start3A_199 = tpu.memref_slice %arg2[%add3A_193] : memref<984064xi32, #tpu.memory_space<hbm>> -> memref<1984xi32, #tpu.memory_space<hbm>>
    tpu.enqueue_dma source(%dma_start3A_199 : memref<1984xi32, #tpu.memory_space<hbm>>) target(%dma_start3A_198 : memref<1984xi32, #tpu.memory_space<vmem>>) target_semaphore(%arg9 : memref<!tpu.dma_semaphore, #tpu.memory_space<semaphore_mem>>)
    %mul3A_200 = arith.constant 246016 : i32
    %mul3A_201 = arith.muli %add3A_174, %mul3A_200 : i32
    %add3A_202 = arith.constant 0 : i32
    %add3A_203 = arith.addi %mul3A_201, %add3A_202 : i32
    %dma_wait3A_204 = arith.constant 0 : i32
    %dma_wait3A_205 = tpu.memref_slice %arg6[%dma_wait3A_204] : memref<3968xi32, #tpu.memory_space<vmem>> -> memref<1984xi32, #tpu.memory_space<vmem>>
    %dma_wait3A_206 = tpu.memref_slice %arg2[%add3A_203] : memref<984064xi32, #tpu.memory_space<hbm>> -> memref<1984xi32, #tpu.memory_space<hbm>>
    %dma_wait3A_207 = arith.constant 0 : i32
    %dma_wait3A_208 = tpu.memref_slice %arg6[%dma_wait3A_207] : memref<3968xi32, #tpu.memory_space<vmem>> -> memref<1984xi32, #tpu.memory_space<vmem>>
    %dma_wait3A_209 = tpu.memref_slice %arg2[%add3A_203] : memref<984064xi32, #tpu.memory_space<hbm>> -> memref<1984xi32, #tpu.memory_space<hbm>>
    tpu.wait_dma2 semaphore(%arg8 : memref<!tpu.dma_semaphore, #tpu.memory_space<semaphore_mem>>) src(%dma_wait3A_209 : memref<1984xi32, #tpu.memory_space<hbm>>) dst(%dma_wait3A_208 : memref<1984xi32, #tpu.memory_space<vmem>>)
    %scan3A_210 = arith.constant 0 : i32
    %scan3A_211 = arith.constant 0 : i32
    %scan3A_212 = arith.constant 4 : i32
    %scan3A_213 = arith.addi %scan3A_211, %scan3A_212 : i32
    %scan3A_214 = arith.constant 1 : i32
    %scan3A_215 = scf.for %scan3A_345 = %scan3A_211 to %scan3A_213 step %scan3A_214 iter_args(%scan3A_346 = %scan3A_210) -> (i32)  : i32 {
      %parallel_loop3A = arith.constant 0 : i32
      %parallel_loop3A_347 = arith.constant 31 : i32
      %parallel_loop3A_348 = arith.constant 1 : i32
      scf.for %parallel_loop3A_350 = %parallel_loop3A to %parallel_loop3A_347 step %parallel_loop3A_348  : i32 {
        %parallel_loop3A_351 = arith.constant 496 : i32
        %parallel_loop3A_352 = arith.muli %scan3A_345, %parallel_loop3A_351 : i32
        %parallel_loop3A_353 = arith.constant 0 : i32
        %parallel_loop3A_354 = arith.addi %parallel_loop3A_353, %parallel_loop3A_352 : i32
        %parallel_loop3A_355 = arith.constant 16 : i32
        %parallel_loop3A_356 = arith.muli %parallel_loop3A_350, %parallel_loop3A_355 : i32
        %parallel_loop3A_357 = arith.addi %parallel_loop3A_354, %parallel_loop3A_356 : i32
        %parallel_loop3A_358 = arith.index_cast %parallel_loop3A_357 : i32 to index
        %parallel_loop3A_359 = tpu.vector_load %arg6[%parallel_loop3A_358] {strides = array<i32>} : memref<3968xi32, #tpu.memory_space<vmem>>, vector<16xi32>,
        %parallel_loop3A_360 = arith.constant 0 : i32
        %parallel_loop3A_361 = vector.broadcast %parallel_loop3A_360 : i32 to vector<16xi32>
        %parallel_loop3A_362 = arith.cmpi sgt, %parallel_loop3A_359, %parallel_loop3A_361 : vector<16xi32>
        %parallel_loop3A_363 = arith.constant 1 : i32
        %parallel_loop3A_364 = vector.broadcast %parallel_loop3A_363 : i32 to vector<16xi32>
        %parallel_loop3A_365 = arith.subi %parallel_loop3A_359, %parallel_loop3A_364 : vector<16xi32>
        %parallel_loop3A_366 = arith.constant 0 : i32
        %parallel_loop3A_367 = vector.broadcast %parallel_loop3A_366 : i32 to vector<16xi32>
        %parallel_loop3A_368 = arith.maxsi %parallel_loop3A_365, %parallel_loop3A_367 : vector<16xi32>
        %parallel_loop3A_369 = arith.constant 0.000000e+00 : f32
        %parallel_loop3A_370 = vector.broadcast %parallel_loop3A_369 : f32 to vector<16xf32>
        %parallel_loop3A_371 = arith.constant 0 : i32
        %parallel_loop3A_372 = vector.broadcast %parallel_loop3A_371 : i32 to vector<16xi32>
        %parallel_loop3A_373 = arith.addi %parallel_loop3A_368, %parallel_loop3A_372 : vector<16xi32>
        %parallel_loop3A_374 = tpu.vector_load_idx %arg5[%parallel_loop3A_373] : memref<100000xf32, #tpu.memory_space<vmem>>[vector<16xi32>], vector<16xf32>,
        %parallel_loop3A_375 = arith.select %parallel_loop3A_362, %parallel_loop3A_374, %parallel_loop3A_370 : vector<16xi1>, vector<16xf32>
        %parallel_loop3A_376 = arith.constant 16 : i32
        %parallel_loop3A_377 = arith.muli %parallel_loop3A_350, %parallel_loop3A_376 : i32
        %parallel_loop3A_378 = arith.constant 0 : i32
        %parallel_loop3A_379 = arith.index_cast %parallel_loop3A_378 : i32 to index
        %parallel_loop3A_380 = arith.index_cast %scan3A_345 : i32 to index
        %parallel_loop3A_381 = arith.index_cast %parallel_loop3A_377 : i32 to index
        %parallel_loop3A_382 = tpu.vector_load %arg7[%parallel_loop3A_379, %parallel_loop3A_380, %parallel_loop3A_381] {strides = array<i32>} : memref<8x4x496xf32, #tpu.memory_space<vmem>>, vector<16xf32>,
        tpu.vector_store %arg7[%parallel_loop3A_379, %parallel_loop3A_380, %parallel_loop3A_381], %parallel_loop3A_375 {strides = array<i32>} : memref<8x4x496xf32, #tpu.memory_space<vmem>>, vector<16xf32>,
        %parallel_loop3A_383 = arith.constant 25000 : i32
        %parallel_loop3A_384 = vector.broadcast %parallel_loop3A_383 : i32 to vector<16xi32>
        %parallel_loop3A_385 = arith.addi %parallel_loop3A_368, %parallel_loop3A_384 : vector<16xi32>
        %parallel_loop3A_386 = tpu.vector_load_idx %arg5[%parallel_loop3A_385] : memref<100000xf32, #tpu.memory_space<vmem>>[vector<16xi32>], vector<16xf32>,
        %parallel_loop3A_387 = arith.select %parallel_loop3A_362, %parallel_loop3A_386, %parallel_loop3A_370 : vector<16xi1>, vector<16xf32>
        %parallel_loop3A_388 = arith.constant 16 : i32
        %parallel_loop3A_389 = arith.muli %parallel_loop3A_350, %parallel_loop3A_388 : i32
        %parallel_loop3A_390 = arith.constant 1 : i32
        %parallel_loop3A_391 = arith.index_cast %parallel_loop3A_390 : i32 to index
        %parallel_loop3A_392 = arith.index_cast %scan3A_345 : i32 to index
        %parallel_loop3A_393 = arith.index_cast %parallel_loop3A_389 : i32 to index
        %parallel_loop3A_394 = tpu.vector_load %arg7[%parallel_loop3A_391, %parallel_loop3A_392, %parallel_loop3A_393] {strides = array<i32>} : memref<8x4x496xf32, #tpu.memory_space<vmem>>, vector<16xf32>,
        tpu.vector_store %arg7[%parallel_loop3A_391, %parallel_loop3A_392, %parallel_loop3A_393], %parallel_loop3A_387 {strides = array<i32>} : memref<8x4x496xf32, #tpu.memory_space<vmem>>, vector<16xf32>,
        %parallel_loop3A_395 = arith.constant 50000 : i32
        %parallel_loop3A_396 = vector.broadcast %parallel_loop3A_395 : i32 to vector<16xi32>
        %parallel_loop3A_397 = arith.addi %parallel_loop3A_368, %parallel_loop3A_396 : vector<16xi32>
        %parallel_loop3A_398 = tpu.vector_load_idx %arg5[%parallel_loop3A_397] : memref<100000xf32, #tpu.memory_space<vmem>>[vector<16xi32>], vector<16xf32>,
        %parallel_loop3A_399 = arith.select %parallel_loop3A_362, %parallel_loop3A_398, %parallel_loop3A_370 : vector<16xi1>, vector<16xf32>
        %parallel_loop3A_400 = arith.constant 16 : i32
        %parallel_loop3A_401 = arith.muli %parallel_loop3A_350, %parallel_loop3A_400 : i32
        %parallel_loop3A_402 = arith.constant 2 : i32
        %parallel_loop3A_403 = arith.index_cast %parallel_loop3A_402 : i32 to index
        %parallel_loop3A_404 = arith.index_cast %scan3A_345 : i32 to index
        %parallel_loop3A_405 = arith.index_cast %parallel_loop3A_401 : i32 to index
        %parallel_loop3A_406 = tpu.vector_load %arg7[%parallel_loop3A_403, %parallel_loop3A_404, %parallel_loop3A_405] {strides = array<i32>} : memref<8x4x496xf32, #tpu.memory_space<vmem>>, vector<16xf32>,
        tpu.vector_store %arg7[%parallel_loop3A_403, %parallel_loop3A_404, %parallel_loop3A_405], %parallel_loop3A_399 {strides = array<i32>} : memref<8x4x496xf32, #tpu.memory_space<vmem>>, vector<16xf32>,
        %parallel_loop3A_407 = arith.constant 75000 : i32
        %parallel_loop3A_408 = vector.broadcast %parallel_loop3A_407 : i32 to vector<16xi32>
        %parallel_loop3A_409 = arith.addi %parallel_loop3A_368, %parallel_loop3A_408 : vector<16xi32>
        %parallel_loop3A_410 = tpu.vector_load_idx %arg5[%parallel_loop3A_409] : memref<100000xf32, #tpu.memory_space<vmem>>[vector<16xi32>], vector<16xf32>,
        %parallel_loop3A_411 = arith.select %parallel_loop3A_362, %parallel_loop3A_410, %parallel_loop3A_370 : vector<16xi1>, vector<16xf32>
        %parallel_loop3A_412 = arith.constant 16 : i32
        %parallel_loop3A_413 = arith.muli %parallel_loop3A_350, %parallel_loop3A_412 : i32
        %parallel_loop3A_414 = arith.constant 3 : i32
        %parallel_loop3A_415 = arith.index_cast %parallel_loop3A_414 : i32 to index
        %parallel_loop3A_416 = arith.index_cast %scan3A_345 : i32 to index
        %parallel_loop3A_417 = arith.index_cast %parallel_loop3A_413 : i32 to index
        %parallel_loop3A_418 = tpu.vector_load %arg7[%parallel_loop3A_415, %parallel_loop3A_416, %parallel_loop3A_417] {strides = array<i32>} : memref<8x4x496xf32, #tpu.memory_space<vmem>>, vector<16xf32>,
        tpu.vector_store %arg7[%parallel_loop3A_415, %parallel_loop3A_416, %parallel_loop3A_417], %parallel_loop3A_411 {strides = array<i32>} : memref<8x4x496xf32, #tpu.memory_space<vmem>>, vector<16xf32>,
      } {sc.loop_unroll_factor = 4 : i64, sc.parallel_access}
      %scan3A_349 = arith.constant 0 : i32
      scf.yield %scan3A_349 : i32
    }
    %scan3A_216 = arith.constant 4 : i32
    %dma_start3A_217 = arith.constant 0 : i32
    %dma_start3A_218 = arith.constant 0 : i32
    %dma_start3A_219 = arith.constant 0 : i32
    %dma_start3A_220 = tpu.memref_slice %arg7[%dma_start3A_217, %dma_start3A_218, %dma_start3A_219] : memref<8x4x496xf32, #tpu.memory_space<vmem>> -> memref<4x4x496xf32, #tpu.memory_space<vmem>>
    %dma_start3A_221 = arith.constant 0 : i32
    %dma_start3A_222 = arith.constant 0 : i32
    %dma_start3A_223 = tpu.memref_slice %arg4[%add3A_174, %mul3A_0, %dma_start3A_221, %dma_start3A_222] : memref<4x64x496x496xf32, #tpu.memory_space<hbm>> -> memref<1x4x4x496xf32, #tpu.memory_space<hbm>>
    %dma_start3A_224 = tpu.memref_squeeze %dma_start3A_223 : memref<1x4x4x496xf32, #tpu.memory_space<hbm>> -> memref<4x4x496xf32, #tpu.memory_space<hbm>>
    %dma_start3A_225 = arith.constant 0 : i32
    %dma_start3A_226 = arith.constant 0 : i32
    %dma_start3A_227 = tpu.memref_slice %arg4[%add3A_174, %mul3A_0, %dma_start3A_225, %dma_start3A_226] : memref<4x64x496x496xf32, #tpu.memory_space<hbm>> -> memref<1x4x4x496xf32, #tpu.memory_space<hbm>>
    %dma_start3A_228 = tpu.memref_squeeze %dma_start3A_227 : memref<1x4x4x496xf32, #tpu.memory_space<hbm>> -> memref<4x4x496xf32, #tpu.memory_space<hbm>>
    %dma_start3A_229 = arith.constant 0 : i32
    %dma_start3A_230 = arith.constant 0 : i32
    %dma_start3A_231 = arith.constant 0 : i32
    %dma_start3A_232 = tpu.memref_slice %arg7[%dma_start3A_229, %dma_start3A_230, %dma_start3A_231] : memref<8x4x496xf32, #tpu.memory_space<vmem>> -> memref<4x4x496xf32, #tpu.memory_space<vmem>>
    tpu.enqueue_dma source(%dma_start3A_232 : memref<4x4x496xf32, #tpu.memory_space<vmem>>) target(%dma_start3A_228 : memref<4x4x496xf32, #tpu.memory_space<hbm>>) target_semaphore(%arg10 : memref<!tpu.dma_semaphore, #tpu.memory_space<semaphore_mem>>)
    %mul3A_233 = arith.constant 246016 : i32
    %mul3A_234 = arith.muli %add3A_174, %mul3A_233 : i32
    %add3A_235 = arith.constant 3968 : i32
    %add3A_236 = arith.addi %mul3A_234, %add3A_235 : i32
    %dma_start3A_237 = arith.constant 0 : i32
    %dma_start3A_238 = tpu.memref_slice %arg6[%dma_start3A_237] : memref<3968xi32, #tpu.memory_space<vmem>> -> memref<1984xi32, #tpu.memory_space<vmem>>
    %dma_start3A_239 = tpu.memref_slice %arg2[%add3A_236] : memref<984064xi32, #tpu.memory_space<hbm>> -> memref<1984xi32, #tpu.memory_space<hbm>>
    %dma_start3A_240 = arith.constant 0 : i32
    %dma_start3A_241 = tpu.memref_slice %arg6[%dma_start3A_240] : memref<3968xi32, #tpu.memory_space<vmem>> -> memref<1984xi32, #tpu.memory_space<vmem>>
    %dma_start3A_242 = tpu.memref_slice %arg2[%add3A_236] : memref<984064xi32, #tpu.memory_space<hbm>> -> memref<1984xi32, #tpu.memory_space<hbm>>
    tpu.enqueue_dma source(%dma_start3A_242 : memref<1984xi32, #tpu.memory_space<hbm>>) target(%dma_start3A_241 : memref<1984xi32, #tpu.memory_space<vmem>>) target_semaphore(%arg8 : memref<!tpu.dma_semaphore, #tpu.memory_space<semaphore_mem>>)
    %mul3A_243 = arith.constant 246016 : i32
    %mul3A_244 = arith.muli %add3A_174, %mul3A_243 : i32
    %add3A_245 = arith.constant 1984 : i32
    %add3A_246 = arith.addi %mul3A_244, %add3A_245 : i32
    %dma_wait3A_247 = arith.constant 1984 : i32
    %dma_wait3A_248 = tpu.memref_slice %arg6[%dma_wait3A_247] : memref<3968xi32, #tpu.memory_space<vmem>> -> memref<1984xi32, #tpu.memory_space<vmem>>
    %dma_wait3A_249 = tpu.memref_slice %arg2[%add3A_246] : memref<984064xi32, #tpu.memory_space<hbm>> -> memref<1984xi32, #tpu.memory_space<hbm>>
    %dma_wait3A_250 = arith.constant 1984 : i32
    %dma_wait3A_251 = tpu.memref_slice %arg6[%dma_wait3A_250] : memref<3968xi32, #tpu.memory_space<vmem>> -> memref<1984xi32, #tpu.memory_space<vmem>>
    %dma_wait3A_252 = tpu.memref_slice %arg2[%add3A_246] : memref<984064xi32, #tpu.memory_space<hbm>> -> memref<1984xi32, #tpu.memory_space<hbm>>
    tpu.wait_dma2 semaphore(%arg9 : memref<!tpu.dma_semaphore, #tpu.memory_space<semaphore_mem>>) src(%dma_wait3A_252 : memref<1984xi32, #tpu.memory_space<hbm>>) dst(%dma_wait3A_251 : memref<1984xi32, #tpu.memory_space<vmem>>)
    %scan3A_253 = arith.constant 0 : i32
    %scan3A_254 = arith.constant 0 : i32
    %scan3A_255 = arith.constant 4 : i32
    %scan3A_256 = arith.addi %scan3A_254, %scan3A_255 : i32
    %scan3A_257 = arith.constant 1 : i32
    %scan3A_258 = scf.for %scan3A_345 = %scan3A_254 to %scan3A_256 step %scan3A_257 iter_args(%scan3A_346 = %scan3A_253) -> (i32)  : i32 {
      %parallel_loop3A = arith.constant 0 : i32
      %parallel_loop3A_347 = arith.constant 31 : i32
      %parallel_loop3A_348 = arith.constant 1 : i32
      scf.for %parallel_loop3A_350 = %parallel_loop3A to %parallel_loop3A_347 step %parallel_loop3A_348  : i32 {
        %parallel_loop3A_351 = arith.constant 496 : i32
        %parallel_loop3A_352 = arith.muli %scan3A_345, %parallel_loop3A_351 : i32
        %parallel_loop3A_353 = arith.constant 1984 : i32
        %parallel_loop3A_354 = arith.addi %parallel_loop3A_353, %parallel_loop3A_352 : i32
        %parallel_loop3A_355 = arith.constant 16 : i32
        %parallel_loop3A_356 = arith.muli %parallel_loop3A_350, %parallel_loop3A_355 : i32
        %parallel_loop3A_357 = arith.addi %parallel_loop3A_354, %parallel_loop3A_356 : i32
        %parallel_loop3A_358 = arith.index_cast %parallel_loop3A_357 : i32 to index
        %parallel_loop3A_359 = tpu.vector_load %arg6[%parallel_loop3A_358] {strides = array<i32>} : memref<3968xi32, #tpu.memory_space<vmem>>, vector<16xi32>,
        %parallel_loop3A_360 = arith.constant 0 : i32
        %parallel_loop3A_361 = vector.broadcast %parallel_loop3A_360 : i32 to vector<16xi32>
        %parallel_loop3A_362 = arith.cmpi sgt, %parallel_loop3A_359, %parallel_loop3A_361 : vector<16xi32>
        %parallel_loop3A_363 = arith.constant 1 : i32
        %parallel_loop3A_364 = vector.broadcast %parallel_loop3A_363 : i32 to vector<16xi32>
        %parallel_loop3A_365 = arith.subi %parallel_loop3A_359, %parallel_loop3A_364 : vector<16xi32>
        %parallel_loop3A_366 = arith.constant 0 : i32
        %parallel_loop3A_367 = vector.broadcast %parallel_loop3A_366 : i32 to vector<16xi32>
        %parallel_loop3A_368 = arith.maxsi %parallel_loop3A_365, %parallel_loop3A_367 : vector<16xi32>
        %parallel_loop3A_369 = arith.constant 0.000000e+00 : f32
        %parallel_loop3A_370 = vector.broadcast %parallel_loop3A_369 : f32 to vector<16xf32>
        %parallel_loop3A_371 = arith.constant 0 : i32
        %parallel_loop3A_372 = vector.broadcast %parallel_loop3A_371 : i32 to vector<16xi32>
        %parallel_loop3A_373 = arith.addi %parallel_loop3A_368, %parallel_loop3A_372 : vector<16xi32>
        %parallel_loop3A_374 = tpu.vector_load_idx %arg5[%parallel_loop3A_373] : memref<100000xf32, #tpu.memory_space<vmem>>[vector<16xi32>], vector<16xf32>,
        %parallel_loop3A_375 = arith.select %parallel_loop3A_362, %parallel_loop3A_374, %parallel_loop3A_370 : vector<16xi1>, vector<16xf32>
        %parallel_loop3A_376 = arith.constant 16 : i32
        %parallel_loop3A_377 = arith.muli %parallel_loop3A_350, %parallel_loop3A_376 : i32
        %parallel_loop3A_378 = arith.constant 4 : i32
        %parallel_loop3A_379 = arith.index_cast %parallel_loop3A_378 : i32 to index
        %parallel_loop3A_380 = arith.index_cast %scan3A_345 : i32 to index
        %parallel_loop3A_381 = arith.index_cast %parallel_loop3A_377 : i32 to index
        %parallel_loop3A_382 = tpu.vector_load %arg7[%parallel_loop3A_379, %parallel_loop3A_380, %parallel_loop3A_381] {strides = array<i32>} : memref<8x4x496xf32, #tpu.memory_space<vmem>>, vector<16xf32>,
        tpu.vector_store %arg7[%parallel_loop3A_379, %parallel_loop3A_380, %parallel_loop3A_381], %parallel_loop3A_375 {strides = array<i32>} : memref<8x4x496xf32, #tpu.memory_space<vmem>>, vector<16xf32>,
        %parallel_loop3A_383 = arith.constant 25000 : i32
        %parallel_loop3A_384 = vector.broadcast %parallel_loop3A_383 : i32 to vector<16xi32>
        %parallel_loop3A_385 = arith.addi %parallel_loop3A_368, %parallel_loop3A_384 : vector<16xi32>
        %parallel_loop3A_386 = tpu.vector_load_idx %arg5[%parallel_loop3A_385] : memref<100000xf32, #tpu.memory_space<vmem>>[vector<16xi32>], vector<16xf32>,
        %parallel_loop3A_387 = arith.select %parallel_loop3A_362, %parallel_loop3A_386, %parallel_loop3A_370 : vector<16xi1>, vector<16xf32>
        %parallel_loop3A_388 = arith.constant 16 : i32
        %parallel_loop3A_389 = arith.muli %parallel_loop3A_350, %parallel_loop3A_388 : i32
        %parallel_loop3A_390 = arith.constant 5 : i32
        %parallel_loop3A_391 = arith.index_cast %parallel_loop3A_390 : i32 to index
        %parallel_loop3A_392 = arith.index_cast %scan3A_345 : i32 to index
        %parallel_loop3A_393 = arith.index_cast %parallel_loop3A_389 : i32 to index
        %parallel_loop3A_394 = tpu.vector_load %arg7[%parallel_loop3A_391, %parallel_loop3A_392, %parallel_loop3A_393] {strides = array<i32>} : memref<8x4x496xf32, #tpu.memory_space<vmem>>, vector<16xf32>,
        tpu.vector_store %arg7[%parallel_loop3A_391, %parallel_loop3A_392, %parallel_loop3A_393], %parallel_loop3A_387 {strides = array<i32>} : memref<8x4x496xf32, #tpu.memory_space<vmem>>, vector<16xf32>,
        %parallel_loop3A_395 = arith.constant 50000 : i32
        %parallel_loop3A_396 = vector.broadcast %parallel_loop3A_395 : i32 to vector<16xi32>
        %parallel_loop3A_397 = arith.addi %parallel_loop3A_368, %parallel_loop3A_396 : vector<16xi32>
        %parallel_loop3A_398 = tpu.vector_load_idx %arg5[%parallel_loop3A_397] : memref<100000xf32, #tpu.memory_space<vmem>>[vector<16xi32>], vector<16xf32>,
        %parallel_loop3A_399 = arith.select %parallel_loop3A_362, %parallel_loop3A_398, %parallel_loop3A_370 : vector<16xi1>, vector<16xf32>
        %parallel_loop3A_400 = arith.constant 16 : i32
        %parallel_loop3A_401 = arith.muli %parallel_loop3A_350, %parallel_loop3A_400 : i32
        %parallel_loop3A_402 = arith.constant 6 : i32
        %parallel_loop3A_403 = arith.index_cast %parallel_loop3A_402 : i32 to index
        %parallel_loop3A_404 = arith.index_cast %scan3A_345 : i32 to index
        %parallel_loop3A_405 = arith.index_cast %parallel_loop3A_401 : i32 to index
        %parallel_loop3A_406 = tpu.vector_load %arg7[%parallel_loop3A_403, %parallel_loop3A_404, %parallel_loop3A_405] {strides = array<i32>} : memref<8x4x496xf32, #tpu.memory_space<vmem>>, vector<16xf32>,
        tpu.vector_store %arg7[%parallel_loop3A_403, %parallel_loop3A_404, %parallel_loop3A_405], %parallel_loop3A_399 {strides = array<i32>} : memref<8x4x496xf32, #tpu.memory_space<vmem>>, vector<16xf32>,
        %parallel_loop3A_407 = arith.constant 75000 : i32
        %parallel_loop3A_408 = vector.broadcast %parallel_loop3A_407 : i32 to vector<16xi32>
        %parallel_loop3A_409 = arith.addi %parallel_loop3A_368, %parallel_loop3A_408 : vector<16xi32>
        %parallel_loop3A_410 = tpu.vector_load_idx %arg5[%parallel_loop3A_409] : memref<100000xf32, #tpu.memory_space<vmem>>[vector<16xi32>], vector<16xf32>,
        %parallel_loop3A_411 = arith.select %parallel_loop3A_362, %parallel_loop3A_410, %parallel_loop3A_370 : vector<16xi1>, vector<16xf32>
        %parallel_loop3A_412 = arith.constant 16 : i32
        %parallel_loop3A_413 = arith.muli %parallel_loop3A_350, %parallel_loop3A_412 : i32
        %parallel_loop3A_414 = arith.constant 7 : i32
        %parallel_loop3A_415 = arith.index_cast %parallel_loop3A_414 : i32 to index
        %parallel_loop3A_416 = arith.index_cast %scan3A_345 : i32 to index
        %parallel_loop3A_417 = arith.index_cast %parallel_loop3A_413 : i32 to index
        %parallel_loop3A_418 = tpu.vector_load %arg7[%parallel_loop3A_415, %parallel_loop3A_416, %parallel_loop3A_417] {strides = array<i32>} : memref<8x4x496xf32, #tpu.memory_space<vmem>>, vector<16xf32>,
        tpu.vector_store %arg7[%parallel_loop3A_415, %parallel_loop3A_416, %parallel_loop3A_417], %parallel_loop3A_411 {strides = array<i32>} : memref<8x4x496xf32, #tpu.memory_space<vmem>>, vector<16xf32>,
      } {sc.loop_unroll_factor = 4 : i64, sc.parallel_access}
      %scan3A_349 = arith.constant 0 : i32
      scf.yield %scan3A_349 : i32
    }
    %scan3A_259 = arith.constant 4 : i32
    %dma_start3A_260 = arith.constant 4 : i32
    %dma_start3A_261 = arith.constant 0 : i32
    %dma_start3A_262 = arith.constant 0 : i32
    %dma_start3A_263 = tpu.memref_slice %arg7[%dma_start3A_260, %dma_start3A_261, %dma_start3A_262] : memref<8x4x496xf32, #tpu.memory_space<vmem>> -> memref<4x4x496xf32, #tpu.memory_space<vmem>>
    %dma_start3A_264 = arith.constant 4 : i32
    %dma_start3A_265 = arith.constant 0 : i32
    %dma_start3A_266 = tpu.memref_slice %arg4[%add3A_174, %mul3A_0, %dma_start3A_264, %dma_start3A_265] : memref<4x64x496x496xf32, #tpu.memory_space<hbm>> -> memref<1x4x4x496xf32, #tpu.memory_space<hbm>>
    %dma_start3A_267 = tpu.memref_squeeze %dma_start3A_266 : memref<1x4x4x496xf32, #tpu.memory_space<hbm>> -> memref<4x4x496xf32, #tpu.memory_space<hbm>>
    %dma_start3A_268 = arith.constant 4 : i32
    %dma_start3A_269 = arith.constant 0 : i32
    %dma_start3A_270 = tpu.memref_slice %arg4[%add3A_174, %mul3A_0, %dma_start3A_268, %dma_start3A_269] : memref<4x64x496x496xf32, #tpu.memory_space<hbm>> -> memref<1x4x4x496xf32, #tpu.memory_space<hbm>>
    %dma_start3A_271 = tpu.memref_squeeze %dma_start3A_270 : memref<1x4x4x496xf32, #tpu.memory_space<hbm>> -> memref<4x4x496xf32, #tpu.memory_space<hbm>>
    %dma_start3A_272 = arith.constant 4 : i32
    %dma_start3A_273 = arith.constant 0 : i32
    %dma_start3A_274 = arith.constant 0 : i32
    %dma_start3A_275 = tpu.memref_slice %arg7[%dma_start3A_272, %dma_start3A_273, %dma_start3A_274] : memref<8x4x496xf32, #tpu.memory_space<vmem>> -> memref<4x4x496xf32, #tpu.memory_space<vmem>>
    tpu.enqueue_dma source(%dma_start3A_275 : memref<4x4x496xf32, #tpu.memory_space<vmem>>) target(%dma_start3A_271 : memref<4x4x496xf32, #tpu.memory_space<hbm>>) target_semaphore(%arg11 : memref<!tpu.dma_semaphore, #tpu.memory_space<semaphore_mem>>)
    %mul3A_276 = arith.constant 246016 : i32
    %mul3A_277 = arith.muli %add3A_174, %mul3A_276 : i32
    %add3A_278 = arith.constant 5952 : i32
    %add3A_279 = arith.addi %mul3A_277, %add3A_278 : i32
    %dma_start3A_280 = arith.constant 1984 : i32
    %dma_start3A_281 = tpu.memref_slice %arg6[%dma_start3A_280] : memref<3968xi32, #tpu.memory_space<vmem>> -> memref<1984xi32, #tpu.memory_space<vmem>>
    %dma_start3A_282 = tpu.memref_slice %arg2[%add3A_279] : memref<984064xi32, #tpu.memory_space<hbm>> -> memref<1984xi32, #tpu.memory_space<hbm>>
    %dma_start3A_283 = arith.constant 1984 : i32
    %dma_start3A_284 = tpu.memref_slice %arg6[%dma_start3A_283] : memref<3968xi32, #tpu.memory_space<vmem>> -> memref<1984xi32, #tpu.memory_space<vmem>>
    %dma_start3A_285 = tpu.memref_slice %arg2[%add3A_279] : memref<984064xi32, #tpu.memory_space<hbm>> -> memref<1984xi32, #tpu.memory_space<hbm>>
    tpu.enqueue_dma source(%dma_start3A_285 : memref<1984xi32, #tpu.memory_space<hbm>>) target(%dma_start3A_284 : memref<1984xi32, #tpu.memory_space<vmem>>) target_semaphore(%arg9 : memref<!tpu.dma_semaphore, #tpu.memory_space<semaphore_mem>>)
    %scan3A_286 = arith.constant 0 : i32
    %scan3A_287 = arith.constant 1 : i32
    %scan3A_288 = arith.constant 61 : i32
    %scan3A_289 = arith.addi %scan3A_287, %scan3A_288 : i32
    %scan3A_290 = arith.constant 1 : i32
    %scan3A_291 = scf.for %scan3A_345 = %scan3A_287 to %scan3A_289 step %scan3A_290 iter_args(%scan3A_346 = %scan3A_286) -> (i32)  : i32 {
      %mul3A_347 = arith.constant 2 : i32
      %mul3A_348 = arith.muli %mul3A_347, %scan3A_345 : i32
      %add3A_349 = arith.constant 0 : i32
      %add3A_350 = arith.addi %mul3A_348, %add3A_349 : i32
      %mul3A_351 = arith.constant 246016 : i32
      %mul3A_352 = arith.muli %add3A_174, %mul3A_351 : i32
      %mul3A_353 = arith.constant 1984 : i32
      %mul3A_354 = arith.muli %add3A_350, %mul3A_353 : i32
      %add3A_355 = arith.addi %mul3A_352, %mul3A_354 : i32
      %dma_wait3A_356 = arith.constant 0 : i32
      %dma_wait3A_357 = tpu.memref_slice %arg6[%dma_wait3A_356] : memref<3968xi32, #tpu.memory_space<vmem>> -> memref<1984xi32, #tpu.memory_space<vmem>>
      %dma_wait3A_358 = tpu.memref_slice %arg2[%add3A_355] : memref<984064xi32, #tpu.memory_space<hbm>> -> memref<1984xi32, #tpu.memory_space<hbm>>
      %dma_wait3A_359 = arith.constant 0 : i32
      %dma_wait3A_360 = tpu.memref_slice %arg6[%dma_wait3A_359] : memref<3968xi32, #tpu.memory_space<vmem>> -> memref<1984xi32, #tpu.memory_space<vmem>>
      %dma_wait3A_361 = tpu.memref_slice %arg2[%add3A_355] : memref<984064xi32, #tpu.memory_space<hbm>> -> memref<1984xi32, #tpu.memory_space<hbm>>
      tpu.wait_dma2 semaphore(%arg8 : memref<!tpu.dma_semaphore, #tpu.memory_space<semaphore_mem>>) src(%dma_wait3A_361 : memref<1984xi32, #tpu.memory_space<hbm>>) dst(%dma_wait3A_360 : memref<1984xi32, #tpu.memory_space<vmem>>)
      %sub3A = arith.constant 2 : i32
      %sub3A_362 = arith.subi %add3A_350, %sub3A : i32
      %mul3A_363 = arith.constant 4 : i32
      %mul3A_364 = arith.muli %sub3A_362, %mul3A_363 : i32
      %dma_wait3A_365 = arith.constant 0 : i32
      %dma_wait3A_366 = arith.constant 0 : i32
      %dma_wait3A_367 = arith.constant 0 : i32
      %dma_wait3A_368 = tpu.memref_slice %arg7[%dma_wait3A_365, %dma_wait3A_366, %dma_wait3A_367] : memref<8x4x496xf32, #tpu.memory_space<vmem>> -> memref<4x4x496xf32, #tpu.memory_space<vmem>>
      %dma_wait3A_369 = arith.constant 0 : i32
      %dma_wait3A_370 = tpu.memref_slice %arg4[%add3A_174, %mul3A_0, %mul3A_364, %dma_wait3A_369] : memref<4x64x496x496xf32, #tpu.memory_space<hbm>> -> memref<1x4x4x496xf32, #tpu.memory_space<hbm>>
      %dma_wait3A_371 = tpu.memref_squeeze %dma_wait3A_370 : memref<1x4x4x496xf32, #tpu.memory_space<hbm>> -> memref<4x4x496xf32, #tpu.memory_space<hbm>>
      %dma_wait3A_372 = arith.constant 0 : i32
      %dma_wait3A_373 = tpu.memref_slice %arg4[%add3A_174, %mul3A_0, %mul3A_364, %dma_wait3A_372] : memref<4x64x496x496xf32, #tpu.memory_space<hbm>> -> memref<1x4x4x496xf32, #tpu.memory_space<hbm>>
      %dma_wait3A_374 = tpu.memref_squeeze %dma_wait3A_373 : memref<1x4x4x496xf32, #tpu.memory_space<hbm>> -> memref<4x4x496xf32, #tpu.memory_space<hbm>>
      %dma_wait3A_375 = arith.constant 0 : i32
      %dma_wait3A_376 = arith.constant 0 : i32
      %dma_wait3A_377 = arith.constant 0 : i32
      %dma_wait3A_378 = tpu.memref_slice %arg7[%dma_wait3A_375, %dma_wait3A_376, %dma_wait3A_377] : memref<8x4x496xf32, #tpu.memory_space<vmem>> -> memref<4x4x496xf32, #tpu.memory_space<vmem>>
      tpu.wait_dma2 semaphore(%arg10 : memref<!tpu.dma_semaphore, #tpu.memory_space<semaphore_mem>>) src(%dma_wait3A_378 : memref<4x4x496xf32, #tpu.memory_space<vmem>>) dst(%dma_wait3A_374 : memref<4x4x496xf32, #tpu.memory_space<hbm>>)
      %scan3A_379 = arith.constant 0 : i32
      %scan3A_380 = arith.constant 0 : i32
      %scan3A_381 = arith.constant 4 : i32
      %scan3A_382 = arith.addi %scan3A_380, %scan3A_381 : i32
      %scan3A_383 = arith.constant 1 : i32
      %scan3A_384 = scf.for %scan3A_488 = %scan3A_380 to %scan3A_382 step %scan3A_383 iter_args(%scan3A_489 = %scan3A_379) -> (i32)  : i32 {
        %parallel_loop3A = arith.constant 0 : i32
        %parallel_loop3A_490 = arith.constant 31 : i32
        %parallel_loop3A_491 = arith.constant 1 : i32
        scf.for %parallel_loop3A_493 = %parallel_loop3A to %parallel_loop3A_490 step %parallel_loop3A_491  : i32 {
          %parallel_loop3A_494 = arith.constant 496 : i32
          %parallel_loop3A_495 = arith.muli %scan3A_488, %parallel_loop3A_494 : i32
          %parallel_loop3A_496 = arith.constant 0 : i32
          %parallel_loop3A_497 = arith.addi %parallel_loop3A_496, %parallel_loop3A_495 : i32
          %parallel_loop3A_498 = arith.constant 16 : i32
          %parallel_loop3A_499 = arith.muli %parallel_loop3A_493, %parallel_loop3A_498 : i32
          %parallel_loop3A_500 = arith.addi %parallel_loop3A_497, %parallel_loop3A_499 : i32
          %parallel_loop3A_501 = arith.index_cast %parallel_loop3A_500 : i32 to index
          %parallel_loop3A_502 = tpu.vector_load %arg6[%parallel_loop3A_501] {strides = array<i32>} : memref<3968xi32, #tpu.memory_space<vmem>>, vector<16xi32>,
          %parallel_loop3A_503 = arith.constant 0 : i32
          %parallel_loop3A_504 = vector.broadcast %parallel_loop3A_503 : i32 to vector<16xi32>
          %parallel_loop3A_505 = arith.cmpi sgt, %parallel_loop3A_502, %parallel_loop3A_504 : vector<16xi32>
          %parallel_loop3A_506 = arith.constant 1 : i32
          %parallel_loop3A_507 = vector.broadcast %parallel_loop3A_506 : i32 to vector<16xi32>
          %parallel_loop3A_508 = arith.subi %parallel_loop3A_502, %parallel_loop3A_507 : vector<16xi32>
          %parallel_loop3A_509 = arith.constant 0 : i32
          %parallel_loop3A_510 = vector.broadcast %parallel_loop3A_509 : i32 to vector<16xi32>
          %parallel_loop3A_511 = arith.maxsi %parallel_loop3A_508, %parallel_loop3A_510 : vector<16xi32>
          %parallel_loop3A_512 = arith.constant 0.000000e+00 : f32
          %parallel_loop3A_513 = vector.broadcast %parallel_loop3A_512 : f32 to vector<16xf32>
          %parallel_loop3A_514 = arith.constant 0 : i32
          %parallel_loop3A_515 = vector.broadcast %parallel_loop3A_514 : i32 to vector<16xi32>
          %parallel_loop3A_516 = arith.addi %parallel_loop3A_511, %parallel_loop3A_515 : vector<16xi32>
          %parallel_loop3A_517 = tpu.vector_load_idx %arg5[%parallel_loop3A_516] : memref<100000xf32, #tpu.memory_space<vmem>>[vector<16xi32>], vector<16xf32>,
          %parallel_loop3A_518 = arith.select %parallel_loop3A_505, %parallel_loop3A_517, %parallel_loop3A_513 : vector<16xi1>, vector<16xf32>
          %parallel_loop3A_519 = arith.constant 16 : i32
          %parallel_loop3A_520 = arith.muli %parallel_loop3A_493, %parallel_loop3A_519 : i32
          %parallel_loop3A_521 = arith.constant 0 : i32
          %parallel_loop3A_522 = arith.index_cast %parallel_loop3A_521 : i32 to index
          %parallel_loop3A_523 = arith.index_cast %scan3A_488 : i32 to index
          %parallel_loop3A_524 = arith.index_cast %parallel_loop3A_520 : i32 to index
          %parallel_loop3A_525 = tpu.vector_load %arg7[%parallel_loop3A_522, %parallel_loop3A_523, %parallel_loop3A_524] {strides = array<i32>} : memref<8x4x496xf32, #tpu.memory_space<vmem>>, vector<16xf32>,
          tpu.vector_store %arg7[%parallel_loop3A_522, %parallel_loop3A_523, %parallel_loop3A_524], %parallel_loop3A_518 {strides = array<i32>} : memref<8x4x496xf32, #tpu.memory_space<vmem>>, vector<16xf32>,
          %parallel_loop3A_526 = arith.constant 25000 : i32
          %parallel_loop3A_527 = vector.broadcast %parallel_loop3A_526 : i32 to vector<16xi32>
          %parallel_loop3A_528 = arith.addi %parallel_loop3A_511, %parallel_loop3A_527 : vector<16xi32>
          %parallel_loop3A_529 = tpu.vector_load_idx %arg5[%parallel_loop3A_528] : memref<100000xf32, #tpu.memory_space<vmem>>[vector<16xi32>], vector<16xf32>,
          %parallel_loop3A_530 = arith.select %parallel_loop3A_505, %parallel_loop3A_529, %parallel_loop3A_513 : vector<16xi1>, vector<16xf32>
          %parallel_loop3A_531 = arith.constant 16 : i32
          %parallel_loop3A_532 = arith.muli %parallel_loop3A_493, %parallel_loop3A_531 : i32
          %parallel_loop3A_533 = arith.constant 1 : i32
          %parallel_loop3A_534 = arith.index_cast %parallel_loop3A_533 : i32 to index
          %parallel_loop3A_535 = arith.index_cast %scan3A_488 : i32 to index
          %parallel_loop3A_536 = arith.index_cast %parallel_loop3A_532 : i32 to index
          %parallel_loop3A_537 = tpu.vector_load %arg7[%parallel_loop3A_534, %parallel_loop3A_535, %parallel_loop3A_536] {strides = array<i32>} : memref<8x4x496xf32, #tpu.memory_space<vmem>>, vector<16xf32>,
          tpu.vector_store %arg7[%parallel_loop3A_534, %parallel_loop3A_535, %parallel_loop3A_536], %parallel_loop3A_530 {strides = array<i32>} : memref<8x4x496xf32, #tpu.memory_space<vmem>>, vector<16xf32>,
          %parallel_loop3A_538 = arith.constant 50000 : i32
          %parallel_loop3A_539 = vector.broadcast %parallel_loop3A_538 : i32 to vector<16xi32>
          %parallel_loop3A_540 = arith.addi %parallel_loop3A_511, %parallel_loop3A_539 : vector<16xi32>
          %parallel_loop3A_541 = tpu.vector_load_idx %arg5[%parallel_loop3A_540] : memref<100000xf32, #tpu.memory_space<vmem>>[vector<16xi32>], vector<16xf32>,
          %parallel_loop3A_542 = arith.select %parallel_loop3A_505, %parallel_loop3A_541, %parallel_loop3A_513 : vector<16xi1>, vector<16xf32>
          %parallel_loop3A_543 = arith.constant 16 : i32
          %parallel_loop3A_544 = arith.muli %parallel_loop3A_493, %parallel_loop3A_543 : i32
          %parallel_loop3A_545 = arith.constant 2 : i32
          %parallel_loop3A_546 = arith.index_cast %parallel_loop3A_545 : i32 to index
          %parallel_loop3A_547 = arith.index_cast %scan3A_488 : i32 to index
          %parallel_loop3A_548 = arith.index_cast %parallel_loop3A_544 : i32 to index
          %parallel_loop3A_549 = tpu.vector_load %arg7[%parallel_loop3A_546, %parallel_loop3A_547, %parallel_loop3A_548] {strides = array<i32>} : memref<8x4x496xf32, #tpu.memory_space<vmem>>, vector<16xf32>,
          tpu.vector_store %arg7[%parallel_loop3A_546, %parallel_loop3A_547, %parallel_loop3A_548], %parallel_loop3A_542 {strides = array<i32>} : memref<8x4x496xf32, #tpu.memory_space<vmem>>, vector<16xf32>,
          %parallel_loop3A_550 = arith.constant 75000 : i32
          %parallel_loop3A_551 = vector.broadcast %parallel_loop3A_550 : i32 to vector<16xi32>
          %parallel_loop3A_552 = arith.addi %parallel_loop3A_511, %parallel_loop3A_551 : vector<16xi32>
          %parallel_loop3A_553 = tpu.vector_load_idx %arg5[%parallel_loop3A_552] : memref<100000xf32, #tpu.memory_space<vmem>>[vector<16xi32>], vector<16xf32>,
          %parallel_loop3A_554 = arith.select %parallel_loop3A_505, %parallel_loop3A_553, %parallel_loop3A_513 : vector<16xi1>, vector<16xf32>
          %parallel_loop3A_555 = arith.constant 16 : i32
          %parallel_loop3A_556 = arith.muli %parallel_loop3A_493, %parallel_loop3A_555 : i32
          %parallel_loop3A_557 = arith.constant 3 : i32
          %parallel_loop3A_558 = arith.index_cast %parallel_loop3A_557 : i32 to index
          %parallel_loop3A_559 = arith.index_cast %scan3A_488 : i32 to index
          %parallel_loop3A_560 = arith.index_cast %parallel_loop3A_556 : i32 to index
          %parallel_loop3A_561 = tpu.vector_load %arg7[%parallel_loop3A_558, %parallel_loop3A_559, %parallel_loop3A_560] {strides = array<i32>} : memref<8x4x496xf32, #tpu.memory_space<vmem>>, vector<16xf32>,
          tpu.vector_store %arg7[%parallel_loop3A_558, %parallel_loop3A_559, %parallel_loop3A_560], %parallel_loop3A_554 {strides = array<i32>} : memref<8x4x496xf32, #tpu.memory_space<vmem>>, vector<16xf32>,
        } {sc.loop_unroll_factor = 4 : i64, sc.parallel_access}
        %scan3A_492 = arith.constant 0 : i32
        scf.yield %scan3A_492 : i32
      }
      %scan3A_385 = arith.constant 4 : i32
      %mul3A_386 = arith.constant 4 : i32
      %mul3A_387 = arith.muli %add3A_350, %mul3A_386 : i32
      %dma_start3A_388 = arith.constant 0 : i32
      %dma_start3A_389 = arith.constant 0 : i32
      %dma_start3A_390 = arith.constant 0 : i32
      %dma_start3A_391 = tpu.memref_slice %arg7[%dma_start3A_388, %dma_start3A_389, %dma_start3A_390] : memref<8x4x496xf32, #tpu.memory_space<vmem>> -> memref<4x4x496xf32, #tpu.memory_space<vmem>>
      %dma_start3A_392 = arith.constant 0 : i32
      %dma_start3A_393 = tpu.memref_slice %arg4[%add3A_174, %mul3A_0, %mul3A_387, %dma_start3A_392] : memref<4x64x496x496xf32, #tpu.memory_space<hbm>> -> memref<1x4x4x496xf32, #tpu.memory_space<hbm>>
      %dma_start3A_394 = tpu.memref_squeeze %dma_start3A_393 : memref<1x4x4x496xf32, #tpu.memory_space<hbm>> -> memref<4x4x496xf32, #tpu.memory_space<hbm>>
      %dma_start3A_395 = arith.constant 0 : i32
      %dma_start3A_396 = tpu.memref_slice %arg4[%add3A_174, %mul3A_0, %mul3A_387, %dma_start3A_395] : memref<4x64x496x496xf32, #tpu.memory_space<hbm>> -> memref<1x4x4x496xf32, #tpu.memory_space<hbm>>
      %dma_start3A_397 = tpu.memref_squeeze %dma_start3A_396 : memref<1x4x4x496xf32, #tpu.memory_space<hbm>> -> memref<4x4x496xf32, #tpu.memory_space<hbm>>
      %dma_start3A_398 = arith.constant 0 : i32
      %dma_start3A_399 = arith.constant 0 : i32
      %dma_start3A_400 = arith.constant 0 : i32
      %dma_start3A_401 = tpu.memref_slice %arg7[%dma_start3A_398, %dma_start3A_399, %dma_start3A_400] : memref<8x4x496xf32, #tpu.memory_space<vmem>> -> memref<4x4x496xf32, #tpu.memory_space<vmem>>
      tpu.enqueue_dma source(%dma_start3A_401 : memref<4x4x496xf32, #tpu.memory_space<vmem>>) target(%dma_start3A_397 : memref<4x4x496xf32, #tpu.memory_space<hbm>>) target_semaphore(%arg10 : memref<!tpu.dma_semaphore, #tpu.memory_space<semaphore_mem>>)
      %add3A_402 = arith.constant 2 : i32
      %add3A_403 = arith.addi %add3A_350, %add3A_402 : i32
      %min3A = arith.constant 123 : i32
      %min3A_404 = arith.minsi %add3A_403, %min3A : i32
      %mul3A_405 = arith.constant 246016 : i32
      %mul3A_406 = arith.muli %add3A_174, %mul3A_405 : i32
      %mul3A_407 = arith.constant 1984 : i32
      %mul3A_408 = arith.muli %min3A_404, %mul3A_407 : i32
      %add3A_409 = arith.addi %mul3A_406, %mul3A_408 : i32
      %dma_start3A_410 = arith.constant 0 : i32
      %dma_start3A_411 = tpu.memref_slice %arg6[%dma_start3A_410] : memref<3968xi32, #tpu.memory_space<vmem>> -> memref<1984xi32, #tpu.memory_space<vmem>>
      %dma_start3A_412 = tpu.memref_slice %arg2[%add3A_409] : memref<984064xi32, #tpu.memory_space<hbm>> -> memref<1984xi32, #tpu.memory_space<hbm>>
      %dma_start3A_413 = arith.constant 0 : i32
      %dma_start3A_414 = tpu.memref_slice %arg6[%dma_start3A_413] : memref<3968xi32, #tpu.memory_space<vmem>> -> memref<1984xi32, #tpu.memory_space<vmem>>
      %dma_start3A_415 = tpu.memref_slice %arg2[%add3A_409] : memref<984064xi32, #tpu.memory_space<hbm>> -> memref<1984xi32, #tpu.memory_space<hbm>>
      tpu.enqueue_dma source(%dma_start3A_415 : memref<1984xi32, #tpu.memory_space<hbm>>) target(%dma_start3A_414 : memref<1984xi32, #tpu.memory_space<vmem>>) target_semaphore(%arg8 : memref<!tpu.dma_semaphore, #tpu.memory_space<semaphore_mem>>)
      %mul3A_416 = arith.constant 2 : i32
      %mul3A_417 = arith.muli %mul3A_416, %scan3A_345 : i32
      %add3A_418 = arith.constant 1 : i32
      %add3A_419 = arith.addi %mul3A_417, %add3A_418 : i32
      %mul3A_420 = arith.constant 246016 : i32
      %mul3A_421 = arith.muli %add3A_174, %mul3A_420 : i32
      %mul3A_422 = arith.constant 1984 : i32
      %mul3A_423 = arith.muli %add3A_419, %mul3A_422 : i32
      %add3A_424 = arith.addi %mul3A_421, %mul3A_423 : i32
      %dma_wait3A_425 = arith.constant 1984 : i32
      %dma_wait3A_426 = tpu.memref_slice %arg6[%dma_wait3A_425] : memref<3968xi32, #tpu.memory_space<vmem>> -> memref<1984xi32, #tpu.memory_space<vmem>>
      %dma_wait3A_427 = tpu.memref_slice %arg2[%add3A_424] : memref<984064xi32, #tpu.memory_space<hbm>> -> memref<1984xi32, #tpu.memory_space<hbm>>
      %dma_wait3A_428 = arith.constant 1984 : i32
      %dma_wait3A_429 = tpu.memref_slice %arg6[%dma_wait3A_428] : memref<3968xi32, #tpu.memory_space<vmem>> -> memref<1984xi32, #tpu.memory_space<vmem>>
      %dma_wait3A_430 = tpu.memref_slice %arg2[%add3A_424] : memref<984064xi32, #tpu.memory_space<hbm>> -> memref<1984xi32, #tpu.memory_space<hbm>>
      tpu.wait_dma2 semaphore(%arg9 : memref<!tpu.dma_semaphore, #tpu.memory_space<semaphore_mem>>) src(%dma_wait3A_430 : memref<1984xi32, #tpu.memory_space<hbm>>) dst(%dma_wait3A_429 : memref<1984xi32, #tpu.memory_space<vmem>>)
      %sub3A_431 = arith.constant 2 : i32
      %sub3A_432 = arith.subi %add3A_419, %sub3A_431 : i32
      %mul3A_433 = arith.constant 4 : i32
      %mul3A_434 = arith.muli %sub3A_432, %mul3A_433 : i32
      %dma_wait3A_435 = arith.constant 4 : i32
      %dma_wait3A_436 = arith.constant 0 : i32
      %dma_wait3A_437 = arith.constant 0 : i32
      %dma_wait3A_438 = tpu.memref_slice %arg7[%dma_wait3A_435, %dma_wait3A_436, %dma_wait3A_437] : memref<8x4x496xf32, #tpu.memory_space<vmem>> -> memref<4x4x496xf32, #tpu.memory_space<vmem>>
      %dma_wait3A_439 = arith.constant 0 : i32
      %dma_wait3A_440 = tpu.memref_slice %arg4[%add3A_174, %mul3A_0, %mul3A_434, %dma_wait3A_439] : memref<4x64x496x496xf32, #tpu.memory_space<hbm>> -> memref<1x4x4x496xf32, #tpu.memory_space<hbm>>
      %dma_wait3A_441 = tpu.memref_squeeze %dma_wait3A_440 : memref<1x4x4x496xf32, #tpu.memory_space<hbm>> -> memref<4x4x496xf32, #tpu.memory_space<hbm>>
      %dma_wait3A_442 = arith.constant 0 : i32
      %dma_wait3A_443 = tpu.memref_slice %arg4[%add3A_174, %mul3A_0, %mul3A_434, %dma_wait3A_442] : memref<4x64x496x496xf32, #tpu.memory_space<hbm>> -> memref<1x4x4x496xf32, #tpu.memory_space<hbm>>
      %dma_wait3A_444 = tpu.memref_squeeze %dma_wait3A_443 : memref<1x4x4x496xf32, #tpu.memory_space<hbm>> -> memref<4x4x496xf32, #tpu.memory_space<hbm>>
      %dma_wait3A_445 = arith.constant 4 : i32
      %dma_wait3A_446 = arith.constant 0 : i32
      %dma_wait3A_447 = arith.constant 0 : i32
      %dma_wait3A_448 = tpu.memref_slice %arg7[%dma_wait3A_445, %dma_wait3A_446, %dma_wait3A_447] : memref<8x4x496xf32, #tpu.memory_space<vmem>> -> memref<4x4x496xf32, #tpu.memory_space<vmem>>
      tpu.wait_dma2 semaphore(%arg11 : memref<!tpu.dma_semaphore, #tpu.memory_space<semaphore_mem>>) src(%dma_wait3A_448 : memref<4x4x496xf32, #tpu.memory_space<vmem>>) dst(%dma_wait3A_444 : memref<4x4x496xf32, #tpu.memory_space<hbm>>)
      %scan3A_449 = arith.constant 0 : i32
      %scan3A_450 = arith.constant 0 : i32
      %scan3A_451 = arith.constant 4 : i32
      %scan3A_452 = arith.addi %scan3A_450, %scan3A_451 : i32
      %scan3A_453 = arith.constant 1 : i32
      %scan3A_454 = scf.for %scan3A_488 = %scan3A_450 to %scan3A_452 step %scan3A_453 iter_args(%scan3A_489 = %scan3A_449) -> (i32)  : i32 {
        %parallel_loop3A = arith.constant 0 : i32
        %parallel_loop3A_490 = arith.constant 31 : i32
        %parallel_loop3A_491 = arith.constant 1 : i32
        scf.for %parallel_loop3A_493 = %parallel_loop3A to %parallel_loop3A_490 step %parallel_loop3A_491  : i32 {
          %parallel_loop3A_494 = arith.constant 496 : i32
          %parallel_loop3A_495 = arith.muli %scan3A_488, %parallel_loop3A_494 : i32
          %parallel_loop3A_496 = arith.constant 1984 : i32
          %parallel_loop3A_497 = arith.addi %parallel_loop3A_496, %parallel_loop3A_495 : i32
          %parallel_loop3A_498 = arith.constant 16 : i32
          %parallel_loop3A_499 = arith.muli %parallel_loop3A_493, %parallel_loop3A_498 : i32
          %parallel_loop3A_500 = arith.addi %parallel_loop3A_497, %parallel_loop3A_499 : i32
          %parallel_loop3A_501 = arith.index_cast %parallel_loop3A_500 : i32 to index
          %parallel_loop3A_502 = tpu.vector_load %arg6[%parallel_loop3A_501] {strides = array<i32>} : memref<3968xi32, #tpu.memory_space<vmem>>, vector<16xi32>,
          %parallel_loop3A_503 = arith.constant 0 : i32
          %parallel_loop3A_504 = vector.broadcast %parallel_loop3A_503 : i32 to vector<16xi32>
          %parallel_loop3A_505 = arith.cmpi sgt, %parallel_loop3A_502, %parallel_loop3A_504 : vector<16xi32>
          %parallel_loop3A_506 = arith.constant 1 : i32
          %parallel_loop3A_507 = vector.broadcast %parallel_loop3A_506 : i32 to vector<16xi32>
          %parallel_loop3A_508 = arith.subi %parallel_loop3A_502, %parallel_loop3A_507 : vector<16xi32>
          %parallel_loop3A_509 = arith.constant 0 : i32
          %parallel_loop3A_510 = vector.broadcast %parallel_loop3A_509 : i32 to vector<16xi32>
          %parallel_loop3A_511 = arith.maxsi %parallel_loop3A_508, %parallel_loop3A_510 : vector<16xi32>
          %parallel_loop3A_512 = arith.constant 0.000000e+00 : f32
          %parallel_loop3A_513 = vector.broadcast %parallel_loop3A_512 : f32 to vector<16xf32>
          %parallel_loop3A_514 = arith.constant 0 : i32
          %parallel_loop3A_515 = vector.broadcast %parallel_loop3A_514 : i32 to vector<16xi32>
          %parallel_loop3A_516 = arith.addi %parallel_loop3A_511, %parallel_loop3A_515 : vector<16xi32>
          %parallel_loop3A_517 = tpu.vector_load_idx %arg5[%parallel_loop3A_516] : memref<100000xf32, #tpu.memory_space<vmem>>[vector<16xi32>], vector<16xf32>,
          %parallel_loop3A_518 = arith.select %parallel_loop3A_505, %parallel_loop3A_517, %parallel_loop3A_513 : vector<16xi1>, vector<16xf32>
          %parallel_loop3A_519 = arith.constant 16 : i32
          %parallel_loop3A_520 = arith.muli %parallel_loop3A_493, %parallel_loop3A_519 : i32
          %parallel_loop3A_521 = arith.constant 4 : i32
          %parallel_loop3A_522 = arith.index_cast %parallel_loop3A_521 : i32 to index
          %parallel_loop3A_523 = arith.index_cast %scan3A_488 : i32 to index
          %parallel_loop3A_524 = arith.index_cast %parallel_loop3A_520 : i32 to index
          %parallel_loop3A_525 = tpu.vector_load %arg7[%parallel_loop3A_522, %parallel_loop3A_523, %parallel_loop3A_524] {strides = array<i32>} : memref<8x4x496xf32, #tpu.memory_space<vmem>>, vector<16xf32>,
          tpu.vector_store %arg7[%parallel_loop3A_522, %parallel_loop3A_523, %parallel_loop3A_524], %parallel_loop3A_518 {strides = array<i32>} : memref<8x4x496xf32, #tpu.memory_space<vmem>>, vector<16xf32>,
          %parallel_loop3A_526 = arith.constant 25000 : i32
          %parallel_loop3A_527 = vector.broadcast %parallel_loop3A_526 : i32 to vector<16xi32>
          %parallel_loop3A_528 = arith.addi %parallel_loop3A_511, %parallel_loop3A_527 : vector<16xi32>
          %parallel_loop3A_529 = tpu.vector_load_idx %arg5[%parallel_loop3A_528] : memref<100000xf32, #tpu.memory_space<vmem>>[vector<16xi32>], vector<16xf32>,
          %parallel_loop3A_530 = arith.select %parallel_loop3A_505, %parallel_loop3A_529, %parallel_loop3A_513 : vector<16xi1>, vector<16xf32>
          %parallel_loop3A_531 = arith.constant 16 : i32
          %parallel_loop3A_532 = arith.muli %parallel_loop3A_493, %parallel_loop3A_531 : i32
          %parallel_loop3A_533 = arith.constant 5 : i32
          %parallel_loop3A_534 = arith.index_cast %parallel_loop3A_533 : i32 to index
          %parallel_loop3A_535 = arith.index_cast %scan3A_488 : i32 to index
          %parallel_loop3A_536 = arith.index_cast %parallel_loop3A_532 : i32 to index
          %parallel_loop3A_537 = tpu.vector_load %arg7[%parallel_loop3A_534, %parallel_loop3A_535, %parallel_loop3A_536] {strides = array<i32>} : memref<8x4x496xf32, #tpu.memory_space<vmem>>, vector<16xf32>,
          tpu.vector_store %arg7[%parallel_loop3A_534, %parallel_loop3A_535, %parallel_loop3A_536], %parallel_loop3A_530 {strides = array<i32>} : memref<8x4x496xf32, #tpu.memory_space<vmem>>, vector<16xf32>,
          %parallel_loop3A_538 = arith.constant 50000 : i32
          %parallel_loop3A_539 = vector.broadcast %parallel_loop3A_538 : i32 to vector<16xi32>
          %parallel_loop3A_540 = arith.addi %parallel_loop3A_511, %parallel_loop3A_539 : vector<16xi32>
          %parallel_loop3A_541 = tpu.vector_load_idx %arg5[%parallel_loop3A_540] : memref<100000xf32, #tpu.memory_space<vmem>>[vector<16xi32>], vector<16xf32>,
          %parallel_loop3A_542 = arith.select %parallel_loop3A_505, %parallel_loop3A_541, %parallel_loop3A_513 : vector<16xi1>, vector<16xf32>
          %parallel_loop3A_543 = arith.constant 16 : i32
          %parallel_loop3A_544 = arith.muli %parallel_loop3A_493, %parallel_loop3A_543 : i32
          %parallel_loop3A_545 = arith.constant 6 : i32
          %parallel_loop3A_546 = arith.index_cast %parallel_loop3A_545 : i32 to index
          %parallel_loop3A_547 = arith.index_cast %scan3A_488 : i32 to index
          %parallel_loop3A_548 = arith.index_cast %parallel_loop3A_544 : i32 to index
          %parallel_loop3A_549 = tpu.vector_load %arg7[%parallel_loop3A_546, %parallel_loop3A_547, %parallel_loop3A_548] {strides = array<i32>} : memref<8x4x496xf32, #tpu.memory_space<vmem>>, vector<16xf32>,
          tpu.vector_store %arg7[%parallel_loop3A_546, %parallel_loop3A_547, %parallel_loop3A_548], %parallel_loop3A_542 {strides = array<i32>} : memref<8x4x496xf32, #tpu.memory_space<vmem>>, vector<16xf32>,
          %parallel_loop3A_550 = arith.constant 75000 : i32
          %parallel_loop3A_551 = vector.broadcast %parallel_loop3A_550 : i32 to vector<16xi32>
          %parallel_loop3A_552 = arith.addi %parallel_loop3A_511, %parallel_loop3A_551 : vector<16xi32>
          %parallel_loop3A_553 = tpu.vector_load_idx %arg5[%parallel_loop3A_552] : memref<100000xf32, #tpu.memory_space<vmem>>[vector<16xi32>], vector<16xf32>,
          %parallel_loop3A_554 = arith.select %parallel_loop3A_505, %parallel_loop3A_553, %parallel_loop3A_513 : vector<16xi1>, vector<16xf32>
          %parallel_loop3A_555 = arith.constant 16 : i32
          %parallel_loop3A_556 = arith.muli %parallel_loop3A_493, %parallel_loop3A_555 : i32
          %parallel_loop3A_557 = arith.constant 7 : i32
          %parallel_loop3A_558 = arith.index_cast %parallel_loop3A_557 : i32 to index
          %parallel_loop3A_559 = arith.index_cast %scan3A_488 : i32 to index
          %parallel_loop3A_560 = arith.index_cast %parallel_loop3A_556 : i32 to index
          %parallel_loop3A_561 = tpu.vector_load %arg7[%parallel_loop3A_558, %parallel_loop3A_559, %parallel_loop3A_560] {strides = array<i32>} : memref<8x4x496xf32, #tpu.memory_space<vmem>>, vector<16xf32>,
          tpu.vector_store %arg7[%parallel_loop3A_558, %parallel_loop3A_559, %parallel_loop3A_560], %parallel_loop3A_554 {strides = array<i32>} : memref<8x4x496xf32, #tpu.memory_space<vmem>>, vector<16xf32>,
        } {sc.loop_unroll_factor = 4 : i64, sc.parallel_access}
        %scan3A_492 = arith.constant 0 : i32
        scf.yield %scan3A_492 : i32
      }
      %scan3A_455 = arith.constant 4 : i32
      %mul3A_456 = arith.constant 4 : i32
      %mul3A_457 = arith.muli %add3A_419, %mul3A_456 : i32
      %dma_start3A_458 = arith.constant 4 : i32
      %dma_start3A_459 = arith.constant 0 : i32
      %dma_start3A_460 = arith.constant 0 : i32
      %dma_start3A_461 = tpu.memref_slice %arg7[%dma_start3A_458, %dma_start3A_459, %dma_start3A_460] : memref<8x4x496xf32, #tpu.memory_space<vmem>> -> memref<4x4x496xf32, #tpu.memory_space<vmem>>
      %dma_start3A_462 = arith.constant 0 : i32
      %dma_start3A_463 = tpu.memref_slice %arg4[%add3A_174, %mul3A_0, %mul3A_457, %dma_start3A_462] : memref<4x64x496x496xf32, #tpu.memory_space<hbm>> -> memref<1x4x4x496xf32, #tpu.memory_space<hbm>>
      %dma_start3A_464 = tpu.memref_squeeze %dma_start3A_463 : memref<1x4x4x496xf32, #tpu.memory_space<hbm>> -> memref<4x4x496xf32, #tpu.memory_space<hbm>>
      %dma_start3A_465 = arith.constant 0 : i32
      %dma_start3A_466 = tpu.memref_slice %arg4[%add3A_174, %mul3A_0, %mul3A_457, %dma_start3A_465] : memref<4x64x496x496xf32, #tpu.memory_space<hbm>> -> memref<1x4x4x496xf32, #tpu.memory_space<hbm>>
      %dma_start3A_467 = tpu.memref_squeeze %dma_start3A_466 : memref<1x4x4x496xf32, #tpu.memory_space<hbm>> -> memref<4x4x496xf32, #tpu.memory_space<hbm>>
      %dma_start3A_468 = arith.constant 4 : i32
      %dma_start3A_469 = arith.constant 0 : i32
      %dma_start3A_470 = arith.constant 0 : i32
      %dma_start3A_471 = tpu.memref_slice %arg7[%dma_start3A_468, %dma_start3A_469, %dma_start3A_470] : memref<8x4x496xf32, #tpu.memory_space<vmem>> -> memref<4x4x496xf32, #tpu.memory_space<vmem>>
      tpu.enqueue_dma source(%dma_start3A_471 : memref<4x4x496xf32, #tpu.memory_space<vmem>>) target(%dma_start3A_467 : memref<4x4x496xf32, #tpu.memory_space<hbm>>) target_semaphore(%arg11 : memref<!tpu.dma_semaphore, #tpu.memory_space<semaphore_mem>>)
      %add3A_472 = arith.constant 2 : i32
      %add3A_473 = arith.addi %add3A_419, %add3A_472 : i32
      %min3A_474 = arith.constant 123 : i32
      %min3A_475 = arith.minsi %add3A_473, %min3A_474 : i32
      %mul3A_476 = arith.constant 246016 : i32
      %mul3A_477 = arith.muli %add3A_174, %mul3A_476 : i32
      %mul3A_478 = arith.constant 1984 : i32
      %mul3A_479 = arith.muli %min3A_475, %mul3A_478 : i32
      %add3A_480 = arith.addi %mul3A_477, %mul3A_479 : i32
      %dma_start3A_481 = arith.constant 1984 : i32
      %dma_start3A_482 = tpu.memref_slice %arg6[%dma_start3A_481] : memref<3968xi32, #tpu.memory_space<vmem>> -> memref<1984xi32, #tpu.memory_space<vmem>>
      %dma_start3A_483 = tpu.memref_slice %arg2[%add3A_480] : memref<984064xi32, #tpu.memory_space<hbm>> -> memref<1984xi32, #tpu.memory_space<hbm>>
      %dma_start3A_484 = arith.constant 1984 : i32
      %dma_start3A_485 = tpu.memref_slice %arg6[%dma_start3A_484] : memref<3968xi32, #tpu.memory_space<vmem>> -> memref<1984xi32, #tpu.memory_space<vmem>>
      %dma_start3A_486 = tpu.memref_slice %arg2[%add3A_480] : memref<984064xi32, #tpu.memory_space<hbm>> -> memref<1984xi32, #tpu.memory_space<hbm>>
      tpu.enqueue_dma source(%dma_start3A_486 : memref<1984xi32, #tpu.memory_space<hbm>>) target(%dma_start3A_485 : memref<1984xi32, #tpu.memory_space<vmem>>) target_semaphore(%arg9 : memref<!tpu.dma_semaphore, #tpu.memory_space<semaphore_mem>>)
      %scan3A_487 = arith.constant 0 : i32
      scf.yield %scan3A_487 : i32
    }
    %scan3A_292 = arith.constant 61 : i32
    %mul3A_293 = arith.constant 246016 : i32
    %mul3A_294 = arith.muli %add3A_174, %mul3A_293 : i32
    %add3A_295 = arith.constant 242048 : i32
    %add3A_296 = arith.addi %mul3A_294, %add3A_295 : i32
    %dma_wait3A_297 = arith.constant 0 : i32
    %dma_wait3A_298 = tpu.memref_slice %arg6[%dma_wait3A_297] : memref<3968xi32, #tpu.memory_space<vmem>> -> memref<1984xi32, #tpu.memory_space<vmem>>
    %dma_wait3A_299 = tpu.memref_slice %arg2[%add3A_296] : memref<984064xi32, #tpu.memory_space<hbm>> -> memref<1984xi32, #tpu.memory_space<hbm>>
    %dma_wait3A_300 = arith.constant 0 : i32
    %dma_wait3A_301 = tpu.memref_slice %arg6[%dma_wait3A_300] : memref<3968xi32, #tpu.memory_space<vmem>> -> memref<1984xi32, #tpu.memory_space<vmem>>
    %dma_wait3A_302 = tpu.memref_slice %arg2[%add3A_296] : memref<984064xi32, #tpu.memory_space<hbm>> -> memref<1984xi32, #tpu.memory_space<hbm>>
    tpu.wait_dma2 semaphore(%arg8 : memref<!tpu.dma_semaphore, #tpu.memory_space<semaphore_mem>>) src(%dma_wait3A_302 : memref<1984xi32, #tpu.memory_space<hbm>>) dst(%dma_wait3A_301 : memref<1984xi32, #tpu.memory_space<vmem>>)
    %dma_wait3A_303 = arith.constant 0 : i32
    %dma_wait3A_304 = arith.constant 0 : i32
    %dma_wait3A_305 = arith.constant 0 : i32
    %dma_wait3A_306 = tpu.memref_slice %arg7[%dma_wait3A_303, %dma_wait3A_304, %dma_wait3A_305] : memref<8x4x496xf32, #tpu.memory_space<vmem>> -> memref<4x4x496xf32, #tpu.memory_space<vmem>>
    %dma_wait3A_307 = arith.constant 488 : i32
    %dma_wait3A_308 = arith.constant 0 : i32
    %dma_wait3A_309 = tpu.memref_slice %arg4[%add3A_174, %mul3A_0, %dma_wait3A_307, %dma_wait3A_308] : memref<4x64x496x496xf32, #tpu.memory_space<hbm>> -> memref<1x4x4x496xf32, #tpu.memory_space<hbm>>
    %dma_wait3A_310 = tpu.memref_squeeze %dma_wait3A_309 : memref<1x4x4x496xf32, #tpu.memory_space<hbm>> -> memref<4x4x496xf32, #tpu.memory_space<hbm>>
    %dma_wait3A_311 = arith.constant 488 : i32
    %dma_wait3A_312 = arith.constant 0 : i32
    %dma_wait3A_313 = tpu.memref_slice %arg4[%add3A_174, %mul3A_0, %dma_wait3A_311, %dma_wait3A_312] : memref<4x64x496x496xf32, #tpu.memory_space<hbm>> -> memref<1x4x4x496xf32, #tpu.memory_space<hbm>>
    %dma_wait3A_314 = tpu.memref_squeeze %dma_wait3A_313 : memref<1x4x4x496xf32, #tpu.memory_space<hbm>> -> memref<4x4x496xf32, #tpu.memory_space<hbm>>
    %dma_wait3A_315 = arith.constant 0 : i32
    %dma_wait3A_316 = arith.constant 0 : i32
    %dma_wait3A_317 = arith.constant 0 : i32
    %dma_wait3A_318 = tpu.memref_slice %arg7[%dma_wait3A_315, %dma_wait3A_316, %dma_wait3A_317] : memref<8x4x496xf32, #tpu.memory_space<vmem>> -> memref<4x4x496xf32, #tpu.memory_space<vmem>>
    tpu.wait_dma2 semaphore(%arg10 : memref<!tpu.dma_semaphore, #tpu.memory_space<semaphore_mem>>) src(%dma_wait3A_318 : memref<4x4x496xf32, #tpu.memory_space<vmem>>) dst(%dma_wait3A_314 : memref<4x4x496xf32, #tpu.memory_space<hbm>>)
    %mul3A_319 = arith.constant 246016 : i32
    %mul3A_320 = arith.muli %add3A_174, %mul3A_319 : i32
    %add3A_321 = arith.constant 244032 : i32
    %add3A_322 = arith.addi %mul3A_320, %add3A_321 : i32
    %dma_wait3A_323 = arith.constant 1984 : i32
    %dma_wait3A_324 = tpu.memref_slice %arg6[%dma_wait3A_323] : memref<3968xi32, #tpu.memory_space<vmem>> -> memref<1984xi32, #tpu.memory_space<vmem>>
    %dma_wait3A_325 = tpu.memref_slice %arg2[%add3A_322] : memref<984064xi32, #tpu.memory_space<hbm>> -> memref<1984xi32, #tpu.memory_space<hbm>>
    %dma_wait3A_326 = arith.constant 1984 : i32
    %dma_wait3A_327 = tpu.memref_slice %arg6[%dma_wait3A_326] : memref<3968xi32, #tpu.memory_space<vmem>> -> memref<1984xi32, #tpu.memory_space<vmem>>
    %dma_wait3A_328 = tpu.memref_slice %arg2[%add3A_322] : memref<984064xi32, #tpu.memory_space<hbm>> -> memref<1984xi32, #tpu.memory_space<hbm>>
    tpu.wait_dma2 semaphore(%arg9 : memref<!tpu.dma_semaphore, #tpu.memory_space<semaphore_mem>>) src(%dma_wait3A_328 : memref<1984xi32, #tpu.memory_space<hbm>>) dst(%dma_wait3A_327 : memref<1984xi32, #tpu.memory_space<vmem>>)
    %dma_wait3A_329 = arith.constant 4 : i32
    %dma_wait3A_330 = arith.constant 0 : i32
    %dma_wait3A_331 = arith.constant 0 : i32
    %dma_wait3A_332 = tpu.memref_slice %arg7[%dma_wait3A_329, %dma_wait3A_330, %dma_wait3A_331] : memref<8x4x496xf32, #tpu.memory_space<vmem>> -> memref<4x4x496xf32, #tpu.memory_space<vmem>>
    %dma_wait3A_333 = arith.constant 492 : i32
    %dma_wait3A_334 = arith.constant 0 : i32
    %dma_wait3A_335 = tpu.memref_slice %arg4[%add3A_174, %mul3A_0, %dma_wait3A_333, %dma_wait3A_334] : memref<4x64x496x496xf32, #tpu.memory_space<hbm>> -> memref<1x4x4x496xf32, #tpu.memory_space<hbm>>
    %dma_wait3A_336 = tpu.memref_squeeze %dma_wait3A_335 : memref<1x4x4x496xf32, #tpu.memory_space<hbm>> -> memref<4x4x496xf32, #tpu.memory_space<hbm>>
    %dma_wait3A_337 = arith.constant 492 : i32
    %dma_wait3A_338 = arith.constant 0 : i32
    %dma_wait3A_339 = tpu.memref_slice %arg4[%add3A_174, %mul3A_0, %dma_wait3A_337, %dma_wait3A_338] : memref<4x64x496x496xf32, #tpu.memory_space<hbm>> -> memref<1x4x4x496xf32, #tpu.memory_space<hbm>>
    %dma_wait3A_340 = tpu.memref_squeeze %dma_wait3A_339 : memref<1x4x4x496xf32, #tpu.memory_space<hbm>> -> memref<4x4x496xf32, #tpu.memory_space<hbm>>
    %dma_wait3A_341 = arith.constant 4 : i32
    %dma_wait3A_342 = arith.constant 0 : i32
    %dma_wait3A_343 = arith.constant 0 : i32
    %dma_wait3A_344 = tpu.memref_slice %arg7[%dma_wait3A_341, %dma_wait3A_342, %dma_wait3A_343] : memref<8x4x496xf32, #tpu.memory_space<vmem>> -> memref<4x4x496xf32, #tpu.memory_space<vmem>>
    tpu.wait_dma2 semaphore(%arg11 : memref<!tpu.dma_semaphore, #tpu.memory_space<semaphore_mem>>) src(%dma_wait3A_344 : memref<4x4x496xf32, #tpu.memory_space<vmem>>) dst(%dma_wait3A_340 : memref<4x4x496xf32, #tpu.memory_space<hbm>>)
    return
  }
}

#map = affine_map<(d0, d1) -> (0, 0)>
#map1 = affine_map<(d0, d1) -> (0)>
module attributes {stable_mosaic.version = 14 : i64} {
  func.func @_winner_kernel(%arg0: i32, %arg1: i32, %arg2: memref<4x25600xi32, #tpu.memory_space<hbm>>, %arg3: memref<984064xi32, #tpu.memory_space<hbm>>, %arg4: memref<30752xi32, #tpu.memory_space<vmem>>, %arg5: memref<25600xi32, #tpu.memory_space<vmem>>) attributes {dimension_semantics = [#tpu.dimension_semantics<core_parallel>, #tpu.dimension_semantics<subcore_parallel>], iteration_bounds = array<i64: 2, 16>, scalar_prefetch = 0 : i64, scratch_operands = 2 : i64, tpu.core_type = #tpu.core_type<sc_vector_subcore>, window_params = [{transform_indices = #map}, {transform_indices = #map1}]} {
    %iota3A = tpu.iota {dimensions = array<i32: 0>} : vector<16xi32>
    %broadcast_in_dim3A = arith.constant 0 : i32
    %broadcast_in_dim3A_0 = vector.broadcast %broadcast_in_dim3A : i32 to vector<16xi32>
    %jit3A = arith.constant 8 : i32
    %eq3A = arith.constant 0 : i32
    %eq3A_1 = arith.cmpi eq, %jit3A, %eq3A : i32
    %jit3A_2 = arith.constant 1 : i32
    %select_n3A = arith.select %eq3A_1, %jit3A_2, %jit3A : i32
    %rem3A = arith.remsi %arg1, %select_n3A : i32
    %ne3A = arith.constant 0 : i32
    %ne3A_3 = arith.cmpi ne, %rem3A, %ne3A : i32
    %lt3A = arith.constant 0 : i32
    %lt3A_4 = arith.cmpi slt, %rem3A, %lt3A : i32
    %lt3A_5 = arith.constant 0 : i32
    %lt3A_6 = arith.cmpi slt, %select_n3A, %lt3A_5 : i32
    %ne3A_7 = arith.xori %lt3A_4, %lt3A_6 : i1
    %and3A = arith.andi %ne3A_7, %ne3A_3 : i1
    %add3A = arith.addi %rem3A, %select_n3A : i32
    %select_n3A_8 = arith.select %and3A, %add3A, %rem3A : i32
    %mul3A = arith.constant 30752 : i32
    %mul3A_9 = arith.muli %select_n3A_8, %mul3A : i32
    %mul3A_10 = arith.constant 2 : i32
    %mul3A_11 = arith.muli %mul3A_10, %arg0 : i32
    %jit3A_12 = arith.constant 8 : i32
    %div3A = arith.divsi %arg1, %jit3A_12 : i32
    %sign3A = arith.constant 0 : i32
    %sign3A_13 = arith.cmpi sgt, %arg1, %sign3A : i32
    %sign3A_14 = arith.extui %sign3A_13 : i1 to i32
    %sign3A_15 = arith.constant 0 : i32
    %sign3A_16 = arith.cmpi slt, %arg1, %sign3A_15 : i32
    %sign3A_17 = arith.extui %sign3A_16 : i1 to i32
    %sign3A_18 = arith.subi %sign3A_14, %sign3A_17 : i32
    %sign3A_19 = arith.constant 0 : i32
    %sign3A_20 = arith.cmpi sgt, %jit3A_12, %sign3A_19 : i32
    %sign3A_21 = arith.extui %sign3A_20 : i1 to i32
    %sign3A_22 = arith.constant 0 : i32
    %sign3A_23 = arith.cmpi slt, %jit3A_12, %sign3A_22 : i32
    %sign3A_24 = arith.extui %sign3A_23 : i1 to i32
    %sign3A_25 = arith.subi %sign3A_21, %sign3A_24 : i32
    %ne3A_26 = arith.cmpi ne, %sign3A_18, %sign3A_25 : i32
    %rem3A_27 = arith.remsi %arg1, %jit3A_12 : i32
    %ne3A_28 = arith.constant 0 : i32
    %ne3A_29 = arith.cmpi ne, %rem3A_27, %ne3A_28 : i32
    %and3A_30 = arith.andi %ne3A_26, %ne3A_29 : i1
    %sub3A = arith.constant 1 : i32
    %sub3A_31 = arith.subi %div3A, %sub3A : i32
    %select_n3A_32 = arith.select %and3A_30, %sub3A_31, %div3A : i32
    %add3A_33 = arith.addi %mul3A_11, %select_n3A_32 : i32
    "tpu.region"() ({
      %run_scoped3A = tpu.sem_alloc : memref<!tpu.dma_semaphore, #tpu.memory_space<semaphore_mem>>
      %dma_start3A = arith.constant 0 : i32
      %dma_start3A_50 = tpu.memref_slice %arg2[%add3A_33, %dma_start3A] : memref<4x25600xi32, #tpu.memory_space<hbm>> -> memref<1x25600xi32, #tpu.memory_space<hbm>>
      %dma_start3A_51 = tpu.memref_squeeze %dma_start3A_50 : memref<1x25600xi32, #tpu.memory_space<hbm>> -> memref<25600xi32, #tpu.memory_space<hbm>>
      %dma_start3A_52 = arith.constant 0 : i32
      %dma_start3A_53 = tpu.memref_slice %arg2[%add3A_33, %dma_start3A_52] : memref<4x25600xi32, #tpu.memory_space<hbm>> -> memref<1x25600xi32, #tpu.memory_space<hbm>>
      %dma_start3A_54 = tpu.memref_squeeze %dma_start3A_53 : memref<1x25600xi32, #tpu.memory_space<hbm>> -> memref<25600xi32, #tpu.memory_space<hbm>>
      tpu.enqueue_dma source(%dma_start3A_54 : memref<25600xi32, #tpu.memory_space<hbm>>) target(%arg5 : memref<25600xi32, #tpu.memory_space<vmem>>) target_semaphore(%run_scoped3A : memref<!tpu.dma_semaphore, #tpu.memory_space<semaphore_mem>>)
      %dma_wait3A = arith.constant 0 : i32
      %dma_wait3A_55 = tpu.memref_slice %arg2[%add3A_33, %dma_wait3A] : memref<4x25600xi32, #tpu.memory_space<hbm>> -> memref<1x25600xi32, #tpu.memory_space<hbm>>
      %dma_wait3A_56 = tpu.memref_squeeze %dma_wait3A_55 : memref<1x25600xi32, #tpu.memory_space<hbm>> -> memref<25600xi32, #tpu.memory_space<hbm>>
      %dma_wait3A_57 = arith.constant 0 : i32
      %dma_wait3A_58 = tpu.memref_slice %arg2[%add3A_33, %dma_wait3A_57] : memref<4x25600xi32, #tpu.memory_space<hbm>> -> memref<1x25600xi32, #tpu.memory_space<hbm>>
      %dma_wait3A_59 = tpu.memref_squeeze %dma_wait3A_58 : memref<1x25600xi32, #tpu.memory_space<hbm>> -> memref<25600xi32, #tpu.memory_space<hbm>>
      tpu.wait_dma2 semaphore(%run_scoped3A : memref<!tpu.dma_semaphore, #tpu.memory_space<semaphore_mem>>) src(%dma_wait3A_59 : memref<25600xi32, #tpu.memory_space<hbm>>) dst(%arg5 : memref<25600xi32, #tpu.memory_space<vmem>>)
      tpu.yield
    }) : () -> ()
    %scan3A = arith.constant 0 : i32
    %scan3A_34 = arith.constant 0 : i32
    %scan3A_35 = arith.constant 1922 : i32
    %scan3A_36 = arith.addi %scan3A_34, %scan3A_35 : i32
    %scan3A_37 = arith.constant 1 : i32
    %scan3A_38 = scf.for %scan3A_50 = %scan3A_34 to %scan3A_36 step %scan3A_37 iter_args(%scan3A_51 = %scan3A) -> (i32)  : i32 {
      %mul3A_52 = arith.constant 16 : i32
      %mul3A_53 = arith.muli %scan3A_50, %mul3A_52 : i32
      %swap3A = arith.index_cast %mul3A_53 : i32 to index
      %swap3A_54 = tpu.vector_load %arg4[%swap3A] {strides = array<i32>} : memref<30752xi32, #tpu.memory_space<vmem>>, vector<16xi32>,
      tpu.vector_store %arg4[%swap3A], %broadcast_in_dim3A_0 {strides = array<i32>} : memref<30752xi32, #tpu.memory_space<vmem>>, vector<16xi32>,
      %scan3A_55 = arith.constant 0 : i32
      scf.yield %scan3A_55 : i32
    }
    %scan3A_39 = arith.constant 1922 : i32
    %scan3A_40 = arith.constant 0 : i32
    %scan3A_41 = arith.constant 0 : i32
    %scan3A_42 = arith.constant 800 : i32
    %scan3A_43 = arith.addi %scan3A_41, %scan3A_42 : i32
    %scan3A_44 = arith.constant 1 : i32
    %scan3A_45 = scf.for %scan3A_50 = %scan3A_41 to %scan3A_43 step %scan3A_44 iter_args(%scan3A_51 = %scan3A_40) -> (i32)  : i32 {
      %mul3A_52 = arith.constant 2 : i32
      %mul3A_53 = arith.muli %mul3A_52, %scan3A_50 : i32
      %add3A_54 = arith.constant 0 : i32
      %add3A_55 = arith.addi %mul3A_53, %add3A_54 : i32
      %mul3A_56 = arith.constant 16 : i32
      %mul3A_57 = arith.muli %add3A_55, %mul3A_56 : i32
      %get3A = arith.index_cast %mul3A_57 : i32 to index
      %get3A_58 = tpu.vector_load %arg5[%get3A] {strides = array<i32>} : memref<25600xi32, #tpu.memory_space<vmem>>, vector<16xi32>,
      %sub3A_59 = vector.broadcast %mul3A_9 : i32 to vector<16xi32>
      %sub3A_60 = arith.subi %get3A_58, %sub3A_59 : vector<16xi32>
      %ge3A = arith.constant 0 : i32
      %ge3A_61 = vector.broadcast %ge3A : i32 to vector<16xi32>
      %ge3A_62 = arith.cmpi sge, %sub3A_60, %ge3A_61 : vector<16xi32>
      %lt3A_63 = arith.constant 30752 : i32
      %lt3A_64 = vector.broadcast %lt3A_63 : i32 to vector<16xi32>
      %lt3A_65 = arith.cmpi slt, %sub3A_60, %lt3A_64 : vector<16xi32>
      %and3A_66 = arith.andi %ge3A_62, %lt3A_65 : vector<16xi1>
      %jit3A_67 = arith.constant 0 : i32
      %jit3A_68 = arith.constant 30751 : i32
      %max3A = vector.broadcast %jit3A_67 : i32 to vector<16xi32>
      %max3A_69 = arith.maxsi %max3A, %sub3A_60 : vector<16xi32>
      %min3A = vector.broadcast %jit3A_68 : i32 to vector<16xi32>
      %min3A_70 = arith.minsi %min3A, %max3A_69 : vector<16xi32>
      %mul3A_71 = arith.constant 16 : i32
      %mul3A_72 = arith.muli %add3A_55, %mul3A_71 : i32
      %add3A_73 = arith.constant 1 : i32
      %add3A_74 = arith.addi %mul3A_72, %add3A_73 : i32
      %add3A_75 = vector.broadcast %add3A_74 : i32 to vector<16xi32>
      %add3A_76 = arith.addi %add3A_75, %iota3A : vector<16xi32>
      tpu.vector_store_idx %arg4[%min3A_70], %add3A_76 masked %and3A_66 : memref<30752xi32, #tpu.memory_space<vmem>>[vector<16xi32>], vector<16xi32>, vector<16xi1>
      %mul3A_77 = arith.constant 2 : i32
      %mul3A_78 = arith.muli %mul3A_77, %scan3A_50 : i32
      %add3A_79 = arith.constant 1 : i32
      %add3A_80 = arith.addi %mul3A_78, %add3A_79 : i32
      %mul3A_81 = arith.constant 16 : i32
      %mul3A_82 = arith.muli %add3A_80, %mul3A_81 : i32
      %get3A_83 = arith.index_cast %mul3A_82 : i32 to index
      %get3A_84 = tpu.vector_load %arg5[%get3A_83] {strides = array<i32>} : memref<25600xi32, #tpu.memory_space<vmem>>, vector<16xi32>,
      %sub3A_85 = vector.broadcast %mul3A_9 : i32 to vector<16xi32>
      %sub3A_86 = arith.subi %get3A_84, %sub3A_85 : vector<16xi32>
      %ge3A_87 = arith.constant 0 : i32
      %ge3A_88 = vector.broadcast %ge3A_87 : i32 to vector<16xi32>
      %ge3A_89 = arith.cmpi sge, %sub3A_86, %ge3A_88 : vector<16xi32>
      %lt3A_90 = arith.constant 30752 : i32
      %lt3A_91 = vector.broadcast %lt3A_90 : i32 to vector<16xi32>
      %lt3A_92 = arith.cmpi slt, %sub3A_86, %lt3A_91 : vector<16xi32>
      %and3A_93 = arith.andi %ge3A_89, %lt3A_92 : vector<16xi1>
      %jit3A_94 = arith.constant 0 : i32
      %jit3A_95 = arith.constant 30751 : i32
      %max3A_96 = vector.broadcast %jit3A_94 : i32 to vector<16xi32>
      %max3A_97 = arith.maxsi %max3A_96, %sub3A_86 : vector<16xi32>
      %min3A_98 = vector.broadcast %jit3A_95 : i32 to vector<16xi32>
      %min3A_99 = arith.minsi %min3A_98, %max3A_97 : vector<16xi32>
      %mul3A_100 = arith.constant 16 : i32
      %mul3A_101 = arith.muli %add3A_80, %mul3A_100 : i32
      %add3A_102 = arith.constant 1 : i32
      %add3A_103 = arith.addi %mul3A_101, %add3A_102 : i32
      %add3A_104 = vector.broadcast %add3A_103 : i32 to vector<16xi32>
      %add3A_105 = arith.addi %add3A_104, %iota3A : vector<16xi32>
      tpu.vector_store_idx %arg4[%min3A_99], %add3A_105 masked %and3A_93 : memref<30752xi32, #tpu.memory_space<vmem>>[vector<16xi32>], vector<16xi32>, vector<16xi1>
      %gather3A = tpu.vector_load_idx %arg4[%min3A_70] masked %and3A_66 : memref<30752xi32, #tpu.memory_space<vmem>>[vector<16xi32>], vector<16xi32>, vector<16xi1>
      %lt3A_106 = arith.cmpi slt, %gather3A, %add3A_76 : vector<16xi32>
      %and3A_107 = arith.andi %and3A_66, %lt3A_106 : vector<16xi1>
      tpu.vector_store_idx %arg4[%min3A_70], %add3A_76 masked %and3A_107 : memref<30752xi32, #tpu.memory_space<vmem>>[vector<16xi32>], vector<16xi32>, vector<16xi1>
      %gather3A_108 = tpu.vector_load_idx %arg4[%min3A_99] masked %and3A_93 : memref<30752xi32, #tpu.memory_space<vmem>>[vector<16xi32>], vector<16xi32>, vector<16xi1>
      %lt3A_109 = arith.cmpi slt, %gather3A_108, %add3A_105 : vector<16xi32>
      %and3A_110 = arith.andi %and3A_93, %lt3A_109 : vector<16xi1>
      tpu.vector_store_idx %arg4[%min3A_99], %add3A_105 masked %and3A_110 : memref<30752xi32, #tpu.memory_space<vmem>>[vector<16xi32>], vector<16xi32>, vector<16xi1>
      %gather3A_111 = tpu.vector_load_idx %arg4[%min3A_70] masked %and3A_66 : memref<30752xi32, #tpu.memory_space<vmem>>[vector<16xi32>], vector<16xi32>, vector<16xi1>
      %lt3A_112 = arith.cmpi slt, %gather3A_111, %add3A_76 : vector<16xi32>
      %and3A_113 = arith.andi %and3A_66, %lt3A_112 : vector<16xi1>
      tpu.vector_store_idx %arg4[%min3A_70], %add3A_76 masked %and3A_113 : memref<30752xi32, #tpu.memory_space<vmem>>[vector<16xi32>], vector<16xi32>, vector<16xi1>
      %gather3A_114 = tpu.vector_load_idx %arg4[%min3A_99] masked %and3A_93 : memref<30752xi32, #tpu.memory_space<vmem>>[vector<16xi32>], vector<16xi32>, vector<16xi1>
      %lt3A_115 = arith.cmpi slt, %gather3A_114, %add3A_105 : vector<16xi32>
      %and3A_116 = arith.andi %and3A_93, %lt3A_115 : vector<16xi1>
      tpu.vector_store_idx %arg4[%min3A_99], %add3A_105 masked %and3A_116 : memref<30752xi32, #tpu.memory_space<vmem>>[vector<16xi32>], vector<16xi32>, vector<16xi1>
      %scan3A_117 = arith.constant 0 : i32
      scf.yield %scan3A_117 : i32
    }
    %scan3A_46 = arith.constant 800 : i32
    %mul3A_47 = arith.constant 246016 : i32
    %mul3A_48 = arith.muli %add3A_33, %mul3A_47 : i32
    %add3A_49 = arith.addi %mul3A_48, %mul3A_9 : i32
    "tpu.region"() ({
      %run_scoped3A = tpu.sem_alloc : memref<!tpu.dma_semaphore, #tpu.memory_space<semaphore_mem>>
      %dma_start3A = tpu.memref_slice %arg3[%add3A_49] : memref<984064xi32, #tpu.memory_space<hbm>> -> memref<30752xi32, #tpu.memory_space<hbm>>
      %dma_start3A_50 = tpu.memref_slice %arg3[%add3A_49] : memref<984064xi32, #tpu.memory_space<hbm>> -> memref<30752xi32, #tpu.memory_space<hbm>>
      tpu.enqueue_dma source(%arg4 : memref<30752xi32, #tpu.memory_space<vmem>>) target(%dma_start3A_50 : memref<30752xi32, #tpu.memory_space<hbm>>) target_semaphore(%run_scoped3A : memref<!tpu.dma_semaphore, #tpu.memory_space<semaphore_mem>>)
      %dma_wait3A = tpu.memref_slice %arg3[%add3A_49] : memref<984064xi32, #tpu.memory_space<hbm>> -> memref<30752xi32, #tpu.memory_space<hbm>>
      %dma_wait3A_51 = tpu.memref_slice %arg3[%add3A_49] : memref<984064xi32, #tpu.memory_space<hbm>> -> memref<30752xi32, #tpu.memory_space<hbm>>
      tpu.wait_dma2 semaphore(%run_scoped3A : memref<!tpu.dma_semaphore, #tpu.memory_space<semaphore_mem>>) src(%arg4 : memref<30752xi32, #tpu.memory_space<vmem>>) dst(%dma_wait3A_51 : memref<30752xi32, #tpu.memory_space<hbm>>)
      tpu.yield
    }) : () -> ()
    return
  }
}

</mosaic_0001>

<sc_bundles>
// kernel: kernel.4.cloned.1.call-start
scs
__scs_entry_jumppad:
0x0: {  	(pc) =	sbr.rel $0x88, $3  }
0x1: {  	(tag) =	ssettag $0x0;
	lr =	simm.s32 $0x1  }
0x2: {  	[smem:$0x3F9F] =	sst lr;
	_ =	strace $0xD0000000  }
0x3: {  	_ = 	snop  }
0x4: {  	_ = 	snop  }
0x5: {  	_ = 	snop  }
0x6: {  	_ = 	snop  }
0x7: {  	_ = 	snop  }
__scs_overlays_trampoline_lowered:
0x8: {  	[smem:$0x3FAE] =	sst s0  }
0x9: {  	[smem:$0x3FAF] =	sst s1  }
0xa: {  	[smem:$0x3FB0] =	sst s2  }
0xb: {  	[smem:$0x3FB1] =	sst s3  }
0xc: {  	[smem:$0x3FB2] =	sst s4  }
0xd: {  	[smem:$0x3FB3] =	sst s5  }
0xe: {  	[smem:$0x3FB4] =	sst s6  }
0xf: {  	[smem:$0x3FB5] =	sst s7  }
0x10: {  	[smem:$0x3FB6] =	sst s8  }
0x11: {  	[smem:$0x3FB7] =	sst s9;
	s0 =	simm.s32 @!p0 $0x0  }
0x12: {  	s1 =	sld [smem:$0x3F9D];
	s0 =	simm.s32 @p0 $0x1  }
0x13: {  	[smem:$0x3FB8] =	sst s0;
	s0 =	simm.s32 @!p1 $0x0  }
0x14: {  	s2 =	sld [smem:$0x3F9C];
	s0 =	simm.s32 @p1 $0x1  }
0x15: {  	[smem:$0x3FB9] =	sst s0;
	s0 =	simm.s32 @!p2 $0x0  }
0x16: {  	s3 =	sld [smem:$0x3FDB];
	s0 =	simm.s32 @p2 $0x1  }
0x17: {  	s4 =	simm.s32 $0x1BF5;
	[smem:$0x3FBB] =	sst s0  }
0x18: {  	s0 =	sld [smem:$0x3F9E];
	_ =	swait.ge [sflag:s4], $0x0  }
0x19: {  	s7 =	sld [smem:$0x3F9F]  }
0x1a: {  	s8 =	sadd.s32 $0xFFFFE003, lr  }
0x1b: {  	s9 =	sadd.s32 $0xFFFFFEF7, lr;
	s5 =	simm.s32 $0xFFFFFFFF;
	p2 =	slt.u32 s8, $0xFFFFF086  }
0x1c: {  	p1 =	slt.u32 s9, $0xF7A;
	s5 =	simm.s32 @!p2 $0x0  }
0x1d: {  	s5 =	simm.s32 @p1 $0x1;
	p0 =	seq.s32 s7, s2  }
0x1e: {  	s7 =	smul.u32 @!p0 $0xF7A, s2;
	p2 =	seq.s32 @!p0 s5, $0x0  }
0x1f: {  	s9 =	smul.u32 $0xF7A, s1;
	s8 =	simm.s32 @!p0 $0x1BF5;
	p2 =	por !p2, p0  }
0x20: {  	[sflag:s8] =	ssyncset.s32 @!p0 $0xFFFFF086;
	s6 =	sadd.s32 @!p0 s3, s7;
	s7 =	simm.s32 @!p0 $0x108  }
0x21: {  	s3 =	sadd.s32 s3, s9;
	s6 =	sadd.s32 @!p0 $0x88, s6;
	s7 =	simm.s32 @p2 $0x1082  }
0x22: {  	[simem:s7], [sflag:s8] =	dma.local @!p0 [hbm:s6], $0xF7A  }
0x23: {  	s9 =	sor.u32 $0xD0000000, s2;
	s6 =	simm.s32 $0x108;
	_ =	swait.ge @!p0 [sflag:s8], $0x0  }
0x24: {  	s3 =	sadd.s32 $0x88, s3;
	s6 =	simm.s32 @!p1 $0x1082;
	[sflag:s4] =	ssyncset.s32 $0xFFFFF086  }
0x25: {  	[simem:s6], [sflag:s4] =	dma.local [hbm:s3], $0xF7A  }
0x26: {  	[smem:$0x3F9F] =	sst s1;
	(tag) =	ssettag s2;
	_ =	strace s9  }
0x27: {  	s1 =	sld [smem:$0x3FAF]  }
0x28: {  	s2 =	sld [smem:$0x3FB0]  }
0x29: {  	s4 =	sld [smem:$0x3FB2]  }
0x2a: {  	p0 =	seq.s32 s5, $0x0;
	s5 =	sld [smem:$0x3FB3]  }
0x2b: {  	s6 =	sld [smem:$0x3FB4]  }
0x2c: {  	s7 =	sld [smem:$0x3FB5]  }
0x2d: {  	s3 =	simm.s32 $0x108;
	s8 =	sld [smem:$0x3FB6]  }
0x2e: {  	s3 =	simm.s32 @!p0 $0x1082;
	s9 =	sld [smem:$0x3FB7]  }
0x2f: {  	lr =	sadd.s32 s0, s3;
	s0 =	sld [smem:$0x3FAE]  }
0x30: {  	s3 =	sld [smem:$0x3FB1]  }
0x31: {  	[smem:$0x3FBA] =	sst s10  }
0x32: {  	s10 =	sld [smem:$0x3FB8];
	_ =	sdelay $0x3  }
0x33: {  	p0 =	seq.s32 s10, $0x1;
	s10 =	sld [smem:$0x3FBA];
	_ =	sdelay $0x3  }
0x34: {  	[smem:$0x3FBA] =	sst s10  }
0x35: {  	s10 =	sld [smem:$0x3FB9];
	_ =	sdelay $0x3  }
0x36: {  	p1 =	seq.s32 s10, $0x1;
	s10 =	sld [smem:$0x3FBA];
	_ =	sdelay $0x3  }
0x37: {  	[smem:$0x3FBA] =	sst s10  }
0x38: {  	s10 =	sld [smem:$0x3FBB]  }
0x39: {  	_ = 	snop;
	(pc) =	sbr.ind lr, $3  }
0x3a: {  	_ = 	snop  }
0x3b: {  	_ = 	snop  }
0x3c: {  	p2 =	seq.s32 s10, $0x1;
	s10 =	sld [smem:$0x3FBA]  }
0x3d: {  	_ =	shalt  }
0x3e: {  	_ =	shalt  }
0x3f: {  	_ =	shalt  }
0x40: {  	_ =	shalt  }
0x41: {  	_ =	shalt  }
0x42: {  	_ =	shalt  }
0x43: {  	_ =	shalt  }
0x44: {  	_ =	shalt  }
0x45: {  	_ =	shalt  }
0x46: {  	_ =	shalt  }
0x47: {  	_ =	shalt  }
0x48: {  	_ =	shalt  }
0x49: {  	_ =	shalt  }
0x4a: {  	_ =	shalt  }
0x4b: {  	_ =	shalt  }
0x4c: {  	_ =	shalt  }
0x4d: {  	_ =	shalt  }
0x4e: {  	_ =	shalt  }
0x4f: {  	_ =	shalt  }
0x50: {  	_ =	shalt  }
0x51: {  	_ =	shalt  }
0x52: {  	_ =	shalt  }
0x53: {  	_ =	shalt  }
0x54: {  	_ =	shalt  }
0x55: {  	_ =	shalt  }
0x56: {  	_ =	shalt  }
0x57: {  	_ =	shalt  }
0x58: {  	_ =	shalt  }
0x59: {  	_ =	shalt  }
0x5a: {  	_ =	shalt  }
0x5b: {  	_ =	shalt  }
0x5c: {  	_ =	shalt  }
0x5d: {  	_ =	shalt  }
0x5e: {  	_ =	shalt  }
0x5f: {  	_ =	shalt  }
0x60: {  	_ =	shalt  }
0x61: {  	_ =	shalt  }
0x62: {  	_ =	shalt  }
0x63: {  	_ =	shalt  }
0x64: {  	_ =	shalt  }
0x65: {  	_ =	shalt  }
0x66: {  	_ =	shalt  }
0x67: {  	_ =	shalt  }
0x68: {  	_ =	shalt  }
0x69: {  	_ =	shalt  }
0x6a: {  	_ =	shalt  }
0x6b: {  	_ =	shalt  }
0x6c: {  	_ =	shalt  }
0x6d: {  	_ =	shalt  }
0x6e: {  	_ =	shalt  }
0x6f: {  	_ =	shalt  }
0x70: {  	_ =	shalt  }
0x71: {  	_ =	shalt  }
0x72: {  	_ =	shalt  }
0x73: {  	_ =	shalt  }
0x74: {  	_ =	shalt  }
0x75: {  	_ =	shalt  }
0x76: {  	_ =	shalt  }
0x77: {  	_ =	shalt  }
0x78: {  	_ =	shalt  }
0x79: {  	_ =	shalt  }
0x7a: {  	_ =	shalt  }
0x7b: {  	_ =	shalt  }
0x7c: {  	_ =	shalt  }
0x7d: {  	_ =	shalt  }
0x7e: {  	_ =	shalt  }
0x7f: {  	_ =	shalt  }
0x80: {  	_ =	shalt  }
0x81: {  	_ =	shalt  }
0x82: {  	_ =	shalt  }
0x83: {  	_ =	shalt  }
0x84: {  	_ =	shalt  }
0x85: {  	_ =	shalt  }
0x86: {  	_ =	shalt  }
0x87: {  	_ =	shalt  }
.Lfunc_end0:
.L_simem_size_0:
called_computation_lowered:
.L_overlay_start_0:
0x88: {  	s2 =	sld [smem:$0x3FD9]  }
0x89: {  	s3 =	sld [smem:$0x3FFE];
	_ =	sdelay $0x1  }
0x8a: {  	s1 =	srdreg.scid  }
0x8b: {  	s0 =	sand.u32 $0x1, s1  }
0x8c: {  	s17 =	sshll.u32 s0, $0xA;
	s2 =	sadd.s32 s3, s2  }
0x8d: {  	s2 =	sadd.s32 s2, s17  }
0x8e: {  	[smem:$0x3FC6] =	sst s2  }
0x8f: {  	_ = 	snop  }
0x90: {  	s2 =	sld [smem:$0x3FD0];
	(tm) =	ssettm $0x1  }
0x91: {  	s18 =	sld [smem:$0x3FFB];
	_ =	sdelay $0x3  }
0x92: {  	_ =	strace s18  }
0x93: {  	s3 =	sld [smem:$0x3FFC];
	_ =	sdelay $0x3  }
0x94: {  	_ =	strace s3  }
0x95: {  	s3 =	sld [smem:$0x3FFD];
	_ =	sdelay $0x3  }
0x96: {  	_ =	strace s3  }
0x97: {  	_ =	strace $0x8FFFFFFF  }
0x98: {  	s19 =	sld [smem:$0x3FDB];
	_ =	sdelay $0x1  }
0x99: {  	s4 =	simm.s32 $_scs_section_size  }
0x9a: {  	s5 =	simm.s32 $_size__tile_overlayer_lowered;
	s6 =	simm.s32 $_tile_overlayer_lowered  }
0x9b: {  	s22 =	simm.s32 $0x1BFF;
	s21 =	sshll.u32 s6, $0x1;
	s3 =	sadd.s32 s4, s19  }
0x9c: {  	s7 =	simm.s32 $0x0;
	s20 =	sshll.u32 s5, $0x1;
	s5 =	sadd.s32 s21, s3  }
0x9d: {  	[timem:s7], [sflag:s22] =	dma.local [hbm:s5], s20  }
0x9e: {  	_ =	swait.ge [sflag:s22], s20  }
0x9f: {  	s4 =	ssub.s32 $0x0, s20;
	[sflag:s22] =	ssyncset.done $0x0  }
0xa0: {  	[sflag:s22] =	ssyncadd.s32 s4;
	_ =	sdelay $0x1  }
0xa1: {  	s23 =	simm.s32 $0x1B8B  }
0xa2: {  	_ =	swait.ge [sflag:s23], $0x1  }
0xa3: {  	[sflag:s23] =	ssyncset.done $0x0  }
0xa4: {  	s25 =	simm.s32 $0x1B8E;
	s24 =	sld [smem:$0x3FFE];
	[sflag:s23] =	ssyncadd.s32 $0xFFFFFFFF  }
0xa5: {  	s26 =	simm.s32 $execute0_lowered;
	[smem:$0x3FD2] =	sst s25  }
0xa6: {  	s5 =	sshll.u32 s26, $0x1;
	_ =	strace $0x80000046;
	[dreg:$0x1] =	wrdreg $0xFFFFFFFF  }
0xa7: {  	s28 =	simm.s32 $_size_execute0_lowered;
	s3 =	sadd.s32 s3, s5;
	[dreg:$0x0] =	wrdreg $0x0  }
0xa8: {  	s5 =	sshll.u32 s28, $0x1;
	[dreg:$0x2] =	wrdreg s3  }
0xa9: {  	[dreg:$0x3] =	wrdreg s5  }
0xaa: {  	[dreg:$0x4] =	wrdreg $0xC0  }
0xab: {  	_ =	task [dreg:s7], $0x5FFFF  }
0xac: {  	[dreg:$0x1] =	wrdreg $0xFFFFFFFF  }
0xad: {  	[dreg:$0x0] =	wrdreg $0x60  }
0xae: {  	[dreg:$0x2] =	wrdreg s2  }
0xaf: {  	[dreg:$0x3] =	wrdreg s24  }
0xb0: {  	[dreg:$0x4] =	wrdreg $0x9  }
0xb1: {  	_ =	task.clear_ibuf [dreg:s7], $0x5FFFF;
	_ =	strace $0x90000046  }
0xb2: {  	s29 =	simm.s32 $0x9;
	_ =	strace $0x80000048  }
0xb3: {  	_ =	swait.ge [sflag:s29], $0x1  }
0xb4: {  	[sflag:s29] =	ssyncadd.s32 $0xFFFFFFFF  }
0xb5: {  	_ =	strace $0x90000048  }
0xb6: {  	_ =	sfence  }
0xb7: {  	s30 =	sld [smem:$0x0];
	_ =	sdelay $0x2  }
0xb8: {  	s31 =	sshll.u32 s1, $0xD;
	s1 =	sshrl.u32 s1, $0x2  }
0xb9: {  	s3 =	sand.u32 $0x4000, s31;
	s1 =	sadd.s32 s1, s30  }
0xba: {  	s0 =	sor.u32 s3, s0;
	s1 =	sshll.u32 s1, $0x11  }
0xbb: {  	s0 =	sor.u32 s1, s0  }
0xbc: {  	s0 =	sadd.s32 $0x8F2B, s0  }
0xbd: {  	[sflag:s0] =	ssyncadd.remote.s32 $0x1  }
0xbe: {  	_ =	sfence.sel $0xFFFF  }
0xbf: {  	[dreg:$0x0] =	wrdreg $0xFFFFFFFF;
	(pc) =	sbr.abs _section_cstart, $3  }
0xc0: {  	[dreg:$0x1] =	wrdreg $0xFFFFFFFF  }
0xc1: {  	_ =	task.clear_ibuf [dreg:s7], $0x2FFFF;
	_ =	strace $0x9FFFFFFF  }
0xc2: {  	(tm) =	ssettm $0x7FFFFFFF  }
0xc3: {  	_ =	shalt  }
tec
execute0_lowered:
.L_overlay_start_1:
0x0: {  	(tag) =	ssettag $0x1  }
0x1: {  	s1 =	srdreg.scid  }
0x2: {  	s0 =	stileid.u32;
	s3 =	sand.u32 $0x1, s1  }
0x3: {  	s30 =	sand.u32 $0x7, s0;
	s4 =	sshrl.u32 s0, $0x3;
	s2 =	sshll.u32 s3, $0x1  }
0x4: {  	s5 =	rddreg [dreg:$0x0];
	s8 =	smul.u32 $0x7820, s30;
	s4 =	sor.u32 s4, s2  }
0x5: {  	s6 =	rddreg [dreg:$0x1];
	s9 =	simm.s32 $0x1;
	s7 =	smul.u32 $0x3C100, s4  }
0x6: {  	s10 =	simm.s32 $0x0;
	s1 =	rddreg [dreg:$0x2];
	s3 =	ssub.s32 $0x2, s3  }
0x7: {  	s2 =	simm.s32 $0x0;
	s31 =	sshrl.u32 s3, $0x1;
	s7 =	sadd.s32 s8, s7  }
0x8: {  	[smem:$0x7FF] =	sst s2;
	s4 =	sshll.u32 s4, $0x4;
	s7 =	sshrl.u32 s7, $0x3  }
0x9: {  	v0 =	vmov s8;
	_ =	strace $0x80000047;
	s8 =	simm.s32 $0x7880;
	s6 =	sadd.s32 s7, s6  }
0xa: {  	s7 =	ssub.s32 s3, s31;
	s3 =	sadd.s32 s5, s4;
	s4 =	sadd.s32 $0x800, s6  }
0xb: {  	v1 =	vimm.s32 $0x0;
	v2 =	vlaneseq.u32;
	s5 =	smax.u32 s7, $0x1;
	s6 =	simm.s32 $0x80;
	s7 =	simm.s32 $0x200  }
.LBB2_1:
0xc: {  	[tilespmem:s8], [sflag:$0x1] =	stream.strided.gather [hbm4b:s3+s6], $0x6400, s7, s6, $0x38;
	[tilespmem:$0xDC80] =	vst v63  }
0xd: {  	_ =	swait.ge [sflag:s9], $0x6400  }
0xe: {  	[sflag:s9] =	ssyncset.done $0x0  }
0xf: {  	s11 =	simm.s32 $0x0;
	[sflag:s9] =	ssyncadd.s32 $0xFFFF9C00  }
.LBB2_2:
0x10: {  	p0 =	sne.s32 s11, $0x1E040  }
.Ltmp0:
0x11: {  	_ = 	snop;
	(pc) =	sbr.rel @p0 .LBB2_2-.Ltmp0, $3  }
0x12: {  	_ =	sdelay $0x1  }
0x13: {  	s12 =	sshra.s32 s11, $0x2  }
0x14: {  	s11 =	sadd.s32 $0x40, s11;
	[tilespmem:s12+$0x0] =	vst v1  }
0x15: {  	s11 =	simm.s32 $0x11;
	s12 =	simm.s32 $0x7890  }
.LBB2_4:
0x16: {  	v3 =	vld [tilespmem:s12+$0xFFFFFFF0];
	_ =	sdelay $0x4  }
0x17: {  	v3 =	vsub.s32 v3, v0  }
0x18: {  	vm0 =	vgt.s32 v3, $0x0  }
0x19: {  	vm1 =	vlt.u32 v3, $0x7820;
	v3 =	vnsel vm0, $0x0, v3  }
0x1a: {  	v3 =	vmin.u32 v3, $0x781F;
	_ =	sdelay $0x2  }
0x1b: {  	s13 =	sadd.s32 $0xFFFFFFF0, s11  }
0x1c: {  	v4 =	vadd.s32 s13, v2  }
0x1d: {  	[tilespmem:v3+s2+$0x0] =	vst.idx.msk vm1, v4  }
0x1e: {  	v5 =	vld [tilespmem:s12+$0x0];
	_ =	sdelay $0x4  }
0x1f: {  	v5 =	vsub.s32 v5, v0  }
0x20: {  	vm11 =	vgt.s32 v5, $0x0  }
0x21: {  	vm2 =	vlt.u32 v5, $0x7820;
	v5 =	vnsel vm11, $0x0, v5  }
0x22: {  	v5 =	vmin.u32 v5, $0x781F;
	_ =	sdelay $0x3  }
0x23: {  	v6 =	vadd.s32 s11, v2  }
0x24: {  	[tilespmem:v5+s2+$0x0] =	vst.idx.msk vm2, v6  }
0x25: {  	v7 =	vld.idx.msk [tilespmem:v3+s2+$0x0], vm1;
	_ =	sdelay $0x4  }
0x26: {  	vm12 =	vlt.s32 v7, v4  }
0x27: {  	vm0 =	vmand vm1, vm12;
	_ =	sdelay $0x5  }
0x28: {  	[tilespmem:v3+s2+$0x0] =	vst.idx.msk vm0, v4  }
0x29: {  	v62 =	vld.idx.msk [tilespmem:v5+s2+$0x0], vm2;
	_ =	sdelay $0x4  }
0x2a: {  	vm13 =	vlt.s32 v62, v6  }
0x2b: {  	vm0 =	vmand vm2, vm13;
	_ =	sdelay $0x5  }
0x2c: {  	[tilespmem:v5+s2+$0x0] =	vst.idx.msk vm0, v6  }
0x2d: {  	v63 =	vld.idx.msk [tilespmem:v3+s2+$0x0], vm1;
	_ =	sdelay $0x4  }
0x2e: {  	vm14 =	vlt.s32 v63, v4  }
0x2f: {  	vm0 =	vmand vm1, vm14;
	_ =	sdelay $0x5  }
0x30: {  	[tilespmem:v3+s2+$0x0] =	vst.idx.msk vm0, v4  }
0x31: {  	v3 =	vld.idx.msk [tilespmem:v5+s2+$0x0], vm2;
	_ =	sdelay $0x4  }
0x32: {  	vm15 =	vlt.s32 v3, v6  }
0x33: {  	vm0 =	vmand vm2, vm15  }
0x34: {  	p0 =	sne.s32 s11, $0x63F1  }
.Ltmp1:
0x35: {  	_ = 	snop;
	(pc) =	sbr.rel @p0 .LBB2_4-.Ltmp1, $2  }
0x36: {  	_ =	sdelay $0x2  }
0x37: {  	s11 =	sadd.s32 $0x20, s11;
	s12 =	sadd.s32 $0x20, s12;
	[tilespmem:v5+s2+$0x0] =	vst.idx.msk vm0, v6  }
0x38: {  	s10 =	sadd.s32 $0x1, s10  }
0x39: {  	p0 =	sne.s32 s10, s5  }
.Ltmp2:
0x3a: {  	_ = 	snop;
	(pc) =	sbr.rel @p0 .LBB2_1-.Ltmp2, $4  }
0x3b: {  	[hbm4b:s4+s2] =	stream.linear.scatter [tilespmem:s2], [sflag:$0x1], $0x7820, $0x38;
	[tilespmem:$0xDC80] =	vst v63  }
0x3c: {  	_ =	swait.ge [sflag:s9], $0x7820  }
0x3d: {  	[sflag:s9] =	ssyncset.done $0x0  }
0x3e: {  	[sflag:s9] =	ssyncadd.s32 $0xFFFF87E0  }
0x3f: {  	_ =	sfence.sel $0x180000  }
0x40: {  	[bflag:$0x0] =	sbarrier.arrive $0xFFFF  }
0x41: {  	p0 =	sne.s32 s0, $0x0;
	_ =	strace $0x90000047  }
0x42: {  	s0 =	sadd.s32 @!p0 $0x100000, s1;
	[bflag:$0x2] =	sbarrier.arrive $0xFFFF  }
0x43: {  	[sflag:s0] =	ssyncadd.tile.s32 @!p0 $0x1;
	_ =	shalt  }
.Lfunc_end2:
_tile_overlayer_lowered:
.L_overlay_start_2:
0x44: {  	(tag) =	ssettag $0x2  }
0x45: {  	s0 =	rddreg [dreg:$0x0];
	s2 =	stileid.u32  }
0x46: {  	s1 =	rddreg [dreg:$0x1];
	p0 =	sne.s32 s2, $0x0  }
0x47: {  	s3 =	rddreg [dreg:$0x2];
	[bflag:$0x3] =	sbarrier.arrive $0xFFFF;
	s2 =	simm.s32 @!p0 $0x1C01  }
0x48: {  	[timem:s3], [sflag:s2] =	dma.local @!p0 [hbm:s0], s1  }
0x49: {  	s0 =	simm.s32 @!p0 $0x1  }
0x4a: {  	_ =	swait.ge @!p0 [sflag:s0], s1  }
0x4b: {  	s1 =	ssub.s32 @!p0 $0x0, s1;
	[sflag:s0] =	ssyncset.done @!p0 $0x0  }
0x4c: {  	[sflag:s0] =	ssyncadd.s32 @!p0 s1  }
0x4d: {  	[bflag:$0x3] =	sbarrier.arrive $0xFFFF  }
0x4e: {  	_ =	shalt  }

// kernel: kernel.7.cloned.1.call-start
scs
__scs_entry_jumppad:
0x0: {  	(pc) =	sbr.rel $0x88, $3  }
0x1: {  	(tag) =	ssettag $0x0;
	lr =	simm.s32 $0x1  }
0x2: {  	[smem:$0x3F9F] =	sst lr;
	_ =	strace $0xD0000000  }
0x3: {  	_ = 	snop  }
0x4: {  	_ = 	snop  }
0x5: {  	_ = 	snop  }
0x6: {  	_ = 	snop  }
0x7: {  	_ = 	snop  }
__scs_overlays_trampoline_lowered:
0x8: {  	[smem:$0x3FAE] =	sst s0  }
0x9: {  	[smem:$0x3FAF] =	sst s1  }
0xa: {  	[smem:$0x3FB0] =	sst s2  }
0xb: {  	[smem:$0x3FB1] =	sst s3  }
0xc: {  	[smem:$0x3FB2] =	sst s4  }
0xd: {  	[smem:$0x3FB3] =	sst s5  }
0xe: {  	[smem:$0x3FB4] =	sst s6  }
0xf: {  	[smem:$0x3FB5] =	sst s7  }
0x10: {  	[smem:$0x3FB6] =	sst s8  }
0x11: {  	[smem:$0x3FB7] =	sst s9;
	s0 =	simm.s32 @!p0 $0x0  }
0x12: {  	s1 =	sld [smem:$0x3F9D];
	s0 =	simm.s32 @p0 $0x1  }
0x13: {  	[smem:$0x3FB8] =	sst s0;
	s0 =	simm.s32 @!p1 $0x0  }
0x14: {  	s2 =	sld [smem:$0x3F9C];
	s0 =	simm.s32 @p1 $0x1  }
0x15: {  	[smem:$0x3FB9] =	sst s0;
	s0 =	simm.s32 @!p2 $0x0  }
0x16: {  	s3 =	sld [smem:$0x3FDB];
	s0 =	simm.s32 @p2 $0x1  }
0x17: {  	s4 =	simm.s32 $0x1BF5;
	[smem:$0x3FBB] =	sst s0  }
0x18: {  	s0 =	sld [smem:$0x3F9E];
	_ =	swait.ge [sflag:s4], $0x0  }
0x19: {  	s7 =	sld [smem:$0x3F9F]  }
0x1a: {  	s8 =	sadd.s32 $0xFFFFE003, lr  }
0x1b: {  	s9 =	sadd.s32 $0xFFFFFEF7, lr;
	s5 =	simm.s32 $0xFFFFFFFF;
	p2 =	slt.u32 s8, $0xFFFFF086  }
0x1c: {  	p1 =	slt.u32 s9, $0xF7A;
	s5 =	simm.s32 @!p2 $0x0  }
0x1d: {  	s5 =	simm.s32 @p1 $0x1;
	p0 =	seq.s32 s7, s2  }
0x1e: {  	s7 =	smul.u32 @!p0 $0xF7A, s2;
	p2 =	seq.s32 @!p0 s5, $0x0  }
0x1f: {  	s9 =	smul.u32 $0xF7A, s1;
	s8 =	simm.s32 @!p0 $0x1BF5;
	p2 =	por !p2, p0  }
0x20: {  	[sflag:s8] =	ssyncset.s32 @!p0 $0xFFFFF086;
	s6 =	sadd.s32 @!p0 s3, s7;
	s7 =	simm.s32 @!p0 $0x108  }
0x21: {  	s3 =	sadd.s32 s3, s9;
	s6 =	sadd.s32 @!p0 $0x88, s6;
	s7 =	simm.s32 @p2 $0x1082  }
0x22: {  	[simem:s7], [sflag:s8] =	dma.local @!p0 [hbm:s6], $0xF7A  }
0x23: {  	s9 =	sor.u32 $0xD0000000, s2;
	s6 =	simm.s32 $0x108;
	_ =	swait.ge @!p0 [sflag:s8], $0x0  }
0x24: {  	s3 =	sadd.s32 $0x88, s3;
	s6 =	simm.s32 @!p1 $0x1082;
	[sflag:s4] =	ssyncset.s32 $0xFFFFF086  }
0x25: {  	[simem:s6], [sflag:s4] =	dma.local [hbm:s3], $0xF7A  }
0x26: {  	[smem:$0x3F9F] =	sst s1;
	(tag) =	ssettag s2;
	_ =	strace s9  }
0x27: {  	s1 =	sld [smem:$0x3FAF]  }
0x28: {  	s2 =	sld [smem:$0x3FB0]  }
0x29: {  	s4 =	sld [smem:$0x3FB2]  }
0x2a: {  	p0 =	seq.s32 s5, $0x0;
	s5 =	sld [smem:$0x3FB3]  }
0x2b: {  	s6 =	sld [smem:$0x3FB4]  }
0x2c: {  	s7 =	sld [smem:$0x3FB5]  }
0x2d: {  	s3 =	simm.s32 $0x108;
	s8 =	sld [smem:$0x3FB6]  }
0x2e: {  	s3 =	simm.s32 @!p0 $0x1082;
	s9 =	sld [smem:$0x3FB7]  }
0x2f: {  	lr =	sadd.s32 s0, s3;
	s0 =	sld [smem:$0x3FAE]  }
0x30: {  	s3 =	sld [smem:$0x3FB1]  }
0x31: {  	[smem:$0x3FBA] =	sst s10  }
0x32: {  	s10 =	sld [smem:$0x3FB8];
	_ =	sdelay $0x3  }
0x33: {  	p0 =	seq.s32 s10, $0x1;
	s10 =	sld [smem:$0x3FBA];
	_ =	sdelay $0x3  }
0x34: {  	[smem:$0x3FBA] =	sst s10  }
0x35: {  	s10 =	sld [smem:$0x3FB9];
	_ =	sdelay $0x3  }
0x36: {  	p1 =	seq.s32 s10, $0x1;
	s10 =	sld [smem:$0x3FBA];
	_ =	sdelay $0x3  }
0x37: {  	[smem:$0x3FBA] =	sst s10  }
0x38: {  	s10 =	sld [smem:$0x3FBB]  }
0x39: {  	_ = 	snop;
	(pc) =	sbr.ind lr, $3  }
0x3a: {  	_ = 	snop  }
0x3b: {  	_ = 	snop  }
0x3c: {  	p2 =	seq.s32 s10, $0x1;
	s10 =	sld [smem:$0x3FBA]  }
0x3d: {  	_ =	shalt  }
0x3e: {  	_ =	shalt  }
0x3f: {  	_ =	shalt  }
0x40: {  	_ =	shalt  }
0x41: {  	_ =	shalt  }
0x42: {  	_ =	shalt  }
0x43: {  	_ =	shalt  }
0x44: {  	_ =	shalt  }
0x45: {  	_ =	shalt  }
0x46: {  	_ =	shalt  }
0x47: {  	_ =	shalt  }
0x48: {  	_ =	shalt  }
0x49: {  	_ =	shalt  }
0x4a: {  	_ =	shalt  }
0x4b: {  	_ =	shalt  }
0x4c: {  	_ =	shalt  }
0x4d: {  	_ =	shalt  }
0x4e: {  	_ =	shalt  }
0x4f: {  	_ =	shalt  }
0x50: {  	_ =	shalt  }
0x51: {  	_ =	shalt  }
0x52: {  	_ =	shalt  }
0x53: {  	_ =	shalt  }
0x54: {  	_ =	shalt  }
0x55: {  	_ =	shalt  }
0x56: {  	_ =	shalt  }
0x57: {  	_ =	shalt  }
0x58: {  	_ =	shalt  }
0x59: {  	_ =	shalt  }
0x5a: {  	_ =	shalt  }
0x5b: {  	_ =	shalt  }
0x5c: {  	_ =	shalt  }
0x5d: {  	_ =	shalt  }
0x5e: {  	_ =	shalt  }
0x5f: {  	_ =	shalt  }
0x60: {  	_ =	shalt  }
0x61: {  	_ =	shalt  }
0x62: {  	_ =	shalt  }
0x63: {  	_ =	shalt  }
0x64: {  	_ =	shalt  }
0x65: {  	_ =	shalt  }
0x66: {  	_ =	shalt  }
0x67: {  	_ =	shalt  }
0x68: {  	_ =	shalt  }
0x69: {  	_ =	shalt  }
0x6a: {  	_ =	shalt  }
0x6b: {  	_ =	shalt  }
0x6c: {  	_ =	shalt  }
0x6d: {  	_ =	shalt  }
0x6e: {  	_ =	shalt  }
0x6f: {  	_ =	shalt  }
0x70: {  	_ =	shalt  }
0x71: {  	_ =	shalt  }
0x72: {  	_ =	shalt  }
0x73: {  	_ =	shalt  }
0x74: {  	_ =	shalt  }
0x75: {  	_ =	shalt  }
0x76: {  	_ =	shalt  }
0x77: {  	_ =	shalt  }
0x78: {  	_ =	shalt  }
0x79: {  	_ =	shalt  }
0x7a: {  	_ =	shalt  }
0x7b: {  	_ =	shalt  }
0x7c: {  	_ =	shalt  }
0x7d: {  	_ =	shalt  }
0x7e: {  	_ =	shalt  }
0x7f: {  	_ =	shalt  }
0x80: {  	_ =	shalt  }
0x81: {  	_ =	shalt  }
0x82: {  	_ =	shalt  }
0x83: {  	_ =	shalt  }
0x84: {  	_ =	shalt  }
0x85: {  	_ =	shalt  }
0x86: {  	_ =	shalt  }
0x87: {  	_ =	shalt  }
.Lfunc_end0:
.L_simem_size_0:
called_computation.1_lowered:
.L_overlay_start_0:
0x88: {  	s2 =	sld [smem:$0x3FD9]  }
0x89: {  	s3 =	sld [smem:$0x3FFE];
	_ =	sdelay $0x1  }
0x8a: {  	s1 =	srdreg.scid  }
0x8b: {  	s0 =	sand.u32 $0x1, s1  }
0x8c: {  	s17 =	sshll.u32 s0, $0xA;
	s2 =	sadd.s32 s3, s2  }
0x8d: {  	s2 =	sadd.s32 s2, s17  }
0x8e: {  	[smem:$0x3FC6] =	sst s2  }
0x8f: {  	_ = 	snop  }
0x90: {  	s2 =	sld [smem:$0x3FD0];
	(tm) =	ssettm $0x1  }
0x91: {  	s18 =	sld [smem:$0x3FFB];
	_ =	sdelay $0x3  }
0x92: {  	_ =	strace s18  }
0x93: {  	s3 =	sld [smem:$0x3FFC];
	_ =	sdelay $0x3  }
0x94: {  	_ =	strace s3  }
0x95: {  	s3 =	sld [smem:$0x3FFD];
	_ =	sdelay $0x3  }
0x96: {  	_ =	strace s3  }
0x97: {  	_ =	strace $0x8FFFFFFF  }
0x98: {  	s19 =	sld [smem:$0x3FDB];
	_ =	sdelay $0x1  }
0x99: {  	s4 =	simm.s32 $_scs_section_size  }
0x9a: {  	s5 =	simm.s32 $_size__tile_overlayer_lowered;
	s6 =	simm.s32 $_tile_overlayer_lowered  }
0x9b: {  	s22 =	simm.s32 $0x1BFF;
	s21 =	sshll.u32 s6, $0x1;
	s3 =	sadd.s32 s4, s19  }
0x9c: {  	s7 =	simm.s32 $0x0;
	s20 =	sshll.u32 s5, $0x1;
	s5 =	sadd.s32 s21, s3  }
0x9d: {  	[timem:s7], [sflag:s22] =	dma.local [hbm:s5], s20  }
0x9e: {  	_ =	swait.ge [sflag:s22], s20  }
0x9f: {  	s4 =	ssub.s32 $0x0, s20;
	[sflag:s22] =	ssyncset.done $0x0  }
0xa0: {  	[sflag:s22] =	ssyncadd.s32 s4;
	_ =	sdelay $0x1  }
0xa1: {  	s23 =	simm.s32 $0x1B8B  }
0xa2: {  	_ =	swait.ge [sflag:s23], $0x1  }
0xa3: {  	[sflag:s23] =	ssyncset.done $0x0  }
0xa4: {  	s25 =	simm.s32 $0x1B8E;
	s24 =	sld [smem:$0x3FFE];
	[sflag:s23] =	ssyncadd.s32 $0xFFFFFFFF  }
0xa5: {  	s26 =	simm.s32 $execute0_lowered;
	[smem:$0x3FD2] =	sst s25  }
0xa6: {  	s5 =	sshll.u32 s26, $0x1;
	_ =	strace $0x80000049;
	[dreg:$0x1] =	wrdreg $0xFFFFFFFF  }
0xa7: {  	s28 =	simm.s32 $_size_execute0_lowered;
	s3 =	sadd.s32 s3, s5;
	[dreg:$0x0] =	wrdreg $0x0  }
0xa8: {  	s5 =	sshll.u32 s28, $0x1;
	[dreg:$0x2] =	wrdreg s3  }
0xa9: {  	[dreg:$0x3] =	wrdreg s5  }
0xaa: {  	[dreg:$0x4] =	wrdreg $0xC0  }
0xab: {  	_ =	task [dreg:s7], $0x5FFFF  }
0xac: {  	[dreg:$0x1] =	wrdreg $0xFFFFFFFF  }
0xad: {  	[dreg:$0x0] =	wrdreg $0x60  }
0xae: {  	[dreg:$0x2] =	wrdreg s24  }
0xaf: {  	[dreg:$0x3] =	wrdreg s2  }
0xb0: {  	[dreg:$0x4] =	wrdreg $0x9  }
0xb1: {  	_ =	task.clear_ibuf [dreg:s7], $0x5FFFF;
	_ =	strace $0x90000049  }
0xb2: {  	s29 =	simm.s32 $0x9;
	_ =	strace $0x8000004B  }
0xb3: {  	_ =	swait.ge [sflag:s29], $0x1  }
0xb4: {  	[sflag:s29] =	ssyncadd.s32 $0xFFFFFFFF  }
0xb5: {  	_ =	strace $0x9000004B  }
0xb6: {  	_ =	sfence  }
0xb7: {  	s30 =	sld [smem:$0x0];
	_ =	sdelay $0x2  }
0xb8: {  	s31 =	sshll.u32 s1, $0xD;
	s1 =	sshrl.u32 s1, $0x2  }
0xb9: {  	s3 =	sand.u32 $0x4000, s31;
	s1 =	sadd.s32 s1, s30  }
0xba: {  	s0 =	sor.u32 s3, s0;
	s1 =	sshll.u32 s1, $0x11  }
0xbb: {  	s0 =	sor.u32 s1, s0  }
0xbc: {  	s0 =	sadd.s32 $0x8F2B, s0  }
0xbd: {  	[sflag:s0] =	ssyncadd.remote.s32 $0x1  }
0xbe: {  	_ =	sfence.sel $0xFFFF  }
0xbf: {  	[dreg:$0x0] =	wrdreg $0xFFFFFFFF;
	(pc) =	sbr.abs _section_cstart, $3  }
0xc0: {  	[dreg:$0x1] =	wrdreg $0xFFFFFFFF  }
0xc1: {  	_ =	task.clear_ibuf [dreg:s7], $0x2FFFF;
	_ =	strace $0x9FFFFFFF  }
0xc2: {  	(tm) =	ssettm $0x7FFFFFFF  }
0xc3: {  	_ =	shalt  }
tec
execute0_lowered:
.L_overlay_start_1:
0x0: {  	(tag) =	ssettag $0x1  }
0x1: {  	s0 =	rddreg [dreg:$0x0]  }
0x2: {  	s10 =	rddreg [dreg:$0x1]  }
0x3: {  	s3 =	simm.s32 $0x0;
	s1 =	srdreg.scid;
	s11 =	stileid.u32  }
0x4: {  	[smem:$0x7FF] =	sst s3;
	s1 =	sand.u32 $0x1, s1;
	s2 =	sshll.u32 s11, $0x2  }
0x5: {  	s12 =	sadd.s32 $0x800, s0;
	s13 =	smul.u32 $0xF8000, s11;
	s20 =	sadd.s32 $0x40, s10  }
0x6: {  	_ =	strace $0x8000004A;
	s4 =	sshll.u32 s1, $0x7;
	s5 =	smul.u32 $0x78200, s1  }
0x7: {  	s6 =	ssub.s32 $0x2, s1;
	s9 =	smul.u32 $0x1F00000, s1;
	[smem:$0x7F7] =	sst s20  }
0x8: {  	s1 =	sshllo.u32 s1, $0x1;
	[smem:$0x7F9] =	sst s12;
	s4 =	sor.u32 s2, s4  }
0x9: {  	s17 =	sshll.u32 s1, $0x6;
	s21 =	smul.u32 $0x3C100, s1;
	s15 =	sadd.s32 s13, s9  }
0xa: {  	s1 =	smul.u32 $0xF80000, s1;
	s16 =	sadd.s32 $0xF80, s5;
	[smem:$0x7EA] =	sst s15  }
0xb: {  	s8 =	sshrl.u32 s5, $0x3;
	s5 =	sadd.s32 $0x1740, s5;
	[smem:$0x7EB] =	sst s16  }
0xc: {  	s7 =	sshrl.u32 s6, $0x1;
	s8 =	sadd.s32 s12, s8;
	[smem:$0x7EF] =	sst s5  }
0xd: {  	s4 =	smul.u32 $0xC35, s4;
	s24 =	sadd.s32 s13, s1;
	[smem:$0x7E8] =	sst s8  }
0xe: {  	s6 =	ssub.s32 s6, s7;
	s25 =	sadd.s32 $0xF80, s21;
	[smem:$0x7F2] =	sst s24  }
0xf: {  	s0 =	sadd.s32 $0x1EA00, s0;
	s30 =	smax.u32 s6, $0x1;
	[smem:$0x7F3] =	sst s25  }
0x10: {  	s2 =	sor.u32 s2, s17;
	s4 =	sadd.s32 s0, s4;
	[smem:$0x7FB] =	sst s30  }
0x11: {  	s9 =	sshrl.u32 s16, $0x3;
	s14 =	sadd.s32 $0xF8, s8;
	[smem:$0x7E7] =	sst s4  }
0x12: {  	s5 =	sshrl.u32 s5, $0x3;
	s19 =	sadd.s32 s12, s9;
	[smem:$0x7E9] =	sst s14  }
0x13: {  	s22 =	sshrl.u32 s21, $0x3;
	s5 =	sadd.s32 s12, s5;
	[smem:$0x7ED] =	sst s19  }
0x14: {  	s8 =	sshrl.u32 s15, $0x3;
	s23 =	sadd.s32 s12, s22;
	[smem:$0x7F0] =	sst s5  }
0x15: {  	s2 =	smul.u32 $0xC35, s2;
	s18 =	sadd.s32 s10, s8;
	[smem:$0x7FC] =	sst s23  }
0x16: {  	s8 =	sadd.s32 s8, s20;
	[smem:$0x7EC] =	sst s18  }
0x17: {  	s1 =	sshrl.u32 s25, $0x3;
	s0 =	sadd.s32 s0, s2;
	[smem:$0x7EE] =	sst s8  }
0x18: {  	s1 =	sadd.s32 s12, s1;
	[smem:$0x7F1] =	sst s0  }
0x19: {  	s4 =	sadd.s32 $0x1740, s21;
	[smem:$0x7F5] =	sst s1  }
0x1a: {  	s31 =	sadd.s32 $0xF8, s23;
	s0 =	sshrl.u32 s24, $0x3;
	[smem:$0x7F6] =	sst s4  }
0x1b: {  	[smem:$0x7FD] =	sst s31;
	s26 =	sadd.s32 s10, s0  }
0x1c: {  	s28 =	sshrl.u32 s4, $0x3;
	s0 =	sadd.s32 s0, s20;
	[smem:$0x7F4] =	sst s26  }
0x1d: {  	s29 =	sadd.s32 s12, s28;
	[smem:$0x7F8] =	sst s0  }
0x1e: {  	s2 =	simm.s32 $0x1;
	s4 =	simm.s32 $0x0;
	[smem:$0x7FA] =	sst s29  }
.LBB2_1:
0x1f: {  	s0 =	sld [smem:$0x7E7];
	_ =	sdelay $0x1  }
0x20: {  	[smem:$0x7E6] =	sst s4;
	s29 =	simm.s32 $0x5  }
0x21: {  	[tilespmem:s3], [sflag:$0x5] =	stream.linear.gather [hbm4b:s0+s3], $0x186A0, $0x38;
	[tilespmem:$0x1D680] =	vst v63  }
0x22: {  	_ =	swait.ge [sflag:s29], $0x186A0  }
0x23: {  	s30 =	sld [smem:$0x7E8]  }
0x24: {  	[sflag:s29] =	ssyncset.done $0x0  }
0x25: {  	s10 =	simm.s32 $0x18700;
	s31 =	sld [smem:$0x7E9];
	[sflag:s29] =	ssyncadd.s32 $0xFFFE7960  }
0x26: {  	[tilespmem:s10], [sflag:$0x1] =	stream.linear.gather [hbm4b:s30+s3], $0x7C0, $0x38;
	[tilespmem:$0x1D680] =	vst v63  }
0x27: {  	s1 =	simm.s32 $0x18EC0  }
0x28: {  	[tilespmem:s1], [sflag:$0x2] =	stream.linear.gather [hbm4b:s31+s3], $0x7C0, $0x38;
	[tilespmem:$0x1D680] =	vst v63  }
0x29: {  	_ =	swait.ge [sflag:s2], $0x7C0  }
0x2a: {  	s8 =	simm.s32 $0x1A6C0;
	[sflag:s2] =	ssyncset.done $0x0  }
0x2b: {  	s14 =	simm.s32 $0x0;
	s1 =	simm.s32 $0x188C0;
	[sflag:s2] =	ssyncadd.s32 $0xFFFFF840  }
.LBB2_2:
0x2c: {  	s0 =	sshll.u32 s14, $0x7  }
0x2d: {  	v0 =	vmov s10;
	s2 =	sadd.s32 $0x19680, s0  }
0x2e: {  	s15 =	sadd.s32 $0x19E80, s0;
	[dreg:$0x3] =	wrdreg s2  }
0x2f: {  	s16 =	sadd.s32 $0x1A680, s0;
	[dreg:$0x4] =	wrdreg s15  }
0x30: {  	s0 =	sadd.s32 $0x1AE80, s0;
	[dreg:$0x5] =	wrdreg s16  }
0x31: {  	s17 =	simm.s32 $0x0;
	[dreg:$0x6] =	wrdreg s0  }
0x32: {  	v1 =	vld.idx.msk [tilespmem:v0+s17+$0x30 ss:$0x1], $0xffff;
	_ =	sdelay $0x2  }
0x33: {  	v2 =	vld.idx.msk [tilespmem:v0+s17+$0x0 ss:$0x1], $0xffff  }
0x34: {  	v3 =	vld.idx.msk [tilespmem:v0+s17+$0x10 ss:$0x1], $0xffff  }
0x35: {  	v4 =	vld.idx.msk [tilespmem:v0+s17+$0x20 ss:$0x1], $0xffff;
	v5 =	vadd.s32 $0xFFFFFFFF, v1  }
0x36: {  	vm0 =	vgt.s32 v5, $0x0  }
0x37: {  	v5 =	vnsel vm0, $0x0, v5  }
0x38: {  	v6 =	vadd.s32 $0xFFFFFFFF, v2  }
0x39: {  	v7 =	vadd.s32 $0xFFFFFFFF, v3;
	vm0 =	vgt.s32 v6, $0x0  }
0x3a: {  	v8 =	vadd.s32 $0xFFFFFFFF, v4;
	v6 =	vnsel vm0, $0x0, v6;
	vm0 =	vgt.s32 v7, $0x0  }
0x3b: {  	s17 =	simm.s32 $0x0;
	v7 =	vnsel vm0, $0x0, v7;
	vm0 =	vgt.s32 v8, $0x0  }
0x3c: {  	v8 =	vnsel vm0, $0x0, v8;
	v9 =	vld.idx.msk [tilespmem:v5+s17+$0x0], $0xffff  }
0x3d: {  	s20 =	simm.s32 $0x40  }
0x3e: {  	v13 =	vld.idx.msk [tilespmem:v0+s20+$0x30 ss:$0x1], $0xffff;
	v10 =	vadd.s32 $0x61A8, v5  }
0x3f: {  	s19 =	simm.s32 $0x30;
	s18 =	rddreg [dreg:$0x3];
	s13 =	sand.u32 $0x600, s17;
	v11 =	vld.idx.msk [tilespmem:v6+s17+$0x0], $0xffff  }
0x40: {  	s9 =	sand.u32 $0x70, s19;
	s4 =	sadd.s32 s13, s18;
	vm2 =	vgt.s32 v1, $0x0;
	v12 =	vld.idx.msk [tilespmem:v7+s17+$0x0], $0xffff  }
0x41: {  	s2 =	sadd.s32 s9, s4;
	vm1 =	vgt.s32 v3, $0x0;
	v3 =	vadd.s32 $0x61A8, v6;
	v1 =	vld.idx.msk [tilespmem:v8+s17+$0x0], $0xffff;
	v9 =	vnsel vm2, $0x0, v9  }
0x42: {  	s7 =	simm.s32 $0x0;
	vm4 =	vgt.s32 v4, $0x0;
	vm0 =	vgt.s32 v2, $0x0;
	v2 =	vld.idx.msk [tilespmem:v0+s20+$0x0 ss:$0x1], $0xffff;
	v4 =	vadd.s32 $0x61A8, v7;
	[tilespmem:s2+$0x0] =	vst v9  }
0x43: {  	s21 =	simm.s32 $0x10;
	s11 =	sand.u32 $0x40, s7;
	v17 =	vadd.s32 $0xFFFFFFFF, v13;
	vm3 =	vmmov vm0;
	v9 =	vld.idx.msk [tilespmem:v10+s17+$0x0], $0xffff;
	v10 =	vadd.s32 $0x61A8, v8  }
0x44: {  	s22 =	simm.s32 $0x20;
	s6 =	sand.u32 $0x50, s21;
	v14 =	vld.idx.msk [tilespmem:v0+s20+$0x10 ss:$0x1], $0xffff;
	s12 =	sadd.s32 s11, s4;
	v15 =	vadd.s32 $0xC350, v5;
	vm0 =	vmmov vm1;
	v11 =	vnsel vm3, $0x0, v11  }
0x45: {  	s16 =	sand.u32 $0x60, s22;
	v16 =	vld.idx.msk [tilespmem:v0+s20+$0x20 ss:$0x1], $0xffff;
	vm1 =	vmmov vm4;
	vm4 =	vgt.s32 v17, $0x0;
	s2 =	sadd.s32 s6, s4;
	s5 =	rddreg [dreg:$0x4];
	v12 =	vnsel vm0, $0x0, v12;
	[tilespmem:s12+$0x0] =	vst v11  }
0x46: {  	v17 =	vnsel vm4, $0x0, v17;
	s4 =	sadd.s32 s16, s4;
	[tilespmem:s2+$0x0] =	vst v12;
	v1 =	vnsel vm1, $0x0, v1;
	v3 =	vld.idx.msk [tilespmem:v3+s17+$0x0], $0xffff  }
0x47: {  	vm2 =	vmmov vm2;
	s23 =	sadd.s32 s13, s5;
	[tilespmem:s4+$0x0] =	vst v1;
	v4 =	vld.idx.msk [tilespmem:v4+s17+$0x0], $0xffff  }
0x48: {  	v11 =	vadd.s32 $0xFFFFFFFF, v2;
	s24 =	sadd.s32 s9, s23;
	v9 =	vnsel vm2, $0x0, v9;
	v19 =	vld.idx.msk [tilespmem:v10+s17+$0x0], $0xffff  }
0x49: {  	v22 =	vadd.s32 $0xC350, v6;
	vm4 =	vgt.s32 v11, $0x0;
	[tilespmem:s24+$0x0] =	vst v9;
	v9 =	vadd.s32 $0xFFFFFFFF, v14  }
0x4a: {  	v1 =	vld.idx.msk [tilespmem:v15+s17+$0x0], $0xffff;
	v15 =	vnsel vm4, $0x0, v11;
	vm4 =	vgt.s32 v9, $0x0  }
0x4b: {  	s31 =	simm.s32 $0x80;
	v12 =	vld.idx.msk [tilespmem:v17+s17+$0x0], $0xffff;
	s22 =	sadd.s32 s11, s23;
	v3 =	vnsel vm3, $0x0, v3;
	v11 =	vadd.s32 $0xFFFFFFFF, v16;
	v9 =	vnsel vm4, $0x0, v9  }
0x4c: {  	vm7 =	vgt.s32 v16, $0x0;
	s18 =	sadd.s32 s6, s23;
	s2 =	rddreg [dreg:$0x5];
	v16 =	vld.idx.msk [tilespmem:v0+s31+$0x30 ss:$0x1], $0xffff;
	[tilespmem:s22+$0x0] =	vst v3;
	v3 =	vnsel vm0, $0x0, v4;
	vm4 =	vgt.s32 v11, $0x0  }
0x4d: {  	s26 =	simm.s32 $0x100;
	vm5 =	vgt.s32 v14, $0x0;
	s0 =	sadd.s32 s16, s23;
	[tilespmem:s18+$0x0] =	vst v3;
	v3 =	vld.idx.msk [tilespmem:v0+s31+$0x10 ss:$0x1], $0xffff;
	v18 =	vnsel vm4, $0x0, v11;
	v4 =	vnsel vm1, $0x0, v19  }
0x4e: {  	s30 =	simm.s32 $0x70;
	s25 =	rddreg [dreg:$0x3];
	vm6 =	vgt.s32 v13, $0x0;
	vm5 =	vmmov vm5;
	v21 =	vadd.s32 $0x61A8, v17;
	s5 =	sand.u32 $0x600, s26;
	[tilespmem:s0+$0x0] =	vst v4;
	v4 =	vld.idx.msk [tilespmem:v22+s17+$0x0], $0xffff  }
0x4f: {  	vm7 =	vmmov vm7;
	v23 =	vadd.s32 $0xC350, v7;
	v24 =	vadd.s32 $0xC350, v8;
	s12 =	sand.u32 $0x70, s30;
	s15 =	sadd.s32 s13, s2;
	s2 =	sadd.s32 s5, s25;
	v20 =	vld.idx.msk [tilespmem:v15+s17+$0x0], $0xffff  }
0x50: {  	v5 =	vadd.s32 $0x124F8, v5;
	vm4 =	vgt.s32 v2, $0x0;
	v2 =	vnsel vm6, $0x0, v12;
	s4 =	sadd.s32 s12, s2;
	v25 =	vld.idx.msk [tilespmem:v9+s17+$0x0], $0xffff  }
0x51: {  	v6 =	vadd.s32 $0x124F8, v6;
	v10 =	vadd.s32 $0x124F8, v8;
	s29 =	sadd.s32 s9, s15;
	[tilespmem:s4+$0x0] =	vst v2;
	v19 =	vld.idx.msk [tilespmem:v0+s31+$0x0 ss:$0x1], $0xffff;
	v1 =	vnsel vm2, $0x0, v1  }
0x52: {  	vm3 =	vmmov vm3;
	v26 =	vadd.s32 $0xC350, v15;
	v2 =	vadd.s32 $0x61A8, v9;
	[tilespmem:s29+$0x0] =	vst v1;
	v1 =	vld.idx.msk [tilespmem:v18+s17+$0x0], $0xffff  }
0x53: {  	s23 =	simm.s32 $0x50;
	s24 =	simm.s32 $0x40;
	v13 =	vadd.s32 $0x124F8, v15;
	v11 =	vadd.s32 $0x124F8, v7;
	v7 =	vadd.s32 $0x61A8, v15;
	v21 =	vld.idx.msk [tilespmem:v21+s17+$0x0], $0xffff  }
0x54: {  	s21 =	sand.u32 $0x40, s24;
	s24 =	sadd.s32 s11, s15;
	v23 =	vld.idx.msk [tilespmem:v23+s17+$0x0], $0xffff;
	v8 =	vadd.s32 $0x61A8, v18;
	s4 =	sand.u32 $0x50, s23;
	vm4 =	vmmov vm4;
	v4 =	vnsel vm3, $0x0, v4  }
0x55: {  	s25 =	simm.s32 $0x60;
	s26 =	sadd.s32 s4, s2;
	v15 =	vnsel vm4, $0x0, v20;
	v20 =	vld.idx.msk [tilespmem:v0+s31+$0x20 ss:$0x1], $0xffff;
	s31 =	rddreg [dreg:$0x6];
	[tilespmem:s24+$0x0] =	vst v4;
	v22 =	vnsel vm5, $0x0, v25;
	v25 =	vadd.s32 $0xC350, v17  }
0x56: {  	vm0 =	vmmov vm0;
	v14 =	vadd.s32 $0xC350, v9;
	s19 =	sand.u32 $0x60, s25;
	vm6 =	vmmov vm6;
	s20 =	rddreg [dreg:$0x4];
	s29 =	sadd.s32 s21, s2;
	v5 =	vld.idx.msk [tilespmem:v5+s17+$0x0], $0xffff;
	[tilespmem:s26+$0x0] =	vst v22  }
0x57: {  	v12 =	vadd.s32 $0xC350, v18;
	s0 =	sadd.s32 s5, s20;
	s2 =	sadd.s32 s19, s2;
	[tilespmem:s29+$0x0] =	vst v15;
	v1 =	vnsel vm7, $0x0, v1;
	v22 =	vld.idx.msk [tilespmem:v2+s17+$0x0], $0xffff;
	v2 =	vadd.s32 $0xFFFFFFFF, v16  }
0x58: {  	s30 =	sadd.s32 s12, s0;
	v4 =	vld.idx.msk [tilespmem:v24+s17+$0x0], $0xffff;
	[tilespmem:s2+$0x0] =	vst v1;
	v1 =	vnsel vm6, $0x0, v21;
	v21 =	vadd.s32 $0xFFFFFFFF, v19;
	vm8 =	vgt.s32 v2, $0x0  }
0x59: {  	v27 =	vld.idx.msk [tilespmem:v8+s17+$0x0], $0xffff;
	[tilespmem:s30+$0x0] =	vst v1;
	v1 =	vadd.s32 $0xFFFFFFFF, v3;
	v15 =	vnsel vm8, $0x0, v2;
	vm8 =	vgt.s32 v21, $0x0  }
0x5a: {  	vm1 =	vmmov vm1;
	v8 =	vld.idx.msk [tilespmem:v25+s17+$0x0], $0xffff;
	v21 =	vnsel vm8, $0x0, v21;
	vm8 =	vgt.s32 v1, $0x0  }
0x5b: {  	vm10 =	vmmov vm4;
	v7 =	vld.idx.msk [tilespmem:v7+s17+$0x0], $0xffff;
	v25 =	vadd.s32 $0xFFFFFFFF, v20;
	v28 =	vnsel vm8, $0x0, v1  }
0x5c: {  	s20 =	simm.s32 $0xC0;
	v2 =	vadd.s32 $0x124F8, v9;
	v9 =	vadd.s32 $0x124F8, v17;
	v17 =	vld.idx.msk [tilespmem:v6+s17+$0x0], $0xffff;
	vm8 =	vgt.s32 v25, $0x0  }
0x5d: {  	vm9 =	vgt.s32 v16, $0x0;
	s25 =	rddreg [dreg:$0x5];
	v1 =	vadd.s32 $0x124F8, v18;
	v18 =	vld.idx.msk [tilespmem:v0+s20+$0x30 ss:$0x1], $0xffff;
	v24 =	vnsel vm8, $0x0, v25  }
0x5e: {  	v23 =	vnsel vm0, $0x0, v23;
	vm11 =	vgt.s32 v19, $0x0;
	s22 =	sadd.s32 s5, s25;
	v31 =	vadd.s32 $0x61A8, v15;
	v6 =	vld.idx.msk [tilespmem:v15+s17+$0x0], $0xffff  }
0x5f: {  	s7 =	sadd.s32 s12, s22;
	v25 =	vnsel vm2, $0x0, v5;
	vm2 =	vgt.s32 v3, $0x0;
	v19 =	vld.idx.msk [tilespmem:v21+s17+$0x0], $0xffff;
	v3 =	vnsel vm6, $0x0, v8  }
0x60: {  	s23 =	sadd.s32 s21, s0;
	s30 =	simm.s32 $0xB0;
	v34 =	vadd.s32 $0x124F8, v15;
	vm8 =	vgt.s32 v20, $0x0;
	v20 =	vadd.s32 $0x61A8, v21;
	v30 =	vld.idx.msk [tilespmem:v28+s17+$0x0], $0xffff;
	[tilespmem:s7+$0x0] =	vst v3  }
0x61: {  	s29 =	simm.s32 $0x200;
	s26 =	rddreg [dreg:$0x3];
	s2 =	sand.u32 $0x70, s30;
	v29 =	vadd.s32 $0x61A8, v28;
	v22 =	vnsel vm5, $0x0, v22;
	v3 =	vnsel vm4, $0x0, v7;
	v9 =	vld.idx.msk [tilespmem:v9+s17+$0x0], $0xffff  }
0x62: {  	v32 =	vadd.s32 $0x61A8, v24;
	v27 =	vnsel vm7, $0x0, v27;
	v5 =	vadd.s32 $0xC350, v24;
	s7 =	sand.u32 $0x600, s29;
	[tilespmem:s23+$0x0] =	vst v3;
	v33 =	vld.idx.msk [tilespmem:v24+s17+$0x0], $0xffff;
	s23 =	sadd.s32 s13, s31;
	s31 =	sadd.s32 s4, s0  }
0x63: {  	vm2 =	vmmov vm2;
	v17 =	vnsel vm3, $0x0, v17;
	vm3 =	vmmov vm8;
	s24 =	sadd.s32 s7, s26;
	s26 =	simm.s32 $0x80;
	v16 =	vld.idx.msk [tilespmem:v26+s17+$0x0], $0xffff;
	s9 =	sadd.s32 s9, s23;
	[tilespmem:s31+$0x0] =	vst v22  }
0x64: {  	v8 =	vadd.s32 $0xC350, v21;
	vm4 =	vmmov vm11;
	s25 =	sadd.s32 s2, s24;
	s18 =	sand.u32 $0x40, s26;
	v3 =	vnsel vm9, $0x0, v6;
	[tilespmem:s9+$0x0] =	vst v25;
	v25 =	vld.idx.msk [tilespmem:v0+s20+$0x10 ss:$0x1], $0xffff  }
0x65: {  	v7 =	vadd.s32 $0xC350, v28;
	s29 =	simm.s32 $0xA0;
	s31 =	sadd.s32 s18, s24;
	[tilespmem:s25+$0x0] =	vst v3;
	v3 =	vadd.s32 $0x124F8, v24;
	s25 =	simm.s32 $0x90;
	v24 =	vld.idx.msk [tilespmem:v0+s20+$0x0 ss:$0x1], $0xffff;
	v19 =	vnsel vm4, $0x0, v19  }
0x66: {  	vm11 =	vmmov vm0;
	vm0 =	vmmov vm5;
	s0 =	sadd.s32 s19, s0;
	v6 =	vadd.s32 $0x124F8, v21;
	v21 =	vld.idx.msk [tilespmem:v31+s17+$0x0], $0xffff;
	s9 =	sand.u32 $0x50, s25;
	s28 =	rddreg [dreg:$0x4];
	[tilespmem:s31+$0x0] =	vst v19  }
0x67: {  	vm5 =	vmmov vm1;
	s13 =	sand.u32 $0x60, s29;
	v26 =	vnsel vm1, $0x0, v4;
	[tilespmem:s0+$0x0] =	vst v27;
	v22 =	vnsel vm2, $0x0, v30;
	s30 =	sadd.s32 s9, s24;
	v20 =	vld.idx.msk [tilespmem:v20+s17+$0x0], $0xffff  }
0x68: {  	v4 =	vadd.s32 $0x124F8, v28;
	v28 =	vadd.s32 $0xC350, v15;
	s26 =	sadd.s32 s13, s24;
	v30 =	vnsel vm3, $0x0, v33;
	[tilespmem:s30+$0x0] =	vst v22;
	v22 =	vld.idx.msk [tilespmem:v0+s20+$0x20 ss:$0x1], $0xffff  }
0x69: {  	vm1 =	vmmov vm7;
	v19 =	vnsel vm6, $0x0, v9;
	v9 =	vadd.s32 $0xFFFFFFFF, v18;
	[tilespmem:s26+$0x0] =	vst v30;
	s30 =	sadd.s32 s6, s15;
	v29 =	vld.idx.msk [tilespmem:v29+s17+$0x0], $0xffff  }
0x6a: {  	s11 =	sadd.s32 s11, s23;
	vm6 =	vmmov vm9;
	s24 =	sadd.s32 s7, s28;
	v16 =	vnsel vm10, $0x0, v16;
	vm7 =	vgt.s32 v9, $0x0;
	v27 =	vld.idx.msk [tilespmem:v32+s17+$0x0], $0xffff;
	[tilespmem:s30+$0x0] =	vst v23  }
0x6b: {  	[tilespmem:s11+$0x0] =	vst v17;
	s31 =	rddreg [dreg:$0x6];
	s29 =	sadd.s32 s2, s24;
	vm8 =	vgt.s32 v24, $0x0;
	v24 =	vadd.s32 $0xFFFFFFFF, v24;
	v35 =	vld.idx.msk [tilespmem:v11+s17+$0x0], $0xffff;
	v21 =	vnsel vm6, $0x0, v21  }
0x6c: {  	s15 =	sadd.s32 s16, s15;
	v9 =	vnsel vm7, $0x0, v9;
	s30 =	sadd.s32 s5, s31;
	vm9 =	vgt.s32 v24, $0x0;
	[tilespmem:s29+$0x0] =	vst v21;
	v21 =	vld.idx.msk [tilespmem:v14+s17+$0x0], $0xffff;
	v14 =	vadd.s32 $0xFFFFFFFF, v25  }
0x6d: {  	s0 =	sadd.s32 s19, s22;
	s20 =	sadd.s32 s6, s23;
	vm7 =	vgt.s32 v25, $0x0;
	[tilespmem:s15+$0x0] =	vst v26;
	s12 =	sadd.s32 s12, s30;
	v30 =	vnsel vm9, $0x0, v24;
	v25 =	vld.idx.msk [tilespmem:v28+s17+$0x0], $0xffff;
	vm9 =	vgt.s32 v14, $0x0  }
0x6e: {  	s6 =	sadd.s32 s16, s23;
	s26 =	sadd.s32 s4, s22;
	[tilespmem:s12+$0x0] =	vst v19;
	s29 =	sadd.s32 s21, s22;
	v11 =	vnsel vm4, $0x0, v20;
	v20 =	vld.idx.msk [tilespmem:v10+s17+$0x0], $0xffff;
	v23 =	vadd.s32 $0xFFFFFFFF, v22;
	v31 =	vnsel vm9, $0x0, v14  }
0x6f: {  	s23 =	simm.s32 $0x300;
	s5 =	simm.s32 $0xC;
	v26 =	vadd.s32 $0x61A8, v9;
	s12 =	sadd.s32 s18, s24;
	[tilespmem:s29+$0x0] =	vst v16;
	v28 =	vld.idx.msk [tilespmem:v12+s17+$0x0], $0xffff;
	v16 =	vadd.s32 $0x61A8, v30;
	vm12 =	vgt.s32 v23, $0x0  }
0x70: {  	s15 =	sadd.s32 s21, s30;
	s21 =	sadd.s32 s9, s24;
	s31 =	rddreg [dreg:$0x5];
	v19 =	vadd.s32 $0xC350, v30;
	[tilespmem:s12+$0x0] =	vst v11;
	v62 =	vld.idx.msk [tilespmem:v13+s17+$0x0], $0xffff;
	v11 =	vnsel vm2, $0x0, v29;
	v63 =	vnsel vm12, $0x0, v23  }
0x71: {  	s16 =	sand.u32 $0x600, s23;
	s29 =	sadd.s32 s13, s24;
	vm9 =	vgt.s32 v22, $0x0;
	v24 =	vld.idx.msk [tilespmem:v9+s17+$0x0], $0xffff;
	s25 =	sadd.s32 s7, s31;
	v27 =	vnsel vm3, $0x0, v27;
	v13 =	vadd.s32 $0x124F8, v30;
	[tilespmem:s21+$0x0] =	vst v11  }
0x72: {  	s23 =	simm.s32 $0xF0;
	s11 =	sadd.s32 s4, s30;
	v17 =	vadd.s32 $0x61A8, v31;
	v14 =	vadd.s32 $0xC350, v31;
	s31 =	sadd.s32 s2, s25;
	[tilespmem:s29+$0x0] =	vst v27;
	v23 =	vld.idx.msk [tilespmem:v30+s17+$0x0], $0xffff;
	v10 =	vnsel vm6, $0x0, v25  }
0x73: {  	s19 =	sadd.s32 s19, s30;
	s30 =	rddreg [dreg:$0x3];
	s4 =	simm.s32 $0x400;
	v11 =	vadd.s32 $0x124F8, v31;
	vm12 =	vgt.s32 v18, $0x0;
	v27 =	vnsel vm11, $0x0, v35;
	v22 =	vld.idx.msk [tilespmem:v31+s17+$0x0], $0xffff;
	[tilespmem:s31+$0x0] =	vst v10  }
0x74: {  	s24 =	sadd.s32 s18, s25;
	s22 =	sadd.s32 s9, s25;
	s12 =	sadd.s32 s13, s25;
	v15 =	vadd.s32 $0x61A8, v63;
	v12 =	vadd.s32 $0xC350, v63;
	v36 =	vnsel vm0, $0x0, v21;
	v21 =	vld.idx.msk [tilespmem:v34+s17+$0x0], $0xffff  }
0x75: {  	s25 =	sadd.s32 s16, s30;
	s21 =	sand.u32 $0x70, s23;
	v28 =	vnsel vm1, $0x0, v28;
	[tilespmem:s26+$0x0] =	vst v36;
	v10 =	vadd.s32 $0x124F8, v63;
	v29 =	vnsel vm10, $0x0, v62;
	v25 =	vld.idx.msk [tilespmem:v63+s17+$0x0], $0xffff;
	s28 =	rddreg [dreg:$0x6]  }
.LBB2_3:
0x76: {  	_ = 	snop  }
0x77: {  	s26 =	sshra.s32 s4, $0x2;
	v30 =	vld.idx.msk [tilespmem:v8+s17+$0x0], $0xffff;
	[tilespmem:s0+$0x0] =	vst v28  }
0x78: {  	s29 =	sadd.s32 s21, s25;
	vm10 =	vmmov vm4;
	vm4 =	vmmov vm8;
	s0 =	sadd.s32 $0xFFFFFFE0, s23;
	[tilespmem:s15+$0x0] =	vst v29;
	v18 =	vld.idx.msk [tilespmem:v0+s26+$0x30 ss:$0x1], $0xffff;
	v24 =	vnsel vm12, $0x0, v24  }
0x79: {  	vm11 =	vmmov vm0;
	vm0 =	vmmov vm2;
	vm2 =	vmmov vm7;
	s0 =	sand.u32 $0x50, s0;
	[tilespmem:s29+$0x0] =	vst v24;
	v24 =	vld.idx.msk [tilespmem:v0+s26+$0x0 ss:$0x1], $0xffff  }
0x7a: {  	v8 =	vmovc v19;
	s31 =	sadd.s32 $0xFFFFFFD0, s23;
	s7 =	sadd.s32 s7, s28;
	[tilespmem:s20+$0x0] =	vst v27;
	v19 =	vnsel vm5, $0x0, v20;
	s15 =	sadd.s32 s0, s25;
	v20 =	vnsel vm4, $0x0, v23;
	v23 =	vld.idx.msk [tilespmem:v26+s17+$0x0], $0xffff;
	v22 =	vnsel vm2, $0x0, v22  }
0x7b: {  	s30 =	sadd.s32 $0xFFFFFFF0, s23;
	s2 =	sadd.s32 s2, s7;
	s29 =	sand.u32 $0x40, s31;
	v26 =	vld.idx.msk [tilespmem:v0+s26+$0x10 ss:$0x1], $0xffff;
	v21 =	vnsel vm6, $0x0, v21;
	[tilespmem:s15+$0x0] =	vst v22  }
0x7c: {  	s30 =	sand.u32 $0x60, s30;
	vm5 =	vmmov vm1;
	vm1 =	vmmov vm3;
	vm3 =	vmmov vm9;
	s31 =	sadd.s32 s29, s25;
	v22 =	vld.idx.msk [tilespmem:v0+s26+$0x20 ss:$0x1], $0xffff;
	[tilespmem:s2+$0x0] =	vst v21  }
0x7d: {  	v27 =	vadd.s32 $0xC350, v9;
	v25 =	vnsel vm3, $0x0, v25;
	s25 =	sadd.s32 s30, s25;
	[tilespmem:s31+$0x0] =	vst v20;
	v20 =	vld.idx.msk [tilespmem:v17+s17+$0x0], $0xffff  }
0x7e: {  	s28 =	rddreg [dreg:$0x4];
	v34 =	vadd.s32 $0x124F8, v9;
	s15 =	sadd.s32 s18, s7;
	[tilespmem:s25+$0x0] =	vst v25;
	v21 =	vadd.s32 $0xFFFFFFFF, v18;
	v28 =	vld.idx.msk [tilespmem:v16+s17+$0x0], $0xffff  }
0x7f: {  	vm6 =	vmmov vm12;
	s26 =	sadd.s32 s9, s7;
	s31 =	sadd.s32 s13, s7;
	s7 =	sadd.s32 s16, s28;
	v17 =	vnsel vm10, $0x0, v30;
	v25 =	vld.idx.msk [tilespmem:v15+s17+$0x0], $0xffff;
	vm7 =	vgt.s32 v21, $0x0  }
0x80: {  	s20 =	smov.u32 s11;
	s11 =	sadd.s32 s21, s7;
	v29 =	vld.idx.msk [tilespmem:v7+s17+$0x0], $0xffff;
	[tilespmem:s6+$0x0] =	vst v19;
	v16 =	vadd.s32 $0xFFFFFFFF, v24;
	v21 =	vnsel vm7, $0x0, v21;
	v15 =	vnsel vm6, $0x0, v23  }
0x81: {  	s5 =	sadd.s32 $0x4, s5;
	s23 =	sadd.s32 $0x40, s23;
	v7 =	vmovc v14;
	v30 =	vld.idx.msk [tilespmem:v5+s17+$0x0], $0xffff;
	vm9 =	vgt.s32 v16, $0x0;
	vm7 =	vgt.s32 v26, $0x0;
	v14 =	vadd.s32 $0xFFFFFFFF, v26;
	[tilespmem:s11+$0x0] =	vst v15  }
0x82: {  	p0 =	slt.u32 s5, $0x18;
	s9 =	smov.u32 s0;
	s13 =	smov.u32 s30;
	v15 =	vadd.s32 $0xFFFFFFFF, v22;
	v26 =	vld.idx.msk [tilespmem:v27+s17+$0x0], $0xffff;
	v27 =	vnsel vm9, $0x0, v16;
	vm9 =	vgt.s32 v14, $0x0  }
0x83: {  	s18 =	smov.u32 s29;
	s0 =	smov.u32 s12;
	s2 =	smov.u32 s21;
	v35 =	vld.idx.msk [tilespmem:v2+s17+$0x0], $0xffff;
	v2 =	vmovc v4;
	[tilespmem:s24+$0x0] =	vst v17;
	vm8 =	vgt.s32 v24, $0x0;
	vm12 =	vgt.s32 v15, $0x0;
	v31 =	vnsel vm9, $0x0, v14  }
0x84: {  	s30 =	rddreg [dreg:$0x3];
	s29 =	sadd.s32 s18, s7;
	s28 =	sadd.s32 s9, s7;
	v4 =	vmovc v11;
	v5 =	vmovc v12;
	v32 =	vld.idx.msk [tilespmem:v6+s17+$0x0], $0xffff;
	v12 =	vnsel vm4, $0x0, v28;
	v11 =	vnsel vm2, $0x0, v20;
	v33 =	vnsel vm12, $0x0, v15  }
0x85: {  	s25 =	sadd.s32 s13, s7;
	s6 =	smov.u32 s19;
	s19 =	smov.u32 s31;
	v20 =	vld.idx.msk [tilespmem:v1+s17+$0x0], $0xffff;
	v36 =	vnsel vm0, $0x0, v29;
	vm9 =	vgt.s32 v22, $0x0;
	v16 =	vadd.s32 $0x61A8, v27  }
.Ltmp0:
0x86: {  	s7 =	smov.u32 s16;
	s24 =	rddreg [dreg:$0x5];
	v6 =	vmovc v13;
	v19 =	vadd.s32 $0xC350, v27;
	[tilespmem:s29+$0x0] =	vst v12;
	v28 =	vnsel vm1, $0x0, v30;
	v13 =	vadd.s32 $0x124F8, v27;
	v24 =	vld.idx.msk [tilespmem:v21+s17+$0x0], $0xffff;
	(pc) =	sbr.rel @p0 .LBB2_3-.Ltmp0, $4  }
0x87: {  	s16 =	sand.u32 $0x600, s4;
	s4 =	sadd.s32 $0x100, s4;
	s12 =	sadd.s32 s7, s24;
	v9 =	vmovc v21;
	[tilespmem:s28+$0x0] =	vst v11;
	vm12 =	vgt.s32 v18, $0x0;
	v17 =	vadd.s32 $0x61A8, v31;
	v21 =	vnsel vm3, $0x0, v25;
	v23 =	vld.idx.msk [tilespmem:v27+s17+$0x0], $0xffff  }
0x88: {  	s21 =	sand.u32 $0x70, s23;
	s24 =	sadd.s32 s18, s12;
	s31 =	sadd.s32 s2, s12;
	v1 =	vmovc v3;
	v3 =	vmovc v10;
	v15 =	vadd.s32 $0x61A8, v33;
	v14 =	vadd.s32 $0xC350, v31;
	[tilespmem:s25+$0x0] =	vst v21;
	v10 =	vnsel vm6, $0x0, v26;
	v22 =	vld.idx.msk [tilespmem:v31+s17+$0x0], $0xffff  }
0x89: {  	s11 =	smov.u32 s26;
	s26 =	smov.u32 s22;
	s22 =	sadd.s32 s9, s12;
	v12 =	vadd.s32 $0xC350, v33;
	v11 =	vadd.s32 $0x124F8, v31;
	v29 =	vnsel vm10, $0x0, v32;
	[tilespmem:s31+$0x0] =	vst v10;
	v25 =	vld.idx.msk [tilespmem:v33+s17+$0x0], $0xffff  }
0x8a: {  	s12 =	sadd.s32 s13, s12;
	s28 =	rddreg [dreg:$0x6];
	s25 =	sadd.s32 s16, s30;
	v26 =	vadd.s32 $0x61A8, v9;
	v27 =	vnsel vm11, $0x0, v35;
	v10 =	vadd.s32 $0x124F8, v33;
	[tilespmem:s26+$0x0] =	vst v36;
	v21 =	vld.idx.msk [tilespmem:v34+s17+$0x0], $0xffff  }
0x8b: {  	_ = 	snop  }
0x8c: {  	[tilespmem:s0+$0x0] =	vst v28  }
0x8d: {  	[tilespmem:s15+$0x0] =	vst v29  }
0x8e: {  	v0 =	vnsel vm12, $0x0, v24;
	s4 =	sadd.s32 s21, s25;
	s5 =	sadd.s32 $0xFFFFFFD0, s23;
	[tilespmem:s20+$0x0] =	vst v27  }
0x8f: {  	vm10 =	vmmov vm8;
	s26 =	sadd.s32 $0xFFFFFFE0, s23;
	v8 =	vld.idx.msk [tilespmem:v8+s17+$0x0], $0xffff;
	s30 =	sadd.s32 $0xFFFFFFF0, s23;
	v48 =	vnsel vm5, $0x0, v20;
	[tilespmem:s4+$0x0] =	vst v0;
	s4 =	sand.u32 $0x40, s5  }
0x90: {  	vm14 =	vmmov vm7;
	v5 =	vld.idx.msk [tilespmem:v5+s17+$0x0], $0xffff;
	v18 =	vnsel vm10, $0x0, v23;
	s0 =	sand.u32 $0x50, s26;
	[tilespmem:s6+$0x0] =	vst v48;
	s5 =	rddreg [dreg:$0x4];
	s29 =	sadd.s32 s4, s25  }
0x91: {  	vm9 =	vmmov vm9;
	v0 =	vld.idx.msk [tilespmem:v26+s17+$0x0], $0xffff;
	v40 =	vnsel vm14, $0x0, v22;
	s31 =	sadd.s32 s0, s25;
	[tilespmem:s29+$0x0] =	vst v18;
	s20 =	sadd.s32 s16, s5;
	s5 =	sand.u32 $0x60, s30  }
0x92: {  	s7 =	sadd.s32 s7, s28;
	[tilespmem:s31+$0x0] =	vst v40;
	v41 =	vnsel vm9, $0x0, v25;
	v16 =	vld.idx.msk [tilespmem:v16+s17+$0x0], $0xffff;
	s28 =	sadd.s32 s5, s25  }
0x93: {  	v39 =	vadd.s32 $0xC350, v9;
	vm4 =	vmmov vm4;
	s2 =	sadd.s32 s2, s7;
	v17 =	vld.idx.msk [tilespmem:v17+s17+$0x0], $0xffff;
	v42 =	vnsel vm6, $0x0, v21;
	[tilespmem:s28+$0x0] =	vst v41  }
0x94: {  	vm3 =	vmmov vm3;
	[tilespmem:s2+$0x0] =	vst v42;
	v44 =	vnsel vm4, $0x0, v8;
	v45 =	vld.idx.msk [tilespmem:v15+s17+$0x0], $0xffff  }
0x95: {  	vm15 =	vmmov vm12;
	v2 =	vld.idx.msk [tilespmem:v2+s17+$0x0], $0xffff;
	v5 =	vnsel vm3, $0x0, v5;
	[tilespmem:s24+$0x0] =	vst v44  }
0x96: {  	v1 =	vld.idx.msk [tilespmem:v1+s17+$0x0], $0xffff;
	s26 =	sadd.s32 s21, s20;
	[tilespmem:s12+$0x0] =	vst v5;
	v0 =	vnsel vm15, $0x0, v0  }
0x97: {  	v46 =	vld.idx.msk [tilespmem:v7+s17+$0x0], $0xffff;
	s30 =	sadd.s32 s4, s20;
	[tilespmem:s26+$0x0] =	vst v0;
	v47 =	vnsel vm10, $0x0, v16  }
0x98: {  	s31 =	sadd.s32 s0, s20;
	v43 =	vld.idx.msk [tilespmem:v39+s17+$0x0], $0xffff;
	s29 =	rddreg [dreg:$0x5];
	v50 =	vnsel vm14, $0x0, v17;
	[tilespmem:s30+$0x0] =	vst v47  }
0x99: {  	vm0 =	vmmov vm0;
	s20 =	sadd.s32 s5, s20;
	[tilespmem:s31+$0x0] =	vst v50;
	v51 =	vld.idx.msk [tilespmem:v19+s17+$0x0], $0xffff;
	v8 =	vnsel vm9, $0x0, v45  }
0x9a: {  	v49 =	vadd.s32 $0x124F8, v9;
	vm1 =	vmmov vm1;
	v2 =	vnsel vm0, $0x0, v2;
	v53 =	vld.idx.msk [tilespmem:v14+s17+$0x0], $0xffff;
	[tilespmem:s20+$0x0] =	vst v8  }
0x9b: {  	vm2 =	vmmov vm2;
	[tilespmem:s11+$0x0] =	vst v2;
	v1 =	vnsel vm1, $0x0, v1;
	v54 =	vld.idx.msk [tilespmem:v12+s17+$0x0], $0xffff  }
0x9c: {  	v6 =	vld.idx.msk [tilespmem:v6+s17+$0x0], $0xffff;
	[tilespmem:s19+$0x0] =	vst v1;
	v0 =	vnsel vm2, $0x0, v46;
	s2 =	sadd.s32 s16, s29  }
0x9d: {  	v3 =	vld.idx.msk [tilespmem:v3+s17+$0x0], $0xffff;
	[tilespmem:s22+$0x0] =	vst v0;
	vm10 =	vmmov vm10;
	s15 =	sadd.s32 s21, s2;
	v52 =	vnsel vm15, $0x0, v43  }
0x9e: {  	vm11 =	vmmov vm14;
	v56 =	vld.idx.msk [tilespmem:v4+s17+$0x0], $0xffff;
	s22 =	sadd.s32 s4, s2;
	[tilespmem:s15+$0x0] =	vst v52;
	v55 =	vnsel vm10, $0x0, v51  }
0x9f: {  	vm12 =	vmmov vm9;
	s24 =	sadd.s32 s0, s2;
	v7 =	vld.idx.msk [tilespmem:v49+s17+$0x0], $0xffff;
	s15 =	rddreg [dreg:$0x6];
	v57 =	vnsel vm11, $0x0, v53;
	[tilespmem:s22+$0x0] =	vst v55  }
0xa0: {  	s2 =	sadd.s32 s5, s2;
	[tilespmem:s24+$0x0] =	vst v57;
	v5 =	vld.idx.msk [tilespmem:v13+s17+$0x0], $0xffff;
	v0 =	vnsel vm12, $0x0, v54  }
0xa1: {  	s23 =	sadd.s32 s18, s7;
	vm14 =	vmmov vm3;
	v6 =	vnsel vm4, $0x0, v6;
	v59 =	vld.idx.msk [tilespmem:v11+s17+$0x0], $0xffff;
	[tilespmem:s2+$0x0] =	vst v0  }
0xa2: {  	vm13 =	vmmov vm2;
	s30 =	sadd.s32 s13, s7;
	v62 =	vnsel vm14, $0x0, v3;
	[tilespmem:s23+$0x0] =	vst v6;
	v60 =	vld.idx.msk [tilespmem:v10+s17+$0x0], $0xffff  }
0xa3: {  	s29 =	sadd.s32 s9, s7;
	[tilespmem:s30+$0x0] =	vst v62;
	v2 =	vnsel vm13, $0x0, v56;
	s25 =	sadd.s32 s16, s15  }
0xa4: {  	[tilespmem:s29+$0x0] =	vst v2;
	s26 =	sadd.s32 s21, s25;
	v58 =	vnsel vm15, $0x0, v7  }
0xa5: {  	vm0 =	vmmov vm11;
	s28 =	sadd.s32 s4, s25;
	[tilespmem:s26+$0x0] =	vst v58;
	v61 =	vnsel vm10, $0x0, v5  }
0xa6: {  	s0 =	sadd.s32 s0, s25;
	vm15 =	vmmov vm12;
	v0 =	vnsel vm0, $0x0, v59;
	[tilespmem:s28+$0x0] =	vst v61  }
0xa7: {  	s31 =	sadd.s32 s5, s25;
	[tilespmem:s0+$0x0] =	vst v0;
	v63 =	vnsel vm15, $0x0, v60  }
0xa8: {  	s2 =	smov.u32 s8;
	s0 =	simm.s32 $0x700;
	[tilespmem:s31+$0x0] =	vst v63  }
.LBB2_5:
0xa9: {  	s4 =	sshra.s32 s17, $0x2  }
0xaa: {  	s4 =	sadd.s32 s4, s1  }
0xab: {  	v0 =	vld [tilespmem:s4+$0x0];
	_ =	sdelay $0x4  }
0xac: {  	v1 =	vadd.s32 $0xFFFFFFFF, v0  }
0xad: {  	vm0 =	vgt.s32 v1, $0x0  }
0xae: {  	v1 =	vnsel vm0, $0x0, v1;
	_ =	sdelay $0x4  }
0xaf: {  	v2 =	vld.idx.msk [tilespmem:v1+s3+$0x0], $0xffff;
	_ =	sdelay $0x1  }
0xb0: {  	v3 =	vadd.s32 $0x61A8, v1;
	_ =	sdelay $0x1  }
0xb1: {  	s31 =	sand.u32 $0x3FFFFE00, s0;
	vm15 =	vgt.s32 v0, $0x0  }
0xb2: {  	s4 =	sadd.s32 s31, s2;
	v0 =	vnsel vm15, $0x0, v2  }
0xb3: {  	[tilespmem:s4+$0xFFFFF000] =	vst v0  }
0xb4: {  	v0 =	vld.idx.msk [tilespmem:v3+s3+$0x0], $0xffff;
	_ =	sdelay $0x1  }
0xb5: {  	v63 =	vadd.s32 $0xC350, v1;
	_ =	sdelay $0x2  }
0xb6: {  	v0 =	vnsel vm15, $0x0, v0  }
0xb7: {  	[tilespmem:s4+$0xFFFFF800] =	vst v0  }
0xb8: {  	v0 =	vld.idx.msk [tilespmem:v63+s3+$0x0], $0xffff;
	_ =	sdelay $0x1  }
0xb9: {  	v1 =	vadd.s32 $0x124F8, v1;
	_ =	sdelay $0x2  }
0xba: {  	v0 =	vnsel vm15, $0x0, v0  }
0xbb: {  	[tilespmem:s4+$0x0] =	vst v0  }
0xbc: {  	v0 =	vld.idx.msk [tilespmem:v1+s3+$0x0], $0xffff  }
0xbd: {  	p0 =	sne.s32 s17, $0x80  }
.Ltmp1:
0xbe: {  	_ = 	snop;
	(pc) =	sbr.rel @p0 .LBB2_5-.Ltmp1, $3  }
0xbf: {  	_ =	sdelay $0x1  }
0xc0: {  	v0 =	vnsel vm15, $0x0, v0  }
0xc1: {  	s0 =	sadd.s32 $0x40, s0;
	s17 =	sadd.s32 $0x40, s17;
	s2 =	sadd.s32 $0x10, s2;
	[tilespmem:s4+$0x800] =	vst v0  }
0xc2: {  	s14 =	sadd.s32 $0x1, s14  }
0xc3: {  	p0 =	sne.s32 s14, $0x4  }
.Ltmp2:
0xc4: {  	_ = 	snop;
	(pc) =	sbr.rel @p0 .LBB2_2-.Ltmp2, $2  }
0xc5: {  	_ =	sdelay $0x2  }
0xc6: {  	s10 =	sadd.s32 $0x1F0, s10;
	s1 =	sadd.s32 $0x1F0, s1;
	s8 =	sadd.s32 $0x80, s8  }
0xc7: {  	s1 =	sld [smem:$0x7EC];
	_ =	sdelay $0x1  }
0xc8: {  	s2 =	simm.s32 $0x200;
	s4 =	simm.s32 $0x400;
	s0 =	simm.s32 $0x19680  }
0xc9: {  	[hbm4b:s1+s2] =	stream.strided.scatter [tilespmem:s0], [sflag:$0x3], $0x800, s4, s2, $0x38;
	[tilespmem:$0x1D680] =	vst v63  }
0xca: {  	s5 =	simm.s32 $0x19E80;
	s24 =	sadd.s32 $0x7C00, s1  }
0xcb: {  	[hbm4b:s24+s2] =	stream.strided.scatter [tilespmem:s5], [sflag:$0x3], $0x800, s4, s2, $0x38;
	[tilespmem:$0x1D680] =	vst v63  }
0xcc: {  	s26 =	simm.s32 $0x1A680;
	s25 =	sadd.s32 $0xF800, s1  }
0xcd: {  	[hbm4b:s25+s2] =	stream.strided.scatter [tilespmem:s26], [sflag:$0x3], $0x800, s4, s2, $0x38;
	[tilespmem:$0x1D680] =	vst v63  }
0xce: {  	s29 =	simm.s32 $0x1AE80;
	s30 =	sld [smem:$0x7ED];
	s28 =	sadd.s32 $0x17400, s1  }
0xcf: {  	[hbm4b:s28+s2] =	stream.strided.scatter [tilespmem:s29], [sflag:$0x3], $0x800, s4, s2, $0x38;
	[tilespmem:$0x1D680] =	vst v63  }
0xd0: {  	s10 =	simm.s32 $0x0;
	s31 =	simm.s32 $0x2;
	s1 =	simm.s32 $0x18700  }
0xd1: {  	[tilespmem:s1], [sflag:$0x1] =	stream.linear.gather [hbm4b:s30+s10], $0x7C0, $0x38;
	[tilespmem:$0x1D680] =	vst v63  }
0xd2: {  	_ =	swait.ge [sflag:s31], $0x7C0  }
0xd3: {  	s21 =	simm.s32 $0x19080;
	[sflag:s31] =	ssyncset.done $0x0  }
0xd4: {  	s0 =	simm.s32 $0x0;
	s4 =	simm.s32 $0x1B6C0;
	[sflag:s31] =	ssyncadd.s32 $0xFFFFF840  }
.LBB2_8:
0xd5: {  	[smem:$0x7E3] =	sst s4  }
0xd6: {  	[smem:$0x7E4] =	sst s0;
	s17 =	sshll.u32 s0, $0x7  }
0xd7: {  	[smem:$0x7E5] =	sst s1;
	v0 =	vmov s1;
	s2 =	sadd.s32 $0x1B680, s17  }
0xd8: {  	s18 =	sadd.s32 $0x1BE80, s17;
	[dreg:$0x7] =	wrdreg s2  }
0xd9: {  	s19 =	sadd.s32 $0x1C680, s17;
	[dreg:$0x8] =	wrdreg s18  }
0xda: {  	s0 =	sadd.s32 $0x1CE80, s17;
	[dreg:$0x9] =	wrdreg s19  }
0xdb: {  	s20 =	simm.s32 $0x0;
	[dreg:$0xa] =	wrdreg s0  }
0xdc: {  	v1 =	vld.idx.msk [tilespmem:v0+s20+$0x7F0 ss:$0x1], $0xffff  }
0xdd: {  	v2 =	vld.idx.msk [tilespmem:v0+s20+$0x7C0 ss:$0x1], $0xffff;
	_ =	sdelay $0x1  }
0xde: {  	v3 =	vld.idx.msk [tilespmem:v0+s20+$0x7D0 ss:$0x1], $0xffff;
	_ =	sdelay $0x1  }
0xdf: {  	v4 =	vld.idx.msk [tilespmem:v0+s20+$0x7E0 ss:$0x1], $0xffff;
	v5 =	vadd.s32 $0xFFFFFFFF, v1  }
0xe0: {  	v6 =	vadd.s32 $0xFFFFFFFF, v2;
	vm0 =	vgt.s32 v5, $0x0  }
0xe1: {  	v5 =	vnsel vm0, $0x0, v5;
	vm0 =	vgt.s32 v6, $0x0  }
0xe2: {  	v7 =	vadd.s32 $0xFFFFFFFF, v3;
	v6 =	vnsel vm0, $0x0, v6  }
0xe3: {  	vm0 =	vgt.s32 v7, $0x0  }
0xe4: {  	s25 =	simm.s32 $0x40;
	v8 =	vadd.s32 $0xFFFFFFFF, v4;
	v7 =	vnsel vm0, $0x0, v7  }
0xe5: {  	v13 =	vld.idx.msk [tilespmem:v0+s25+$0x7F0 ss:$0x1], $0xffff;
	vm0 =	vgt.s32 v8, $0x0  }
0xe6: {  	v8 =	vnsel vm0, $0x0, v8;
	v9 =	vld.idx.msk [tilespmem:v5+s10+$0x0], $0xffff  }
0xe7: {  	v11 =	vld.idx.msk [tilespmem:v6+s10+$0x0], $0xffff  }
0xe8: {  	v14 =	vld.idx.msk [tilespmem:v0+s25+$0x7D0 ss:$0x1], $0xffff;
	v10 =	vadd.s32 $0x61A8, v5  }
0xe9: {  	s23 =	simm.s32 $0x30;
	s7 =	sand.u32 $0x600, s10;
	s22 =	rddreg [dreg:$0x7];
	vm1 =	vgt.s32 v3, $0x0;
	v3 =	vadd.s32 $0x61A8, v6;
	v12 =	vld.idx.msk [tilespmem:v7+s10+$0x0], $0xffff  }
0xea: {  	s8 =	simm.s32 $0x0;
	s2 =	sand.u32 $0x70, s23;
	s24 =	sadd.s32 s7, s22;
	v16 =	vld.idx.msk [tilespmem:v0+s25+$0x7E0 ss:$0x1], $0xffff;
	vm2 =	vgt.s32 v1, $0x0;
	vm4 =	vgt.s32 v4, $0x0;
	vm0 =	vgt.s32 v2, $0x0  }
0xeb: {  	s16 =	sand.u32 $0x40, s8;
	s5 =	sadd.s32 s2, s24;
	v4 =	vadd.s32 $0x61A8, v7;
	vm3 =	vmmov vm0;
	v1 =	vld.idx.msk [tilespmem:v8+s10+$0x0], $0xffff;
	v9 =	vnsel vm2, $0x0, v9  }
0xec: {  	s26 =	simm.s32 $0x10;
	s9 =	sadd.s32 s16, s24;
	v17 =	vadd.s32 $0xFFFFFFFF, v13;
	v2 =	vld.idx.msk [tilespmem:v0+s25+$0x7C0 ss:$0x1], $0xffff;
	vm0 =	vmmov vm1;
	[tilespmem:s5+$0x0] =	vst v9;
	v11 =	vnsel vm3, $0x0, v11  }
0xed: {  	s11 =	sand.u32 $0x50, s26;
	vm1 =	vmmov vm4;
	vm4 =	vgt.s32 v17, $0x0;
	v9 =	vld.idx.msk [tilespmem:v10+s10+$0x0], $0xffff;
	v10 =	vadd.s32 $0x61A8, v8;
	s6 =	rddreg [dreg:$0x8];
	[tilespmem:s9+$0x0] =	vst v11  }
0xee: {  	s0 =	simm.s32 $0x20;
	v17 =	vnsel vm4, $0x0, v17;
	s5 =	sadd.s32 s11, s24;
	v12 =	vnsel vm0, $0x0, v12;
	v3 =	vld.idx.msk [tilespmem:v3+s10+$0x0], $0xffff  }
0xef: {  	s18 =	sand.u32 $0x60, s0;
	v15 =	vadd.s32 $0xC350, v5;
	[tilespmem:s5+$0x0] =	vst v12  }
0xf0: {  	s4 =	sadd.s32 s18, s24;
	v1 =	vnsel vm1, $0x0, v1;
	v4 =	vld.idx.msk [tilespmem:v4+s10+$0x0], $0xffff  }
0xf1: {  	vm7 =	vgt.s32 v16, $0x0;
	v22 =	vadd.s32 $0xC350, v6;
	vm2 =	vmmov vm2;
	s1 =	sadd.s32 s7, s6;
	[tilespmem:s4+$0x0] =	vst v1  }
0xf2: {  	v23 =	vadd.s32 $0xC350, v7;
	v11 =	vadd.s32 $0xFFFFFFFF, v2;
	s8 =	sadd.s32 s2, s1;
	v9 =	vnsel vm2, $0x0, v9;
	v19 =	vld.idx.msk [tilespmem:v10+s10+$0x0], $0xffff  }
0xf3: {  	vm4 =	vgt.s32 v11, $0x0;
	v12 =	vld.idx.msk [tilespmem:v17+s10+$0x0], $0xffff;
	[tilespmem:s8+$0x0] =	vst v9;
	v9 =	vadd.s32 $0xFFFFFFFF, v14;
	v3 =	vnsel vm3, $0x0, v3  }
0xf4: {  	s20 =	simm.s32 $0x80;
	s22 =	sadd.s32 s16, s1;
	v1 =	vld.idx.msk [tilespmem:v15+s10+$0x0], $0xffff;
	v15 =	vnsel vm4, $0x0, v11;
	vm4 =	vgt.s32 v9, $0x0;
	v11 =	vadd.s32 $0xFFFFFFFF, v16  }
0xf5: {  	s23 =	sadd.s32 s11, s1;
	s4 =	rddreg [dreg:$0x9];
	v16 =	vld.idx.msk [tilespmem:v0+s20+$0x7F0 ss:$0x1], $0xffff;
	[tilespmem:s22+$0x0] =	vst v3;
	v3 =	vnsel vm0, $0x0, v4;
	v9 =	vnsel vm4, $0x0, v9;
	vm4 =	vgt.s32 v11, $0x0  }
0xf6: {  	s12 =	simm.s32 $0x100;
	s14 =	simm.s32 $0x70;
	vm6 =	vgt.s32 v13, $0x0;
	[tilespmem:s23+$0x0] =	vst v3;
	v3 =	vld.idx.msk [tilespmem:v0+s20+$0x7D0 ss:$0x1], $0xffff;
	v18 =	vnsel vm4, $0x0, v11  }
0xf7: {  	s12 =	sand.u32 $0x600, s12;
	vm5 =	vgt.s32 v14, $0x0;
	v21 =	vadd.s32 $0x61A8, v17;
	s9 =	rddreg [dreg:$0x7];
	s0 =	sadd.s32 s18, s1;
	v23 =	vld.idx.msk [tilespmem:v23+s10+$0x0], $0xffff;
	v4 =	vnsel vm1, $0x0, v19  }
0xf8: {  	vm5 =	vmmov vm5;
	vm7 =	vmmov vm7;
	v24 =	vadd.s32 $0xC350, v8;
	s17 =	sadd.s32 s12, s9;
	s5 =	sand.u32 $0x70, s14;
	[tilespmem:s0+$0x0] =	vst v4;
	v4 =	vld.idx.msk [tilespmem:v22+s10+$0x0], $0xffff  }
0xf9: {  	v5 =	vadd.s32 $0x124F8, v5;
	s15 =	sadd.s32 s7, s4;
	s4 =	sadd.s32 s5, s17;
	vm4 =	vgt.s32 v2, $0x0;
	v2 =	vnsel vm6, $0x0, v12;
	v20 =	vld.idx.msk [tilespmem:v15+s10+$0x0], $0xffff  }
0xfa: {  	v6 =	vadd.s32 $0x124F8, v6;
	v10 =	vadd.s32 $0x124F8, v8;
	s13 =	sadd.s32 s2, s15;
	[tilespmem:s4+$0x0] =	vst v2;
	v1 =	vnsel vm2, $0x0, v1;
	v25 =	vld.idx.msk [tilespmem:v9+s10+$0x0], $0xffff  }
0xfb: {  	vm3 =	vmmov vm3;
	vm0 =	vmmov vm0;
	v26 =	vadd.s32 $0xC350, v15;
	[tilespmem:s13+$0x0] =	vst v1;
	v1 =	vld.idx.msk [tilespmem:v18+s10+$0x0], $0xffff  }
0xfc: {  	s25 =	simm.s32 $0x40;
	s24 =	simm.s32 $0x50;
	v13 =	vadd.s32 $0x124F8, v15;
	v11 =	vadd.s32 $0x124F8, v7;
	v2 =	vadd.s32 $0x61A8, v9;
	v21 =	vld.idx.msk [tilespmem:v21+s10+$0x0], $0xffff  }
0xfd: {  	s22 =	sand.u32 $0x40, s25;
	v7 =	vadd.s32 $0x61A8, v15;
	v19 =	vld.idx.msk [tilespmem:v0+s20+$0x7C0 ss:$0x1], $0xffff;
	s4 =	sand.u32 $0x50, s24;
	vm4 =	vmmov vm4;
	s24 =	sadd.s32 s16, s15;
	v4 =	vnsel vm3, $0x0, v4  }
0xfe: {  	s26 =	simm.s32 $0x60;
	s14 =	sadd.s32 s22, s17;
	v14 =	vadd.s32 $0xC350, v9;
	v8 =	vadd.s32 $0x61A8, v18;
	v15 =	vnsel vm4, $0x0, v20;
	v20 =	vld.idx.msk [tilespmem:v0+s20+$0x7E0 ss:$0x1], $0xffff;
	s20 =	rddreg [dreg:$0xa];
	[tilespmem:s24+$0x0] =	vst v4  }
0xff: {  	s19 =	sand.u32 $0x60, s26;
	vm6 =	vmmov vm6;
	v12 =	vadd.s32 $0xC350, v18;
	s1 =	sadd.s32 s4, s17;
	s13 =	rddreg [dreg:$0x8];
	v5 =	vld.idx.msk [tilespmem:v5+s10+$0x0], $0xffff;
	v22 =	vnsel vm5, $0x0, v25;
	[tilespmem:s14+$0x0] =	vst v15  }
0x100: {  	s6 =	sadd.s32 s19, s17;
	vm1 =	vmmov vm1;
	s17 =	sadd.s32 s12, s13;
	v4 =	vld.idx.msk [tilespmem:v24+s10+$0x0], $0xffff;
	v25 =	vadd.s32 $0xC350, v17;
	[tilespmem:s1+$0x0] =	vst v22;
	v1 =	vnsel vm7, $0x0, v1  }
0x101: {  	vm10 =	vmmov vm4;
	s23 =	sadd.s32 s5, s17;
	v22 =	vld.idx.msk [tilespmem:v2+s10+$0x0], $0xffff;
	v2 =	vadd.s32 $0xFFFFFFFF, v16;
	[tilespmem:s6+$0x0] =	vst v1;
	v1 =	vnsel vm6, $0x0, v21  }
0x102: {  	v7 =	vld.idx.msk [tilespmem:v7+s10+$0x0], $0xffff;
	v21 =	vadd.s32 $0xFFFFFFFF, v19;
	vm8 =	vgt.s32 v2, $0x0;
	[tilespmem:s23+$0x0] =	vst v1;
	v1 =	vadd.s32 $0xFFFFFFFF, v3  }
0x103: {  	v27 =	vld.idx.msk [tilespmem:v8+s10+$0x0], $0xffff;
	v15 =	vnsel vm8, $0x0, v2;
	vm8 =	vgt.s32 v21, $0x0;
	v2 =	vadd.s32 $0x124F8, v9  }
0x104: {  	v9 =	vadd.s32 $0x124F8, v17;
	v17 =	vld.idx.msk [tilespmem:v6+s10+$0x0], $0xffff;
	v21 =	vnsel vm8, $0x0, v21;
	vm8 =	vgt.s32 v1, $0x0  }
0x105: {  	vm9 =	vgt.s32 v16, $0x0;
	s24 =	simm.s32 $0xC0;
	v8 =	vld.idx.msk [tilespmem:v25+s10+$0x0], $0xffff;
	v25 =	vadd.s32 $0xFFFFFFFF, v20;
	v28 =	vnsel vm8, $0x0, v1  }
0x106: {  	s13 =	sadd.s32 s4, s17;
	vm8 =	vgt.s32 v25, $0x0;
	v1 =	vadd.s32 $0x124F8, v18;
	v18 =	vld.idx.msk [tilespmem:v0+s24+$0x7F0 ss:$0x1], $0xffff;
	v22 =	vnsel vm5, $0x0, v22  }
0x107: {  	v23 =	vnsel vm0, $0x0, v23;
	vm11 =	vgt.s32 v19, $0x0;
	s6 =	rddreg [dreg:$0x9];
	v24 =	vnsel vm8, $0x0, v25;
	[tilespmem:s13+$0x0] =	vst v22;
	v22 =	vld.idx.msk [tilespmem:v0+s24+$0x7C0 ss:$0x1], $0xffff  }
0x108: {  	v31 =	vadd.s32 $0x61A8, v15;
	v25 =	vnsel vm2, $0x0, v5;
	vm2 =	vgt.s32 v3, $0x0;
	v5 =	vld.idx.msk [tilespmem:v15+s10+$0x0], $0xffff  }
0x109: {  	s14 =	sadd.s32 s22, s17;
	s17 =	sadd.s32 s19, s17;
	s0 =	sadd.s32 s12, s6;
	vm8 =	vgt.s32 v20, $0x0;
	v20 =	vadd.s32 $0x61A8, v21;
	v27 =	vnsel vm7, $0x0, v27;
	v19 =	vld.idx.msk [tilespmem:v21+s10+$0x0], $0xffff  }
0x10a: {  	s26 =	simm.s32 $0x200;
	s6 =	sadd.s32 s5, s0;
	v29 =	vadd.s32 $0x61A8, v28;
	v32 =	vadd.s32 $0x61A8, v24;
	[tilespmem:s17+$0x0] =	vst v27;
	v3 =	vnsel vm6, $0x0, v8;
	v30 =	vld.idx.msk [tilespmem:v28+s10+$0x0], $0xffff  }
0x10b: {  	s25 =	rddreg [dreg:$0x7];
	s1 =	simm.s32 $0xB0;
	v6 =	vadd.s32 $0xC350, v24;
	vm2 =	vmmov vm2;
	v27 =	vld.idx.msk [tilespmem:v0+s24+$0x7D0 ss:$0x1], $0xffff;
	[tilespmem:s6+$0x0] =	vst v3;
	v3 =	vnsel vm4, $0x0, v7;
	s6 =	sand.u32 $0x600, s26  }
0x10c: {  	s23 =	sand.u32 $0x70, s1;
	v17 =	vnsel vm3, $0x0, v17;
	vm3 =	vmmov vm8;
	v8 =	vadd.s32 $0xC350, v21;
	[tilespmem:s14+$0x0] =	vst v3;
	s14 =	sadd.s32 s6, s25;
	v33 =	vld.idx.msk [tilespmem:v24+s10+$0x0], $0xffff;
	s25 =	simm.s32 $0x80  }
0x10d: {  	v7 =	vadd.s32 $0xC350, v28;
	s26 =	simm.s32 $0x90;
	vm4 =	vmmov vm11;
	s9 =	sadd.s32 s23, s14;
	v16 =	vld.idx.msk [tilespmem:v26+s10+$0x0], $0xffff;
	s13 =	sand.u32 $0x40, s25;
	v3 =	vnsel vm9, $0x0, v5  }
0x10e: {  	s7 =	sadd.s32 s7, s20;
	vm11 =	vmmov vm0;
	vm0 =	vmmov vm5;
	v9 =	vld.idx.msk [tilespmem:v9+s10+$0x0], $0xffff;
	s8 =	sand.u32 $0x50, s26;
	s28 =	sadd.s32 s13, s14;
	[tilespmem:s9+$0x0] =	vst v3;
	v19 =	vnsel vm4, $0x0, v19  }
0x10f: {  	s1 =	simm.s32 $0xA0;
	s17 =	sadd.s32 s8, s14;
	v5 =	vadd.s32 $0x124F8, v21;
	v3 =	vadd.s32 $0x124F8, v24;
	v21 =	vld.idx.msk [tilespmem:v31+s10+$0x0], $0xffff;
	v24 =	vnsel vm2, $0x0, v30;
	s26 =	rddreg [dreg:$0x8];
	[tilespmem:s28+$0x0] =	vst v19  }
0x110: {  	s2 =	sadd.s32 s2, s7;
	vm5 =	vmmov vm1;
	v26 =	vnsel vm1, $0x0, v4;
	v4 =	vadd.s32 $0x124F8, v28;
	s9 =	sand.u32 $0x60, s1;
	[tilespmem:s17+$0x0] =	vst v24;
	v24 =	vld.idx.msk [tilespmem:v0+s24+$0x7E0 ss:$0x1], $0xffff  }
0x111: {  	[tilespmem:s2+$0x0] =	vst v25;
	v28 =	vadd.s32 $0xC350, v15;
	vm1 =	vmmov vm7;
	s14 =	sadd.s32 s9, s14;
	v30 =	vnsel vm3, $0x0, v33;
	v20 =	vld.idx.msk [tilespmem:v20+s10+$0x0], $0xffff  }
0x112: {  	vm8 =	vgt.s32 v22, $0x0;
	v22 =	vadd.s32 $0xFFFFFFFF, v22;
	s17 =	sadd.s32 s22, s0;
	v19 =	vld.idx.msk [tilespmem:v29+s10+$0x0], $0xffff;
	[tilespmem:s14+$0x0] =	vst v30;
	v16 =	vnsel vm10, $0x0, v16  }
0x113: {  	s1 =	sadd.s32 s16, s7;
	s25 =	sadd.s32 s6, s26;
	s24 =	rddreg [dreg:$0xa];
	v29 =	vnsel vm6, $0x0, v9;
	vm6 =	vmmov vm9;
	v9 =	vadd.s32 $0xFFFFFFFF, v18;
	v25 =	vld.idx.msk [tilespmem:v32+s10+$0x0], $0xffff;
	[tilespmem:s17+$0x0] =	vst v16  }
0x114: {  	s30 =	rddreg [dreg:$0x7];
	s20 =	sadd.s32 s18, s7;
	[tilespmem:s1+$0x0] =	vst v17;
	s26 =	sadd.s32 s23, s25;
	vm9 =	vgt.s32 v22, $0x0;
	vm7 =	vgt.s32 v9, $0x0;
	v31 =	vld.idx.msk [tilespmem:v13+s10+$0x0], $0xffff;
	v21 =	vnsel vm6, $0x0, v21  }
0x115: {  	s29 =	sadd.s32 s19, s0;
	s16 =	sadd.s32 s11, s7;
	s14 =	sadd.s32 s11, s15;
	v9 =	vnsel vm7, $0x0, v9;
	vm7 =	vgt.s32 v27, $0x0;
	[tilespmem:s26+$0x0] =	vst v21;
	v21 =	vld.idx.msk [tilespmem:v14+s10+$0x0], $0xffff;
	v14 =	vadd.s32 $0xFFFFFFFF, v27  }
0x116: {  	s7 =	sadd.s32 s4, s0;
	s15 =	sadd.s32 s18, s15;
	s18 =	sadd.s32 s12, s24;
	[tilespmem:s14+$0x0] =	vst v23;
	v27 =	vnsel vm9, $0x0, v22;
	v22 =	vadd.s32 $0xFFFFFFFF, v24;
	v23 =	vld.idx.msk [tilespmem:v28+s10+$0x0], $0xffff;
	vm9 =	vgt.s32 v14, $0x0  }
0x117: {  	v62 =	vadd.s32 $0x124F8, v15;
	s28 =	simm.s32 $0xF0;
	s12 =	simm.s32 $0x300;
	[tilespmem:s15+$0x0] =	vst v26;
	s14 =	sadd.s32 s5, s18;
	v63 =	vld.idx.msk [tilespmem:v11+s10+$0x0], $0xffff;
	vm12 =	vgt.s32 v22, $0x0;
	v30 =	vnsel vm9, $0x0, v14  }
0x118: {  	s24 =	simm.s32 $0xC;
	s1 =	sadd.s32 s13, s25;
	s5 =	sadd.s32 s22, s18;
	[tilespmem:s14+$0x0] =	vst v29;
	v26 =	vadd.s32 $0x61A8, v9;
	v11 =	vnsel vm4, $0x0, v20;
	v20 =	vld.idx.msk [tilespmem:v10+s10+$0x0], $0xffff;
	v34 =	vnsel vm12, $0x0, v22  }
0x119: {  	s2 =	sadd.s32 s4, s18;
	s15 =	sadd.s32 s8, s25;
	v28 =	vld.idx.msk [tilespmem:v12+s10+$0x0], $0xffff;
	s17 =	rddreg [dreg:$0x9];
	v16 =	vadd.s32 $0x61A8, v27;
	[tilespmem:s1+$0x0] =	vst v11;
	v11 =	vnsel vm2, $0x0, v19;
	v19 =	vadd.s32 $0xC350, v27  }
0x11a: {  	s18 =	sadd.s32 s19, s18;
	v13 =	vadd.s32 $0x124F8, v27;
	vm9 =	vgt.s32 v24, $0x0;
	s11 =	sadd.s32 s6, s17;
	s17 =	sadd.s32 s9, s25;
	[tilespmem:s15+$0x0] =	vst v11;
	v11 =	vnsel vm3, $0x0, v25;
	v24 =	vld.idx.msk [tilespmem:v9+s10+$0x0], $0xffff  }
0x11b: {  	s19 =	simm.s32 $0x0;
	s15 =	simm.s32 $0x400;
	vm12 =	vgt.s32 v18, $0x0;
	s22 =	sadd.s32 s23, s11;
	[tilespmem:s17+$0x0] =	vst v11;
	v35 =	vnsel vm0, $0x0, v21;
	v10 =	vnsel vm6, $0x0, v23;
	v23 =	vld.idx.msk [tilespmem:v27+s10+$0x0], $0xffff  }
0x11c: {  	v17 =	vadd.s32 $0x61A8, v30;
	v15 =	vadd.s32 $0x61A8, v34;
	v14 =	vadd.s32 $0xC350, v30;
	s4 =	sadd.s32 s13, s11;
	s26 =	sadd.s32 s8, s11;
	s25 =	sadd.s32 s9, s11;
	[tilespmem:s7+$0x0] =	vst v35;
	v22 =	vld.idx.msk [tilespmem:v30+s10+$0x0], $0xffff  }
0x11d: {  	v12 =	vadd.s32 $0xC350, v34;
	v11 =	vadd.s32 $0x124F8, v30;
	v29 =	vnsel vm10, $0x0, v31;
	s11 =	simm.s32 $0x0;
	s7 =	simm.s32 $0x0;
	[tilespmem:s22+$0x0] =	vst v10;
	s22 =	sand.u32 $0x600, s12;
	v25 =	vld.idx.msk [tilespmem:v34+s10+$0x0], $0xffff  }
0x11e: {  	v28 =	vnsel vm1, $0x0, v28;
	v27 =	vnsel vm11, $0x0, v63;
	v10 =	vadd.s32 $0x124F8, v34;
	s12 =	sand.u32 $0x70, s28;
	v21 =	vld.idx.msk [tilespmem:v62+s10+$0x0], $0xffff;
	s30 =	sadd.s32 s22, s30;
	s31 =	rddreg [dreg:$0xa]  }
.LBB2_9:
0x11f: {  	_ = 	snop  }
0x120: {  	s0 =	sshra.s32 s15, $0x2;
	v30 =	vld.idx.msk [tilespmem:v8+s7+$0x0], $0xffff;
	[tilespmem:s29+$0x0] =	vst v28  }
0x121: {  	s14 =	sadd.s32 s12, s30;
	vm10 =	vmmov vm4;
	[tilespmem:s5+$0x0] =	vst v29;
	v18 =	vld.idx.msk [tilespmem:v0+s0+$0x7F0 ss:$0x1], $0xffff;
	v24 =	vnsel vm12, $0x0, v24  }
0x122: {  	vm4 =	vmmov vm8;
	s29 =	sadd.s32 $0xFFFFFFE0, s28;
	vm11 =	vmmov vm0;
	vm0 =	vmmov vm2;
	[tilespmem:s14+$0x0] =	vst v24;
	v24 =	vld.idx.msk [tilespmem:v0+s0+$0x7C0 ss:$0x1], $0xffff  }
0x123: {  	v8 =	vmovc v19;
	s1 =	sadd.s32 $0xFFFFFFD0, s28;
	vm2 =	vmmov vm7;
	[tilespmem:s16+$0x0] =	vst v27;
	s29 =	sand.u32 $0x50, s29;
	v19 =	vnsel vm5, $0x0, v20;
	v20 =	vnsel vm4, $0x0, v23;
	v23 =	vld.idx.msk [tilespmem:v26+s19+$0x0], $0xffff  }
0x124: {  	s24 =	sadd.s32 $0x4, s24;
	s14 =	sand.u32 $0x40, s1;
	s1 =	sadd.s32 s29, s30;
	v22 =	vnsel vm2, $0x0, v22;
	v26 =	vld.idx.msk [tilespmem:v0+s0+$0x7D0 ss:$0x1], $0xffff  }
0x125: {  	s17 =	sadd.s32 $0xFFFFFFF0, s28;
	s6 =	sadd.s32 s6, s31;
	v27 =	vadd.s32 $0xC350, v9;
	vm5 =	vmmov vm1;
	s16 =	sadd.s32 s14, s30;
	[tilespmem:s1+$0x0] =	vst v22;
	v22 =	vld.idx.msk [tilespmem:v0+s0+$0x7E0 ss:$0x1], $0xffff  }
0x126: {  	s31 =	rddreg [dreg:$0x8];
	s17 =	sand.u32 $0x60, s17;
	s23 =	sadd.s32 s23, s6;
	vm1 =	vmmov vm3;
	vm3 =	vmmov vm9;
	v21 =	vnsel vm6, $0x0, v21;
	[tilespmem:s16+$0x0] =	vst v20;
	v20 =	vld.idx.msk [tilespmem:v17+s19+$0x0], $0xffff  }
0x127: {  	v34 =	vadd.s32 $0x124F8, v9;
	s5 =	sadd.s32 s13, s6;
	v25 =	vnsel vm3, $0x0, v25;
	s0 =	sadd.s32 s17, s30;
	s1 =	sadd.s32 s8, s6;
	[tilespmem:s23+$0x0] =	vst v21;
	v21 =	vadd.s32 $0xFFFFFFFF, v18;
	v28 =	vld.idx.msk [tilespmem:v16+s19+$0x0], $0xffff  }
0x128: {  	vm6 =	vmmov vm12;
	s6 =	sadd.s32 s9, s6;
	s9 =	smov.u32 s17;
	s17 =	sadd.s32 s22, s31;
	v17 =	vnsel vm10, $0x0, v30;
	[tilespmem:s0+$0x0] =	vst v25;
	v29 =	vld.idx.msk [tilespmem:v7+s7+$0x0], $0xffff;
	vm7 =	vgt.s32 v21, $0x0  }
0x129: {  	s28 =	sadd.s32 $0x40, s28;
	p0 =	slt.u32 s24, $0x18;
	s23 =	sadd.s32 s12, s17;
	v25 =	vld.idx.msk [tilespmem:v15+s19+$0x0], $0xffff;
	v16 =	vadd.s32 $0xFFFFFFFF, v24;
	v21 =	vnsel vm7, $0x0, v21;
	v15 =	vnsel vm6, $0x0, v23  }
0x12a: {  	s13 =	smov.u32 s14;
	s14 =	smov.u32 s26;
	s26 =	rddreg [dreg:$0x9];
	v7 =	vmovc v14;
	v35 =	vld.idx.msk [tilespmem:v2+s11+$0x0], $0xffff;
	vm9 =	vgt.s32 v16, $0x0;
	vm7 =	vgt.s32 v26, $0x0;
	v14 =	vadd.s32 $0xFFFFFFFF, v26;
	[tilespmem:s23+$0x0] =	vst v15  }
0x12b: {  	s16 =	smov.u32 s2;
	s2 =	smov.u32 s1;
	s1 =	smov.u32 s7;
	[tilespmem:s20+$0x0] =	vst v19;
	v15 =	vadd.s32 $0xFFFFFFFF, v22;
	v26 =	vld.idx.msk [tilespmem:v27+s19+$0x0], $0xffff;
	v27 =	vnsel vm9, $0x0, v16;
	vm9 =	vgt.s32 v14, $0x0  }
0x12c: {  	s8 =	smov.u32 s29;
	s29 =	smov.u32 s25;
	s31 =	sadd.s32 s13, s17;
	v2 =	vmovc v4;
	[tilespmem:s4+$0x0] =	vst v17;
	vm8 =	vgt.s32 v24, $0x0;
	v30 =	vld.idx.msk [tilespmem:v6+s1+$0x0], $0xffff;
	vm12 =	vgt.s32 v15, $0x0;
	v31 =	vnsel vm9, $0x0, v14  }
0x12d: {  	s30 =	sadd.s32 s8, s17;
	s7 =	smov.u32 s19;
	v4 =	vmovc v11;
	s20 =	smov.u32 s18;
	v6 =	vmovc v12;
	v32 =	vld.idx.msk [tilespmem:v5+s1+$0x0], $0xffff;
	v12 =	vnsel vm4, $0x0, v28;
	v11 =	vnsel vm2, $0x0, v20;
	v33 =	vnsel vm12, $0x0, v15  }
0x12e: {  	s18 =	smov.u32 s6;
	s6 =	smov.u32 s22;
	s19 =	simm.s32 $0x0;
	v20 =	vld.idx.msk [tilespmem:v1+s11+$0x0], $0xffff;
	v36 =	vnsel vm0, $0x0, v29;
	vm9 =	vgt.s32 v22, $0x0;
	v16 =	vadd.s32 $0x61A8, v27  }
.Ltmp3:
0x12f: {  	s0 =	sadd.s32 s9, s17;
	v5 =	vmovc v13;
	s17 =	sadd.s32 s6, s26;
	v19 =	vadd.s32 $0xC350, v27;
	[tilespmem:s31+$0x0] =	vst v12;
	v13 =	vadd.s32 $0x124F8, v27;
	vm12 =	vgt.s32 v18, $0x0;
	v24 =	vld.idx.msk [tilespmem:v21+s19+$0x0], $0xffff;
	(pc) =	sbr.rel @p0 .LBB2_9-.Ltmp3, $4  }
0x130: {  	v9 =	vmovc v21;
	s4 =	sadd.s32 s13, s17;
	s26 =	sadd.s32 s8, s17;
	s23 =	smov.u32 s12;
	[tilespmem:s30+$0x0] =	vst v11;
	v17 =	vadd.s32 $0x61A8, v31;
	v15 =	vadd.s32 $0x61A8, v33;
	v21 =	vnsel vm3, $0x0, v25;
	v23 =	vld.idx.msk [tilespmem:v27+s19+$0x0], $0xffff  }
0x131: {  	s25 =	sadd.s32 s9, s17;
	s12 =	sand.u32 $0x70, s28;
	v1 =	vmovc v3;
	v3 =	vmovc v10;
	s22 =	sadd.s32 s23, s17;
	v14 =	vadd.s32 $0xC350, v31;
	v12 =	vadd.s32 $0xC350, v33;
	[tilespmem:s0+$0x0] =	vst v21;
	v10 =	vnsel vm6, $0x0, v26;
	v22 =	vld.idx.msk [tilespmem:v31+s19+$0x0], $0xffff  }
0x132: {  	s11 =	smov.u32 s1;
	s1 =	rddreg [dreg:$0x7];
	v28 =	vnsel vm1, $0x0, v30;
	v11 =	vadd.s32 $0x124F8, v31;
	v29 =	vnsel vm10, $0x0, v32;
	[tilespmem:s22+$0x0] =	vst v10;
	s22 =	sand.u32 $0x600, s15;
	v25 =	vld.idx.msk [tilespmem:v33+s19+$0x0], $0xffff  }
0x133: {  	s31 =	rddreg [dreg:$0xa];
	v26 =	vadd.s32 $0x61A8, v9;
	v27 =	vnsel vm11, $0x0, v35;
	v10 =	vadd.s32 $0x124F8, v33;
	s15 =	sadd.s32 $0x100, s15;
	[tilespmem:s14+$0x0] =	vst v36;
	v21 =	vld.idx.msk [tilespmem:v34+s7+$0x0], $0xffff;
	s30 =	sadd.s32 s22, s1  }
0x134: {  	_ = 	snop  }
0x135: {  	[tilespmem:s29+$0x0] =	vst v28  }
0x136: {  	[tilespmem:s5+$0x0] =	vst v29  }
0x137: {  	v0 =	vnsel vm12, $0x0, v24;
	s0 =	sadd.s32 s12, s30;
	s24 =	sadd.s32 $0xFFFFFFD0, s28;
	[tilespmem:s16+$0x0] =	vst v27  }
0x138: {  	vm10 =	vmmov vm8;
	s29 =	sadd.s32 $0xFFFFFFE0, s28;
	v8 =	vld.idx.msk [tilespmem:v8+s7+$0x0], $0xffff;
	v47 =	vnsel vm5, $0x0, v20;
	[tilespmem:s0+$0x0] =	vst v0;
	s15 =	sand.u32 $0x40, s24  }
0x139: {  	vm14 =	vmmov vm7;
	s17 =	sadd.s32 $0xFFFFFFF0, s28;
	v6 =	vld.idx.msk [tilespmem:v6+s7+$0x0], $0xffff;
	v18 =	vnsel vm10, $0x0, v23;
	s0 =	sand.u32 $0x50, s29;
	[tilespmem:s20+$0x0] =	vst v47;
	s14 =	sadd.s32 s15, s30  }
0x13a: {  	vm9 =	vmmov vm9;
	s5 =	sand.u32 $0x60, s17;
	v0 =	vld.idx.msk [tilespmem:v26+s19+$0x0], $0xffff;
	s1 =	rddreg [dreg:$0x8];
	v39 =	vnsel vm14, $0x0, v22;
	[tilespmem:s14+$0x0] =	vst v18;
	s14 =	sadd.s32 s0, s30  }
0x13b: {  	s6 =	sadd.s32 s6, s31;
	s28 =	sadd.s32 s5, s30;
	v40 =	vnsel vm9, $0x0, v25;
	v16 =	vld.idx.msk [tilespmem:v16+s19+$0x0], $0xffff;
	[tilespmem:s14+$0x0] =	vst v39  }
0x13c: {  	v38 =	vadd.s32 $0xC350, v9;
	vm4 =	vmmov vm4;
	s29 =	sadd.s32 s23, s6;
	v41 =	vnsel vm6, $0x0, v21;
	[tilespmem:s28+$0x0] =	vst v40;
	v17 =	vld.idx.msk [tilespmem:v17+s19+$0x0], $0xffff  }
0x13d: {  	vm3 =	vmmov vm3;
	[tilespmem:s29+$0x0] =	vst v41;
	v43 =	vnsel vm4, $0x0, v8;
	v44 =	vld.idx.msk [tilespmem:v15+s19+$0x0], $0xffff  }
0x13e: {  	vm15 =	vmmov vm12;
	v2 =	vld.idx.msk [tilespmem:v2+s11+$0x0], $0xffff;
	s1 =	sadd.s32 s22, s1;
	v6 =	vnsel vm3, $0x0, v6;
	[tilespmem:s4+$0x0] =	vst v43  }
0x13f: {  	v1 =	vld.idx.msk [tilespmem:v1+s11+$0x0], $0xffff;
	s24 =	sadd.s32 s12, s1;
	[tilespmem:s25+$0x0] =	vst v6;
	v0 =	vnsel vm15, $0x0, v0  }
0x140: {  	v45 =	vld.idx.msk [tilespmem:v7+s7+$0x0], $0xffff;
	s31 =	sadd.s32 s15, s1;
	[tilespmem:s24+$0x0] =	vst v0;
	v46 =	vnsel vm10, $0x0, v16  }
0x141: {  	s17 =	sadd.s32 s0, s1;
	v42 =	vld.idx.msk [tilespmem:v38+s19+$0x0], $0xffff;
	s30 =	rddreg [dreg:$0x9];
	[tilespmem:s31+$0x0] =	vst v46;
	v49 =	vnsel vm14, $0x0, v17  }
0x142: {  	vm0 =	vmmov vm0;
	s1 =	sadd.s32 s5, s1;
	v8 =	vnsel vm9, $0x0, v44;
	v50 =	vld.idx.msk [tilespmem:v19+s19+$0x0], $0xffff;
	[tilespmem:s17+$0x0] =	vst v49  }
0x143: {  	v48 =	vadd.s32 $0x124F8, v9;
	vm1 =	vmmov vm1;
	v2 =	vnsel vm0, $0x0, v2;
	[tilespmem:s1+$0x0] =	vst v8;
	v52 =	vld.idx.msk [tilespmem:v14+s19+$0x0], $0xffff  }
0x144: {  	vm2 =	vmmov vm2;
	[tilespmem:s2+$0x0] =	vst v2;
	v1 =	vnsel vm1, $0x0, v1;
	v53 =	vld.idx.msk [tilespmem:v12+s19+$0x0], $0xffff  }
0x145: {  	v5 =	vld.idx.msk [tilespmem:v5+s7+$0x0], $0xffff;
	[tilespmem:s18+$0x0] =	vst v1;
	v0 =	vnsel vm2, $0x0, v45;
	s14 =	sadd.s32 s22, s30  }
0x146: {  	v3 =	vld.idx.msk [tilespmem:v3+s7+$0x0], $0xffff;
	[tilespmem:s26+$0x0] =	vst v0;
	vm10 =	vmmov vm10;
	s20 =	sadd.s32 s12, s14;
	v51 =	vnsel vm15, $0x0, v42  }
0x147: {  	vm11 =	vmmov vm14;
	v56 =	vld.idx.msk [tilespmem:v4+s7+$0x0], $0xffff;
	s23 =	sadd.s32 s15, s14;
	[tilespmem:s20+$0x0] =	vst v51;
	v54 =	vnsel vm10, $0x0, v50  }
0x148: {  	vm12 =	vmmov vm9;
	s24 =	sadd.s32 s0, s14;
	v7 =	vld.idx.msk [tilespmem:v48+s19+$0x0], $0xffff;
	s4 =	rddreg [dreg:$0xa];
	[tilespmem:s23+$0x0] =	vst v54;
	v57 =	vnsel vm11, $0x0, v52  }
0x149: {  	s25 =	sadd.s32 s5, s14;
	v0 =	vnsel vm12, $0x0, v53;
	v55 =	vld.idx.msk [tilespmem:v13+s19+$0x0], $0xffff;
	[tilespmem:s24+$0x0] =	vst v57  }
0x14a: {  	s13 =	sadd.s32 s13, s6;
	vm14 =	vmmov vm3;
	v5 =	vnsel vm4, $0x0, v5;
	[tilespmem:s25+$0x0] =	vst v0;
	v59 =	vld.idx.msk [tilespmem:v11+s19+$0x0], $0xffff  }
0x14b: {  	vm13 =	vmmov vm2;
	s30 =	sadd.s32 s9, s6;
	v62 =	vnsel vm14, $0x0, v3;
	[tilespmem:s13+$0x0] =	vst v5;
	v60 =	vld.idx.msk [tilespmem:v10+s19+$0x0], $0xffff  }
0x14c: {  	s29 =	sadd.s32 s8, s6;
	[tilespmem:s30+$0x0] =	vst v62;
	v2 =	vnsel vm13, $0x0, v56;
	s4 =	sadd.s32 s22, s4  }
0x14d: {  	[tilespmem:s29+$0x0] =	vst v2;
	s26 =	sadd.s32 s12, s4;
	v58 =	vnsel vm15, $0x0, v7  }
0x14e: {  	vm0 =	vmmov vm11;
	s28 =	sadd.s32 s15, s4;
	[tilespmem:s26+$0x0] =	vst v58;
	v61 =	vnsel vm10, $0x0, v55  }
0x14f: {  	s0 =	sadd.s32 s0, s4;
	vm15 =	vmmov vm12;
	[tilespmem:s28+$0x0] =	vst v61;
	v0 =	vnsel vm0, $0x0, v59  }
0x150: {  	s31 =	sadd.s32 s5, s4;
	v63 =	vnsel vm15, $0x0, v60;
	[tilespmem:s0+$0x0] =	vst v0  }
0x151: {  	[tilespmem:s31+$0x0] =	vst v63  }
0x152: {  	s4 =	sld [smem:$0x7E3];
	_ =	sdelay $0x2  }
0x153: {  	s0 =	simm.s32 $0x700;
	s2 =	smov.u32 s4  }
.LBB2_11:
0x154: {  	s1 =	sshra.s32 s19, $0x2  }
0x155: {  	s1 =	sadd.s32 s1, s21  }
0x156: {  	v0 =	vld [tilespmem:s1+$0x0];
	_ =	sdelay $0x4  }
0x157: {  	v1 =	vadd.s32 $0xFFFFFFFF, v0  }
0x158: {  	vm0 =	vgt.s32 v1, $0x0  }
0x159: {  	v1 =	vnsel vm0, $0x0, v1;
	_ =	sdelay $0x4  }
0x15a: {  	v2 =	vld.idx.msk [tilespmem:v1+s3+$0x0], $0xffff;
	_ =	sdelay $0x1  }
0x15b: {  	v3 =	vadd.s32 $0x61A8, v1;
	_ =	sdelay $0x1  }
0x15c: {  	s31 =	sand.u32 $0x3FFFFE00, s0;
	vm15 =	vgt.s32 v0, $0x0  }
0x15d: {  	s1 =	sadd.s32 s31, s2;
	v0 =	vnsel vm15, $0x0, v2  }
0x15e: {  	[tilespmem:s1+$0x0] =	vst v0  }
0x15f: {  	v0 =	vld.idx.msk [tilespmem:v3+s3+$0x0], $0xffff;
	_ =	sdelay $0x1  }
0x160: {  	v63 =	vadd.s32 $0xC350, v1;
	_ =	sdelay $0x2  }
0x161: {  	v0 =	vnsel vm15, $0x0, v0  }
0x162: {  	[tilespmem:s1+$0x800] =	vst v0  }
0x163: {  	v0 =	vld.idx.msk [tilespmem:v63+s3+$0x0], $0xffff;
	_ =	sdelay $0x1  }
0x164: {  	v1 =	vadd.s32 $0x124F8, v1;
	_ =	sdelay $0x2  }
0x165: {  	v0 =	vnsel vm15, $0x0, v0  }
0x166: {  	[tilespmem:s1+$0x1000] =	vst v0  }
0x167: {  	v0 =	vld.idx.msk [tilespmem:v1+s3+$0x0], $0xffff  }
0x168: {  	p0 =	sne.s32 s19, $0x80  }
.Ltmp4:
0x169: {  	_ = 	snop;
	(pc) =	sbr.rel @p0 .LBB2_11-.Ltmp4, $3  }
0x16a: {  	_ =	sdelay $0x1  }
0x16b: {  	v0 =	vnsel vm15, $0x0, v0  }
0x16c: {  	s0 =	sadd.s32 $0x40, s0;
	s19 =	sadd.s32 $0x40, s19;
	s2 =	sadd.s32 $0x10, s2;
	[tilespmem:s1+$0x1800] =	vst v0  }
0x16d: {  	s0 =	sld [smem:$0x7E4];
	_ =	sdelay $0x2  }
0x16e: {  	s0 =	sadd.s32 $0x1, s0  }
0x16f: {  	p0 =	sne.s32 s0, $0x4  }
.Ltmp5:
0x170: {  	_ = 	snop;
	(pc) =	sbr.rel @p0 .LBB2_8-.Ltmp5, $2  }
0x171: {  	s1 =	sld [smem:$0x7E5];
	_ =	sdelay $0x2  }
0x172: {  	s21 =	sadd.s32 $0x1F0, s21;
	s4 =	sadd.s32 $0x80, s4;
	s1 =	sadd.s32 $0x1F0, s1  }
0x173: {  	s1 =	sld [smem:$0x7EE];
	_ =	sdelay $0x1  }
0x174: {  	s2 =	simm.s32 $0x200;
	s4 =	simm.s32 $0x400;
	s0 =	simm.s32 $0x1B680  }
0x175: {  	[hbm4b:s1+s2] =	stream.strided.scatter [tilespmem:s0], [sflag:$0x4], $0x800, s4, s2, $0x38;
	[tilespmem:$0x1D680] =	vst v63  }
0x176: {  	s5 =	simm.s32 $0x1BE80;
	s23 =	sadd.s32 $0x7C00, s1  }
0x177: {  	[hbm4b:s23+s2] =	stream.strided.scatter [tilespmem:s5], [sflag:$0x4], $0x800, s4, s2, $0x38;
	[tilespmem:$0x1D680] =	vst v63  }
0x178: {  	s25 =	simm.s32 $0x1C680;
	s28 =	simm.s32 $0x1CE80;
	s24 =	sadd.s32 $0xF800, s1  }
0x179: {  	[hbm4b:s24+s2] =	stream.strided.scatter [tilespmem:s25], [sflag:$0x4], $0x800, s4, s2, $0x38;
	[tilespmem:$0x1D680] =	vst v63  }
0x17a: {  	s29 =	sld [smem:$0x7F0];
	s31 =	simm.s32 $0x1;
	s26 =	sadd.s32 $0x17400, s1  }
0x17b: {  	[hbm4b:s26+s2] =	stream.strided.scatter [tilespmem:s28], [sflag:$0x4], $0x800, s4, s2, $0x38;
	[tilespmem:$0x1D680] =	vst v63  }
0x17c: {  	s30 =	simm.s32 $0x18EC0;
	[smem:$0x7E2] =	sst s31;
	s2 =	simm.s32 $0x1  }
0x17d: {  	[tilespmem:s30], [sflag:$0x2] =	stream.linear.gather [hbm4b:s29+s3], $0x7C0, $0x38;
	[tilespmem:$0x1D680] =	vst v63  }
.LBB2_14:
0x17e: {  	_ =	swait.ge [sflag:s2], $0x7C0  }
0x17f: {  	[sflag:s2] =	ssyncset.done $0x0  }
0x180: {  	s0 =	simm.s32 $0x3;
	[sflag:s2] =	ssyncadd.s32 $0xFFFFF840  }
0x181: {  	s10 =	simm.s32 $0x0;
	_ =	swait.ge [sflag:s0], $0x2000  }
0x182: {  	s1 =	simm.s32 $0x18700;
	s21 =	simm.s32 $0x188C0;
	[sflag:s0] =	ssyncset.done $0x0  }
0x183: {  	s4 =	simm.s32 $0x1A6C0;
	[sflag:s0] =	ssyncadd.s32 $0xFFFFE000;
	s0 =	simm.s32 $0x0  }
.LBB2_15:
0x184: {  	[smem:$0x7DF] =	sst s4  }
0x185: {  	[smem:$0x7E0] =	sst s0;
	s17 =	sshll.u32 s0, $0x7  }
0x186: {  	[smem:$0x7E1] =	sst s1;
	v0 =	vmov s1;
	s2 =	sadd.s32 $0x19680, s17  }
0x187: {  	s18 =	sadd.s32 $0x19E80, s17;
	[dreg:$0xb] =	wrdreg s2  }
0x188: {  	s19 =	sadd.s32 $0x1A680, s17;
	[dreg:$0xc] =	wrdreg s18  }
0x189: {  	s0 =	sadd.s32 $0x1AE80, s17;
	[dreg:$0xd] =	wrdreg s19  }
0x18a: {  	s20 =	simm.s32 $0x0;
	[dreg:$0xe] =	wrdreg s0  }
0x18b: {  	v1 =	vld.idx.msk [tilespmem:v0+s20+$0x30 ss:$0x1], $0xffff  }
0x18c: {  	v2 =	vld.idx.msk [tilespmem:v0+s20+$0x0 ss:$0x1], $0xffff;
	_ =	sdelay $0x1  }
0x18d: {  	v3 =	vld.idx.msk [tilespmem:v0+s20+$0x10 ss:$0x1], $0xffff;
	_ =	sdelay $0x1  }
0x18e: {  	v4 =	vld.idx.msk [tilespmem:v0+s20+$0x20 ss:$0x1], $0xffff;
	v5 =	vadd.s32 $0xFFFFFFFF, v1  }
0x18f: {  	v6 =	vadd.s32 $0xFFFFFFFF, v2;
	vm0 =	vgt.s32 v5, $0x0  }
0x190: {  	v5 =	vnsel vm0, $0x0, v5;
	vm0 =	vgt.s32 v6, $0x0  }
0x191: {  	v7 =	vadd.s32 $0xFFFFFFFF, v3;
	v6 =	vnsel vm0, $0x0, v6  }
0x192: {  	vm0 =	vgt.s32 v7, $0x0  }
0x193: {  	s25 =	simm.s32 $0x40;
	v8 =	vadd.s32 $0xFFFFFFFF, v4;
	v7 =	vnsel vm0, $0x0, v7  }
0x194: {  	v13 =	vld.idx.msk [tilespmem:v0+s25+$0x30 ss:$0x1], $0xffff;
	vm0 =	vgt.s32 v8, $0x0  }
0x195: {  	v8 =	vnsel vm0, $0x0, v8;
	v9 =	vld.idx.msk [tilespmem:v5+s10+$0x0], $0xffff  }
0x196: {  	v11 =	vld.idx.msk [tilespmem:v6+s10+$0x0], $0xffff  }
0x197: {  	v14 =	vld.idx.msk [tilespmem:v0+s25+$0x10 ss:$0x1], $0xffff;
	v10 =	vadd.s32 $0x61A8, v5  }
0x198: {  	s23 =	simm.s32 $0x30;
	s7 =	sand.u32 $0x600, s10;
	s22 =	rddreg [dreg:$0xb];
	vm1 =	vgt.s32 v3, $0x0;
	v3 =	vadd.s32 $0x61A8, v6;
	v12 =	vld.idx.msk [tilespmem:v7+s10+$0x0], $0xffff  }
0x199: {  	s8 =	simm.s32 $0x0;
	s2 =	sand.u32 $0x70, s23;
	s24 =	sadd.s32 s7, s22;
	v16 =	vld.idx.msk [tilespmem:v0+s25+$0x20 ss:$0x1], $0xffff;
	vm2 =	vgt.s32 v1, $0x0;
	vm4 =	vgt.s32 v4, $0x0;
	vm0 =	vgt.s32 v2, $0x0  }
0x19a: {  	s16 =	sand.u32 $0x40, s8;
	s5 =	sadd.s32 s2, s24;
	v4 =	vadd.s32 $0x61A8, v7;
	vm3 =	vmmov vm0;
	v1 =	vld.idx.msk [tilespmem:v8+s10+$0x0], $0xffff;
	v9 =	vnsel vm2, $0x0, v9  }
0x19b: {  	s26 =	simm.s32 $0x10;
	s9 =	sadd.s32 s16, s24;
	v17 =	vadd.s32 $0xFFFFFFFF, v13;
	v2 =	vld.idx.msk [tilespmem:v0+s25+$0x0 ss:$0x1], $0xffff;
	vm0 =	vmmov vm1;
	[tilespmem:s5+$0x0] =	vst v9;
	v11 =	vnsel vm3, $0x0, v11  }
0x19c: {  	s11 =	sand.u32 $0x50, s26;
	vm1 =	vmmov vm4;
	vm4 =	vgt.s32 v17, $0x0;
	v9 =	vld.idx.msk [tilespmem:v10+s10+$0x0], $0xffff;
	v10 =	vadd.s32 $0x61A8, v8;
	s6 =	rddreg [dreg:$0xc];
	[tilespmem:s9+$0x0] =	vst v11  }
0x19d: {  	s0 =	simm.s32 $0x20;
	v17 =	vnsel vm4, $0x0, v17;
	s5 =	sadd.s32 s11, s24;
	v12 =	vnsel vm0, $0x0, v12;
	v3 =	vld.idx.msk [tilespmem:v3+s10+$0x0], $0xffff  }
0x19e: {  	s18 =	sand.u32 $0x60, s0;
	v15 =	vadd.s32 $0xC350, v5;
	[tilespmem:s5+$0x0] =	vst v12  }
0x19f: {  	s4 =	sadd.s32 s18, s24;
	v1 =	vnsel vm1, $0x0, v1;
	v4 =	vld.idx.msk [tilespmem:v4+s10+$0x0], $0xffff  }
0x1a0: {  	vm7 =	vgt.s32 v16, $0x0;
	v22 =	vadd.s32 $0xC350, v6;
	vm2 =	vmmov vm2;
	s1 =	sadd.s32 s7, s6;
	[tilespmem:s4+$0x0] =	vst v1  }
0x1a1: {  	v23 =	vadd.s32 $0xC350, v7;
	v11 =	vadd.s32 $0xFFFFFFFF, v2;
	s8 =	sadd.s32 s2, s1;
	v9 =	vnsel vm2, $0x0, v9;
	v19 =	vld.idx.msk [tilespmem:v10+s10+$0x0], $0xffff  }
0x1a2: {  	vm4 =	vgt.s32 v11, $0x0;
	v12 =	vld.idx.msk [tilespmem:v17+s10+$0x0], $0xffff;
	[tilespmem:s8+$0x0] =	vst v9;
	v9 =	vadd.s32 $0xFFFFFFFF, v14;
	v3 =	vnsel vm3, $0x0, v3  }
0x1a3: {  	s20 =	simm.s32 $0x80;
	s22 =	sadd.s32 s16, s1;
	v1 =	vld.idx.msk [tilespmem:v15+s10+$0x0], $0xffff;
	v15 =	vnsel vm4, $0x0, v11;
	vm4 =	vgt.s32 v9, $0x0;
	v11 =	vadd.s32 $0xFFFFFFFF, v16  }
0x1a4: {  	s23 =	sadd.s32 s11, s1;
	s4 =	rddreg [dreg:$0xd];
	v16 =	vld.idx.msk [tilespmem:v0+s20+$0x30 ss:$0x1], $0xffff;
	[tilespmem:s22+$0x0] =	vst v3;
	v3 =	vnsel vm0, $0x0, v4;
	v9 =	vnsel vm4, $0x0, v9;
	vm4 =	vgt.s32 v11, $0x0  }
0x1a5: {  	s12 =	simm.s32 $0x100;
	s14 =	simm.s32 $0x70;
	vm6 =	vgt.s32 v13, $0x0;
	[tilespmem:s23+$0x0] =	vst v3;
	v3 =	vld.idx.msk [tilespmem:v0+s20+$0x10 ss:$0x1], $0xffff;
	v18 =	vnsel vm4, $0x0, v11  }
0x1a6: {  	s12 =	sand.u32 $0x600, s12;
	vm5 =	vgt.s32 v14, $0x0;
	v21 =	vadd.s32 $0x61A8, v17;
	s9 =	rddreg [dreg:$0xb];
	s0 =	sadd.s32 s18, s1;
	v23 =	vld.idx.msk [tilespmem:v23+s10+$0x0], $0xffff;
	v4 =	vnsel vm1, $0x0, v19  }
0x1a7: {  	vm5 =	vmmov vm5;
	vm7 =	vmmov vm7;
	v24 =	vadd.s32 $0xC350, v8;
	s17 =	sadd.s32 s12, s9;
	s5 =	sand.u32 $0x70, s14;
	[tilespmem:s0+$0x0] =	vst v4;
	v4 =	vld.idx.msk [tilespmem:v22+s10+$0x0], $0xffff  }
0x1a8: {  	v5 =	vadd.s32 $0x124F8, v5;
	s15 =	sadd.s32 s7, s4;
	s4 =	sadd.s32 s5, s17;
	vm4 =	vgt.s32 v2, $0x0;
	v2 =	vnsel vm6, $0x0, v12;
	v20 =	vld.idx.msk [tilespmem:v15+s10+$0x0], $0xffff  }
0x1a9: {  	v6 =	vadd.s32 $0x124F8, v6;
	v10 =	vadd.s32 $0x124F8, v8;
	s13 =	sadd.s32 s2, s15;
	[tilespmem:s4+$0x0] =	vst v2;
	v1 =	vnsel vm2, $0x0, v1;
	v25 =	vld.idx.msk [tilespmem:v9+s10+$0x0], $0xffff  }
0x1aa: {  	vm3 =	vmmov vm3;
	vm0 =	vmmov vm0;
	v26 =	vadd.s32 $0xC350, v15;
	[tilespmem:s13+$0x0] =	vst v1;
	v1 =	vld.idx.msk [tilespmem:v18+s10+$0x0], $0xffff  }
0x1ab: {  	s25 =	simm.s32 $0x40;
	s24 =	simm.s32 $0x50;
	v13 =	vadd.s32 $0x124F8, v15;
	v11 =	vadd.s32 $0x124F8, v7;
	v2 =	vadd.s32 $0x61A8, v9;
	v21 =	vld.idx.msk [tilespmem:v21+s10+$0x0], $0xffff  }
0x1ac: {  	s22 =	sand.u32 $0x40, s25;
	v7 =	vadd.s32 $0x61A8, v15;
	v19 =	vld.idx.msk [tilespmem:v0+s20+$0x0 ss:$0x1], $0xffff;
	s4 =	sand.u32 $0x50, s24;
	vm4 =	vmmov vm4;
	s24 =	sadd.s32 s16, s15;
	v4 =	vnsel vm3, $0x0, v4  }
0x1ad: {  	s26 =	simm.s32 $0x60;
	s14 =	sadd.s32 s22, s17;
	v14 =	vadd.s32 $0xC350, v9;
	v8 =	vadd.s32 $0x61A8, v18;
	v15 =	vnsel vm4, $0x0, v20;
	v20 =	vld.idx.msk [tilespmem:v0+s20+$0x20 ss:$0x1], $0xffff;
	s20 =	rddreg [dreg:$0xe];
	[tilespmem:s24+$0x0] =	vst v4  }
0x1ae: {  	s19 =	sand.u32 $0x60, s26;
	vm6 =	vmmov vm6;
	v12 =	vadd.s32 $0xC350, v18;
	s1 =	sadd.s32 s4, s17;
	s13 =	rddreg [dreg:$0xc];
	v5 =	vld.idx.msk [tilespmem:v5+s10+$0x0], $0xffff;
	v22 =	vnsel vm5, $0x0, v25;
	[tilespmem:s14+$0x0] =	vst v15  }
0x1af: {  	s6 =	sadd.s32 s19, s17;
	vm1 =	vmmov vm1;
	s17 =	sadd.s32 s12, s13;
	v4 =	vld.idx.msk [tilespmem:v24+s10+$0x0], $0xffff;
	v25 =	vadd.s32 $0xC350, v17;
	[tilespmem:s1+$0x0] =	vst v22;
	v1 =	vnsel vm7, $0x0, v1  }
0x1b0: {  	vm10 =	vmmov vm4;
	s23 =	sadd.s32 s5, s17;
	v22 =	vld.idx.msk [tilespmem:v2+s10+$0x0], $0xffff;
	v2 =	vadd.s32 $0xFFFFFFFF, v16;
	[tilespmem:s6+$0x0] =	vst v1;
	v1 =	vnsel vm6, $0x0, v21  }
0x1b1: {  	v7 =	vld.idx.msk [tilespmem:v7+s10+$0x0], $0xffff;
	v21 =	vadd.s32 $0xFFFFFFFF, v19;
	vm8 =	vgt.s32 v2, $0x0;
	[tilespmem:s23+$0x0] =	vst v1;
	v1 =	vadd.s32 $0xFFFFFFFF, v3  }
0x1b2: {  	v27 =	vld.idx.msk [tilespmem:v8+s10+$0x0], $0xffff;
	v15 =	vnsel vm8, $0x0, v2;
	vm8 =	vgt.s32 v21, $0x0;
	v2 =	vadd.s32 $0x124F8, v9  }
0x1b3: {  	v9 =	vadd.s32 $0x124F8, v17;
	v17 =	vld.idx.msk [tilespmem:v6+s10+$0x0], $0xffff;
	v21 =	vnsel vm8, $0x0, v21;
	vm8 =	vgt.s32 v1, $0x0  }
0x1b4: {  	vm9 =	vgt.s32 v16, $0x0;
	s24 =	simm.s32 $0xC0;
	v8 =	vld.idx.msk [tilespmem:v25+s10+$0x0], $0xffff;
	v25 =	vadd.s32 $0xFFFFFFFF, v20;
	v28 =	vnsel vm8, $0x0, v1  }
0x1b5: {  	s13 =	sadd.s32 s4, s17;
	vm8 =	vgt.s32 v25, $0x0;
	v1 =	vadd.s32 $0x124F8, v18;
	v18 =	vld.idx.msk [tilespmem:v0+s24+$0x30 ss:$0x1], $0xffff;
	v22 =	vnsel vm5, $0x0, v22  }
0x1b6: {  	v23 =	vnsel vm0, $0x0, v23;
	vm11 =	vgt.s32 v19, $0x0;
	s6 =	rddreg [dreg:$0xd];
	v24 =	vnsel vm8, $0x0, v25;
	[tilespmem:s13+$0x0] =	vst v22;
	v22 =	vld.idx.msk [tilespmem:v0+s24+$0x0 ss:$0x1], $0xffff  }
0x1b7: {  	v31 =	vadd.s32 $0x61A8, v15;
	v25 =	vnsel vm2, $0x0, v5;
	vm2 =	vgt.s32 v3, $0x0;
	v5 =	vld.idx.msk [tilespmem:v15+s10+$0x0], $0xffff  }
0x1b8: {  	s14 =	sadd.s32 s22, s17;
	s17 =	sadd.s32 s19, s17;
	s0 =	sadd.s32 s12, s6;
	vm8 =	vgt.s32 v20, $0x0;
	v20 =	vadd.s32 $0x61A8, v21;
	v27 =	vnsel vm7, $0x0, v27;
	v19 =	vld.idx.msk [tilespmem:v21+s10+$0x0], $0xffff  }
0x1b9: {  	s26 =	simm.s32 $0x200;
	s6 =	sadd.s32 s5, s0;
	v29 =	vadd.s32 $0x61A8, v28;
	v32 =	vadd.s32 $0x61A8, v24;
	[tilespmem:s17+$0x0] =	vst v27;
	v3 =	vnsel vm6, $0x0, v8;
	v30 =	vld.idx.msk [tilespmem:v28+s10+$0x0], $0xffff  }
0x1ba: {  	s25 =	rddreg [dreg:$0xb];
	s1 =	simm.s32 $0xB0;
	v6 =	vadd.s32 $0xC350, v24;
	vm2 =	vmmov vm2;
	v27 =	vld.idx.msk [tilespmem:v0+s24+$0x10 ss:$0x1], $0xffff;
	[tilespmem:s6+$0x0] =	vst v3;
	v3 =	vnsel vm4, $0x0, v7;
	s6 =	sand.u32 $0x600, s26  }
0x1bb: {  	s23 =	sand.u32 $0x70, s1;
	v17 =	vnsel vm3, $0x0, v17;
	vm3 =	vmmov vm8;
	v8 =	vadd.s32 $0xC350, v21;
	[tilespmem:s14+$0x0] =	vst v3;
	s14 =	sadd.s32 s6, s25;
	v33 =	vld.idx.msk [tilespmem:v24+s10+$0x0], $0xffff;
	s25 =	simm.s32 $0x80  }
0x1bc: {  	v7 =	vadd.s32 $0xC350, v28;
	s26 =	simm.s32 $0x90;
	vm4 =	vmmov vm11;
	s9 =	sadd.s32 s23, s14;
	v16 =	vld.idx.msk [tilespmem:v26+s10+$0x0], $0xffff;
	s13 =	sand.u32 $0x40, s25;
	v3 =	vnsel vm9, $0x0, v5  }
0x1bd: {  	s7 =	sadd.s32 s7, s20;
	vm11 =	vmmov vm0;
	vm0 =	vmmov vm5;
	v9 =	vld.idx.msk [tilespmem:v9+s10+$0x0], $0xffff;
	s8 =	sand.u32 $0x50, s26;
	s28 =	sadd.s32 s13, s14;
	[tilespmem:s9+$0x0] =	vst v3;
	v19 =	vnsel vm4, $0x0, v19  }
0x1be: {  	s1 =	simm.s32 $0xA0;
	s17 =	sadd.s32 s8, s14;
	v5 =	vadd.s32 $0x124F8, v21;
	v3 =	vadd.s32 $0x124F8, v24;
	v21 =	vld.idx.msk [tilespmem:v31+s10+$0x0], $0xffff;
	v24 =	vnsel vm2, $0x0, v30;
	s26 =	rddreg [dreg:$0xc];
	[tilespmem:s28+$0x0] =	vst v19  }
0x1bf: {  	s2 =	sadd.s32 s2, s7;
	vm5 =	vmmov vm1;
	v26 =	vnsel vm1, $0x0, v4;
	v4 =	vadd.s32 $0x124F8, v28;
	s9 =	sand.u32 $0x60, s1;
	[tilespmem:s17+$0x0] =	vst v24;
	v24 =	vld.idx.msk [tilespmem:v0+s24+$0x20 ss:$0x1], $0xffff  }
0x1c0: {  	[tilespmem:s2+$0x0] =	vst v25;
	v28 =	vadd.s32 $0xC350, v15;
	vm1 =	vmmov vm7;
	s14 =	sadd.s32 s9, s14;
	v30 =	vnsel vm3, $0x0, v33;
	v20 =	vld.idx.msk [tilespmem:v20+s10+$0x0], $0xffff  }
0x1c1: {  	vm8 =	vgt.s32 v22, $0x0;
	v22 =	vadd.s32 $0xFFFFFFFF, v22;
	s17 =	sadd.s32 s22, s0;
	v19 =	vld.idx.msk [tilespmem:v29+s10+$0x0], $0xffff;
	[tilespmem:s14+$0x0] =	vst v30;
	v16 =	vnsel vm10, $0x0, v16  }
0x1c2: {  	s1 =	sadd.s32 s16, s7;
	s25 =	sadd.s32 s6, s26;
	s24 =	rddreg [dreg:$0xe];
	v29 =	vnsel vm6, $0x0, v9;
	vm6 =	vmmov vm9;
	v9 =	vadd.s32 $0xFFFFFFFF, v18;
	v25 =	vld.idx.msk [tilespmem:v32+s10+$0x0], $0xffff;
	[tilespmem:s17+$0x0] =	vst v16  }
0x1c3: {  	s29 =	simm.s32 $0xF0;
	s20 =	sadd.s32 s18, s7;
	[tilespmem:s1+$0x0] =	vst v17;
	s26 =	sadd.s32 s23, s25;
	vm9 =	vgt.s32 v22, $0x0;
	vm7 =	vgt.s32 v9, $0x0;
	v31 =	vld.idx.msk [tilespmem:v13+s10+$0x0], $0xffff;
	v21 =	vnsel vm6, $0x0, v21  }
0x1c4: {  	s30 =	sadd.s32 s19, s0;
	s16 =	sadd.s32 s11, s7;
	s14 =	sadd.s32 s11, s15;
	v9 =	vnsel vm7, $0x0, v9;
	vm7 =	vgt.s32 v27, $0x0;
	[tilespmem:s26+$0x0] =	vst v21;
	v21 =	vld.idx.msk [tilespmem:v14+s10+$0x0], $0xffff;
	v14 =	vadd.s32 $0xFFFFFFFF, v27  }
0x1c5: {  	s7 =	sadd.s32 s4, s0;
	s15 =	sadd.s32 s18, s15;
	s18 =	sadd.s32 s12, s24;
	[tilespmem:s14+$0x0] =	vst v23;
	v27 =	vnsel vm9, $0x0, v22;
	v22 =	vadd.s32 $0xFFFFFFFF, v24;
	v23 =	vld.idx.msk [tilespmem:v28+s10+$0x0], $0xffff;
	vm9 =	vgt.s32 v14, $0x0  }
0x1c6: {  	v62 =	vadd.s32 $0x124F8, v15;
	s28 =	rddreg [dreg:$0xb];
	s12 =	simm.s32 $0x300;
	[tilespmem:s15+$0x0] =	vst v26;
	s14 =	sadd.s32 s5, s18;
	v63 =	vld.idx.msk [tilespmem:v11+s10+$0x0], $0xffff;
	vm12 =	vgt.s32 v22, $0x0;
	v30 =	vnsel vm9, $0x0, v14  }
0x1c7: {  	s24 =	simm.s32 $0xC;
	s1 =	sadd.s32 s13, s25;
	s5 =	sadd.s32 s22, s18;
	[tilespmem:s14+$0x0] =	vst v29;
	v26 =	vadd.s32 $0x61A8, v9;
	v11 =	vnsel vm4, $0x0, v20;
	v20 =	vld.idx.msk [tilespmem:v10+s10+$0x0], $0xffff;
	v34 =	vnsel vm12, $0x0, v22  }
0x1c8: {  	s2 =	sadd.s32 s4, s18;
	s15 =	sadd.s32 s8, s25;
	v28 =	vld.idx.msk [tilespmem:v12+s10+$0x0], $0xffff;
	s17 =	rddreg [dreg:$0xd];
	v16 =	vadd.s32 $0x61A8, v27;
	[tilespmem:s1+$0x0] =	vst v11;
	v11 =	vnsel vm2, $0x0, v19;
	v19 =	vadd.s32 $0xC350, v27  }
0x1c9: {  	s18 =	sadd.s32 s19, s18;
	v13 =	vadd.s32 $0x124F8, v27;
	vm9 =	vgt.s32 v24, $0x0;
	s11 =	sadd.s32 s6, s17;
	s17 =	sadd.s32 s9, s25;
	[tilespmem:s15+$0x0] =	vst v11;
	v11 =	vnsel vm3, $0x0, v25;
	v24 =	vld.idx.msk [tilespmem:v9+s10+$0x0], $0xffff  }
0x1ca: {  	s19 =	simm.s32 $0x0;
	s15 =	simm.s32 $0x400;
	vm12 =	vgt.s32 v18, $0x0;
	s22 =	sadd.s32 s23, s11;
	[tilespmem:s17+$0x0] =	vst v11;
	v35 =	vnsel vm0, $0x0, v21;
	v10 =	vnsel vm6, $0x0, v23;
	v23 =	vld.idx.msk [tilespmem:v27+s10+$0x0], $0xffff  }
0x1cb: {  	v17 =	vadd.s32 $0x61A8, v30;
	v15 =	vadd.s32 $0x61A8, v34;
	v14 =	vadd.s32 $0xC350, v30;
	s4 =	sadd.s32 s13, s11;
	s26 =	sadd.s32 s8, s11;
	s25 =	sadd.s32 s9, s11;
	[tilespmem:s7+$0x0] =	vst v35;
	v22 =	vld.idx.msk [tilespmem:v30+s10+$0x0], $0xffff  }
0x1cc: {  	v12 =	vadd.s32 $0xC350, v34;
	v11 =	vadd.s32 $0x124F8, v30;
	v29 =	vnsel vm10, $0x0, v31;
	s11 =	simm.s32 $0x0;
	s7 =	simm.s32 $0x0;
	[tilespmem:s22+$0x0] =	vst v10;
	s22 =	sand.u32 $0x600, s12;
	v25 =	vld.idx.msk [tilespmem:v34+s10+$0x0], $0xffff  }
0x1cd: {  	v28 =	vnsel vm1, $0x0, v28;
	v27 =	vnsel vm11, $0x0, v63;
	v10 =	vadd.s32 $0x124F8, v34;
	s12 =	sand.u32 $0x70, s29;
	v21 =	vld.idx.msk [tilespmem:v62+s10+$0x0], $0xffff;
	s31 =	sadd.s32 s22, s28;
	s28 =	rddreg [dreg:$0xe]  }
.LBB2_16:
0x1ce: {  	_ = 	snop  }
0x1cf: {  	s0 =	sshra.s32 s15, $0x2;
	v30 =	vld.idx.msk [tilespmem:v8+s7+$0x0], $0xffff;
	[tilespmem:s30+$0x0] =	vst v28  }
0x1d0: {  	s14 =	sadd.s32 s12, s31;
	vm10 =	vmmov vm4;
	[tilespmem:s5+$0x0] =	vst v29;
	v18 =	vld.idx.msk [tilespmem:v0+s0+$0x30 ss:$0x1], $0xffff;
	v24 =	vnsel vm12, $0x0, v24  }
0x1d1: {  	vm4 =	vmmov vm8;
	s30 =	sadd.s32 $0xFFFFFFE0, s29;
	vm11 =	vmmov vm0;
	vm0 =	vmmov vm2;
	[tilespmem:s14+$0x0] =	vst v24;
	v24 =	vld.idx.msk [tilespmem:v0+s0+$0x0 ss:$0x1], $0xffff  }
0x1d2: {  	v8 =	vmovc v19;
	s1 =	sadd.s32 $0xFFFFFFD0, s29;
	vm2 =	vmmov vm7;
	[tilespmem:s16+$0x0] =	vst v27;
	s30 =	sand.u32 $0x50, s30;
	v19 =	vnsel vm5, $0x0, v20;
	v20 =	vnsel vm4, $0x0, v23;
	v23 =	vld.idx.msk [tilespmem:v26+s19+$0x0], $0xffff  }
0x1d3: {  	s24 =	sadd.s32 $0x4, s24;
	s14 =	sand.u32 $0x40, s1;
	s1 =	sadd.s32 s30, s31;
	v22 =	vnsel vm2, $0x0, v22;
	v26 =	vld.idx.msk [tilespmem:v0+s0+$0x10 ss:$0x1], $0xffff  }
0x1d4: {  	s17 =	sadd.s32 $0xFFFFFFF0, s29;
	s6 =	sadd.s32 s6, s28;
	v27 =	vadd.s32 $0xC350, v9;
	vm5 =	vmmov vm1;
	s16 =	sadd.s32 s14, s31;
	[tilespmem:s1+$0x0] =	vst v22;
	v22 =	vld.idx.msk [tilespmem:v0+s0+$0x20 ss:$0x1], $0xffff  }
0x1d5: {  	s28 =	rddreg [dreg:$0xc];
	s17 =	sand.u32 $0x60, s17;
	s23 =	sadd.s32 s23, s6;
	vm1 =	vmmov vm3;
	vm3 =	vmmov vm9;
	v21 =	vnsel vm6, $0x0, v21;
	[tilespmem:s16+$0x0] =	vst v20;
	v20 =	vld.idx.msk [tilespmem:v17+s19+$0x0], $0xffff  }
0x1d6: {  	v34 =	vadd.s32 $0x124F8, v9;
	s29 =	sadd.s32 $0x40, s29;
	p0 =	slt.u32 s24, $0x18;
	v25 =	vnsel vm3, $0x0, v25;
	s1 =	sadd.s32 s17, s31;
	[tilespmem:s23+$0x0] =	vst v21;
	v21 =	vadd.s32 $0xFFFFFFFF, v18;
	v28 =	vld.idx.msk [tilespmem:v16+s19+$0x0], $0xffff  }
0x1d7: {  	s5 =	sadd.s32 s13, s6;
	vm6 =	vmmov vm12;
	s13 =	smov.u32 s14;
	s23 =	sadd.s32 s22, s28;
	v17 =	vnsel vm10, $0x0, v30;
	[tilespmem:s1+$0x0] =	vst v25;
	v29 =	vld.idx.msk [tilespmem:v7+s7+$0x0], $0xffff;
	vm7 =	vgt.s32 v21, $0x0  }
0x1d8: {  	s31 =	sadd.s32 s8, s6;
	s6 =	sadd.s32 s9, s6;
	s14 =	sadd.s32 s12, s23;
	v25 =	vld.idx.msk [tilespmem:v15+s19+$0x0], $0xffff;
	[tilespmem:s4+$0x0] =	vst v17;
	v16 =	vadd.s32 $0xFFFFFFFF, v24;
	v21 =	vnsel vm7, $0x0, v21;
	v15 =	vnsel vm6, $0x0, v23  }
0x1d9: {  	s8 =	smov.u32 s30;
	s9 =	smov.u32 s17;
	s16 =	smov.u32 s2;
	v7 =	vmovc v14;
	v35 =	vld.idx.msk [tilespmem:v2+s11+$0x0], $0xffff;
	vm9 =	vgt.s32 v16, $0x0;
	vm7 =	vgt.s32 v26, $0x0;
	v14 =	vadd.s32 $0xFFFFFFFF, v26;
	[tilespmem:s14+$0x0] =	vst v15  }
0x1da: {  	s30 =	smov.u32 s25;
	s1 =	sadd.s32 s13, s23;
	s4 =	smov.u32 s7;
	[tilespmem:s20+$0x0] =	vst v19;
	v15 =	vadd.s32 $0xFFFFFFFF, v22;
	v26 =	vld.idx.msk [tilespmem:v27+s19+$0x0], $0xffff;
	v27 =	vnsel vm9, $0x0, v16;
	vm9 =	vgt.s32 v14, $0x0  }
0x1db: {  	s28 =	sadd.s32 s8, s23;
	s0 =	sadd.s32 s9, s23;
	s2 =	smov.u32 s31;
	v2 =	vmovc v4;
	vm8 =	vgt.s32 v24, $0x0;
	v30 =	vld.idx.msk [tilespmem:v6+s4+$0x0], $0xffff;
	vm12 =	vgt.s32 v15, $0x0;
	v31 =	vnsel vm9, $0x0, v14  }
0x1dc: {  	s23 =	smov.u32 s12;
	v4 =	vmovc v11;
	s12 =	rddreg [dreg:$0xb];
	s20 =	smov.u32 s18;
	v6 =	vmovc v12;
	v32 =	vld.idx.msk [tilespmem:v5+s4+$0x0], $0xffff;
	v12 =	vnsel vm4, $0x0, v28;
	v11 =	vnsel vm2, $0x0, v20;
	v33 =	vnsel vm12, $0x0, v15  }
0x1dd: {  	s18 =	smov.u32 s6;
	s7 =	smov.u32 s19;
	s19 =	simm.s32 $0x0;
	v20 =	vld.idx.msk [tilespmem:v1+s11+$0x0], $0xffff;
	v36 =	vnsel vm0, $0x0, v29;
	vm9 =	vgt.s32 v22, $0x0;
	v16 =	vadd.s32 $0x61A8, v27  }
.Ltmp6:
0x1de: {  	s6 =	smov.u32 s22;
	s22 =	rddreg [dreg:$0xd];
	v5 =	vmovc v13;
	v19 =	vadd.s32 $0xC350, v27;
	[tilespmem:s1+$0x0] =	vst v12;
	v13 =	vadd.s32 $0x124F8, v27;
	vm12 =	vgt.s32 v18, $0x0;
	v24 =	vld.idx.msk [tilespmem:v21+s19+$0x0], $0xffff;
	(pc) =	sbr.rel @p0 .LBB2_16-.Ltmp6, $4  }
0x1df: {  	s25 =	sadd.s32 s6, s22;
	s22 =	sand.u32 $0x600, s15;
	s15 =	sadd.s32 $0x100, s15;
	v9 =	vmovc v21;
	[tilespmem:s28+$0x0] =	vst v11;
	v17 =	vadd.s32 $0x61A8, v31;
	v15 =	vadd.s32 $0x61A8, v33;
	v21 =	vnsel vm3, $0x0, v25;
	v23 =	vld.idx.msk [tilespmem:v27+s19+$0x0], $0xffff  }
0x1e0: {  	s17 =	sadd.s32 s23, s25;
	s31 =	sadd.s32 s22, s12;
	s12 =	sand.u32 $0x70, s29;
	v1 =	vmovc v3;
	v3 =	vmovc v10;
	v14 =	vadd.s32 $0xC350, v31;
	v12 =	vadd.s32 $0xC350, v33;
	[tilespmem:s0+$0x0] =	vst v21;
	v10 =	vnsel vm6, $0x0, v26;
	v22 =	vld.idx.msk [tilespmem:v31+s19+$0x0], $0xffff  }
0x1e1: {  	s14 =	smov.u32 s26;
	s26 =	sadd.s32 s8, s25;
	s11 =	smov.u32 s4;
	v28 =	vnsel vm1, $0x0, v30;
	v11 =	vadd.s32 $0x124F8, v31;
	v29 =	vnsel vm10, $0x0, v32;
	[tilespmem:s17+$0x0] =	vst v10;
	v25 =	vld.idx.msk [tilespmem:v33+s19+$0x0], $0xffff  }
0x1e2: {  	s4 =	sadd.s32 s13, s25;
	s25 =	sadd.s32 s9, s25;
	s28 =	rddreg [dreg:$0xe];
	v26 =	vadd.s32 $0x61A8, v9;
	v27 =	vnsel vm11, $0x0, v35;
	v10 =	vadd.s32 $0x124F8, v33;
	[tilespmem:s14+$0x0] =	vst v36;
	v21 =	vld.idx.msk [tilespmem:v34+s7+$0x0], $0xffff  }
0x1e3: {  	_ = 	snop  }
0x1e4: {  	[tilespmem:s30+$0x0] =	vst v28  }
0x1e5: {  	[tilespmem:s5+$0x0] =	vst v29  }
0x1e6: {  	v0 =	vnsel vm12, $0x0, v24;
	s0 =	sadd.s32 s12, s31;
	s24 =	sadd.s32 $0xFFFFFFD0, s29;
	[tilespmem:s16+$0x0] =	vst v27  }
0x1e7: {  	vm10 =	vmmov vm8;
	s30 =	sadd.s32 $0xFFFFFFE0, s29;
	v8 =	vld.idx.msk [tilespmem:v8+s7+$0x0], $0xffff;
	v47 =	vnsel vm5, $0x0, v20;
	[tilespmem:s0+$0x0] =	vst v0;
	s15 =	sand.u32 $0x40, s24  }
0x1e8: {  	vm14 =	vmmov vm7;
	s17 =	sadd.s32 $0xFFFFFFF0, s29;
	v6 =	vld.idx.msk [tilespmem:v6+s7+$0x0], $0xffff;
	v18 =	vnsel vm10, $0x0, v23;
	s0 =	sand.u32 $0x50, s30;
	[tilespmem:s20+$0x0] =	vst v47;
	s14 =	sadd.s32 s15, s31  }
0x1e9: {  	vm9 =	vmmov vm9;
	s5 =	sand.u32 $0x60, s17;
	v0 =	vld.idx.msk [tilespmem:v26+s19+$0x0], $0xffff;
	s1 =	rddreg [dreg:$0xc];
	v39 =	vnsel vm14, $0x0, v22;
	[tilespmem:s14+$0x0] =	vst v18;
	s14 =	sadd.s32 s0, s31  }
0x1ea: {  	s6 =	sadd.s32 s6, s28;
	s28 =	sadd.s32 s5, s31;
	v40 =	vnsel vm9, $0x0, v25;
	v16 =	vld.idx.msk [tilespmem:v16+s19+$0x0], $0xffff;
	[tilespmem:s14+$0x0] =	vst v39  }
0x1eb: {  	v38 =	vadd.s32 $0xC350, v9;
	vm4 =	vmmov vm4;
	s29 =	sadd.s32 s23, s6;
	v41 =	vnsel vm6, $0x0, v21;
	[tilespmem:s28+$0x0] =	vst v40;
	v17 =	vld.idx.msk [tilespmem:v17+s19+$0x0], $0xffff  }
0x1ec: {  	vm3 =	vmmov vm3;
	[tilespmem:s29+$0x0] =	vst v41;
	v43 =	vnsel vm4, $0x0, v8;
	v44 =	vld.idx.msk [tilespmem:v15+s19+$0x0], $0xffff  }
0x1ed: {  	vm15 =	vmmov vm12;
	v2 =	vld.idx.msk [tilespmem:v2+s11+$0x0], $0xffff;
	s1 =	sadd.s32 s22, s1;
	v6 =	vnsel vm3, $0x0, v6;
	[tilespmem:s4+$0x0] =	vst v43  }
0x1ee: {  	v1 =	vld.idx.msk [tilespmem:v1+s11+$0x0], $0xffff;
	s24 =	sadd.s32 s12, s1;
	[tilespmem:s25+$0x0] =	vst v6;
	v0 =	vnsel vm15, $0x0, v0  }
0x1ef: {  	v45 =	vld.idx.msk [tilespmem:v7+s7+$0x0], $0xffff;
	s31 =	sadd.s32 s15, s1;
	[tilespmem:s24+$0x0] =	vst v0;
	v46 =	vnsel vm10, $0x0, v16  }
0x1f0: {  	s17 =	sadd.s32 s0, s1;
	v42 =	vld.idx.msk [tilespmem:v38+s19+$0x0], $0xffff;
	s30 =	rddreg [dreg:$0xd];
	[tilespmem:s31+$0x0] =	vst v46;
	v49 =	vnsel vm14, $0x0, v17  }
0x1f1: {  	vm0 =	vmmov vm0;
	s1 =	sadd.s32 s5, s1;
	v8 =	vnsel vm9, $0x0, v44;
	v50 =	vld.idx.msk [tilespmem:v19+s19+$0x0], $0xffff;
	[tilespmem:s17+$0x0] =	vst v49  }
0x1f2: {  	v48 =	vadd.s32 $0x124F8, v9;
	vm1 =	vmmov vm1;
	v2 =	vnsel vm0, $0x0, v2;
	[tilespmem:s1+$0x0] =	vst v8;
	v52 =	vld.idx.msk [tilespmem:v14+s19+$0x0], $0xffff  }
0x1f3: {  	vm2 =	vmmov vm2;
	[tilespmem:s2+$0x0] =	vst v2;
	v1 =	vnsel vm1, $0x0, v1;
	v53 =	vld.idx.msk [tilespmem:v12+s19+$0x0], $0xffff  }
0x1f4: {  	v5 =	vld.idx.msk [tilespmem:v5+s7+$0x0], $0xffff;
	[tilespmem:s18+$0x0] =	vst v1;
	v0 =	vnsel vm2, $0x0, v45;
	s14 =	sadd.s32 s22, s30  }
0x1f5: {  	v3 =	vld.idx.msk [tilespmem:v3+s7+$0x0], $0xffff;
	[tilespmem:s26+$0x0] =	vst v0;
	vm10 =	vmmov vm10;
	s20 =	sadd.s32 s12, s14;
	v51 =	vnsel vm15, $0x0, v42  }
0x1f6: {  	vm11 =	vmmov vm14;
	v56 =	vld.idx.msk [tilespmem:v4+s7+$0x0], $0xffff;
	s23 =	sadd.s32 s15, s14;
	[tilespmem:s20+$0x0] =	vst v51;
	v54 =	vnsel vm10, $0x0, v50  }
0x1f7: {  	vm12 =	vmmov vm9;
	s24 =	sadd.s32 s0, s14;
	v7 =	vld.idx.msk [tilespmem:v48+s19+$0x0], $0xffff;
	s4 =	rddreg [dreg:$0xe];
	[tilespmem:s23+$0x0] =	vst v54;
	v57 =	vnsel vm11, $0x0, v52  }
0x1f8: {  	s25 =	sadd.s32 s5, s14;
	v0 =	vnsel vm12, $0x0, v53;
	v55 =	vld.idx.msk [tilespmem:v13+s19+$0x0], $0xffff;
	[tilespmem:s24+$0x0] =	vst v57  }
0x1f9: {  	s13 =	sadd.s32 s13, s6;
	vm14 =	vmmov vm3;
	v5 =	vnsel vm4, $0x0, v5;
	[tilespmem:s25+$0x0] =	vst v0;
	v59 =	vld.idx.msk [tilespmem:v11+s19+$0x0], $0xffff  }
0x1fa: {  	vm13 =	vmmov vm2;
	s30 =	sadd.s32 s9, s6;
	v62 =	vnsel vm14, $0x0, v3;
	[tilespmem:s13+$0x0] =	vst v5;
	v60 =	vld.idx.msk [tilespmem:v10+s19+$0x0], $0xffff  }
0x1fb: {  	s29 =	sadd.s32 s8, s6;
	[tilespmem:s30+$0x0] =	vst v62;
	v2 =	vnsel vm13, $0x0, v56;
	s4 =	sadd.s32 s22, s4  }
0x1fc: {  	[tilespmem:s29+$0x0] =	vst v2;
	s26 =	sadd.s32 s12, s4;
	v58 =	vnsel vm15, $0x0, v7  }
0x1fd: {  	vm0 =	vmmov vm11;
	s28 =	sadd.s32 s15, s4;
	[tilespmem:s26+$0x0] =	vst v58;
	v61 =	vnsel vm10, $0x0, v55  }
0x1fe: {  	s0 =	sadd.s32 s0, s4;
	vm15 =	vmmov vm12;
	[tilespmem:s28+$0x0] =	vst v61;
	v0 =	vnsel vm0, $0x0, v59  }
0x1ff: {  	s31 =	sadd.s32 s5, s4;
	v63 =	vnsel vm15, $0x0, v60;
	[tilespmem:s0+$0x0] =	vst v0  }
0x200: {  	[tilespmem:s31+$0x0] =	vst v63  }
0x201: {  	s4 =	sld [smem:$0x7DF];
	_ =	sdelay $0x2  }
0x202: {  	s0 =	simm.s32 $0x700;
	s2 =	smov.u32 s4  }
.LBB2_18:
0x203: {  	s1 =	sshra.s32 s19, $0x2  }
0x204: {  	s1 =	sadd.s32 s1, s21  }
0x205: {  	v0 =	vld [tilespmem:s1+$0x0];
	_ =	sdelay $0x4  }
0x206: {  	v1 =	vadd.s32 $0xFFFFFFFF, v0  }
0x207: {  	vm0 =	vgt.s32 v1, $0x0  }
0x208: {  	v1 =	vnsel vm0, $0x0, v1;
	_ =	sdelay $0x4  }
0x209: {  	v2 =	vld.idx.msk [tilespmem:v1+s3+$0x0], $0xffff;
	_ =	sdelay $0x1  }
0x20a: {  	v3 =	vadd.s32 $0x61A8, v1;
	_ =	sdelay $0x1  }
0x20b: {  	s31 =	sand.u32 $0x3FFFFE00, s0;
	vm15 =	vgt.s32 v0, $0x0  }
0x20c: {  	s1 =	sadd.s32 s31, s2;
	v0 =	vnsel vm15, $0x0, v2  }
0x20d: {  	[tilespmem:s1+$0xFFFFF000] =	vst v0  }
0x20e: {  	v0 =	vld.idx.msk [tilespmem:v3+s3+$0x0], $0xffff;
	_ =	sdelay $0x1  }
0x20f: {  	v63 =	vadd.s32 $0xC350, v1;
	_ =	sdelay $0x2  }
0x210: {  	v0 =	vnsel vm15, $0x0, v0  }
0x211: {  	[tilespmem:s1+$0xFFFFF800] =	vst v0  }
0x212: {  	v0 =	vld.idx.msk [tilespmem:v63+s3+$0x0], $0xffff;
	_ =	sdelay $0x1  }
0x213: {  	v1 =	vadd.s32 $0x124F8, v1;
	_ =	sdelay $0x2  }
0x214: {  	v0 =	vnsel vm15, $0x0, v0  }
0x215: {  	[tilespmem:s1+$0x0] =	vst v0  }
0x216: {  	v0 =	vld.idx.msk [tilespmem:v1+s3+$0x0], $0xffff  }
0x217: {  	p0 =	sne.s32 s19, $0x80  }
.Ltmp7:
0x218: {  	_ = 	snop;
	(pc) =	sbr.rel @p0 .LBB2_18-.Ltmp7, $3  }
0x219: {  	_ =	sdelay $0x1  }
0x21a: {  	v0 =	vnsel vm15, $0x0, v0  }
0x21b: {  	s0 =	sadd.s32 $0x40, s0;
	s19 =	sadd.s32 $0x40, s19;
	s2 =	sadd.s32 $0x10, s2;
	[tilespmem:s1+$0x800] =	vst v0  }
0x21c: {  	s0 =	sld [smem:$0x7E0];
	_ =	sdelay $0x2  }
0x21d: {  	s0 =	sadd.s32 $0x1, s0  }
0x21e: {  	p0 =	sne.s32 s0, $0x4  }
.Ltmp8:
0x21f: {  	_ = 	snop;
	(pc) =	sbr.rel @p0 .LBB2_15-.Ltmp8, $2  }
0x220: {  	s1 =	sld [smem:$0x7E1];
	_ =	sdelay $0x2  }
0x221: {  	s21 =	sadd.s32 $0x1F0, s21;
	s4 =	sadd.s32 $0x80, s4;
	s1 =	sadd.s32 $0x1F0, s1  }
0x222: {  	s6 =	sld [smem:$0x7E2]  }
0x223: {  	s1 =	sld [smem:$0x7EA];
	_ =	sdelay $0x1  }
0x224: {  	s20 =	rddreg [dreg:$0x1];
	s0 =	sshll.u32 s6, $0xC  }
0x225: {  	s2 =	simm.s32 $0x200;
	s4 =	simm.s32 $0x400;
	s0 =	sadd.s32 s1, s0  }
0x226: {  	s21 =	simm.s32 $0x19680;
	s5 =	simm.s32 $0x19E80;
	s1 =	sshrl.u32 s0, $0x3  }
0x227: {  	s24 =	simm.s32 $0x1A680;
	s26 =	simm.s32 $0x1AE80;
	s0 =	sadd.s32 s20, s1  }
0x228: {  	[hbm4b:s0+s2] =	stream.strided.scatter [tilespmem:s21], [sflag:$0x3], $0x800, s4, s2, $0x38;
	[tilespmem:$0x1D680] =	vst v63  }
0x229: {  	s28 =	sld [smem:$0x7EB];
	s25 =	sshll.u32 s6, $0x1;
	s22 =	sadd.s32 $0x7C00, s0  }
0x22a: {  	[hbm4b:s22+s2] =	stream.strided.scatter [tilespmem:s5], [sflag:$0x3], $0x800, s4, s2, $0x38;
	[tilespmem:$0x1D680] =	vst v63  }
0x22b: {  	[smem:$0x7DD] =	sst s1;
	s1 =	smin.u32 s25, $0x79;
	s23 =	sadd.s32 $0xF800, s0  }
0x22c: {  	[hbm4b:s23+s2] =	stream.strided.scatter [tilespmem:s24], [sflag:$0x3], $0x800, s4, s2, $0x38;
	[tilespmem:$0x1D680] =	vst v63  }
0x22d: {  	s29 =	sld [smem:$0x7F9];
	s0 =	sadd.s32 $0x17400, s0;
	s1 =	smul.u32 $0x7C0, s1  }
0x22e: {  	[hbm4b:s0+s2] =	stream.strided.scatter [tilespmem:s26], [sflag:$0x3], $0x800, s4, s2, $0x38;
	[tilespmem:$0x1D680] =	vst v63  }
0x22f: {  	s0 =	sadd.s32 s1, s28  }
0x230: {  	s30 =	simm.s32 $0x2;
	[smem:$0x7DE] =	sst s25;
	s0 =	sshrl.u32 s0, $0x3  }
0x231: {  	s21 =	simm.s32 $0x0;
	s1 =	simm.s32 $0x18700;
	s0 =	sadd.s32 s29, s0  }
0x232: {  	[tilespmem:s1], [sflag:$0x1] =	stream.linear.gather [hbm4b:s0+s21], $0x7C0, $0x38;
	[tilespmem:$0x1D680] =	vst v63  }
0x233: {  	_ =	swait.ge [sflag:s30], $0x7C0  }
0x234: {  	[sflag:s30] =	ssyncset.done $0x0  }
0x235: {  	s31 =	simm.s32 $0x4;
	[sflag:s30] =	ssyncadd.s32 $0xFFFFF840  }
0x236: {  	_ =	swait.ge [sflag:s31], $0x2000  }
0x237: {  	s17 =	simm.s32 $0x19080;
	[sflag:s31] =	ssyncset.done $0x0  }
0x238: {  	s8 =	simm.s32 $0x0;
	s4 =	simm.s32 $0x1B6C0;
	[sflag:s31] =	ssyncadd.s32 $0xFFFFE000  }
.LBB2_21:
0x239: {  	[smem:$0x7DB] =	sst s4;
	s0 =	sshll.u32 s8, $0x7  }
0x23a: {  	[smem:$0x7DC] =	sst s1;
	v0 =	vmov s1;
	s2 =	sadd.s32 $0x1B680, s0  }
0x23b: {  	s18 =	sadd.s32 $0x1BE80, s0;
	[dreg:$0xf] =	wrdreg s2  }
0x23c: {  	s19 =	sadd.s32 $0x1C680, s0;
	[dreg:$0x10] =	wrdreg s18  }
0x23d: {  	s0 =	sadd.s32 $0x1CE80, s0;
	[dreg:$0x11] =	wrdreg s19  }
0x23e: {  	s20 =	simm.s32 $0x0;
	[dreg:$0x12] =	wrdreg s0  }
0x23f: {  	v1 =	vld.idx.msk [tilespmem:v0+s20+$0x7F0 ss:$0x1], $0xffff;
	_ =	sdelay $0x1  }
0x240: {  	v2 =	vld.idx.msk [tilespmem:v0+s20+$0x7C0 ss:$0x1], $0xffff  }
0x241: {  	v3 =	vld.idx.msk [tilespmem:v0+s20+$0x7D0 ss:$0x1], $0xffff;
	_ =	sdelay $0x1  }
0x242: {  	v5 =	vadd.s32 $0xFFFFFFFF, v1  }
0x243: {  	v4 =	vld.idx.msk [tilespmem:v0+s20+$0x7E0 ss:$0x1], $0xffff;
	vm0 =	vgt.s32 v5, $0x0  }
0x244: {  	v6 =	vadd.s32 $0xFFFFFFFF, v2;
	v5 =	vnsel vm0, $0x0, v5  }
0x245: {  	v7 =	vadd.s32 $0xFFFFFFFF, v3;
	vm0 =	vgt.s32 v6, $0x0  }
0x246: {  	v6 =	vnsel vm0, $0x0, v6;
	vm0 =	vgt.s32 v7, $0x0  }
0x247: {  	v7 =	vnsel vm0, $0x0, v7  }
0x248: {  	v8 =	vadd.s32 $0xFFFFFFFF, v4  }
0x249: {  	s25 =	simm.s32 $0x40;
	vm0 =	vgt.s32 v8, $0x0;
	v9 =	vld.idx.msk [tilespmem:v5+s21+$0x0], $0xffff  }
0x24a: {  	v13 =	vld.idx.msk [tilespmem:v0+s25+$0x7F0 ss:$0x1], $0xffff;
	v8 =	vnsel vm0, $0x0, v8  }
0x24b: {  	v10 =	vadd.s32 $0x61A8, v5;
	v11 =	vld.idx.msk [tilespmem:v6+s21+$0x0], $0xffff  }
0x24c: {  	s23 =	simm.s32 $0x30;
	s6 =	sand.u32 $0x600, s21;
	s22 =	rddreg [dreg:$0xf];
	vm2 =	vgt.s32 v1, $0x0;
	v12 =	vld.idx.msk [tilespmem:v7+s21+$0x0], $0xffff  }
0x24d: {  	s2 =	sand.u32 $0x70, s23;
	s24 =	sadd.s32 s6, s22;
	v14 =	vld.idx.msk [tilespmem:v0+s25+$0x7D0 ss:$0x1], $0xffff;
	vm1 =	vgt.s32 v3, $0x0;
	vm4 =	vgt.s32 v4, $0x0;
	v3 =	vadd.s32 $0x61A8, v6  }
0x24e: {  	s9 =	simm.s32 $0x0;
	s5 =	sadd.s32 s2, s24;
	vm0 =	vgt.s32 v2, $0x0;
	v2 =	vld.idx.msk [tilespmem:v0+s25+$0x7C0 ss:$0x1], $0xffff;
	v4 =	vadd.s32 $0x61A8, v7;
	v9 =	vnsel vm2, $0x0, v9  }
0x24f: {  	s26 =	simm.s32 $0x10;
	s19 =	sand.u32 $0x40, s9;
	vm3 =	vmmov vm0;
	v1 =	vld.idx.msk [tilespmem:v8+s21+$0x0], $0xffff;
	[tilespmem:s5+$0x0] =	vst v9  }
0x250: {  	s16 =	sand.u32 $0x50, s26;
	s10 =	sadd.s32 s19, s24;
	vm0 =	vmmov vm1;
	v11 =	vnsel vm3, $0x0, v11;
	v9 =	vld.idx.msk [tilespmem:v10+s21+$0x0], $0xffff  }
0x251: {  	v16 =	vld.idx.msk [tilespmem:v0+s25+$0x7E0 ss:$0x1], $0xffff;
	v17 =	vadd.s32 $0xFFFFFFFF, v13;
	s5 =	sadd.s32 s16, s24;
	v10 =	vadd.s32 $0x61A8, v8;
	s7 =	rddreg [dreg:$0x10];
	v12 =	vnsel vm0, $0x0, v12;
	[tilespmem:s10+$0x0] =	vst v11  }
0x252: {  	s0 =	simm.s32 $0x20;
	v15 =	vadd.s32 $0xC350, v5;
	vm1 =	vmmov vm4;
	vm4 =	vgt.s32 v17, $0x0;
	[tilespmem:s5+$0x0] =	vst v12;
	v3 =	vld.idx.msk [tilespmem:v3+s21+$0x0], $0xffff  }
0x253: {  	s20 =	sand.u32 $0x60, s0;
	v17 =	vnsel vm4, $0x0, v17;
	v4 =	vld.idx.msk [tilespmem:v4+s21+$0x0], $0xffff  }
0x254: {  	s4 =	sadd.s32 s20, s24;
	vm2 =	vmmov vm2;
	s1 =	sadd.s32 s6, s7;
	v1 =	vnsel vm1, $0x0, v1  }
0x255: {  	v23 =	vadd.s32 $0xC350, v7;
	v11 =	vadd.s32 $0xFFFFFFFF, v2;
	s10 =	sadd.s32 s2, s1;
	[tilespmem:s4+$0x0] =	vst v1;
	v9 =	vnsel vm2, $0x0, v9  }
0x256: {  	v22 =	vadd.s32 $0xC350, v6;
	vm4 =	vgt.s32 v11, $0x0;
	v19 =	vld.idx.msk [tilespmem:v10+s21+$0x0], $0xffff;
	[tilespmem:s10+$0x0] =	vst v9;
	v9 =	vadd.s32 $0xFFFFFFFF, v14  }
0x257: {  	s23 =	sadd.s32 s19, s1;
	v3 =	vnsel vm3, $0x0, v3;
	v1 =	vld.idx.msk [tilespmem:v15+s21+$0x0], $0xffff;
	v15 =	vnsel vm4, $0x0, v11;
	vm4 =	vgt.s32 v9, $0x0  }
0x258: {  	s18 =	simm.s32 $0x80;
	v12 =	vld.idx.msk [tilespmem:v17+s21+$0x0], $0xffff;
	s24 =	sadd.s32 s16, s1;
	v11 =	vadd.s32 $0xFFFFFFFF, v16;
	s4 =	rddreg [dreg:$0x11];
	[tilespmem:s23+$0x0] =	vst v3;
	v3 =	vnsel vm0, $0x0, v4;
	v9 =	vnsel vm4, $0x0, v9  }
0x259: {  	vm7 =	vgt.s32 v16, $0x0;
	v16 =	vld.idx.msk [tilespmem:v0+s18+$0x7F0 ss:$0x1], $0xffff;
	vm4 =	vgt.s32 v11, $0x0;
	[tilespmem:s24+$0x0] =	vst v3  }
0x25a: {  	s12 =	simm.s32 $0x100;
	s14 =	simm.s32 $0x70;
	vm6 =	vgt.s32 v13, $0x0;
	v18 =	vnsel vm4, $0x0, v11;
	v23 =	vld.idx.msk [tilespmem:v23+s21+$0x0], $0xffff  }
0x25b: {  	s12 =	sand.u32 $0x600, s12;
	s11 =	rddreg [dreg:$0xf];
	vm5 =	vgt.s32 v14, $0x0;
	v21 =	vadd.s32 $0x61A8, v17;
	s0 =	sadd.s32 s20, s1;
	v4 =	vnsel vm1, $0x0, v19;
	v19 =	vld.idx.msk [tilespmem:v0+s18+$0x7C0 ss:$0x1], $0xffff  }
0x25c: {  	vm5 =	vmmov vm5;
	vm7 =	vmmov vm7;
	v24 =	vadd.s32 $0xC350, v8;
	s7 =	sadd.s32 s12, s11;
	s5 =	sand.u32 $0x70, s14;
	[tilespmem:s0+$0x0] =	vst v4;
	v4 =	vld.idx.msk [tilespmem:v22+s21+$0x0], $0xffff  }
0x25d: {  	v5 =	vadd.s32 $0x124F8, v5;
	s15 =	sadd.s32 s6, s4;
	s4 =	sadd.s32 s5, s7;
	vm4 =	vgt.s32 v2, $0x0;
	v2 =	vnsel vm6, $0x0, v12;
	v25 =	vld.idx.msk [tilespmem:v9+s21+$0x0], $0xffff  }
0x25e: {  	v6 =	vadd.s32 $0x124F8, v6;
	v10 =	vadd.s32 $0x124F8, v8;
	s13 =	sadd.s32 s2, s15;
	[tilespmem:s4+$0x0] =	vst v2;
	v20 =	vld.idx.msk [tilespmem:v15+s21+$0x0], $0xffff;
	v1 =	vnsel vm2, $0x0, v1  }
0x25f: {  	vm3 =	vmmov vm3;
	vm0 =	vmmov vm0;
	v2 =	vadd.s32 $0x61A8, v9;
	[tilespmem:s13+$0x0] =	vst v1;
	v1 =	vld.idx.msk [tilespmem:v18+s21+$0x0], $0xffff  }
0x260: {  	s26 =	simm.s32 $0x40;
	s25 =	simm.s32 $0x50;
	v26 =	vadd.s32 $0xC350, v15;
	v13 =	vadd.s32 $0x124F8, v15;
	v11 =	vadd.s32 $0x124F8, v7;
	v21 =	vld.idx.msk [tilespmem:v21+s21+$0x0], $0xffff  }
0x261: {  	s1 =	simm.s32 $0x60;
	v3 =	vld.idx.msk [tilespmem:v0+s18+$0x7D0 ss:$0x1], $0xffff;
	v7 =	vadd.s32 $0x61A8, v15;
	s23 =	sadd.s32 s19, s15;
	v8 =	vadd.s32 $0x61A8, v18;
	s4 =	sand.u32 $0x50, s25;
	v4 =	vnsel vm3, $0x0, v4  }
0x262: {  	vm4 =	vmmov vm4;
	s25 =	sand.u32 $0x40, s26;
	s13 =	sadd.s32 s4, s7;
	v5 =	vld.idx.msk [tilespmem:v5+s21+$0x0], $0xffff;
	s10 =	rddreg [dreg:$0x12];
	[tilespmem:s23+$0x0] =	vst v4;
	v22 =	vnsel vm5, $0x0, v25;
	v25 =	vadd.s32 $0xC350, v17  }
0x263: {  	s22 =	sand.u32 $0x60, s1;
	v14 =	vadd.s32 $0xC350, v9;
	vm6 =	vmmov vm6;
	s11 =	rddreg [dreg:$0x10];
	s14 =	sadd.s32 s25, s7;
	v15 =	vnsel vm4, $0x0, v20;
	v20 =	vld.idx.msk [tilespmem:v0+s18+$0x7E0 ss:$0x1], $0xffff;
	[tilespmem:s13+$0x0] =	vst v22  }
0x264: {  	s9 =	sadd.s32 s12, s11;
	s7 =	sadd.s32 s22, s7;
	v23 =	vnsel vm0, $0x0, v23;
	[tilespmem:s14+$0x0] =	vst v15;
	v1 =	vnsel vm7, $0x0, v1;
	v22 =	vld.idx.msk [tilespmem:v2+s21+$0x0], $0xffff;
	v2 =	vadd.s32 $0xFFFFFFFF, v16  }
0x265: {  	s18 =	sadd.s32 s5, s9;
	v4 =	vld.idx.msk [tilespmem:v24+s21+$0x0], $0xffff;
	[tilespmem:s7+$0x0] =	vst v1;
	v1 =	vnsel vm6, $0x0, v21;
	v21 =	vadd.s32 $0xFFFFFFFF, v19;
	vm8 =	vgt.s32 v2, $0x0  }
0x266: {  	s6 =	sadd.s32 s6, s10;
	s10 =	sadd.s32 s16, s15;
	v27 =	vld.idx.msk [tilespmem:v8+s21+$0x0], $0xffff;
	[tilespmem:s18+$0x0] =	vst v1;
	v1 =	vadd.s32 $0xFFFFFFFF, v3;
	v15 =	vnsel vm8, $0x0, v2;
	vm8 =	vgt.s32 v21, $0x0  }
0x267: {  	v12 =	vadd.s32 $0xC350, v18;
	[tilespmem:s10+$0x0] =	vst v23;
	v8 =	vld.idx.msk [tilespmem:v25+s21+$0x0], $0xffff;
	v21 =	vnsel vm8, $0x0, v21;
	vm8 =	vgt.s32 v1, $0x0  }
0x268: {  	vm1 =	vmmov vm1;
	v63 =	vld.idx.msk [tilespmem:v11+s21+$0x0], $0xffff;
	v25 =	vadd.s32 $0xFFFFFFFF, v20;
	v28 =	vnsel vm8, $0x0, v1  }
0x269: {  	v7 =	vld.idx.msk [tilespmem:v7+s21+$0x0], $0xffff;
	v2 =	vadd.s32 $0x124F8, v9;
	v9 =	vadd.s32 $0x124F8, v17;
	vm8 =	vgt.s32 v25, $0x0  }
0x26a: {  	vm10 =	vmmov vm4;
	vm9 =	vgt.s32 v16, $0x0;
	s7 =	rddreg [dreg:$0x11];
	v17 =	vld.idx.msk [tilespmem:v6+s21+$0x0], $0xffff;
	v24 =	vnsel vm8, $0x0, v25  }
0x26b: {  	vm11 =	vgt.s32 v19, $0x0;
	s0 =	sadd.s32 s12, s7;
	v31 =	vadd.s32 $0x61A8, v15;
	v25 =	vnsel vm2, $0x0, v5;
	v5 =	vld.idx.msk [tilespmem:v15+s21+$0x0], $0xffff  }
0x26c: {  	v1 =	vadd.s32 $0x124F8, v18;
	s7 =	sadd.s32 s5, s0;
	vm2 =	vgt.s32 v3, $0x0;
	v19 =	vld.idx.msk [tilespmem:v21+s21+$0x0], $0xffff;
	v3 =	vnsel vm6, $0x0, v8  }
0x26d: {  	vm8 =	vgt.s32 v20, $0x0;
	v20 =	vadd.s32 $0x61A8, v21;
	v29 =	vadd.s32 $0x61A8, v28;
	v30 =	vld.idx.msk [tilespmem:v28+s21+$0x0], $0xffff;
	[tilespmem:s7+$0x0] =	vst v3  }
0x26e: {  	s26 =	simm.s32 $0xB0;
	s14 =	sadd.s32 s25, s9;
	s13 =	simm.s32 $0x200;
	v22 =	vnsel vm5, $0x0, v22;
	v32 =	vadd.s32 $0x61A8, v24;
	v3 =	vnsel vm4, $0x0, v7;
	v9 =	vld.idx.msk [tilespmem:v9+s21+$0x0], $0xffff  }
0x26f: {  	s24 =	rddreg [dreg:$0xf];
	s11 =	sand.u32 $0x70, s26;
	v27 =	vnsel vm7, $0x0, v27;
	v6 =	vadd.s32 $0xC350, v24;
	vm2 =	vmmov vm2;
	s7 =	sand.u32 $0x600, s13;
	[tilespmem:s14+$0x0] =	vst v3;
	v33 =	vld.idx.msk [tilespmem:v24+s21+$0x0], $0xffff  }
0x270: {  	s1 =	sadd.s32 s4, s9;
	v17 =	vnsel vm3, $0x0, v17;
	vm3 =	vmmov vm8;
	v8 =	vadd.s32 $0xC350, v21;
	s14 =	sadd.s32 s7, s24;
	s24 =	simm.s32 $0xC0;
	v16 =	vld.idx.msk [tilespmem:v26+s21+$0x0], $0xffff  }
0x271: {  	[tilespmem:s1+$0x0] =	vst v22;
	v7 =	vadd.s32 $0xC350, v28;
	vm4 =	vmmov vm11;
	s13 =	sadd.s32 s11, s14;
	v18 =	vld.idx.msk [tilespmem:v0+s24+$0x7F0 ss:$0x1], $0xffff;
	v3 =	vnsel vm9, $0x0, v5  }
0x272: {  	s2 =	sadd.s32 s2, s6;
	s23 =	simm.s32 $0x90;
	vm11 =	vmmov vm0;
	vm0 =	vmmov vm5;
	vm5 =	vmmov vm1;
	v22 =	vld.idx.msk [tilespmem:v0+s24+$0x7C0 ss:$0x1], $0xffff;
	[tilespmem:s13+$0x0] =	vst v3  }
0x273: {  	s26 =	simm.s32 $0x80;
	s18 =	sadd.s32 s22, s9;
	s9 =	sand.u32 $0x50, s23;
	[tilespmem:s2+$0x0] =	vst v25;
	v26 =	vnsel vm1, $0x0, v4;
	v4 =	vadd.s32 $0x124F8, v28;
	v5 =	vadd.s32 $0x124F8, v21;
	v21 =	vld.idx.msk [tilespmem:v31+s21+$0x0], $0xffff  }
0x274: {  	s1 =	simm.s32 $0xA0;
	[tilespmem:s18+$0x0] =	vst v27;
	s18 =	sand.u32 $0x40, s26;
	s23 =	sadd.s32 s9, s14;
	v27 =	vld.idx.msk [tilespmem:v0+s24+$0x7D0 ss:$0x1], $0xffff;
	v28 =	vadd.s32 $0xC350, v15;
	v3 =	vadd.s32 $0x124F8, v24;
	v24 =	vnsel vm2, $0x0, v30  }
0x275: {  	s29 =	sadd.s32 s18, s14;
	vm1 =	vmmov vm7;
	v19 =	vnsel vm4, $0x0, v19;
	s13 =	sand.u32 $0x60, s1;
	s28 =	rddreg [dreg:$0x10];
	[tilespmem:s23+$0x0] =	vst v24;
	v24 =	vld.idx.msk [tilespmem:v0+s24+$0x7E0 ss:$0x1], $0xffff;
	v30 =	vnsel vm3, $0x0, v33  }
0x276: {  	s15 =	sadd.s32 s20, s15;
	s1 =	sadd.s32 s13, s14;
	[tilespmem:s29+$0x0] =	vst v19;
	v19 =	vld.idx.msk [tilespmem:v29+s21+$0x0], $0xffff;
	v29 =	vnsel vm6, $0x0, v9;
	vm6 =	vmmov vm9;
	v9 =	vadd.s32 $0xFFFFFFFF, v18  }
0x277: {  	s19 =	sadd.s32 s19, s6;
	s26 =	rddreg [dreg:$0x12];
	v20 =	vld.idx.msk [tilespmem:v20+s21+$0x0], $0xffff;
	s14 =	sadd.s32 s7, s28;
	[tilespmem:s1+$0x0] =	vst v30;
	v16 =	vnsel vm10, $0x0, v16;
	vm8 =	vgt.s32 v22, $0x0;
	v22 =	vadd.s32 $0xFFFFFFFF, v22  }
0x278: {  	s2 =	sadd.s32 s20, s6;
	[tilespmem:s19+$0x0] =	vst v17;
	s20 =	sadd.s32 s12, s26;
	s23 =	sadd.s32 s11, s14;
	vm7 =	vgt.s32 v9, $0x0;
	v25 =	vld.idx.msk [tilespmem:v32+s21+$0x0], $0xffff;
	vm9 =	vgt.s32 v22, $0x0;
	v21 =	vnsel vm6, $0x0, v21  }
0x279: {  	s26 =	sadd.s32 s5, s20;
	s1 =	sadd.s32 s25, s0;
	v9 =	vnsel vm7, $0x0, v9;
	vm7 =	vgt.s32 v27, $0x0;
	[tilespmem:s23+$0x0] =	vst v21;
	v21 =	vld.idx.msk [tilespmem:v14+s21+$0x0], $0xffff;
	v14 =	vadd.s32 $0xFFFFFFFF, v27  }
0x27a: {  	s30 =	sadd.s32 s25, s20;
	s19 =	sadd.s32 s22, s20;
	s29 =	simm.s32 $0xC;
	[tilespmem:s1+$0x0] =	vst v16;
	v27 =	vnsel vm9, $0x0, v22;
	v22 =	vadd.s32 $0xFFFFFFFF, v24;
	v23 =	vld.idx.msk [tilespmem:v28+s21+$0x0], $0xffff;
	vm9 =	vgt.s32 v14, $0x0  }
0x27b: {  	v62 =	vadd.s32 $0x124F8, v15;
	[tilespmem:s15+$0x0] =	vst v26;
	s24 =	sadd.s32 s16, s6;
	s16 =	sadd.s32 s4, s0;
	s6 =	sadd.s32 s4, s20;
	v31 =	vld.idx.msk [tilespmem:v13+s21+$0x0], $0xffff;
	vm12 =	vgt.s32 v22, $0x0;
	v30 =	vnsel vm9, $0x0, v14  }
0x27c: {  	s4 =	simm.s32 $0x400;
	s20 =	simm.s32 $0x0;
	s5 =	sadd.s32 s18, s14;
	v26 =	vadd.s32 $0x61A8, v9;
	v11 =	vnsel vm4, $0x0, v20;
	v20 =	vld.idx.msk [tilespmem:v10+s21+$0x0], $0xffff;
	v34 =	vnsel vm12, $0x0, v22  }
0x27d: {  	s0 =	sadd.s32 s22, s0;
	s10 =	sadd.s32 s9, s14;
	v28 =	vld.idx.msk [tilespmem:v12+s21+$0x0], $0xffff;
	s23 =	rddreg [dreg:$0x11];
	v16 =	vadd.s32 $0x61A8, v27;
	[tilespmem:s5+$0x0] =	vst v11;
	v11 =	vnsel vm2, $0x0, v19;
	v19 =	vadd.s32 $0xC350, v27  }
0x27e: {  	s22 =	sadd.s32 s13, s14;
	s1 =	simm.s32 $0x300;
	v13 =	vadd.s32 $0x124F8, v27;
	vm9 =	vgt.s32 v24, $0x0;
	s15 =	sadd.s32 s7, s23;
	[tilespmem:s10+$0x0] =	vst v11;
	v11 =	vnsel vm3, $0x0, v25;
	v24 =	vld.idx.msk [tilespmem:v9+s21+$0x0], $0xffff  }
0x27f: {  	[tilespmem:s26+$0x0] =	vst v29;
	s23 =	rddreg [dreg:$0xf];
	vm12 =	vgt.s32 v18, $0x0;
	v17 =	vadd.s32 $0x61A8, v30;
	s25 =	sadd.s32 s11, s15;
	s31 =	sadd.s32 s18, s15;
	v10 =	vnsel vm6, $0x0, v23;
	v23 =	vld.idx.msk [tilespmem:v27+s21+$0x0], $0xffff  }
0x280: {  	v15 =	vadd.s32 $0x61A8, v34;
	v14 =	vadd.s32 $0xC350, v30;
	v12 =	vadd.s32 $0xC350, v34;
	s5 =	sadd.s32 s9, s15;
	s12 =	sadd.s32 s13, s15;
	[tilespmem:s22+$0x0] =	vst v11;
	s15 =	simm.s32 $0xF0;
	v22 =	vld.idx.msk [tilespmem:v30+s21+$0x0], $0xffff  }
0x281: {  	v11 =	vadd.s32 $0x124F8, v30;
	v29 =	vnsel vm10, $0x0, v31;
	s22 =	simm.s32 $0x0;
	s26 =	sand.u32 $0x70, s15;
	v35 =	vnsel vm0, $0x0, v21;
	[tilespmem:s25+$0x0] =	vst v10;
	s25 =	sand.u32 $0x600, s1;
	v25 =	vld.idx.msk [tilespmem:v34+s21+$0x0], $0xffff  }
0x282: {  	v28 =	vnsel vm1, $0x0, v28;
	[tilespmem:s16+$0x0] =	vst v35;
	v27 =	vnsel vm11, $0x0, v63;
	s16 =	simm.s32 $0x0;
	v10 =	vadd.s32 $0x124F8, v34;
	v21 =	vld.idx.msk [tilespmem:v62+s21+$0x0], $0xffff;
	s10 =	sadd.s32 s25, s23;
	s28 =	rddreg [dreg:$0x12]  }
.LBB2_22:
0x283: {  	_ = 	snop  }
0x284: {  	s14 =	sshra.s32 s4, $0x2;
	v30 =	vld.idx.msk [tilespmem:v8+s16+$0x0], $0xffff;
	[tilespmem:s0+$0x0] =	vst v28  }
0x285: {  	s23 =	sadd.s32 s26, s10;
	vm10 =	vmmov vm4;
	[tilespmem:s30+$0x0] =	vst v29;
	v18 =	vld.idx.msk [tilespmem:v0+s14+$0x7F0 ss:$0x1], $0xffff;
	v24 =	vnsel vm12, $0x0, v24  }
0x286: {  	vm4 =	vmmov vm8;
	s0 =	sadd.s32 $0xFFFFFFE0, s15;
	vm11 =	vmmov vm0;
	vm0 =	vmmov vm2;
	[tilespmem:s23+$0x0] =	vst v24;
	v24 =	vld.idx.msk [tilespmem:v0+s14+$0x7C0 ss:$0x1], $0xffff  }
0x287: {  	v8 =	vmovc v19;
	vm2 =	vmmov vm7;
	[tilespmem:s24+$0x0] =	vst v27;
	s0 =	sand.u32 $0x50, s0;
	v19 =	vnsel vm5, $0x0, v20;
	s23 =	sadd.s32 $0xFFFFFFD0, s15;
	v20 =	vnsel vm4, $0x0, v23;
	v23 =	vld.idx.msk [tilespmem:v26+s20+$0x0], $0xffff  }
0x288: {  	s29 =	sadd.s32 $0x4, s29;
	s30 =	sadd.s32 s0, s10;
	s23 =	sand.u32 $0x40, s23;
	v22 =	vnsel vm2, $0x0, v22;
	v26 =	vld.idx.msk [tilespmem:v0+s14+$0x7D0 ss:$0x1], $0xffff  }
0x289: {  	s1 =	sadd.s32 $0xFFFFFFF0, s15;
	s7 =	sadd.s32 s7, s28;
	v27 =	vadd.s32 $0xC350, v9;
	vm5 =	vmmov vm1;
	s24 =	sadd.s32 s23, s10;
	[tilespmem:s30+$0x0] =	vst v22;
	v22 =	vld.idx.msk [tilespmem:v0+s14+$0x7E0 ss:$0x1], $0xffff  }
0x28a: {  	s28 =	rddreg [dreg:$0x10];
	s1 =	sand.u32 $0x60, s1;
	s11 =	sadd.s32 s11, s7;
	vm1 =	vmmov vm3;
	vm3 =	vmmov vm9;
	v21 =	vnsel vm6, $0x0, v21;
	[tilespmem:s24+$0x0] =	vst v20;
	v20 =	vld.idx.msk [tilespmem:v17+s20+$0x0], $0xffff  }
0x28b: {  	v34 =	vadd.s32 $0x124F8, v9;
	p0 =	slt.u32 s29, $0x18;
	s15 =	sadd.s32 $0x40, s15;
	v25 =	vnsel vm3, $0x0, v25;
	s10 =	sadd.s32 s1, s10;
	[tilespmem:s11+$0x0] =	vst v21;
	v21 =	vadd.s32 $0xFFFFFFFF, v18;
	v29 =	vld.idx.msk [tilespmem:v7+s16+$0x0], $0xffff  }
0x28c: {  	vm6 =	vmmov vm12;
	s14 =	sadd.s32 s9, s7;
	s9 =	smov.u32 s0;
	s0 =	sadd.s32 s25, s28;
	v17 =	vnsel vm10, $0x0, v30;
	[tilespmem:s10+$0x0] =	vst v25;
	v28 =	vld.idx.msk [tilespmem:v16+s20+$0x0], $0xffff;
	vm7 =	vgt.s32 v21, $0x0  }
0x28d: {  	s30 =	sadd.s32 s18, s7;
	s7 =	sadd.s32 s13, s7;
	s11 =	sadd.s32 s26, s0;
	v25 =	vld.idx.msk [tilespmem:v15+s20+$0x0], $0xffff;
	v16 =	vadd.s32 $0xFFFFFFFF, v24;
	v21 =	vnsel vm7, $0x0, v21;
	v15 =	vnsel vm6, $0x0, v23  }
0x28e: {  	s13 =	smov.u32 s1;
	s18 =	smov.u32 s23;
	s23 =	smov.u32 s16;
	v7 =	vmovc v14;
	v35 =	vld.idx.msk [tilespmem:v2+s22+$0x0], $0xffff;
	vm9 =	vgt.s32 v16, $0x0;
	vm7 =	vgt.s32 v26, $0x0;
	v14 =	vadd.s32 $0xFFFFFFFF, v26;
	[tilespmem:s11+$0x0] =	vst v15  }
0x28f: {  	s24 =	smov.u32 s6;
	s1 =	sadd.s32 s18, s0;
	s28 =	sadd.s32 s9, s0;
	[tilespmem:s2+$0x0] =	vst v19;
	v15 =	vadd.s32 $0xFFFFFFFF, v22;
	v26 =	vld.idx.msk [tilespmem:v27+s20+$0x0], $0xffff;
	v27 =	vnsel vm9, $0x0, v16;
	vm9 =	vgt.s32 v14, $0x0  }
0x290: {  	s10 =	sadd.s32 s13, s0;
	s6 =	smov.u32 s14;
	s16 =	smov.u32 s20;
	[tilespmem:s31+$0x0] =	vst v17;
	vm8 =	vgt.s32 v24, $0x0;
	v30 =	vld.idx.msk [tilespmem:v6+s23+$0x0], $0xffff;
	vm12 =	vgt.s32 v15, $0x0;
	v31 =	vnsel vm9, $0x0, v14  }
0x291: {  	s0 =	smov.u32 s12;
	s12 =	rddreg [dreg:$0x11];
	v2 =	vmovc v4;
	v4 =	vmovc v11;
	s2 =	smov.u32 s19;
	v32 =	vld.idx.msk [tilespmem:v5+s23+$0x0], $0xffff;
	v11 =	vnsel vm2, $0x0, v20;
	v36 =	vnsel vm0, $0x0, v29;
	v33 =	vnsel vm12, $0x0, v15  }
0x292: {  	s19 =	smov.u32 s7;
	s7 =	smov.u32 s25;
	v6 =	vmovc v12;
	s20 =	simm.s32 $0x0;
	v20 =	vld.idx.msk [tilespmem:v1+s22+$0x0], $0xffff;
	vm9 =	vgt.s32 v22, $0x0;
	v16 =	vadd.s32 $0x61A8, v27;
	v12 =	vnsel vm4, $0x0, v28  }
.Ltmp9:
0x293: {  	s14 =	smov.u32 s5;
	v5 =	vmovc v13;
	s25 =	sadd.s32 s7, s12;
	v19 =	vadd.s32 $0xC350, v27;
	v13 =	vadd.s32 $0x124F8, v27;
	vm12 =	vgt.s32 v18, $0x0;
	v24 =	vld.idx.msk [tilespmem:v21+s20+$0x0], $0xffff;
	[tilespmem:s1+$0x0] =	vst v12;
	(pc) =	sbr.rel @p0 .LBB2_22-.Ltmp9, $4  }
0x294: {  	v9 =	vmovc v21;
	s31 =	sadd.s32 s18, s25;
	s5 =	sadd.s32 s9, s25;
	s11 =	smov.u32 s26;
	[tilespmem:s28+$0x0] =	vst v11;
	v17 =	vadd.s32 $0x61A8, v31;
	v15 =	vadd.s32 $0x61A8, v33;
	v21 =	vnsel vm3, $0x0, v25;
	v23 =	vld.idx.msk [tilespmem:v27+s20+$0x0], $0xffff  }
0x295: {  	s12 =	sadd.s32 s13, s25;
	v1 =	vmovc v3;
	v3 =	vmovc v10;
	s22 =	smov.u32 s23;
	s26 =	sadd.s32 s11, s25;
	v14 =	vadd.s32 $0xC350, v31;
	v12 =	vadd.s32 $0xC350, v33;
	[tilespmem:s10+$0x0] =	vst v21;
	v10 =	vnsel vm6, $0x0, v26;
	v22 =	vld.idx.msk [tilespmem:v31+s20+$0x0], $0xffff  }
0x296: {  	s23 =	rddreg [dreg:$0xf];
	s25 =	sand.u32 $0x600, s4;
	s4 =	sadd.s32 $0x100, s4;
	v28 =	vnsel vm1, $0x0, v30;
	v11 =	vadd.s32 $0x124F8, v31;
	v29 =	vnsel vm10, $0x0, v32;
	[tilespmem:s26+$0x0] =	vst v10;
	v25 =	vld.idx.msk [tilespmem:v33+s20+$0x0], $0xffff  }
0x297: {  	s28 =	rddreg [dreg:$0x12];
	s10 =	sadd.s32 s25, s23;
	v26 =	vadd.s32 $0x61A8, v9;
	v27 =	vnsel vm11, $0x0, v35;
	v10 =	vadd.s32 $0x124F8, v33;
	s26 =	sand.u32 $0x70, s15;
	[tilespmem:s14+$0x0] =	vst v36;
	v21 =	vld.idx.msk [tilespmem:v34+s16+$0x0], $0xffff  }
0x298: {  	_ = 	snop  }
0x299: {  	[tilespmem:s0+$0x0] =	vst v28  }
0x29a: {  	[tilespmem:s30+$0x0] =	vst v29  }
0x29b: {  	v0 =	vnsel vm12, $0x0, v24;
	s1 =	sadd.s32 s26, s10;
	s23 =	sadd.s32 $0xFFFFFFD0, s15;
	[tilespmem:s24+$0x0] =	vst v27  }
0x29c: {  	vm10 =	vmmov vm8;
	s29 =	sadd.s32 $0xFFFFFFE0, s15;
	v8 =	vld.idx.msk [tilespmem:v8+s16+$0x0], $0xffff;
	v47 =	vnsel vm5, $0x0, v20;
	[tilespmem:s1+$0x0] =	vst v0;
	s4 =	sand.u32 $0x40, s23  }
0x29d: {  	vm14 =	vmmov vm7;
	s15 =	sadd.s32 $0xFFFFFFF0, s15;
	v6 =	vld.idx.msk [tilespmem:v6+s16+$0x0], $0xffff;
	v18 =	vnsel vm10, $0x0, v23;
	s0 =	sand.u32 $0x50, s29;
	[tilespmem:s2+$0x0] =	vst v47;
	s14 =	sadd.s32 s4, s10  }
0x29e: {  	vm9 =	vmmov vm9;
	s15 =	sand.u32 $0x60, s15;
	v0 =	vld.idx.msk [tilespmem:v26+s20+$0x0], $0xffff;
	s1 =	rddreg [dreg:$0x10];
	v39 =	vnsel vm14, $0x0, v22;
	s23 =	sadd.s32 s0, s10;
	[tilespmem:s14+$0x0] =	vst v18  }
0x29f: {  	s7 =	sadd.s32 s7, s28;
	s28 =	sadd.s32 s15, s10;
	[tilespmem:s23+$0x0] =	vst v39;
	v40 =	vnsel vm9, $0x0, v25;
	v16 =	vld.idx.msk [tilespmem:v16+s20+$0x0], $0xffff  }
0x2a0: {  	v38 =	vadd.s32 $0xC350, v9;
	vm4 =	vmmov vm4;
	s11 =	sadd.s32 s11, s7;
	v17 =	vld.idx.msk [tilespmem:v17+s20+$0x0], $0xffff;
	v41 =	vnsel vm6, $0x0, v21;
	[tilespmem:s28+$0x0] =	vst v40  }
0x2a1: {  	vm3 =	vmmov vm3;
	[tilespmem:s11+$0x0] =	vst v41;
	v43 =	vnsel vm4, $0x0, v8;
	v44 =	vld.idx.msk [tilespmem:v15+s20+$0x0], $0xffff  }
0x2a2: {  	vm15 =	vmmov vm12;
	v2 =	vld.idx.msk [tilespmem:v2+s22+$0x0], $0xffff;
	s1 =	sadd.s32 s25, s1;
	v6 =	vnsel vm3, $0x0, v6;
	[tilespmem:s31+$0x0] =	vst v43  }
0x2a3: {  	v1 =	vld.idx.msk [tilespmem:v1+s22+$0x0], $0xffff;
	s24 =	sadd.s32 s26, s1;
	[tilespmem:s12+$0x0] =	vst v6;
	v0 =	vnsel vm15, $0x0, v0  }
0x2a4: {  	v45 =	vld.idx.msk [tilespmem:v7+s16+$0x0], $0xffff;
	s29 =	sadd.s32 s4, s1;
	[tilespmem:s24+$0x0] =	vst v0;
	v46 =	vnsel vm10, $0x0, v16  }
0x2a5: {  	s30 =	sadd.s32 s0, s1;
	v42 =	vld.idx.msk [tilespmem:v38+s20+$0x0], $0xffff;
	s10 =	rddreg [dreg:$0x11];
	v49 =	vnsel vm14, $0x0, v17;
	[tilespmem:s29+$0x0] =	vst v46  }
0x2a6: {  	vm0 =	vmmov vm0;
	s1 =	sadd.s32 s15, s1;
	[tilespmem:s30+$0x0] =	vst v49;
	v8 =	vnsel vm9, $0x0, v44;
	v50 =	vld.idx.msk [tilespmem:v19+s20+$0x0], $0xffff  }
0x2a7: {  	v48 =	vadd.s32 $0x124F8, v9;
	vm1 =	vmmov vm1;
	v2 =	vnsel vm0, $0x0, v2;
	[tilespmem:s1+$0x0] =	vst v8;
	v52 =	vld.idx.msk [tilespmem:v14+s20+$0x0], $0xffff  }
0x2a8: {  	vm2 =	vmmov vm2;
	[tilespmem:s6+$0x0] =	vst v2;
	v1 =	vnsel vm1, $0x0, v1;
	v53 =	vld.idx.msk [tilespmem:v12+s20+$0x0], $0xffff  }
0x2a9: {  	v5 =	vld.idx.msk [tilespmem:v5+s16+$0x0], $0xffff;
	[tilespmem:s19+$0x0] =	vst v1;
	v0 =	vnsel vm2, $0x0, v45;
	s31 =	sadd.s32 s25, s10  }
0x2aa: {  	v3 =	vld.idx.msk [tilespmem:v3+s16+$0x0], $0xffff;
	[tilespmem:s5+$0x0] =	vst v0;
	vm10 =	vmmov vm10;
	s10 =	sadd.s32 s26, s31;
	v51 =	vnsel vm15, $0x0, v42  }
0x2ab: {  	vm11 =	vmmov vm14;
	v56 =	vld.idx.msk [tilespmem:v4+s16+$0x0], $0xffff;
	s11 =	sadd.s32 s4, s31;
	[tilespmem:s10+$0x0] =	vst v51;
	v54 =	vnsel vm10, $0x0, v50  }
0x2ac: {  	vm12 =	vmmov vm9;
	s24 =	sadd.s32 s0, s31;
	v7 =	vld.idx.msk [tilespmem:v48+s20+$0x0], $0xffff;
	s14 =	rddreg [dreg:$0x12];
	v57 =	vnsel vm11, $0x0, v52;
	[tilespmem:s11+$0x0] =	vst v54  }
0x2ad: {  	s2 =	sadd.s32 s15, s31;
	v0 =	vnsel vm12, $0x0, v53;
	[tilespmem:s24+$0x0] =	vst v57;
	v55 =	vld.idx.msk [tilespmem:v13+s20+$0x0], $0xffff  }
0x2ae: {  	s23 =	sadd.s32 s18, s7;
	vm14 =	vmmov vm3;
	v5 =	vnsel vm4, $0x0, v5;
	[tilespmem:s2+$0x0] =	vst v0;
	v59 =	vld.idx.msk [tilespmem:v11+s20+$0x0], $0xffff  }
0x2af: {  	vm13 =	vmmov vm2;
	s30 =	sadd.s32 s13, s7;
	v62 =	vnsel vm14, $0x0, v3;
	[tilespmem:s23+$0x0] =	vst v5;
	v60 =	vld.idx.msk [tilespmem:v10+s20+$0x0], $0xffff  }
0x2b0: {  	s29 =	sadd.s32 s9, s7;
	[tilespmem:s30+$0x0] =	vst v62;
	v2 =	vnsel vm13, $0x0, v56;
	s5 =	sadd.s32 s25, s14  }
0x2b1: {  	[tilespmem:s29+$0x0] =	vst v2;
	s26 =	sadd.s32 s26, s5;
	v58 =	vnsel vm15, $0x0, v7  }
0x2b2: {  	vm0 =	vmmov vm11;
	s28 =	sadd.s32 s4, s5;
	[tilespmem:s26+$0x0] =	vst v58;
	v61 =	vnsel vm10, $0x0, v55  }
0x2b3: {  	s0 =	sadd.s32 s0, s5;
	vm15 =	vmmov vm12;
	v0 =	vnsel vm0, $0x0, v59;
	[tilespmem:s28+$0x0] =	vst v61  }
0x2b4: {  	s31 =	sadd.s32 s15, s5;
	v63 =	vnsel vm15, $0x0, v60;
	[tilespmem:s0+$0x0] =	vst v0  }
0x2b5: {  	[tilespmem:s31+$0x0] =	vst v63  }
0x2b6: {  	s4 =	sld [smem:$0x7DB];
	_ =	sdelay $0x2  }
0x2b7: {  	s0 =	simm.s32 $0x700;
	s2 =	smov.u32 s4  }
.LBB2_24:
0x2b8: {  	s1 =	sshra.s32 s20, $0x2  }
0x2b9: {  	s1 =	sadd.s32 s1, s17  }
0x2ba: {  	v0 =	vld [tilespmem:s1+$0x0];
	_ =	sdelay $0x4  }
0x2bb: {  	v1 =	vadd.s32 $0xFFFFFFFF, v0  }
0x2bc: {  	vm0 =	vgt.s32 v1, $0x0  }
0x2bd: {  	v1 =	vnsel vm0, $0x0, v1;
	_ =	sdelay $0x4  }
0x2be: {  	v2 =	vld.idx.msk [tilespmem:v1+s3+$0x0], $0xffff;
	_ =	sdelay $0x1  }
0x2bf: {  	v3 =	vadd.s32 $0x61A8, v1;
	_ =	sdelay $0x1  }
0x2c0: {  	s31 =	sand.u32 $0x3FFFFE00, s0;
	vm15 =	vgt.s32 v0, $0x0  }
0x2c1: {  	s1 =	sadd.s32 s31, s2;
	v0 =	vnsel vm15, $0x0, v2  }
0x2c2: {  	[tilespmem:s1+$0x0] =	vst v0  }
0x2c3: {  	v0 =	vld.idx.msk [tilespmem:v3+s3+$0x0], $0xffff;
	_ =	sdelay $0x1  }
0x2c4: {  	v63 =	vadd.s32 $0xC350, v1;
	_ =	sdelay $0x2  }
0x2c5: {  	v0 =	vnsel vm15, $0x0, v0  }
0x2c6: {  	[tilespmem:s1+$0x800] =	vst v0  }
0x2c7: {  	v0 =	vld.idx.msk [tilespmem:v63+s3+$0x0], $0xffff;
	_ =	sdelay $0x1  }
0x2c8: {  	v1 =	vadd.s32 $0x124F8, v1;
	_ =	sdelay $0x2  }
0x2c9: {  	v0 =	vnsel vm15, $0x0, v0  }
0x2ca: {  	[tilespmem:s1+$0x1000] =	vst v0  }
0x2cb: {  	v0 =	vld.idx.msk [tilespmem:v1+s3+$0x0], $0xffff  }
0x2cc: {  	p0 =	sne.s32 s20, $0x80  }
.Ltmp10:
0x2cd: {  	_ = 	snop;
	(pc) =	sbr.rel @p0 .LBB2_24-.Ltmp10, $3  }
0x2ce: {  	_ =	sdelay $0x1  }
0x2cf: {  	v0 =	vnsel vm15, $0x0, v0  }
0x2d0: {  	s0 =	sadd.s32 $0x40, s0;
	s20 =	sadd.s32 $0x40, s20;
	s2 =	sadd.s32 $0x10, s2;
	[tilespmem:s1+$0x1800] =	vst v0  }
0x2d1: {  	s8 =	sadd.s32 $0x1, s8  }
0x2d2: {  	p0 =	sne.s32 s8, $0x4  }
.Ltmp11:
0x2d3: {  	_ = 	snop;
	(pc) =	sbr.rel @p0 .LBB2_21-.Ltmp11, $2  }
0x2d4: {  	s1 =	sld [smem:$0x7DC];
	_ =	sdelay $0x2  }
0x2d5: {  	s17 =	sadd.s32 $0x1F0, s17;
	s4 =	sadd.s32 $0x80, s4;
	s1 =	sadd.s32 $0x1F0, s1  }
0x2d6: {  	s0 =	sld [smem:$0x7F7]  }
0x2d7: {  	s1 =	sld [smem:$0x7DD];
	_ =	sdelay $0x1  }
0x2d8: {  	s2 =	simm.s32 $0x200;
	s4 =	simm.s32 $0x400;
	s21 =	simm.s32 $0x1B680  }
0x2d9: {  	s5 =	simm.s32 $0x1BE80;
	s25 =	sld [smem:$0x7DE];
	s0 =	sadd.s32 s1, s0  }
0x2da: {  	[hbm4b:s0+s2] =	stream.strided.scatter [tilespmem:s21], [sflag:$0x4], $0x800, s4, s2, $0x38;
	[tilespmem:$0x1D680] =	vst v63  }
0x2db: {  	s24 =	simm.s32 $0x1C680;
	s26 =	simm.s32 $0x1CE80;
	s22 =	sadd.s32 $0x7C00, s0  }
0x2dc: {  	[hbm4b:s22+s2] =	stream.strided.scatter [tilespmem:s5], [sflag:$0x4], $0x800, s4, s2, $0x38;
	[tilespmem:$0x1D680] =	vst v63  }
0x2dd: {  	s28 =	sld [smem:$0x7EF];
	s1 =	smin.u32 s25, $0x78;
	s23 =	sadd.s32 $0xF800, s0  }
0x2de: {  	[hbm4b:s23+s2] =	stream.strided.scatter [tilespmem:s24], [sflag:$0x4], $0x800, s4, s2, $0x38;
	[tilespmem:$0x1D680] =	vst v63  }
0x2df: {  	s29 =	sld [smem:$0x7F9];
	s0 =	sadd.s32 $0x17400, s0;
	s1 =	smul.u32 $0x7C0, s1  }
0x2e0: {  	[hbm4b:s0+s2] =	stream.strided.scatter [tilespmem:s26], [sflag:$0x4], $0x800, s4, s2, $0x38;
	[tilespmem:$0x1D680] =	vst v63  }
0x2e1: {  	s0 =	sadd.s32 s1, s28  }
0x2e2: {  	s31 =	sld [smem:$0x7E2];
	s0 =	sshrl.u32 s0, $0x3  }
0x2e3: {  	s30 =	simm.s32 $0x18EC0;
	s0 =	sadd.s32 s29, s0  }
0x2e4: {  	[tilespmem:s30], [sflag:$0x2] =	stream.linear.gather [hbm4b:s0+s3], $0x7C0, $0x38;
	[tilespmem:$0x1D680] =	vst v63  }
0x2e5: {  	s0 =	sadd.s32 $0x1, s31  }
0x2e6: {  	p0 =	sne.s32 s0, $0x3E  }
.Ltmp12:
0x2e7: {  	_ = 	snop;
	(pc) =	sbr.rel @p0 .LBB2_14-.Ltmp12, $2  }
0x2e8: {  	_ =	sdelay $0x2  }
0x2e9: {  	s2 =	simm.s32 $0x1;
	[smem:$0x7E2] =	sst s0  }
0x2ea: {  	_ =	swait.ge [sflag:s2], $0x7C0  }
0x2eb: {  	[sflag:s2] =	ssyncset.done $0x0  }
0x2ec: {  	s0 =	simm.s32 $0x3;
	[sflag:s2] =	ssyncadd.s32 $0xFFFFF840  }
0x2ed: {  	_ =	swait.ge [sflag:s0], $0x2000  }
0x2ee: {  	[sflag:s0] =	ssyncset.done $0x0  }
0x2ef: {  	s25 =	simm.s32 $0x2;
	[sflag:s0] =	ssyncadd.s32 $0xFFFFE000  }
0x2f0: {  	_ =	swait.ge [sflag:s25], $0x7C0  }
0x2f1: {  	[sflag:s25] =	ssyncset.done $0x0  }
0x2f2: {  	s26 =	simm.s32 $0x4;
	[sflag:s25] =	ssyncadd.s32 $0xFFFFF840  }
0x2f3: {  	_ =	swait.ge [sflag:s26], $0x2000  }
0x2f4: {  	s28 =	sld [smem:$0x7F1]  }
0x2f5: {  	[sflag:s26] =	ssyncset.done $0x0  }
0x2f6: {  	s10 =	simm.s32 $0x0;
	s29 =	simm.s32 $0x5;
	[sflag:s26] =	ssyncadd.s32 $0xFFFFE000  }
0x2f7: {  	[tilespmem:s10], [sflag:$0x5] =	stream.linear.gather [hbm4b:s28+s10], $0x186A0, $0x38;
	[tilespmem:$0x1D680] =	vst v63  }
0x2f8: {  	_ =	swait.ge [sflag:s29], $0x186A0  }
0x2f9: {  	s30 =	sld [smem:$0x7FC]  }
0x2fa: {  	[sflag:s29] =	ssyncset.done $0x0  }
0x2fb: {  	s4 =	simm.s32 $0x18700;
	s31 =	sld [smem:$0x7FD];
	[sflag:s29] =	ssyncadd.s32 $0xFFFE7960  }
0x2fc: {  	[tilespmem:s4], [sflag:$0x1] =	stream.linear.gather [hbm4b:s30+s10], $0x7C0, $0x38;
	[tilespmem:$0x1D680] =	vst v63  }
0x2fd: {  	s1 =	simm.s32 $0x18EC0  }
0x2fe: {  	[tilespmem:s1], [sflag:$0x2] =	stream.linear.gather [hbm4b:s31+s10], $0x7C0, $0x38;
	[tilespmem:$0x1D680] =	vst v63  }
0x2ff: {  	_ =	swait.ge [sflag:s2], $0x7C0  }
0x300: {  	s17 =	simm.s32 $0x188C0;
	[sflag:s2] =	ssyncset.done $0x0  }
0x301: {  	s5 =	simm.s32 $0x1A6C0;
	s8 =	simm.s32 $0x0;
	[sflag:s2] =	ssyncadd.s32 $0xFFFFF840  }
.LBB2_28:
0x302: {  	[smem:$0x7D9] =	sst s5;
	s0 =	sshll.u32 s8, $0x7  }
0x303: {  	[smem:$0x7DA] =	sst s4;
	v0 =	vmov s4;
	s2 =	sadd.s32 $0x19680, s0  }
0x304: {  	s19 =	sadd.s32 $0x19E80, s0;
	[dreg:$0x13] =	wrdreg s2  }
0x305: {  	s20 =	sadd.s32 $0x1A680, s0;
	[dreg:$0x14] =	wrdreg s19  }
0x306: {  	s0 =	sadd.s32 $0x1AE80, s0;
	[dreg:$0x15] =	wrdreg s20  }
0x307: {  	s21 =	simm.s32 $0x0;
	[dreg:$0x16] =	wrdreg s0  }
0x308: {  	v1 =	vld.idx.msk [tilespmem:v0+s21+$0x30 ss:$0x1], $0xffff;
	_ =	sdelay $0x4  }
0x309: {  	v2 =	vld.idx.msk [tilespmem:v0+s21+$0x0 ss:$0x1], $0xffff;
	v5 =	vadd.s32 $0xFFFFFFFF, v1  }
0x30a: {  	v3 =	vld.idx.msk [tilespmem:v0+s21+$0x10 ss:$0x1], $0xffff;
	vm0 =	vgt.s32 v5, $0x0  }
0x30b: {  	v5 =	vnsel vm0, $0x0, v5  }
0x30c: {  	v4 =	vld.idx.msk [tilespmem:v0+s21+$0x20 ss:$0x1], $0xffff;
	_ =	sdelay $0x1  }
0x30d: {  	v6 =	vadd.s32 $0xFFFFFFFF, v2  }
0x30e: {  	v7 =	vadd.s32 $0xFFFFFFFF, v3;
	vm0 =	vgt.s32 v6, $0x0  }
0x30f: {  	v6 =	vnsel vm0, $0x0, v6;
	vm0 =	vgt.s32 v7, $0x0;
	v9 =	vld.idx.msk [tilespmem:v5+s10+$0x0], $0xffff  }
0x310: {  	v8 =	vadd.s32 $0xFFFFFFFF, v4;
	v7 =	vnsel vm0, $0x0, v7  }
0x311: {  	s25 =	simm.s32 $0x40;
	v10 =	vadd.s32 $0x61A8, v5;
	vm0 =	vgt.s32 v8, $0x0  }
0x312: {  	s23 =	simm.s32 $0x30;
	s6 =	sand.u32 $0x600, s10;
	s22 =	rddreg [dreg:$0x13];
	v13 =	vld.idx.msk [tilespmem:v0+s25+$0x30 ss:$0x1], $0xffff;
	v8 =	vnsel vm0, $0x0, v8  }
0x313: {  	s2 =	sand.u32 $0x70, s23;
	s24 =	sadd.s32 s6, s22;
	vm2 =	vgt.s32 v1, $0x0;
	vm0 =	vgt.s32 v2, $0x0;
	v2 =	vld.idx.msk [tilespmem:v0+s25+$0x0 ss:$0x1], $0xffff  }
0x314: {  	s26 =	sadd.s32 s2, s24;
	v11 =	vld.idx.msk [tilespmem:v6+s10+$0x0], $0xffff;
	v9 =	vnsel vm2, $0x0, v9  }
0x315: {  	v12 =	vld.idx.msk [tilespmem:v7+s10+$0x0], $0xffff;
	[tilespmem:s26+$0x0] =	vst v9  }
0x316: {  	vm1 =	vgt.s32 v3, $0x0;
	v3 =	vadd.s32 $0x61A8, v6;
	v9 =	vld.idx.msk [tilespmem:v10+s10+$0x0], $0xffff  }
0x317: {  	s9 =	simm.s32 $0x0;
	vm4 =	vgt.s32 v4, $0x0;
	v17 =	vadd.s32 $0xFFFFFFFF, v13;
	v4 =	vadd.s32 $0x61A8, v7;
	v1 =	vld.idx.msk [tilespmem:v8+s10+$0x0], $0xffff  }
0x318: {  	s31 =	simm.s32 $0x10;
	s19 =	sand.u32 $0x40, s9;
	v14 =	vld.idx.msk [tilespmem:v0+s25+$0x10 ss:$0x1], $0xffff;
	v15 =	vadd.s32 $0xC350, v5;
	vm3 =	vmmov vm0;
	vm0 =	vmmov vm1  }
0x319: {  	s16 =	sand.u32 $0x50, s31;
	s11 =	sadd.s32 s19, s24;
	vm1 =	vmmov vm4;
	v11 =	vnsel vm3, $0x0, v11;
	v10 =	vadd.s32 $0x61A8, v8;
	s7 =	rddreg [dreg:$0x14]  }
0x31a: {  	s0 =	simm.s32 $0x20;
	s5 =	sadd.s32 s16, s24;
	v16 =	vld.idx.msk [tilespmem:v0+s25+$0x20 ss:$0x1], $0xffff;
	vm4 =	vgt.s32 v17, $0x0;
	vm2 =	vmmov vm2;
	v12 =	vnsel vm0, $0x0, v12;
	[tilespmem:s11+$0x0] =	vst v11;
	s1 =	sadd.s32 s6, s7  }
0x31b: {  	s20 =	sand.u32 $0x60, s0;
	v17 =	vnsel vm4, $0x0, v17;
	[tilespmem:s5+$0x0] =	vst v12;
	v3 =	vld.idx.msk [tilespmem:v3+s10+$0x0], $0xffff;
	s7 =	sadd.s32 s2, s1;
	v9 =	vnsel vm2, $0x0, v9  }
0x31c: {  	s4 =	sadd.s32 s20, s24;
	v11 =	vadd.s32 $0xFFFFFFFF, v2;
	v1 =	vnsel vm1, $0x0, v1;
	v4 =	vld.idx.msk [tilespmem:v4+s10+$0x0], $0xffff;
	[tilespmem:s7+$0x0] =	vst v9  }
0x31d: {  	vm4 =	vgt.s32 v11, $0x0;
	[tilespmem:s4+$0x0] =	vst v1;
	v9 =	vadd.s32 $0xFFFFFFFF, v14;
	v1 =	vld.idx.msk [tilespmem:v15+s10+$0x0], $0xffff  }
0x31e: {  	v19 =	vld.idx.msk [tilespmem:v10+s10+$0x0], $0xffff;
	v15 =	vnsel vm4, $0x0, v11;
	vm4 =	vgt.s32 v9, $0x0  }
0x31f: {  	v11 =	vadd.s32 $0xFFFFFFFF, v16;
	v9 =	vnsel vm4, $0x0, v9  }
0x320: {  	s18 =	simm.s32 $0x80;
	v12 =	vld.idx.msk [tilespmem:v17+s10+$0x0], $0xffff;
	s22 =	sadd.s32 s19, s1;
	v3 =	vnsel vm3, $0x0, v3;
	s4 =	rddreg [dreg:$0x15];
	vm4 =	vgt.s32 v11, $0x0  }
0x321: {  	vm7 =	vgt.s32 v16, $0x0;
	s23 =	sadd.s32 s16, s1;
	v16 =	vld.idx.msk [tilespmem:v0+s18+$0x30 ss:$0x1], $0xffff;
	[tilespmem:s22+$0x0] =	vst v3;
	v3 =	vnsel vm0, $0x0, v4;
	s15 =	sadd.s32 s6, s4;
	v18 =	vnsel vm4, $0x0, v11  }
0x322: {  	vm6 =	vgt.s32 v13, $0x0;
	v21 =	vadd.s32 $0x61A8, v17;
	s11 =	simm.s32 $0x100;
	[tilespmem:s23+$0x0] =	vst v3;
	v3 =	vld.idx.msk [tilespmem:v0+s18+$0x10 ss:$0x1], $0xffff;
	s12 =	sadd.s32 s2, s15;
	v1 =	vnsel vm2, $0x0, v1  }
0x323: {  	s13 =	simm.s32 $0x70;
	s9 =	rddreg [dreg:$0x13];
	vm5 =	vgt.s32 v14, $0x0;
	v23 =	vadd.s32 $0xC350, v7;
	v4 =	vnsel vm1, $0x0, v19;
	v19 =	vld.idx.msk [tilespmem:v0+s18+$0x0 ss:$0x1], $0xffff;
	[tilespmem:s12+$0x0] =	vst v1;
	s12 =	sand.u32 $0x600, s11  }
0x324: {  	vm5 =	vmmov vm5;
	vm7 =	vmmov vm7;
	v22 =	vadd.s32 $0xC350, v6;
	s5 =	sand.u32 $0x70, s13;
	v25 =	vld.idx.msk [tilespmem:v9+s10+$0x0], $0xffff;
	s14 =	sadd.s32 s12, s9  }
0x325: {  	v24 =	vadd.s32 $0xC350, v8;
	vm4 =	vgt.s32 v2, $0x0;
	v2 =	vnsel vm6, $0x0, v12;
	v20 =	vld.idx.msk [tilespmem:v15+s10+$0x0], $0xffff;
	s4 =	sadd.s32 s5, s14  }
0x326: {  	v5 =	vadd.s32 $0x124F8, v5;
	v6 =	vadd.s32 $0x124F8, v6;
	v1 =	vld.idx.msk [tilespmem:v18+s10+$0x0], $0xffff;
	[tilespmem:s4+$0x0] =	vst v2;
	v2 =	vadd.s32 $0x61A8, v9  }
0x327: {  	s24 =	simm.s32 $0x50;
	v10 =	vadd.s32 $0x124F8, v8;
	vm3 =	vmmov vm3;
	vm0 =	vmmov vm0;
	v21 =	vld.idx.msk [tilespmem:v21+s10+$0x0], $0xffff  }
0x328: {  	s25 =	simm.s32 $0x40;
	s0 =	sadd.s32 s20, s1;
	v26 =	vadd.s32 $0xC350, v15;
	v13 =	vadd.s32 $0x124F8, v15;
	v23 =	vld.idx.msk [tilespmem:v23+s10+$0x0], $0xffff;
	v8 =	vadd.s32 $0x61A8, v18;
	s4 =	sand.u32 $0x50, s24  }
0x329: {  	s26 =	simm.s32 $0x60;
	s23 =	sand.u32 $0x40, s25;
	vm4 =	vmmov vm4;
	[tilespmem:s0+$0x0] =	vst v4;
	v4 =	vld.idx.msk [tilespmem:v22+s10+$0x0], $0xffff;
	s31 =	sadd.s32 s4, s14;
	v22 =	vnsel vm5, $0x0, v25;
	v25 =	vadd.s32 $0xC350, v17  }
0x32a: {  	s21 =	sand.u32 $0x60, s26;
	v11 =	vadd.s32 $0x124F8, v7;
	v7 =	vadd.s32 $0x61A8, v15;
	s1 =	sadd.s32 s23, s14;
	s13 =	rddreg [dreg:$0x14];
	v15 =	vnsel vm4, $0x0, v20;
	v20 =	vld.idx.msk [tilespmem:v0+s18+$0x20 ss:$0x1], $0xffff;
	[tilespmem:s31+$0x0] =	vst v22  }
0x32b: {  	vm6 =	vmmov vm6;
	s7 =	sadd.s32 s21, s14;
	[tilespmem:s1+$0x0] =	vst v15;
	s14 =	sadd.s32 s12, s13;
	v1 =	vnsel vm7, $0x0, v1;
	v22 =	vld.idx.msk [tilespmem:v2+s10+$0x0], $0xffff;
	v2 =	vadd.s32 $0xFFFFFFFF, v16  }
0x32c: {  	v5 =	vld.idx.msk [tilespmem:v5+s10+$0x0], $0xffff;
	s22 =	sadd.s32 s5, s14;
	[tilespmem:s7+$0x0] =	vst v1;
	vm8 =	vgt.s32 v2, $0x0;
	v1 =	vnsel vm6, $0x0, v21;
	v21 =	vadd.s32 $0xFFFFFFFF, v19  }
0x32d: {  	v27 =	vld.idx.msk [tilespmem:v8+s10+$0x0], $0xffff;
	v15 =	vnsel vm8, $0x0, v2;
	[tilespmem:s22+$0x0] =	vst v1;
	vm8 =	vgt.s32 v21, $0x0;
	v1 =	vadd.s32 $0xFFFFFFFF, v3  }
0x32e: {  	v14 =	vadd.s32 $0xC350, v9;
	v8 =	vld.idx.msk [tilespmem:v25+s10+$0x0], $0xffff;
	v21 =	vnsel vm8, $0x0, v21;
	vm8 =	vgt.s32 v1, $0x0  }
0x32f: {  	s24 =	sadd.s32 s19, s15;
	v4 =	vnsel vm3, $0x0, v4;
	v7 =	vld.idx.msk [tilespmem:v7+s10+$0x0], $0xffff;
	v25 =	vadd.s32 $0xFFFFFFFF, v20;
	v28 =	vnsel vm8, $0x0, v1  }
0x330: {  	s22 =	rddreg [dreg:$0x16];
	v2 =	vadd.s32 $0x124F8, v9;
	[tilespmem:s24+$0x0] =	vst v4;
	v4 =	vld.idx.msk [tilespmem:v24+s10+$0x0], $0xffff;
	v9 =	vadd.s32 $0x124F8, v17;
	vm8 =	vgt.s32 v25, $0x0  }
0x331: {  	v12 =	vadd.s32 $0xC350, v18;
	vm1 =	vmmov vm1;
	s7 =	rddreg [dreg:$0x15];
	v17 =	vld.idx.msk [tilespmem:v6+s10+$0x0], $0xffff;
	v24 =	vnsel vm8, $0x0, v25  }
0x332: {  	vm10 =	vmmov vm4;
	vm9 =	vgt.s32 v16, $0x0;
	s0 =	sadd.s32 s12, s7;
	v25 =	vnsel vm2, $0x0, v5;
	v5 =	vld.idx.msk [tilespmem:v15+s10+$0x0], $0xffff  }
0x333: {  	vm11 =	vgt.s32 v19, $0x0;
	vm2 =	vgt.s32 v3, $0x0;
	s7 =	sadd.s32 s5, s0;
	v19 =	vld.idx.msk [tilespmem:v21+s10+$0x0], $0xffff;
	v3 =	vnsel vm6, $0x0, v8  }
0x334: {  	v23 =	vnsel vm0, $0x0, v23;
	v31 =	vadd.s32 $0x61A8, v15;
	v1 =	vadd.s32 $0x124F8, v18;
	v30 =	vld.idx.msk [tilespmem:v28+s10+$0x0], $0xffff;
	[tilespmem:s7+$0x0] =	vst v3  }
0x335: {  	s26 =	simm.s32 $0x200;
	s18 =	sadd.s32 s23, s14;
	vm8 =	vgt.s32 v20, $0x0;
	v20 =	vadd.s32 $0x61A8, v21;
	v3 =	vnsel vm4, $0x0, v7;
	v9 =	vld.idx.msk [tilespmem:v9+s10+$0x0], $0xffff  }
0x336: {  	s25 =	rddreg [dreg:$0x13];
	s31 =	simm.s32 $0xB0;
	v29 =	vadd.s32 $0x61A8, v28;
	v22 =	vnsel vm5, $0x0, v22;
	v27 =	vnsel vm7, $0x0, v27;
	s7 =	sand.u32 $0x600, s26;
	[tilespmem:s18+$0x0] =	vst v3;
	v33 =	vld.idx.msk [tilespmem:v24+s10+$0x0], $0xffff  }
0x337: {  	s1 =	sadd.s32 s4, s14;
	v32 =	vadd.s32 $0x61A8, v24;
	v6 =	vadd.s32 $0xC350, v24;
	vm2 =	vmmov vm2;
	s24 =	sadd.s32 s7, s25;
	s25 =	simm.s32 $0xC0;
	v16 =	vld.idx.msk [tilespmem:v26+s10+$0x0], $0xffff  }
0x338: {  	s14 =	sadd.s32 s21, s14;
	s11 =	sand.u32 $0x70, s31;
	[tilespmem:s1+$0x0] =	vst v22;
	v8 =	vadd.s32 $0xC350, v21;
	v17 =	vnsel vm3, $0x0, v17;
	vm3 =	vmmov vm8;
	v18 =	vld.idx.msk [tilespmem:v0+s25+$0x30 ss:$0x1], $0xffff  }
0x339: {  	[tilespmem:s14+$0x0] =	vst v27;
	v7 =	vadd.s32 $0xC350, v28;
	vm4 =	vmmov vm11;
	s26 =	simm.s32 $0x80;
	s13 =	sadd.s32 s11, s24;
	v22 =	vld.idx.msk [tilespmem:v0+s25+$0x0 ss:$0x1], $0xffff;
	v3 =	vnsel vm9, $0x0, v5  }
0x33a: {  	s31 =	simm.s32 $0x90;
	vm11 =	vmmov vm0;
	vm0 =	vmmov vm5;
	vm5 =	vmmov vm1;
	s18 =	sand.u32 $0x40, s26;
	s26 =	sadd.s32 s16, s15;
	v27 =	vld.idx.msk [tilespmem:v0+s25+$0x10 ss:$0x1], $0xffff;
	[tilespmem:s13+$0x0] =	vst v3  }
0x33b: {  	s9 =	sand.u32 $0x50, s31;
	v26 =	vnsel vm1, $0x0, v4;
	v4 =	vadd.s32 $0x124F8, v28;
	[tilespmem:s26+$0x0] =	vst v23;
	v5 =	vadd.s32 $0x124F8, v21;
	v21 =	vld.idx.msk [tilespmem:v31+s10+$0x0], $0xffff  }
0x33c: {  	s6 =	sadd.s32 s6, s22;
	s1 =	simm.s32 $0xA0;
	s14 =	sadd.s32 s9, s24;
	v28 =	vadd.s32 $0xC350, v15;
	v63 =	vld.idx.msk [tilespmem:v11+s10+$0x0], $0xffff;
	v3 =	vadd.s32 $0x124F8, v24;
	v24 =	vnsel vm2, $0x0, v30  }
0x33d: {  	s29 =	sadd.s32 s18, s24;
	vm1 =	vmmov vm7;
	v19 =	vnsel vm4, $0x0, v19;
	s13 =	sand.u32 $0x60, s1;
	s28 =	rddreg [dreg:$0x14];
	[tilespmem:s14+$0x0] =	vst v24;
	v24 =	vld.idx.msk [tilespmem:v0+s25+$0x20 ss:$0x1], $0xffff;
	v30 =	vnsel vm3, $0x0, v33  }
0x33e: {  	s2 =	sadd.s32 s2, s6;
	s24 =	sadd.s32 s13, s24;
	[tilespmem:s29+$0x0] =	vst v19;
	v19 =	vld.idx.msk [tilespmem:v29+s10+$0x0], $0xffff;
	v29 =	vnsel vm6, $0x0, v9;
	vm6 =	vmmov vm9;
	v9 =	vadd.s32 $0xFFFFFFFF, v18  }
0x33f: {  	s19 =	sadd.s32 s19, s6;
	s22 =	sadd.s32 s16, s6;
	v20 =	vld.idx.msk [tilespmem:v20+s10+$0x0], $0xffff;
	s25 =	sadd.s32 s7, s28;
	[tilespmem:s24+$0x0] =	vst v30;
	v16 =	vnsel vm10, $0x0, v16;
	vm8 =	vgt.s32 v22, $0x0;
	v22 =	vadd.s32 $0xFFFFFFFF, v22  }
0x340: {  	s31 =	sadd.s32 s23, s0;
	[tilespmem:s2+$0x0] =	vst v25;
	s2 =	sadd.s32 s20, s6;
	s14 =	sadd.s32 s11, s25;
	vm7 =	vgt.s32 v9, $0x0;
	v25 =	vld.idx.msk [tilespmem:v32+s10+$0x0], $0xffff;
	vm9 =	vgt.s32 v22, $0x0;
	v21 =	vnsel vm6, $0x0, v21  }
0x341: {  	s15 =	sadd.s32 s20, s15;
	s16 =	sadd.s32 s4, s0;
	s1 =	rddreg [dreg:$0x16];
	v9 =	vnsel vm7, $0x0, v9;
	vm7 =	vgt.s32 v27, $0x0;
	[tilespmem:s14+$0x0] =	vst v21;
	v21 =	vld.idx.msk [tilespmem:v14+s10+$0x0], $0xffff;
	v14 =	vadd.s32 $0xFFFFFFFF, v27  }
0x342: {  	s0 =	sadd.s32 s21, s0;
	s12 =	sadd.s32 s12, s1;
	s29 =	simm.s32 $0x300;
	[tilespmem:s31+$0x0] =	vst v16;
	v27 =	vnsel vm9, $0x0, v22;
	v22 =	vadd.s32 $0xFFFFFFFF, v24;
	v23 =	vld.idx.msk [tilespmem:v28+s10+$0x0], $0xffff;
	vm9 =	vgt.s32 v14, $0x0  }
0x343: {  	v62 =	vadd.s32 $0x124F8, v15;
	[tilespmem:s15+$0x0] =	vst v26;
	s30 =	sadd.s32 s5, s12;
	s26 =	sadd.s32 s23, s12;
	s6 =	sadd.s32 s4, s12;
	v31 =	vld.idx.msk [tilespmem:v13+s10+$0x0], $0xffff;
	vm12 =	vgt.s32 v22, $0x0;
	v30 =	vnsel vm9, $0x0, v14  }
0x344: {  	[tilespmem:s19+$0x0] =	vst v17;
	s19 =	sadd.s32 s21, s12;
	s23 =	sand.u32 $0x600, s29;
	s5 =	sadd.s32 s18, s25;
	v26 =	vadd.s32 $0x61A8, v9;
	v11 =	vnsel vm4, $0x0, v20;
	v20 =	vld.idx.msk [tilespmem:v10+s10+$0x0], $0xffff;
	v34 =	vnsel vm12, $0x0, v22  }
0x345: {  	s4 =	simm.s32 $0x400;
	s14 =	sadd.s32 s9, s25;
	v28 =	vld.idx.msk [tilespmem:v12+s10+$0x0], $0xffff;
	s1 =	rddreg [dreg:$0x15];
	v16 =	vadd.s32 $0x61A8, v27;
	[tilespmem:s5+$0x0] =	vst v11;
	v11 =	vnsel vm2, $0x0, v19;
	v19 =	vadd.s32 $0xC350, v27  }
0x346: {  	s21 =	simm.s32 $0x0;
	s20 =	sadd.s32 s13, s25;
	s25 =	rddreg [dreg:$0x13];
	v13 =	vadd.s32 $0x124F8, v27;
	vm9 =	vgt.s32 v24, $0x0;
	[tilespmem:s14+$0x0] =	vst v11;
	v11 =	vnsel vm3, $0x0, v25;
	v24 =	vld.idx.msk [tilespmem:v9+s10+$0x0], $0xffff  }
0x347: {  	s24 =	simm.s32 $0xC;
	[tilespmem:s30+$0x0] =	vst v29;
	s29 =	sadd.s32 s23, s25;
	s15 =	sadd.s32 s7, s1;
	vm12 =	vgt.s32 v18, $0x0;
	v17 =	vadd.s32 $0x61A8, v30;
	v10 =	vnsel vm6, $0x0, v23;
	v23 =	vld.idx.msk [tilespmem:v27+s10+$0x0], $0xffff  }
0x348: {  	v15 =	vadd.s32 $0x61A8, v34;
	s31 =	sadd.s32 s11, s15;
	v14 =	vadd.s32 $0xC350, v30;
	v12 =	vadd.s32 $0xC350, v34;
	s28 =	sadd.s32 s18, s15;
	s5 =	sadd.s32 s9, s15;
	[tilespmem:s20+$0x0] =	vst v11;
	v22 =	vld.idx.msk [tilespmem:v30+s10+$0x0], $0xffff  }
0x349: {  	s12 =	sadd.s32 s13, s15;
	s15 =	simm.s32 $0xF0;
	v11 =	vadd.s32 $0x124F8, v30;
	v29 =	vnsel vm10, $0x0, v31;
	s20 =	simm.s32 $0x0;
	v35 =	vnsel vm0, $0x0, v21;
	[tilespmem:s31+$0x0] =	vst v10;
	v25 =	vld.idx.msk [tilespmem:v34+s10+$0x0], $0xffff  }
0x34a: {  	s25 =	sand.u32 $0x70, s15;
	v28 =	vnsel vm1, $0x0, v28;
	[tilespmem:s16+$0x0] =	vst v35;
	v27 =	vnsel vm11, $0x0, v63;
	s16 =	simm.s32 $0x0;
	v10 =	vadd.s32 $0x124F8, v34;
	v21 =	vld.idx.msk [tilespmem:v62+s10+$0x0], $0xffff;
	s30 =	rddreg [dreg:$0x16]  }
.LBB2_29:
0x34b: {  	_ = 	snop  }
0x34c: {  	s31 =	sshra.s32 s4, $0x2;
	v30 =	vld.idx.msk [tilespmem:v8+s16+$0x0], $0xffff;
	[tilespmem:s0+$0x0] =	vst v28  }
0x34d: {  	s14 =	sadd.s32 s25, s29;
	vm10 =	vmmov vm4;
	[tilespmem:s26+$0x0] =	vst v29;
	v18 =	vld.idx.msk [tilespmem:v0+s31+$0x30 ss:$0x1], $0xffff;
	v24 =	vnsel vm12, $0x0, v24  }
0x34e: {  	vm4 =	vmmov vm8;
	s0 =	sadd.s32 $0xFFFFFFE0, s15;
	vm11 =	vmmov vm0;
	vm0 =	vmmov vm2;
	[tilespmem:s14+$0x0] =	vst v24;
	v24 =	vld.idx.msk [tilespmem:v0+s31+$0x0 ss:$0x1], $0xffff  }
0x34f: {  	v8 =	vmovc v19;
	vm2 =	vmmov vm7;
	[tilespmem:s22+$0x0] =	vst v27;
	s0 =	sand.u32 $0x50, s0;
	v19 =	vnsel vm5, $0x0, v20;
	s14 =	sadd.s32 $0xFFFFFFD0, s15;
	v20 =	vnsel vm4, $0x0, v23;
	v23 =	vld.idx.msk [tilespmem:v26+s20+$0x0], $0xffff  }
0x350: {  	s24 =	sadd.s32 $0x4, s24;
	s26 =	sadd.s32 s0, s29;
	s14 =	sand.u32 $0x40, s14;
	v22 =	vnsel vm2, $0x0, v22;
	v26 =	vld.idx.msk [tilespmem:v0+s31+$0x10 ss:$0x1], $0xffff  }
0x351: {  	s1 =	sadd.s32 $0xFFFFFFF0, s15;
	s7 =	sadd.s32 s7, s30;
	v27 =	vadd.s32 $0xC350, v9;
	vm5 =	vmmov vm1;
	s22 =	sadd.s32 s14, s29;
	[tilespmem:s26+$0x0] =	vst v22;
	v22 =	vld.idx.msk [tilespmem:v0+s31+$0x20 ss:$0x1], $0xffff  }
0x352: {  	s30 =	rddreg [dreg:$0x14];
	s1 =	sand.u32 $0x60, s1;
	s11 =	sadd.s32 s11, s7;
	vm1 =	vmmov vm3;
	vm3 =	vmmov vm9;
	v21 =	vnsel vm6, $0x0, v21;
	[tilespmem:s22+$0x0] =	vst v20;
	v20 =	vld.idx.msk [tilespmem:v17+s20+$0x0], $0xffff  }
0x353: {  	v34 =	vadd.s32 $0x124F8, v9;
	p0 =	slt.u32 s24, $0x18;
	s15 =	sadd.s32 $0x40, s15;
	v25 =	vnsel vm3, $0x0, v25;
	s29 =	sadd.s32 s1, s29;
	[tilespmem:s11+$0x0] =	vst v21;
	v21 =	vadd.s32 $0xFFFFFFFF, v18;
	v29 =	vld.idx.msk [tilespmem:v7+s16+$0x0], $0xffff  }
0x354: {  	vm6 =	vmmov vm12;
	s31 =	sadd.s32 s9, s7;
	s9 =	smov.u32 s0;
	s0 =	sadd.s32 s23, s30;
	v17 =	vnsel vm10, $0x0, v30;
	[tilespmem:s29+$0x0] =	vst v25;
	v28 =	vld.idx.msk [tilespmem:v16+s20+$0x0], $0xffff;
	vm7 =	vgt.s32 v21, $0x0  }
0x355: {  	s26 =	sadd.s32 s18, s7;
	s7 =	sadd.s32 s13, s7;
	s11 =	sadd.s32 s25, s0;
	v25 =	vld.idx.msk [tilespmem:v15+s20+$0x0], $0xffff;
	v16 =	vadd.s32 $0xFFFFFFFF, v24;
	v21 =	vnsel vm7, $0x0, v21;
	v15 =	vnsel vm6, $0x0, v23  }
0x356: {  	s13 =	smov.u32 s1;
	s18 =	smov.u32 s14;
	s14 =	smov.u32 s16;
	v7 =	vmovc v14;
	v35 =	vld.idx.msk [tilespmem:v2+s21+$0x0], $0xffff;
	vm9 =	vgt.s32 v16, $0x0;
	vm7 =	vgt.s32 v26, $0x0;
	v14 =	vadd.s32 $0xFFFFFFFF, v26;
	[tilespmem:s11+$0x0] =	vst v15  }
0x357: {  	s22 =	smov.u32 s6;
	s1 =	sadd.s32 s18, s0;
	s30 =	sadd.s32 s9, s0;
	[tilespmem:s2+$0x0] =	vst v19;
	v15 =	vadd.s32 $0xFFFFFFFF, v22;
	v26 =	vld.idx.msk [tilespmem:v27+s20+$0x0], $0xffff;
	v27 =	vnsel vm9, $0x0, v16;
	vm9 =	vgt.s32 v14, $0x0  }
0x358: {  	s29 =	sadd.s32 s13, s0;
	s6 =	smov.u32 s31;
	s16 =	smov.u32 s20;
	[tilespmem:s28+$0x0] =	vst v17;
	vm8 =	vgt.s32 v24, $0x0;
	v30 =	vld.idx.msk [tilespmem:v6+s14+$0x0], $0xffff;
	vm12 =	vgt.s32 v15, $0x0;
	v31 =	vnsel vm9, $0x0, v14  }
0x359: {  	s0 =	smov.u32 s12;
	s12 =	rddreg [dreg:$0x15];
	v2 =	vmovc v4;
	v4 =	vmovc v11;
	s2 =	smov.u32 s19;
	v32 =	vld.idx.msk [tilespmem:v5+s14+$0x0], $0xffff;
	v11 =	vnsel vm2, $0x0, v20;
	v36 =	vnsel vm0, $0x0, v29;
	v33 =	vnsel vm12, $0x0, v15  }
0x35a: {  	s19 =	smov.u32 s7;
	s7 =	smov.u32 s23;
	v6 =	vmovc v12;
	s20 =	simm.s32 $0x0;
	v20 =	vld.idx.msk [tilespmem:v1+s21+$0x0], $0xffff;
	vm9 =	vgt.s32 v22, $0x0;
	v16 =	vadd.s32 $0x61A8, v27;
	v12 =	vnsel vm4, $0x0, v28  }
.Ltmp13:
0x35b: {  	s31 =	smov.u32 s5;
	v5 =	vmovc v13;
	s23 =	sadd.s32 s7, s12;
	v19 =	vadd.s32 $0xC350, v27;
	v13 =	vadd.s32 $0x124F8, v27;
	vm12 =	vgt.s32 v18, $0x0;
	v24 =	vld.idx.msk [tilespmem:v21+s20+$0x0], $0xffff;
	[tilespmem:s1+$0x0] =	vst v12;
	(pc) =	sbr.rel @p0 .LBB2_29-.Ltmp13, $4  }
0x35c: {  	v9 =	vmovc v21;
	s28 =	sadd.s32 s18, s23;
	s5 =	sadd.s32 s9, s23;
	s11 =	smov.u32 s25;
	[tilespmem:s30+$0x0] =	vst v11;
	v17 =	vadd.s32 $0x61A8, v31;
	v15 =	vadd.s32 $0x61A8, v33;
	v21 =	vnsel vm3, $0x0, v25;
	v23 =	vld.idx.msk [tilespmem:v27+s20+$0x0], $0xffff  }
0x35d: {  	s12 =	sadd.s32 s13, s23;
	v1 =	vmovc v3;
	v3 =	vmovc v10;
	s21 =	smov.u32 s14;
	s25 =	sadd.s32 s11, s23;
	v14 =	vadd.s32 $0xC350, v31;
	v12 =	vadd.s32 $0xC350, v33;
	[tilespmem:s29+$0x0] =	vst v21;
	v10 =	vnsel vm6, $0x0, v26;
	v22 =	vld.idx.msk [tilespmem:v31+s20+$0x0], $0xffff  }
0x35e: {  	s14 =	rddreg [dreg:$0x13];
	s23 =	sand.u32 $0x600, s4;
	s4 =	sadd.s32 $0x100, s4;
	v28 =	vnsel vm1, $0x0, v30;
	v11 =	vadd.s32 $0x124F8, v31;
	v29 =	vnsel vm10, $0x0, v32;
	[tilespmem:s25+$0x0] =	vst v10;
	v25 =	vld.idx.msk [tilespmem:v33+s20+$0x0], $0xffff  }
0x35f: {  	s30 =	rddreg [dreg:$0x16];
	s29 =	sadd.s32 s23, s14;
	v26 =	vadd.s32 $0x61A8, v9;
	v27 =	vnsel vm11, $0x0, v35;
	v10 =	vadd.s32 $0x124F8, v33;
	s25 =	sand.u32 $0x70, s15;
	[tilespmem:s31+$0x0] =	vst v36;
	v21 =	vld.idx.msk [tilespmem:v34+s16+$0x0], $0xffff  }
0x360: {  	_ = 	snop  }
0x361: {  	[tilespmem:s0+$0x0] =	vst v28  }
0x362: {  	[tilespmem:s26+$0x0] =	vst v29  }
0x363: {  	v0 =	vnsel vm12, $0x0, v24;
	s1 =	sadd.s32 s25, s29;
	s24 =	sadd.s32 $0xFFFFFFD0, s15;
	[tilespmem:s22+$0x0] =	vst v27  }
0x364: {  	vm10 =	vmmov vm8;
	s31 =	sadd.s32 $0xFFFFFFE0, s15;
	v8 =	vld.idx.msk [tilespmem:v8+s16+$0x0], $0xffff;
	v47 =	vnsel vm5, $0x0, v20;
	[tilespmem:s1+$0x0] =	vst v0;
	s4 =	sand.u32 $0x40, s24  }
0x365: {  	vm14 =	vmmov vm7;
	s15 =	sadd.s32 $0xFFFFFFF0, s15;
	v6 =	vld.idx.msk [tilespmem:v6+s16+$0x0], $0xffff;
	v18 =	vnsel vm10, $0x0, v23;
	s0 =	sand.u32 $0x50, s31;
	[tilespmem:s2+$0x0] =	vst v47;
	s14 =	sadd.s32 s4, s29  }
0x366: {  	vm9 =	vmmov vm9;
	s15 =	sand.u32 $0x60, s15;
	v0 =	vld.idx.msk [tilespmem:v26+s20+$0x0], $0xffff;
	s1 =	rddreg [dreg:$0x14];
	v39 =	vnsel vm14, $0x0, v22;
	s24 =	sadd.s32 s0, s29;
	[tilespmem:s14+$0x0] =	vst v18  }
0x367: {  	s7 =	sadd.s32 s7, s30;
	[tilespmem:s24+$0x0] =	vst v39;
	v40 =	vnsel vm9, $0x0, v25;
	s24 =	sadd.s32 s15, s29;
	v16 =	vld.idx.msk [tilespmem:v16+s20+$0x0], $0xffff  }
0x368: {  	v38 =	vadd.s32 $0xC350, v9;
	vm4 =	vmmov vm4;
	s11 =	sadd.s32 s11, s7;
	v17 =	vld.idx.msk [tilespmem:v17+s20+$0x0], $0xffff;
	v41 =	vnsel vm6, $0x0, v21;
	[tilespmem:s24+$0x0] =	vst v40  }
0x369: {  	vm3 =	vmmov vm3;
	[tilespmem:s11+$0x0] =	vst v41;
	v43 =	vnsel vm4, $0x0, v8;
	v44 =	vld.idx.msk [tilespmem:v15+s20+$0x0], $0xffff  }
0x36a: {  	vm15 =	vmmov vm12;
	v2 =	vld.idx.msk [tilespmem:v2+s21+$0x0], $0xffff;
	s1 =	sadd.s32 s23, s1;
	v6 =	vnsel vm3, $0x0, v6;
	[tilespmem:s28+$0x0] =	vst v43  }
0x36b: {  	v1 =	vld.idx.msk [tilespmem:v1+s21+$0x0], $0xffff;
	s22 =	sadd.s32 s25, s1;
	[tilespmem:s12+$0x0] =	vst v6;
	v0 =	vnsel vm15, $0x0, v0  }
0x36c: {  	v45 =	vld.idx.msk [tilespmem:v7+s16+$0x0], $0xffff;
	s29 =	sadd.s32 s4, s1;
	[tilespmem:s22+$0x0] =	vst v0;
	v46 =	vnsel vm10, $0x0, v16  }
0x36d: {  	s30 =	sadd.s32 s0, s1;
	v42 =	vld.idx.msk [tilespmem:v38+s20+$0x0], $0xffff;
	s26 =	rddreg [dreg:$0x15];
	v49 =	vnsel vm14, $0x0, v17;
	[tilespmem:s29+$0x0] =	vst v46  }
0x36e: {  	vm0 =	vmmov vm0;
	s1 =	sadd.s32 s15, s1;
	[tilespmem:s30+$0x0] =	vst v49;
	v8 =	vnsel vm9, $0x0, v44;
	v50 =	vld.idx.msk [tilespmem:v19+s20+$0x0], $0xffff  }
0x36f: {  	v48 =	vadd.s32 $0x124F8, v9;
	vm1 =	vmmov vm1;
	v2 =	vnsel vm0, $0x0, v2;
	[tilespmem:s1+$0x0] =	vst v8;
	v52 =	vld.idx.msk [tilespmem:v14+s20+$0x0], $0xffff  }
0x370: {  	vm2 =	vmmov vm2;
	[tilespmem:s6+$0x0] =	vst v2;
	v1 =	vnsel vm1, $0x0, v1;
	v53 =	vld.idx.msk [tilespmem:v12+s20+$0x0], $0xffff  }
0x371: {  	v5 =	vld.idx.msk [tilespmem:v5+s16+$0x0], $0xffff;
	[tilespmem:s19+$0x0] =	vst v1;
	v0 =	vnsel vm2, $0x0, v45;
	s31 =	sadd.s32 s23, s26  }
0x372: {  	v3 =	vld.idx.msk [tilespmem:v3+s16+$0x0], $0xffff;
	[tilespmem:s5+$0x0] =	vst v0;
	vm10 =	vmmov vm10;
	s11 =	sadd.s32 s25, s31;
	v51 =	vnsel vm15, $0x0, v42  }
0x373: {  	vm11 =	vmmov vm14;
	v56 =	vld.idx.msk [tilespmem:v4+s16+$0x0], $0xffff;
	[tilespmem:s11+$0x0] =	vst v51;
	s11 =	sadd.s32 s4, s31;
	v54 =	vnsel vm10, $0x0, v50  }
0x374: {  	vm12 =	vmmov vm9;
	s24 =	sadd.s32 s0, s31;
	v7 =	vld.idx.msk [tilespmem:v48+s20+$0x0], $0xffff;
	s14 =	rddreg [dreg:$0x16];
	v57 =	vnsel vm11, $0x0, v52;
	[tilespmem:s11+$0x0] =	vst v54  }
0x375: {  	s2 =	sadd.s32 s15, s31;
	v0 =	vnsel vm12, $0x0, v53;
	[tilespmem:s24+$0x0] =	vst v57;
	v55 =	vld.idx.msk [tilespmem:v13+s20+$0x0], $0xffff  }
0x376: {  	s22 =	sadd.s32 s18, s7;
	vm14 =	vmmov vm3;
	v5 =	vnsel vm4, $0x0, v5;
	[tilespmem:s2+$0x0] =	vst v0;
	v59 =	vld.idx.msk [tilespmem:v11+s20+$0x0], $0xffff  }
0x377: {  	vm13 =	vmmov vm2;
	s30 =	sadd.s32 s13, s7;
	v62 =	vnsel vm14, $0x0, v3;
	[tilespmem:s22+$0x0] =	vst v5;
	v60 =	vld.idx.msk [tilespmem:v10+s20+$0x0], $0xffff  }
0x378: {  	s29 =	sadd.s32 s9, s7;
	[tilespmem:s30+$0x0] =	vst v62;
	v2 =	vnsel vm13, $0x0, v56;
	s5 =	sadd.s32 s23, s14  }
0x379: {  	[tilespmem:s29+$0x0] =	vst v2;
	s26 =	sadd.s32 s25, s5;
	v58 =	vnsel vm15, $0x0, v7  }
0x37a: {  	vm0 =	vmmov vm11;
	s28 =	sadd.s32 s4, s5;
	[tilespmem:s26+$0x0] =	vst v58;
	v61 =	vnsel vm10, $0x0, v55  }
0x37b: {  	s0 =	sadd.s32 s0, s5;
	vm15 =	vmmov vm12;
	v0 =	vnsel vm0, $0x0, v59;
	[tilespmem:s28+$0x0] =	vst v61  }
0x37c: {  	s31 =	sadd.s32 s15, s5;
	v63 =	vnsel vm15, $0x0, v60;
	[tilespmem:s0+$0x0] =	vst v0  }
0x37d: {  	[tilespmem:s31+$0x0] =	vst v63  }
0x37e: {  	s5 =	sld [smem:$0x7D9];
	_ =	sdelay $0x2  }
0x37f: {  	s0 =	simm.s32 $0x700;
	s2 =	smov.u32 s5  }
.LBB2_31:
0x380: {  	s1 =	sshra.s32 s20, $0x2  }
0x381: {  	s1 =	sadd.s32 s1, s17  }
0x382: {  	v0 =	vld [tilespmem:s1+$0x0];
	_ =	sdelay $0x4  }
0x383: {  	v1 =	vadd.s32 $0xFFFFFFFF, v0  }
0x384: {  	vm0 =	vgt.s32 v1, $0x0  }
0x385: {  	v1 =	vnsel vm0, $0x0, v1;
	_ =	sdelay $0x4  }
0x386: {  	v2 =	vld.idx.msk [tilespmem:v1+s3+$0x0], $0xffff;
	_ =	sdelay $0x1  }
0x387: {  	v3 =	vadd.s32 $0x61A8, v1;
	_ =	sdelay $0x1  }
0x388: {  	s31 =	sand.u32 $0x3FFFFE00, s0;
	vm15 =	vgt.s32 v0, $0x0  }
0x389: {  	s1 =	sadd.s32 s31, s2;
	v0 =	vnsel vm15, $0x0, v2  }
0x38a: {  	[tilespmem:s1+$0xFFFFF000] =	vst v0  }
0x38b: {  	v0 =	vld.idx.msk [tilespmem:v3+s3+$0x0], $0xffff;
	_ =	sdelay $0x1  }
0x38c: {  	v63 =	vadd.s32 $0xC350, v1;
	_ =	sdelay $0x2  }
0x38d: {  	v0 =	vnsel vm15, $0x0, v0  }
0x38e: {  	[tilespmem:s1+$0xFFFFF800] =	vst v0  }
0x38f: {  	v0 =	vld.idx.msk [tilespmem:v63+s3+$0x0], $0xffff;
	_ =	sdelay $0x1  }
0x390: {  	v1 =	vadd.s32 $0x124F8, v1;
	_ =	sdelay $0x2  }
0x391: {  	v0 =	vnsel vm15, $0x0, v0  }
0x392: {  	[tilespmem:s1+$0x0] =	vst v0  }
0x393: {  	v0 =	vld.idx.msk [tilespmem:v1+s3+$0x0], $0xffff  }
0x394: {  	p0 =	sne.s32 s20, $0x80  }
.Ltmp14:
0x395: {  	_ = 	snop;
	(pc) =	sbr.rel @p0 .LBB2_31-.Ltmp14, $3  }
0x396: {  	_ =	sdelay $0x1  }
0x397: {  	v0 =	vnsel vm15, $0x0, v0  }
0x398: {  	s0 =	sadd.s32 $0x40, s0;
	s20 =	sadd.s32 $0x40, s20;
	s2 =	sadd.s32 $0x10, s2;
	[tilespmem:s1+$0x800] =	vst v0  }
0x399: {  	s8 =	sadd.s32 $0x1, s8  }
0x39a: {  	p0 =	sne.s32 s8, $0x4  }
.Ltmp15:
0x39b: {  	_ = 	snop;
	(pc) =	sbr.rel @p0 .LBB2_28-.Ltmp15, $2  }
0x39c: {  	s4 =	sld [smem:$0x7DA];
	_ =	sdelay $0x2  }
0x39d: {  	s17 =	sadd.s32 $0x1F0, s17;
	s5 =	sadd.s32 $0x80, s5;
	s4 =	sadd.s32 $0x1F0, s4  }
0x39e: {  	s1 =	sld [smem:$0x7F4];
	_ =	sdelay $0x1  }
0x39f: {  	s2 =	simm.s32 $0x200;
	s4 =	simm.s32 $0x400;
	s0 =	simm.s32 $0x19680  }
0x3a0: {  	[hbm4b:s1+s2] =	stream.strided.scatter [tilespmem:s0], [sflag:$0x3], $0x800, s4, s2, $0x38;
	[tilespmem:$0x1D680] =	vst v63  }
0x3a1: {  	s5 =	simm.s32 $0x19E80;
	s24 =	sadd.s32 $0x7C00, s1  }
0x3a2: {  	[hbm4b:s24+s2] =	stream.strided.scatter [tilespmem:s5], [sflag:$0x3], $0x800, s4, s2, $0x38;
	[tilespmem:$0x1D680] =	vst v63  }
0x3a3: {  	s26 =	simm.s32 $0x1A680;
	s25 =	sadd.s32 $0xF800, s1  }
0x3a4: {  	[hbm4b:s25+s2] =	stream.strided.scatter [tilespmem:s26], [sflag:$0x3], $0x800, s4, s2, $0x38;
	[tilespmem:$0x1D680] =	vst v63  }
0x3a5: {  	s29 =	simm.s32 $0x1AE80;
	s30 =	sld [smem:$0x7F5];
	s28 =	sadd.s32 $0x17400, s1  }
0x3a6: {  	[hbm4b:s28+s2] =	stream.strided.scatter [tilespmem:s29], [sflag:$0x3], $0x800, s4, s2, $0x38;
	[tilespmem:$0x1D680] =	vst v63  }
0x3a7: {  	s10 =	simm.s32 $0x0;
	s31 =	simm.s32 $0x2;
	s1 =	simm.s32 $0x18700  }
0x3a8: {  	[tilespmem:s1], [sflag:$0x1] =	stream.linear.gather [hbm4b:s30+s10], $0x7C0, $0x38;
	[tilespmem:$0x1D680] =	vst v63  }
0x3a9: {  	_ =	swait.ge [sflag:s31], $0x7C0  }
0x3aa: {  	s17 =	simm.s32 $0x19080;
	[sflag:s31] =	ssyncset.done $0x0  }
0x3ab: {  	s8 =	simm.s32 $0x0;
	s4 =	simm.s32 $0x1B6C0;
	[sflag:s31] =	ssyncadd.s32 $0xFFFFF840  }
.LBB2_34:
0x3ac: {  	[smem:$0x7D7] =	sst s4;
	s0 =	sshll.u32 s8, $0x7  }
0x3ad: {  	[smem:$0x7D8] =	sst s1;
	v0 =	vmov s1;
	s2 =	sadd.s32 $0x1B680, s0  }
0x3ae: {  	s20 =	sadd.s32 $0x1BE80, s0;
	[dreg:$0x17] =	wrdreg s2  }
0x3af: {  	s21 =	sadd.s32 $0x1C680, s0;
	[dreg:$0x18] =	wrdreg s20  }
0x3b0: {  	s0 =	sadd.s32 $0x1CE80, s0;
	[dreg:$0x19] =	wrdreg s21  }
0x3b1: {  	s22 =	simm.s32 $0x0;
	[dreg:$0x1a] =	wrdreg s0  }
0x3b2: {  	v1 =	vld.idx.msk [tilespmem:v0+s22+$0x7F0 ss:$0x1], $0xffff;
	_ =	sdelay $0x4  }
0x3b3: {  	v2 =	vld.idx.msk [tilespmem:v0+s22+$0x7C0 ss:$0x1], $0xffff;
	v5 =	vadd.s32 $0xFFFFFFFF, v1  }
0x3b4: {  	v3 =	vld.idx.msk [tilespmem:v0+s22+$0x7D0 ss:$0x1], $0xffff;
	vm0 =	vgt.s32 v5, $0x0  }
0x3b5: {  	v5 =	vnsel vm0, $0x0, v5  }
0x3b6: {  	v4 =	vld.idx.msk [tilespmem:v0+s22+$0x7E0 ss:$0x1], $0xffff;
	_ =	sdelay $0x1  }
0x3b7: {  	v6 =	vadd.s32 $0xFFFFFFFF, v2  }
0x3b8: {  	v7 =	vadd.s32 $0xFFFFFFFF, v3;
	vm0 =	vgt.s32 v6, $0x0  }
0x3b9: {  	v6 =	vnsel vm0, $0x0, v6;
	vm0 =	vgt.s32 v7, $0x0;
	v9 =	vld.idx.msk [tilespmem:v5+s10+$0x0], $0xffff  }
0x3ba: {  	v8 =	vadd.s32 $0xFFFFFFFF, v4;
	v7 =	vnsel vm0, $0x0, v7  }
0x3bb: {  	s26 =	simm.s32 $0x40;
	v10 =	vadd.s32 $0x61A8, v5;
	vm0 =	vgt.s32 v8, $0x0  }
0x3bc: {  	s24 =	simm.s32 $0x30;
	s6 =	sand.u32 $0x600, s10;
	s23 =	rddreg [dreg:$0x17];
	v13 =	vld.idx.msk [tilespmem:v0+s26+$0x7F0 ss:$0x1], $0xffff;
	v8 =	vnsel vm0, $0x0, v8  }
0x3bd: {  	s2 =	sand.u32 $0x70, s24;
	s25 =	sadd.s32 s6, s23;
	vm2 =	vgt.s32 v1, $0x0;
	vm0 =	vgt.s32 v2, $0x0;
	v2 =	vld.idx.msk [tilespmem:v0+s26+$0x7C0 ss:$0x1], $0xffff  }
0x3be: {  	s5 =	sadd.s32 s2, s25;
	v11 =	vld.idx.msk [tilespmem:v6+s10+$0x0], $0xffff;
	v9 =	vnsel vm2, $0x0, v9  }
0x3bf: {  	v12 =	vld.idx.msk [tilespmem:v7+s10+$0x0], $0xffff;
	[tilespmem:s5+$0x0] =	vst v9  }
0x3c0: {  	vm1 =	vgt.s32 v3, $0x0;
	v3 =	vadd.s32 $0x61A8, v6;
	v9 =	vld.idx.msk [tilespmem:v10+s10+$0x0], $0xffff  }
0x3c1: {  	s9 =	simm.s32 $0x0;
	vm4 =	vgt.s32 v4, $0x0;
	v17 =	vadd.s32 $0xFFFFFFFF, v13;
	v4 =	vadd.s32 $0x61A8, v7;
	v1 =	vld.idx.msk [tilespmem:v8+s10+$0x0], $0xffff  }
0x3c2: {  	s31 =	simm.s32 $0x10;
	s19 =	sand.u32 $0x40, s9;
	v14 =	vld.idx.msk [tilespmem:v0+s26+$0x7D0 ss:$0x1], $0xffff;
	v15 =	vadd.s32 $0xC350, v5;
	vm3 =	vmmov vm0;
	vm0 =	vmmov vm1  }
0x3c3: {  	s16 =	sand.u32 $0x50, s31;
	s11 =	sadd.s32 s19, s25;
	vm1 =	vmmov vm4;
	v11 =	vnsel vm3, $0x0, v11;
	v10 =	vadd.s32 $0x61A8, v8;
	s7 =	rddreg [dreg:$0x18]  }
0x3c4: {  	s0 =	simm.s32 $0x20;
	v16 =	vld.idx.msk [tilespmem:v0+s26+$0x7E0 ss:$0x1], $0xffff;
	vm4 =	vgt.s32 v17, $0x0;
	vm2 =	vmmov vm2;
	s5 =	sadd.s32 s16, s25;
	v12 =	vnsel vm0, $0x0, v12;
	[tilespmem:s11+$0x0] =	vst v11;
	s1 =	sadd.s32 s6, s7  }
0x3c5: {  	s20 =	sand.u32 $0x60, s0;
	v17 =	vnsel vm4, $0x0, v17;
	[tilespmem:s5+$0x0] =	vst v12;
	v3 =	vld.idx.msk [tilespmem:v3+s10+$0x0], $0xffff;
	s7 =	sadd.s32 s2, s1;
	v9 =	vnsel vm2, $0x0, v9  }
0x3c6: {  	s4 =	sadd.s32 s20, s25;
	v11 =	vadd.s32 $0xFFFFFFFF, v2;
	v1 =	vnsel vm1, $0x0, v1;
	v4 =	vld.idx.msk [tilespmem:v4+s10+$0x0], $0xffff;
	[tilespmem:s7+$0x0] =	vst v9  }
0x3c7: {  	vm4 =	vgt.s32 v11, $0x0;
	[tilespmem:s4+$0x0] =	vst v1;
	v9 =	vadd.s32 $0xFFFFFFFF, v14;
	v1 =	vld.idx.msk [tilespmem:v15+s10+$0x0], $0xffff  }
0x3c8: {  	v19 =	vld.idx.msk [tilespmem:v10+s10+$0x0], $0xffff;
	v15 =	vnsel vm4, $0x0, v11;
	vm4 =	vgt.s32 v9, $0x0  }
0x3c9: {  	v11 =	vadd.s32 $0xFFFFFFFF, v16;
	v9 =	vnsel vm4, $0x0, v9  }
0x3ca: {  	s18 =	simm.s32 $0x80;
	v12 =	vld.idx.msk [tilespmem:v17+s10+$0x0], $0xffff;
	s22 =	sadd.s32 s19, s1;
	v3 =	vnsel vm3, $0x0, v3;
	s4 =	rddreg [dreg:$0x19];
	vm4 =	vgt.s32 v11, $0x0  }
0x3cb: {  	vm7 =	vgt.s32 v16, $0x0;
	s23 =	sadd.s32 s16, s1;
	v16 =	vld.idx.msk [tilespmem:v0+s18+$0x7F0 ss:$0x1], $0xffff;
	[tilespmem:s22+$0x0] =	vst v3;
	v3 =	vnsel vm0, $0x0, v4;
	s15 =	sadd.s32 s6, s4;
	v18 =	vnsel vm4, $0x0, v11  }
0x3cc: {  	vm6 =	vgt.s32 v13, $0x0;
	v21 =	vadd.s32 $0x61A8, v17;
	s11 =	simm.s32 $0x100;
	[tilespmem:s23+$0x0] =	vst v3;
	v3 =	vld.idx.msk [tilespmem:v0+s18+$0x7D0 ss:$0x1], $0xffff;
	s12 =	sadd.s32 s2, s15;
	v1 =	vnsel vm2, $0x0, v1  }
0x3cd: {  	s13 =	simm.s32 $0x70;
	s9 =	rddreg [dreg:$0x17];
	vm5 =	vgt.s32 v14, $0x0;
	v23 =	vadd.s32 $0xC350, v7;
	v4 =	vnsel vm1, $0x0, v19;
	v19 =	vld.idx.msk [tilespmem:v0+s18+$0x7C0 ss:$0x1], $0xffff;
	[tilespmem:s12+$0x0] =	vst v1;
	s12 =	sand.u32 $0x600, s11  }
0x3ce: {  	vm5 =	vmmov vm5;
	vm7 =	vmmov vm7;
	v22 =	vadd.s32 $0xC350, v6;
	s5 =	sand.u32 $0x70, s13;
	v25 =	vld.idx.msk [tilespmem:v9+s10+$0x0], $0xffff;
	s14 =	sadd.s32 s12, s9  }
0x3cf: {  	v24 =	vadd.s32 $0xC350, v8;
	vm4 =	vgt.s32 v2, $0x0;
	v2 =	vnsel vm6, $0x0, v12;
	v20 =	vld.idx.msk [tilespmem:v15+s10+$0x0], $0xffff;
	s4 =	sadd.s32 s5, s14  }
0x3d0: {  	v5 =	vadd.s32 $0x124F8, v5;
	v6 =	vadd.s32 $0x124F8, v6;
	v1 =	vld.idx.msk [tilespmem:v18+s10+$0x0], $0xffff;
	[tilespmem:s4+$0x0] =	vst v2;
	v2 =	vadd.s32 $0x61A8, v9  }
0x3d1: {  	s24 =	simm.s32 $0x50;
	v10 =	vadd.s32 $0x124F8, v8;
	vm3 =	vmmov vm3;
	vm0 =	vmmov vm0;
	v21 =	vld.idx.msk [tilespmem:v21+s10+$0x0], $0xffff  }
0x3d2: {  	s25 =	simm.s32 $0x40;
	s0 =	sadd.s32 s20, s1;
	v26 =	vadd.s32 $0xC350, v15;
	v13 =	vadd.s32 $0x124F8, v15;
	v23 =	vld.idx.msk [tilespmem:v23+s10+$0x0], $0xffff;
	v8 =	vadd.s32 $0x61A8, v18;
	s4 =	sand.u32 $0x50, s24  }
0x3d3: {  	s26 =	simm.s32 $0x60;
	s23 =	sand.u32 $0x40, s25;
	vm4 =	vmmov vm4;
	[tilespmem:s0+$0x0] =	vst v4;
	v4 =	vld.idx.msk [tilespmem:v22+s10+$0x0], $0xffff;
	s31 =	sadd.s32 s4, s14;
	v22 =	vnsel vm5, $0x0, v25;
	v25 =	vadd.s32 $0xC350, v17  }
0x3d4: {  	s21 =	sand.u32 $0x60, s26;
	v11 =	vadd.s32 $0x124F8, v7;
	v7 =	vadd.s32 $0x61A8, v15;
	s1 =	sadd.s32 s23, s14;
	s13 =	rddreg [dreg:$0x18];
	v15 =	vnsel vm4, $0x0, v20;
	v20 =	vld.idx.msk [tilespmem:v0+s18+$0x7E0 ss:$0x1], $0xffff;
	[tilespmem:s31+$0x0] =	vst v22  }
0x3d5: {  	vm6 =	vmmov vm6;
	s7 =	sadd.s32 s21, s14;
	[tilespmem:s1+$0x0] =	vst v15;
	s14 =	sadd.s32 s12, s13;
	v1 =	vnsel vm7, $0x0, v1;
	v22 =	vld.idx.msk [tilespmem:v2+s10+$0x0], $0xffff;
	v2 =	vadd.s32 $0xFFFFFFFF, v16  }
0x3d6: {  	v5 =	vld.idx.msk [tilespmem:v5+s10+$0x0], $0xffff;
	s22 =	sadd.s32 s5, s14;
	[tilespmem:s7+$0x0] =	vst v1;
	vm8 =	vgt.s32 v2, $0x0;
	v1 =	vnsel vm6, $0x0, v21;
	v21 =	vadd.s32 $0xFFFFFFFF, v19  }
0x3d7: {  	v27 =	vld.idx.msk [tilespmem:v8+s10+$0x0], $0xffff;
	v15 =	vnsel vm8, $0x0, v2;
	[tilespmem:s22+$0x0] =	vst v1;
	vm8 =	vgt.s32 v21, $0x0;
	v1 =	vadd.s32 $0xFFFFFFFF, v3  }
0x3d8: {  	v14 =	vadd.s32 $0xC350, v9;
	v8 =	vld.idx.msk [tilespmem:v25+s10+$0x0], $0xffff;
	v21 =	vnsel vm8, $0x0, v21;
	vm8 =	vgt.s32 v1, $0x0  }
0x3d9: {  	s24 =	sadd.s32 s19, s15;
	v4 =	vnsel vm3, $0x0, v4;
	v7 =	vld.idx.msk [tilespmem:v7+s10+$0x0], $0xffff;
	v25 =	vadd.s32 $0xFFFFFFFF, v20;
	v28 =	vnsel vm8, $0x0, v1  }
0x3da: {  	s22 =	rddreg [dreg:$0x1a];
	v2 =	vadd.s32 $0x124F8, v9;
	[tilespmem:s24+$0x0] =	vst v4;
	v4 =	vld.idx.msk [tilespmem:v24+s10+$0x0], $0xffff;
	v9 =	vadd.s32 $0x124F8, v17;
	vm8 =	vgt.s32 v25, $0x0  }
0x3db: {  	v12 =	vadd.s32 $0xC350, v18;
	vm1 =	vmmov vm1;
	s7 =	rddreg [dreg:$0x19];
	v17 =	vld.idx.msk [tilespmem:v6+s10+$0x0], $0xffff;
	v24 =	vnsel vm8, $0x0, v25  }
0x3dc: {  	vm10 =	vmmov vm4;
	vm9 =	vgt.s32 v16, $0x0;
	s0 =	sadd.s32 s12, s7;
	v25 =	vnsel vm2, $0x0, v5;
	v5 =	vld.idx.msk [tilespmem:v15+s10+$0x0], $0xffff  }
0x3dd: {  	vm11 =	vgt.s32 v19, $0x0;
	vm2 =	vgt.s32 v3, $0x0;
	s7 =	sadd.s32 s5, s0;
	v19 =	vld.idx.msk [tilespmem:v21+s10+$0x0], $0xffff;
	v3 =	vnsel vm6, $0x0, v8  }
0x3de: {  	v23 =	vnsel vm0, $0x0, v23;
	v31 =	vadd.s32 $0x61A8, v15;
	v1 =	vadd.s32 $0x124F8, v18;
	v30 =	vld.idx.msk [tilespmem:v28+s10+$0x0], $0xffff;
	[tilespmem:s7+$0x0] =	vst v3  }
0x3df: {  	s26 =	simm.s32 $0x200;
	s18 =	sadd.s32 s23, s14;
	vm8 =	vgt.s32 v20, $0x0;
	v20 =	vadd.s32 $0x61A8, v21;
	v3 =	vnsel vm4, $0x0, v7;
	v9 =	vld.idx.msk [tilespmem:v9+s10+$0x0], $0xffff  }
0x3e0: {  	s25 =	rddreg [dreg:$0x17];
	s31 =	simm.s32 $0xB0;
	v29 =	vadd.s32 $0x61A8, v28;
	v22 =	vnsel vm5, $0x0, v22;
	v27 =	vnsel vm7, $0x0, v27;
	s7 =	sand.u32 $0x600, s26;
	[tilespmem:s18+$0x0] =	vst v3;
	v33 =	vld.idx.msk [tilespmem:v24+s10+$0x0], $0xffff  }
0x3e1: {  	s1 =	sadd.s32 s4, s14;
	v32 =	vadd.s32 $0x61A8, v24;
	v6 =	vadd.s32 $0xC350, v24;
	vm2 =	vmmov vm2;
	s24 =	sadd.s32 s7, s25;
	s25 =	simm.s32 $0xC0;
	v16 =	vld.idx.msk [tilespmem:v26+s10+$0x0], $0xffff  }
0x3e2: {  	s14 =	sadd.s32 s21, s14;
	s11 =	sand.u32 $0x70, s31;
	[tilespmem:s1+$0x0] =	vst v22;
	v8 =	vadd.s32 $0xC350, v21;
	v17 =	vnsel vm3, $0x0, v17;
	vm3 =	vmmov vm8;
	v18 =	vld.idx.msk [tilespmem:v0+s25+$0x7F0 ss:$0x1], $0xffff  }
0x3e3: {  	[tilespmem:s14+$0x0] =	vst v27;
	v7 =	vadd.s32 $0xC350, v28;
	vm4 =	vmmov vm11;
	s26 =	simm.s32 $0x80;
	s13 =	sadd.s32 s11, s24;
	v22 =	vld.idx.msk [tilespmem:v0+s25+$0x7C0 ss:$0x1], $0xffff;
	v3 =	vnsel vm9, $0x0, v5  }
0x3e4: {  	s31 =	simm.s32 $0x90;
	vm11 =	vmmov vm0;
	vm0 =	vmmov vm5;
	vm5 =	vmmov vm1;
	s18 =	sand.u32 $0x40, s26;
	s26 =	sadd.s32 s16, s15;
	v27 =	vld.idx.msk [tilespmem:v0+s25+$0x7D0 ss:$0x1], $0xffff;
	[tilespmem:s13+$0x0] =	vst v3  }
0x3e5: {  	s9 =	sand.u32 $0x50, s31;
	v26 =	vnsel vm1, $0x0, v4;
	v4 =	vadd.s32 $0x124F8, v28;
	[tilespmem:s26+$0x0] =	vst v23;
	v5 =	vadd.s32 $0x124F8, v21;
	v21 =	vld.idx.msk [tilespmem:v31+s10+$0x0], $0xffff  }
0x3e6: {  	s6 =	sadd.s32 s6, s22;
	s1 =	simm.s32 $0xA0;
	s14 =	sadd.s32 s9, s24;
	v28 =	vadd.s32 $0xC350, v15;
	v63 =	vld.idx.msk [tilespmem:v11+s10+$0x0], $0xffff;
	v3 =	vadd.s32 $0x124F8, v24;
	v24 =	vnsel vm2, $0x0, v30  }
0x3e7: {  	s29 =	sadd.s32 s18, s24;
	vm1 =	vmmov vm7;
	v19 =	vnsel vm4, $0x0, v19;
	s13 =	sand.u32 $0x60, s1;
	s28 =	rddreg [dreg:$0x18];
	[tilespmem:s14+$0x0] =	vst v24;
	v24 =	vld.idx.msk [tilespmem:v0+s25+$0x7E0 ss:$0x1], $0xffff;
	v30 =	vnsel vm3, $0x0, v33  }
0x3e8: {  	s2 =	sadd.s32 s2, s6;
	s24 =	sadd.s32 s13, s24;
	[tilespmem:s29+$0x0] =	vst v19;
	v19 =	vld.idx.msk [tilespmem:v29+s10+$0x0], $0xffff;
	v29 =	vnsel vm6, $0x0, v9;
	vm6 =	vmmov vm9;
	v9 =	vadd.s32 $0xFFFFFFFF, v18  }
0x3e9: {  	s19 =	sadd.s32 s19, s6;
	s22 =	sadd.s32 s16, s6;
	v20 =	vld.idx.msk [tilespmem:v20+s10+$0x0], $0xffff;
	s25 =	sadd.s32 s7, s28;
	[tilespmem:s24+$0x0] =	vst v30;
	v16 =	vnsel vm10, $0x0, v16;
	vm8 =	vgt.s32 v22, $0x0;
	v22 =	vadd.s32 $0xFFFFFFFF, v22  }
0x3ea: {  	s31 =	sadd.s32 s23, s0;
	[tilespmem:s2+$0x0] =	vst v25;
	s2 =	sadd.s32 s20, s6;
	s14 =	sadd.s32 s11, s25;
	vm7 =	vgt.s32 v9, $0x0;
	v25 =	vld.idx.msk [tilespmem:v32+s10+$0x0], $0xffff;
	vm9 =	vgt.s32 v22, $0x0;
	v21 =	vnsel vm6, $0x0, v21  }
0x3eb: {  	s15 =	sadd.s32 s20, s15;
	s16 =	sadd.s32 s4, s0;
	s1 =	rddreg [dreg:$0x1a];
	v9 =	vnsel vm7, $0x0, v9;
	vm7 =	vgt.s32 v27, $0x0;
	[tilespmem:s14+$0x0] =	vst v21;
	v21 =	vld.idx.msk [tilespmem:v14+s10+$0x0], $0xffff;
	v14 =	vadd.s32 $0xFFFFFFFF, v27  }
0x3ec: {  	s0 =	sadd.s32 s21, s0;
	s12 =	sadd.s32 s12, s1;
	s29 =	simm.s32 $0x300;
	[tilespmem:s31+$0x0] =	vst v16;
	v27 =	vnsel vm9, $0x0, v22;
	v22 =	vadd.s32 $0xFFFFFFFF, v24;
	v23 =	vld.idx.msk [tilespmem:v28+s10+$0x0], $0xffff;
	vm9 =	vgt.s32 v14, $0x0  }
0x3ed: {  	v62 =	vadd.s32 $0x124F8, v15;
	[tilespmem:s15+$0x0] =	vst v26;
	s30 =	sadd.s32 s5, s12;
	s26 =	sadd.s32 s23, s12;
	s6 =	sadd.s32 s4, s12;
	v31 =	vld.idx.msk [tilespmem:v13+s10+$0x0], $0xffff;
	vm12 =	vgt.s32 v22, $0x0;
	v30 =	vnsel vm9, $0x0, v14  }
0x3ee: {  	[tilespmem:s19+$0x0] =	vst v17;
	s19 =	sadd.s32 s21, s12;
	s23 =	sand.u32 $0x600, s29;
	s5 =	sadd.s32 s18, s25;
	v26 =	vadd.s32 $0x61A8, v9;
	v11 =	vnsel vm4, $0x0, v20;
	v20 =	vld.idx.msk [tilespmem:v10+s10+$0x0], $0xffff;
	v34 =	vnsel vm12, $0x0, v22  }
0x3ef: {  	s4 =	simm.s32 $0x400;
	s14 =	sadd.s32 s9, s25;
	v28 =	vld.idx.msk [tilespmem:v12+s10+$0x0], $0xffff;
	s1 =	rddreg [dreg:$0x19];
	v16 =	vadd.s32 $0x61A8, v27;
	[tilespmem:s5+$0x0] =	vst v11;
	v11 =	vnsel vm2, $0x0, v19;
	v19 =	vadd.s32 $0xC350, v27  }
0x3f0: {  	s21 =	simm.s32 $0x0;
	s20 =	sadd.s32 s13, s25;
	s25 =	rddreg [dreg:$0x17];
	v13 =	vadd.s32 $0x124F8, v27;
	vm9 =	vgt.s32 v24, $0x0;
	[tilespmem:s14+$0x0] =	vst v11;
	v11 =	vnsel vm3, $0x0, v25;
	v24 =	vld.idx.msk [tilespmem:v9+s10+$0x0], $0xffff  }
0x3f1: {  	s24 =	simm.s32 $0xC;
	[tilespmem:s30+$0x0] =	vst v29;
	s29 =	sadd.s32 s23, s25;
	s15 =	sadd.s32 s7, s1;
	vm12 =	vgt.s32 v18, $0x0;
	v17 =	vadd.s32 $0x61A8, v30;
	v10 =	vnsel vm6, $0x0, v23;
	v23 =	vld.idx.msk [tilespmem:v27+s10+$0x0], $0xffff  }
0x3f2: {  	v15 =	vadd.s32 $0x61A8, v34;
	s31 =	sadd.s32 s11, s15;
	v14 =	vadd.s32 $0xC350, v30;
	v12 =	vadd.s32 $0xC350, v34;
	s28 =	sadd.s32 s18, s15;
	s5 =	sadd.s32 s9, s15;
	[tilespmem:s20+$0x0] =	vst v11;
	v22 =	vld.idx.msk [tilespmem:v30+s10+$0x0], $0xffff  }
0x3f3: {  	s12 =	sadd.s32 s13, s15;
	s15 =	simm.s32 $0xF0;
	v11 =	vadd.s32 $0x124F8, v30;
	v29 =	vnsel vm10, $0x0, v31;
	s20 =	simm.s32 $0x0;
	v35 =	vnsel vm0, $0x0, v21;
	[tilespmem:s31+$0x0] =	vst v10;
	v25 =	vld.idx.msk [tilespmem:v34+s10+$0x0], $0xffff  }
0x3f4: {  	s25 =	sand.u32 $0x70, s15;
	v28 =	vnsel vm1, $0x0, v28;
	[tilespmem:s16+$0x0] =	vst v35;
	v27 =	vnsel vm11, $0x0, v63;
	s16 =	simm.s32 $0x0;
	v10 =	vadd.s32 $0x124F8, v34;
	v21 =	vld.idx.msk [tilespmem:v62+s10+$0x0], $0xffff;
	s30 =	rddreg [dreg:$0x1a]  }
.LBB2_35:
0x3f5: {  	_ = 	snop  }
0x3f6: {  	s31 =	sshra.s32 s4, $0x2;
	v30 =	vld.idx.msk [tilespmem:v8+s16+$0x0], $0xffff;
	[tilespmem:s0+$0x0] =	vst v28  }
0x3f7: {  	s14 =	sadd.s32 s25, s29;
	vm10 =	vmmov vm4;
	[tilespmem:s26+$0x0] =	vst v29;
	v18 =	vld.idx.msk [tilespmem:v0+s31+$0x7F0 ss:$0x1], $0xffff;
	v24 =	vnsel vm12, $0x0, v24  }
0x3f8: {  	vm4 =	vmmov vm8;
	s0 =	sadd.s32 $0xFFFFFFE0, s15;
	vm11 =	vmmov vm0;
	vm0 =	vmmov vm2;
	[tilespmem:s14+$0x0] =	vst v24;
	v24 =	vld.idx.msk [tilespmem:v0+s31+$0x7C0 ss:$0x1], $0xffff  }
0x3f9: {  	v8 =	vmovc v19;
	vm2 =	vmmov vm7;
	[tilespmem:s22+$0x0] =	vst v27;
	s0 =	sand.u32 $0x50, s0;
	v19 =	vnsel vm5, $0x0, v20;
	s14 =	sadd.s32 $0xFFFFFFD0, s15;
	v20 =	vnsel vm4, $0x0, v23;
	v23 =	vld.idx.msk [tilespmem:v26+s20+$0x0], $0xffff  }
0x3fa: {  	s24 =	sadd.s32 $0x4, s24;
	s26 =	sadd.s32 s0, s29;
	s14 =	sand.u32 $0x40, s14;
	v22 =	vnsel vm2, $0x0, v22;
	v26 =	vld.idx.msk [tilespmem:v0+s31+$0x7D0 ss:$0x1], $0xffff  }
0x3fb: {  	s1 =	sadd.s32 $0xFFFFFFF0, s15;
	s7 =	sadd.s32 s7, s30;
	v27 =	vadd.s32 $0xC350, v9;
	vm5 =	vmmov vm1;
	s22 =	sadd.s32 s14, s29;
	[tilespmem:s26+$0x0] =	vst v22;
	v22 =	vld.idx.msk [tilespmem:v0+s31+$0x7E0 ss:$0x1], $0xffff  }
0x3fc: {  	s30 =	rddreg [dreg:$0x18];
	s1 =	sand.u32 $0x60, s1;
	s11 =	sadd.s32 s11, s7;
	vm1 =	vmmov vm3;
	vm3 =	vmmov vm9;
	v21 =	vnsel vm6, $0x0, v21;
	[tilespmem:s22+$0x0] =	vst v20;
	v20 =	vld.idx.msk [tilespmem:v17+s20+$0x0], $0xffff  }
0x3fd: {  	v34 =	vadd.s32 $0x124F8, v9;
	p0 =	slt.u32 s24, $0x18;
	s15 =	sadd.s32 $0x40, s15;
	v25 =	vnsel vm3, $0x0, v25;
	s29 =	sadd.s32 s1, s29;
	[tilespmem:s11+$0x0] =	vst v21;
	v21 =	vadd.s32 $0xFFFFFFFF, v18;
	v29 =	vld.idx.msk [tilespmem:v7+s16+$0x0], $0xffff  }
0x3fe: {  	vm6 =	vmmov vm12;
	s31 =	sadd.s32 s9, s7;
	s9 =	smov.u32 s0;
	s0 =	sadd.s32 s23, s30;
	v17 =	vnsel vm10, $0x0, v30;
	[tilespmem:s29+$0x0] =	vst v25;
	v28 =	vld.idx.msk [tilespmem:v16+s20+$0x0], $0xffff;
	vm7 =	vgt.s32 v21, $0x0  }
0x3ff: {  	s26 =	sadd.s32 s18, s7;
	s7 =	sadd.s32 s13, s7;
	s11 =	sadd.s32 s25, s0;
	v25 =	vld.idx.msk [tilespmem:v15+s20+$0x0], $0xffff;
	v16 =	vadd.s32 $0xFFFFFFFF, v24;
	v21 =	vnsel vm7, $0x0, v21;
	v15 =	vnsel vm6, $0x0, v23  }
0x400: {  	s13 =	smov.u32 s1;
	s18 =	smov.u32 s14;
	s14 =	smov.u32 s16;
	v7 =	vmovc v14;
	v35 =	vld.idx.msk [tilespmem:v2+s21+$0x0], $0xffff;
	vm9 =	vgt.s32 v16, $0x0;
	vm7 =	vgt.s32 v26, $0x0;
	v14 =	vadd.s32 $0xFFFFFFFF, v26;
	[tilespmem:s11+$0x0] =	vst v15  }
0x401: {  	s22 =	smov.u32 s6;
	s1 =	sadd.s32 s18, s0;
	s30 =	sadd.s32 s9, s0;
	[tilespmem:s2+$0x0] =	vst v19;
	v15 =	vadd.s32 $0xFFFFFFFF, v22;
	v26 =	vld.idx.msk [tilespmem:v27+s20+$0x0], $0xffff;
	v27 =	vnsel vm9, $0x0, v16;
	vm9 =	vgt.s32 v14, $0x0  }
0x402: {  	s29 =	sadd.s32 s13, s0;
	s6 =	smov.u32 s31;
	s16 =	smov.u32 s20;
	[tilespmem:s28+$0x0] =	vst v17;
	vm8 =	vgt.s32 v24, $0x0;
	v30 =	vld.idx.msk [tilespmem:v6+s14+$0x0], $0xffff;
	vm12 =	vgt.s32 v15, $0x0;
	v31 =	vnsel vm9, $0x0, v14  }
0x403: {  	s0 =	smov.u32 s12;
	s12 =	rddreg [dreg:$0x19];
	v2 =	vmovc v4;
	v4 =	vmovc v11;
	s2 =	smov.u32 s19;
	v32 =	vld.idx.msk [tilespmem:v5+s14+$0x0], $0xffff;
	v11 =	vnsel vm2, $0x0, v20;
	v36 =	vnsel vm0, $0x0, v29;
	v33 =	vnsel vm12, $0x0, v15  }
0x404: {  	s19 =	smov.u32 s7;
	s7 =	smov.u32 s23;
	v6 =	vmovc v12;
	s20 =	simm.s32 $0x0;
	v20 =	vld.idx.msk [tilespmem:v1+s21+$0x0], $0xffff;
	vm9 =	vgt.s32 v22, $0x0;
	v16 =	vadd.s32 $0x61A8, v27;
	v12 =	vnsel vm4, $0x0, v28  }
.Ltmp16:
0x405: {  	s31 =	smov.u32 s5;
	v5 =	vmovc v13;
	s23 =	sadd.s32 s7, s12;
	v19 =	vadd.s32 $0xC350, v27;
	v13 =	vadd.s32 $0x124F8, v27;
	vm12 =	vgt.s32 v18, $0x0;
	v24 =	vld.idx.msk [tilespmem:v21+s20+$0x0], $0xffff;
	[tilespmem:s1+$0x0] =	vst v12;
	(pc) =	sbr.rel @p0 .LBB2_35-.Ltmp16, $4  }
0x406: {  	v9 =	vmovc v21;
	s28 =	sadd.s32 s18, s23;
	s5 =	sadd.s32 s9, s23;
	s11 =	smov.u32 s25;
	[tilespmem:s30+$0x0] =	vst v11;
	v17 =	vadd.s32 $0x61A8, v31;
	v15 =	vadd.s32 $0x61A8, v33;
	v21 =	vnsel vm3, $0x0, v25;
	v23 =	vld.idx.msk [tilespmem:v27+s20+$0x0], $0xffff  }
0x407: {  	s12 =	sadd.s32 s13, s23;
	v1 =	vmovc v3;
	v3 =	vmovc v10;
	s21 =	smov.u32 s14;
	s25 =	sadd.s32 s11, s23;
	v14 =	vadd.s32 $0xC350, v31;
	v12 =	vadd.s32 $0xC350, v33;
	[tilespmem:s29+$0x0] =	vst v21;
	v10 =	vnsel vm6, $0x0, v26;
	v22 =	vld.idx.msk [tilespmem:v31+s20+$0x0], $0xffff  }
0x408: {  	s14 =	rddreg [dreg:$0x17];
	s23 =	sand.u32 $0x600, s4;
	s4 =	sadd.s32 $0x100, s4;
	v28 =	vnsel vm1, $0x0, v30;
	v11 =	vadd.s32 $0x124F8, v31;
	v29 =	vnsel vm10, $0x0, v32;
	[tilespmem:s25+$0x0] =	vst v10;
	v25 =	vld.idx.msk [tilespmem:v33+s20+$0x0], $0xffff  }
0x409: {  	s30 =	rddreg [dreg:$0x1a];
	s29 =	sadd.s32 s23, s14;
	v26 =	vadd.s32 $0x61A8, v9;
	v27 =	vnsel vm11, $0x0, v35;
	v10 =	vadd.s32 $0x124F8, v33;
	s25 =	sand.u32 $0x70, s15;
	[tilespmem:s31+$0x0] =	vst v36;
	v21 =	vld.idx.msk [tilespmem:v34+s16+$0x0], $0xffff  }
0x40a: {  	_ = 	snop  }
0x40b: {  	[tilespmem:s0+$0x0] =	vst v28  }
0x40c: {  	[tilespmem:s26+$0x0] =	vst v29  }
0x40d: {  	v0 =	vnsel vm12, $0x0, v24;
	s1 =	sadd.s32 s25, s29;
	s24 =	sadd.s32 $0xFFFFFFD0, s15;
	[tilespmem:s22+$0x0] =	vst v27  }
0x40e: {  	vm10 =	vmmov vm8;
	s31 =	sadd.s32 $0xFFFFFFE0, s15;
	v8 =	vld.idx.msk [tilespmem:v8+s16+$0x0], $0xffff;
	v47 =	vnsel vm5, $0x0, v20;
	[tilespmem:s1+$0x0] =	vst v0;
	s4 =	sand.u32 $0x40, s24  }
0x40f: {  	vm14 =	vmmov vm7;
	s15 =	sadd.s32 $0xFFFFFFF0, s15;
	v6 =	vld.idx.msk [tilespmem:v6+s16+$0x0], $0xffff;
	v18 =	vnsel vm10, $0x0, v23;
	s0 =	sand.u32 $0x50, s31;
	[tilespmem:s2+$0x0] =	vst v47;
	s14 =	sadd.s32 s4, s29  }
0x410: {  	vm9 =	vmmov vm9;
	s15 =	sand.u32 $0x60, s15;
	v0 =	vld.idx.msk [tilespmem:v26+s20+$0x0], $0xffff;
	s1 =	rddreg [dreg:$0x18];
	v39 =	vnsel vm14, $0x0, v22;
	s24 =	sadd.s32 s0, s29;
	[tilespmem:s14+$0x0] =	vst v18  }
0x411: {  	s7 =	sadd.s32 s7, s30;
	[tilespmem:s24+$0x0] =	vst v39;
	v40 =	vnsel vm9, $0x0, v25;
	s24 =	sadd.s32 s15, s29;
	v16 =	vld.idx.msk [tilespmem:v16+s20+$0x0], $0xffff  }
0x412: {  	v38 =	vadd.s32 $0xC350, v9;
	vm4 =	vmmov vm4;
	s11 =	sadd.s32 s11, s7;
	v17 =	vld.idx.msk [tilespmem:v17+s20+$0x0], $0xffff;
	v41 =	vnsel vm6, $0x0, v21;
	[tilespmem:s24+$0x0] =	vst v40  }
0x413: {  	vm3 =	vmmov vm3;
	[tilespmem:s11+$0x0] =	vst v41;
	v43 =	vnsel vm4, $0x0, v8;
	v44 =	vld.idx.msk [tilespmem:v15+s20+$0x0], $0xffff  }
0x414: {  	vm15 =	vmmov vm12;
	v2 =	vld.idx.msk [tilespmem:v2+s21+$0x0], $0xffff;
	s1 =	sadd.s32 s23, s1;
	v6 =	vnsel vm3, $0x0, v6;
	[tilespmem:s28+$0x0] =	vst v43  }
0x415: {  	v1 =	vld.idx.msk [tilespmem:v1+s21+$0x0], $0xffff;
	s22 =	sadd.s32 s25, s1;
	[tilespmem:s12+$0x0] =	vst v6;
	v0 =	vnsel vm15, $0x0, v0  }
0x416: {  	v45 =	vld.idx.msk [tilespmem:v7+s16+$0x0], $0xffff;
	s29 =	sadd.s32 s4, s1;
	[tilespmem:s22+$0x0] =	vst v0;
	v46 =	vnsel vm10, $0x0, v16  }
0x417: {  	s30 =	sadd.s32 s0, s1;
	v42 =	vld.idx.msk [tilespmem:v38+s20+$0x0], $0xffff;
	s26 =	rddreg [dreg:$0x19];
	v49 =	vnsel vm14, $0x0, v17;
	[tilespmem:s29+$0x0] =	vst v46  }
0x418: {  	vm0 =	vmmov vm0;
	s1 =	sadd.s32 s15, s1;
	[tilespmem:s30+$0x0] =	vst v49;
	v8 =	vnsel vm9, $0x0, v44;
	v50 =	vld.idx.msk [tilespmem:v19+s20+$0x0], $0xffff  }
0x419: {  	v48 =	vadd.s32 $0x124F8, v9;
	vm1 =	vmmov vm1;
	v2 =	vnsel vm0, $0x0, v2;
	[tilespmem:s1+$0x0] =	vst v8;
	v52 =	vld.idx.msk [tilespmem:v14+s20+$0x0], $0xffff  }
0x41a: {  	vm2 =	vmmov vm2;
	[tilespmem:s6+$0x0] =	vst v2;
	v1 =	vnsel vm1, $0x0, v1;
	v53 =	vld.idx.msk [tilespmem:v12+s20+$0x0], $0xffff  }
0x41b: {  	v5 =	vld.idx.msk [tilespmem:v5+s16+$0x0], $0xffff;
	[tilespmem:s19+$0x0] =	vst v1;
	v0 =	vnsel vm2, $0x0, v45;
	s31 =	sadd.s32 s23, s26  }
0x41c: {  	v3 =	vld.idx.msk [tilespmem:v3+s16+$0x0], $0xffff;
	[tilespmem:s5+$0x0] =	vst v0;
	vm10 =	vmmov vm10;
	s11 =	sadd.s32 s25, s31;
	v51 =	vnsel vm15, $0x0, v42  }
0x41d: {  	vm11 =	vmmov vm14;
	v56 =	vld.idx.msk [tilespmem:v4+s16+$0x0], $0xffff;
	[tilespmem:s11+$0x0] =	vst v51;
	s11 =	sadd.s32 s4, s31;
	v54 =	vnsel vm10, $0x0, v50  }
0x41e: {  	vm12 =	vmmov vm9;
	s24 =	sadd.s32 s0, s31;
	v7 =	vld.idx.msk [tilespmem:v48+s20+$0x0], $0xffff;
	s14 =	rddreg [dreg:$0x1a];
	v57 =	vnsel vm11, $0x0, v52;
	[tilespmem:s11+$0x0] =	vst v54  }
0x41f: {  	s2 =	sadd.s32 s15, s31;
	v0 =	vnsel vm12, $0x0, v53;
	[tilespmem:s24+$0x0] =	vst v57;
	v55 =	vld.idx.msk [tilespmem:v13+s20+$0x0], $0xffff  }
0x420: {  	s22 =	sadd.s32 s18, s7;
	vm14 =	vmmov vm3;
	v5 =	vnsel vm4, $0x0, v5;
	[tilespmem:s2+$0x0] =	vst v0;
	v59 =	vld.idx.msk [tilespmem:v11+s20+$0x0], $0xffff  }
0x421: {  	vm13 =	vmmov vm2;
	s30 =	sadd.s32 s13, s7;
	v62 =	vnsel vm14, $0x0, v3;
	[tilespmem:s22+$0x0] =	vst v5;
	v60 =	vld.idx.msk [tilespmem:v10+s20+$0x0], $0xffff  }
0x422: {  	s29 =	sadd.s32 s9, s7;
	[tilespmem:s30+$0x0] =	vst v62;
	v2 =	vnsel vm13, $0x0, v56;
	s5 =	sadd.s32 s23, s14  }
0x423: {  	[tilespmem:s29+$0x0] =	vst v2;
	s26 =	sadd.s32 s25, s5;
	v58 =	vnsel vm15, $0x0, v7  }
0x424: {  	vm0 =	vmmov vm11;
	s28 =	sadd.s32 s4, s5;
	[tilespmem:s26+$0x0] =	vst v58;
	v61 =	vnsel vm10, $0x0, v55  }
0x425: {  	s0 =	sadd.s32 s0, s5;
	vm15 =	vmmov vm12;
	v0 =	vnsel vm0, $0x0, v59;
	[tilespmem:s28+$0x0] =	vst v61  }
0x426: {  	s31 =	sadd.s32 s15, s5;
	v63 =	vnsel vm15, $0x0, v60;
	[tilespmem:s0+$0x0] =	vst v0  }
0x427: {  	[tilespmem:s31+$0x0] =	vst v63  }
0x428: {  	s4 =	sld [smem:$0x7D7];
	_ =	sdelay $0x2  }
0x429: {  	s0 =	simm.s32 $0x700;
	s2 =	smov.u32 s4  }
.LBB2_37:
0x42a: {  	s1 =	sshra.s32 s20, $0x2  }
0x42b: {  	s1 =	sadd.s32 s1, s17  }
0x42c: {  	v0 =	vld [tilespmem:s1+$0x0];
	_ =	sdelay $0x4  }
0x42d: {  	v1 =	vadd.s32 $0xFFFFFFFF, v0  }
0x42e: {  	vm0 =	vgt.s32 v1, $0x0  }
0x42f: {  	v1 =	vnsel vm0, $0x0, v1;
	_ =	sdelay $0x4  }
0x430: {  	v2 =	vld.idx.msk [tilespmem:v1+s3+$0x0], $0xffff;
	_ =	sdelay $0x1  }
0x431: {  	v3 =	vadd.s32 $0x61A8, v1;
	_ =	sdelay $0x1  }
0x432: {  	s31 =	sand.u32 $0x3FFFFE00, s0;
	vm15 =	vgt.s32 v0, $0x0  }
0x433: {  	s1 =	sadd.s32 s31, s2;
	v0 =	vnsel vm15, $0x0, v2  }
0x434: {  	[tilespmem:s1+$0x0] =	vst v0  }
0x435: {  	v0 =	vld.idx.msk [tilespmem:v3+s3+$0x0], $0xffff;
	_ =	sdelay $0x1  }
0x436: {  	v63 =	vadd.s32 $0xC350, v1;
	_ =	sdelay $0x2  }
0x437: {  	v0 =	vnsel vm15, $0x0, v0  }
0x438: {  	[tilespmem:s1+$0x800] =	vst v0  }
0x439: {  	v0 =	vld.idx.msk [tilespmem:v63+s3+$0x0], $0xffff;
	_ =	sdelay $0x1  }
0x43a: {  	v1 =	vadd.s32 $0x124F8, v1;
	_ =	sdelay $0x2  }
0x43b: {  	v0 =	vnsel vm15, $0x0, v0  }
0x43c: {  	[tilespmem:s1+$0x1000] =	vst v0  }
0x43d: {  	v0 =	vld.idx.msk [tilespmem:v1+s3+$0x0], $0xffff  }
0x43e: {  	p0 =	sne.s32 s20, $0x80  }
.Ltmp17:
0x43f: {  	_ = 	snop;
	(pc) =	sbr.rel @p0 .LBB2_37-.Ltmp17, $3  }
0x440: {  	_ =	sdelay $0x1  }
0x441: {  	v0 =	vnsel vm15, $0x0, v0  }
0x442: {  	s0 =	sadd.s32 $0x40, s0;
	s20 =	sadd.s32 $0x40, s20;
	s2 =	sadd.s32 $0x10, s2;
	[tilespmem:s1+$0x1800] =	vst v0  }
0x443: {  	s8 =	sadd.s32 $0x1, s8  }
0x444: {  	p0 =	sne.s32 s8, $0x4  }
.Ltmp18:
0x445: {  	_ = 	snop;
	(pc) =	sbr.rel @p0 .LBB2_34-.Ltmp18, $2  }
0x446: {  	s1 =	sld [smem:$0x7D8];
	_ =	sdelay $0x2  }
0x447: {  	s17 =	sadd.s32 $0x1F0, s17;
	s4 =	sadd.s32 $0x80, s4;
	s1 =	sadd.s32 $0x1F0, s1  }
0x448: {  	s1 =	sld [smem:$0x7F8];
	_ =	sdelay $0x1  }
0x449: {  	s2 =	simm.s32 $0x200;
	s4 =	simm.s32 $0x400;
	s0 =	simm.s32 $0x1B680  }
0x44a: {  	[hbm4b:s1+s2] =	stream.strided.scatter [tilespmem:s0], [sflag:$0x4], $0x800, s4, s2, $0x38;
	[tilespmem:$0x1D680] =	vst v63  }
0x44b: {  	s5 =	simm.s32 $0x1BE80;
	s23 =	sadd.s32 $0x7C00, s1  }
0x44c: {  	[hbm4b:s23+s2] =	stream.strided.scatter [tilespmem:s5], [sflag:$0x4], $0x800, s4, s2, $0x38;
	[tilespmem:$0x1D680] =	vst v63  }
0x44d: {  	s25 =	simm.s32 $0x1C680;
	s28 =	simm.s32 $0x1CE80;
	s24 =	sadd.s32 $0xF800, s1  }
0x44e: {  	[hbm4b:s24+s2] =	stream.strided.scatter [tilespmem:s25], [sflag:$0x4], $0x800, s4, s2, $0x38;
	[tilespmem:$0x1D680] =	vst v63  }
0x44f: {  	s29 =	sld [smem:$0x7FA];
	s31 =	simm.s32 $0x1;
	s26 =	sadd.s32 $0x17400, s1  }
0x450: {  	[hbm4b:s26+s2] =	stream.strided.scatter [tilespmem:s28], [sflag:$0x4], $0x800, s4, s2, $0x38;
	[tilespmem:$0x1D680] =	vst v63  }
0x451: {  	s30 =	simm.s32 $0x18EC0;
	[smem:$0x7D6] =	sst s31;
	s2 =	simm.s32 $0x1  }
0x452: {  	[tilespmem:s30], [sflag:$0x2] =	stream.linear.gather [hbm4b:s29+s3], $0x7C0, $0x38;
	[tilespmem:$0x1D680] =	vst v63  }
.LBB2_40:
0x453: {  	_ =	swait.ge [sflag:s2], $0x7C0  }
0x454: {  	[sflag:s2] =	ssyncset.done $0x0  }
0x455: {  	s0 =	simm.s32 $0x3;
	[sflag:s2] =	ssyncadd.s32 $0xFFFFF840  }
0x456: {  	s10 =	simm.s32 $0x0;
	_ =	swait.ge [sflag:s0], $0x2000  }
0x457: {  	s1 =	simm.s32 $0x18700;
	s17 =	simm.s32 $0x188C0;
	[sflag:s0] =	ssyncset.done $0x0  }
0x458: {  	s4 =	simm.s32 $0x1A6C0;
	[sflag:s0] =	ssyncadd.s32 $0xFFFFE000;
	s0 =	simm.s32 $0x0  }
.LBB2_41:
0x459: {  	[smem:$0x7D3] =	sst s4  }
0x45a: {  	[smem:$0x7D4] =	sst s0;
	s19 =	sshll.u32 s0, $0x7  }
0x45b: {  	[smem:$0x7D5] =	sst s1;
	v0 =	vmov s1;
	s2 =	sadd.s32 $0x19680, s19  }
0x45c: {  	s20 =	sadd.s32 $0x19E80, s19;
	[dreg:$0x1b] =	wrdreg s2  }
0x45d: {  	s21 =	sadd.s32 $0x1A680, s19;
	[dreg:$0x1c] =	wrdreg s20  }
0x45e: {  	s0 =	sadd.s32 $0x1AE80, s19;
	[dreg:$0x1d] =	wrdreg s21  }
0x45f: {  	s22 =	simm.s32 $0x0;
	[dreg:$0x1e] =	wrdreg s0  }
0x460: {  	v1 =	vld.idx.msk [tilespmem:v0+s22+$0x30 ss:$0x1], $0xffff;
	_ =	sdelay $0x2  }
0x461: {  	v2 =	vld.idx.msk [tilespmem:v0+s22+$0x0 ss:$0x1], $0xffff  }
0x462: {  	v3 =	vld.idx.msk [tilespmem:v0+s22+$0x10 ss:$0x1], $0xffff  }
0x463: {  	v5 =	vadd.s32 $0xFFFFFFFF, v1  }
0x464: {  	v4 =	vld.idx.msk [tilespmem:v0+s22+$0x20 ss:$0x1], $0xffff;
	vm0 =	vgt.s32 v5, $0x0  }
0x465: {  	v5 =	vnsel vm0, $0x0, v5  }
0x466: {  	v6 =	vadd.s32 $0xFFFFFFFF, v2  }
0x467: {  	v7 =	vadd.s32 $0xFFFFFFFF, v3;
	vm0 =	vgt.s32 v6, $0x0  }
0x468: {  	v6 =	vnsel vm0, $0x0, v6;
	vm0 =	vgt.s32 v7, $0x0  }
0x469: {  	v8 =	vadd.s32 $0xFFFFFFFF, v4;
	v7 =	vnsel vm0, $0x0, v7  }
0x46a: {  	vm0 =	vgt.s32 v8, $0x0;
	v9 =	vld.idx.msk [tilespmem:v5+s10+$0x0], $0xffff  }
0x46b: {  	s26 =	simm.s32 $0x40;
	v8 =	vnsel vm0, $0x0, v8  }
0x46c: {  	v13 =	vld.idx.msk [tilespmem:v0+s26+$0x30 ss:$0x1], $0xffff;
	v10 =	vadd.s32 $0x61A8, v5  }
0x46d: {  	s24 =	simm.s32 $0x30;
	s6 =	sand.u32 $0x600, s10;
	s23 =	rddreg [dreg:$0x1b];
	v11 =	vld.idx.msk [tilespmem:v6+s10+$0x0], $0xffff  }
0x46e: {  	s2 =	sand.u32 $0x70, s24;
	s25 =	sadd.s32 s6, s23;
	vm2 =	vgt.s32 v1, $0x0;
	v12 =	vld.idx.msk [tilespmem:v7+s10+$0x0], $0xffff  }
0x46f: {  	s5 =	sadd.s32 s2, s25;
	v14 =	vld.idx.msk [tilespmem:v0+s26+$0x10 ss:$0x1], $0xffff;
	vm1 =	vgt.s32 v3, $0x0;
	v3 =	vadd.s32 $0x61A8, v6;
	v9 =	vnsel vm2, $0x0, v9  }
0x470: {  	s9 =	simm.s32 $0x0;
	vm4 =	vgt.s32 v4, $0x0;
	vm0 =	vgt.s32 v2, $0x0;
	v4 =	vadd.s32 $0x61A8, v7;
	v1 =	vld.idx.msk [tilespmem:v8+s10+$0x0], $0xffff;
	[tilespmem:s5+$0x0] =	vst v9  }
0x471: {  	s28 =	simm.s32 $0x10;
	s19 =	sand.u32 $0x40, s9;
	v17 =	vadd.s32 $0xFFFFFFFF, v13;
	v15 =	vadd.s32 $0xC350, v5;
	vm3 =	vmmov vm0;
	v9 =	vld.idx.msk [tilespmem:v10+s10+$0x0], $0xffff  }
0x472: {  	s16 =	sand.u32 $0x50, s28;
	s11 =	sadd.s32 s19, s25;
	v2 =	vld.idx.msk [tilespmem:v0+s26+$0x0 ss:$0x1], $0xffff;
	vm0 =	vmmov vm1;
	v11 =	vnsel vm3, $0x0, v11;
	v10 =	vadd.s32 $0x61A8, v8  }
0x473: {  	s0 =	simm.s32 $0x20;
	v16 =	vld.idx.msk [tilespmem:v0+s26+$0x20 ss:$0x1], $0xffff;
	vm1 =	vmmov vm4;
	vm4 =	vgt.s32 v17, $0x0;
	s5 =	sadd.s32 s16, s25;
	s7 =	rddreg [dreg:$0x1c];
	v12 =	vnsel vm0, $0x0, v12;
	[tilespmem:s11+$0x0] =	vst v11  }
0x474: {  	s20 =	sand.u32 $0x60, s0;
	v17 =	vnsel vm4, $0x0, v17;
	[tilespmem:s5+$0x0] =	vst v12;
	v3 =	vld.idx.msk [tilespmem:v3+s10+$0x0], $0xffff  }
0x475: {  	s4 =	sadd.s32 s20, s25;
	vm2 =	vmmov vm2;
	s1 =	sadd.s32 s6, s7;
	v1 =	vnsel vm1, $0x0, v1;
	v4 =	vld.idx.msk [tilespmem:v4+s10+$0x0], $0xffff  }
0x476: {  	s8 =	sadd.s32 s2, s1;
	[tilespmem:s4+$0x0] =	vst v1;
	v9 =	vnsel vm2, $0x0, v9  }
0x477: {  	vm6 =	vgt.s32 v13, $0x0;
	v23 =	vadd.s32 $0xC350, v7;
	v11 =	vadd.s32 $0xFFFFFFFF, v2;
	v19 =	vld.idx.msk [tilespmem:v10+s10+$0x0], $0xffff;
	[tilespmem:s8+$0x0] =	vst v9  }
0x478: {  	vm7 =	vgt.s32 v16, $0x0;
	vm4 =	vgt.s32 v11, $0x0;
	v9 =	vadd.s32 $0xFFFFFFFF, v14;
	v1 =	vld.idx.msk [tilespmem:v15+s10+$0x0], $0xffff  }
0x479: {  	s18 =	simm.s32 $0x80;
	v12 =	vld.idx.msk [tilespmem:v17+s10+$0x0], $0xffff;
	s22 =	sadd.s32 s19, s1;
	v3 =	vnsel vm3, $0x0, v3;
	v15 =	vnsel vm4, $0x0, v11;
	vm4 =	vgt.s32 v9, $0x0  }
0x47a: {  	s23 =	sadd.s32 s16, s1;
	v11 =	vadd.s32 $0xFFFFFFFF, v16;
	s4 =	rddreg [dreg:$0x1d];
	v16 =	vld.idx.msk [tilespmem:v0+s18+$0x30 ss:$0x1], $0xffff;
	[tilespmem:s22+$0x0] =	vst v3;
	v3 =	vnsel vm0, $0x0, v4;
	v9 =	vnsel vm4, $0x0, v9  }
0x47b: {  	vm5 =	vgt.s32 v14, $0x0;
	v22 =	vadd.s32 $0xC350, v6;
	vm4 =	vgt.s32 v11, $0x0;
	[tilespmem:s23+$0x0] =	vst v3;
	v3 =	vld.idx.msk [tilespmem:v0+s18+$0x10 ss:$0x1], $0xffff  }
0x47c: {  	vm5 =	vmmov vm5;
	vm7 =	vmmov vm7;
	s15 =	sadd.s32 s6, s4;
	v18 =	vnsel vm4, $0x0, v11;
	v23 =	vld.idx.msk [tilespmem:v23+s10+$0x0], $0xffff  }
0x47d: {  	v21 =	vadd.s32 $0x61A8, v17;
	s11 =	simm.s32 $0x100;
	s12 =	sadd.s32 s2, s15;
	v4 =	vnsel vm1, $0x0, v19;
	v19 =	vld.idx.msk [tilespmem:v0+s18+$0x0 ss:$0x1], $0xffff;
	v1 =	vnsel vm2, $0x0, v1  }
0x47e: {  	s13 =	simm.s32 $0x70;
	s9 =	rddreg [dreg:$0x1b];
	v24 =	vadd.s32 $0xC350, v8;
	v5 =	vadd.s32 $0x124F8, v5;
	v6 =	vadd.s32 $0x124F8, v6;
	v20 =	vld.idx.msk [tilespmem:v15+s10+$0x0], $0xffff;
	[tilespmem:s12+$0x0] =	vst v1;
	s12 =	sand.u32 $0x600, s11  }
0x47f: {  	s5 =	sand.u32 $0x70, s13;
	s0 =	sadd.s32 s20, s1;
	v10 =	vadd.s32 $0x124F8, v8;
	vm3 =	vmmov vm3;
	v11 =	vadd.s32 $0x124F8, v7;
	v25 =	vld.idx.msk [tilespmem:v9+s10+$0x0], $0xffff;
	s14 =	sadd.s32 s12, s9  }
0x480: {  	vm4 =	vgt.s32 v2, $0x0;
	v2 =	vnsel vm6, $0x0, v12;
	v7 =	vadd.s32 $0x61A8, v15;
	[tilespmem:s0+$0x0] =	vst v4;
	v4 =	vld.idx.msk [tilespmem:v22+s10+$0x0], $0xffff;
	s4 =	sadd.s32 s5, s14  }
0x481: {  	s25 =	simm.s32 $0x40;
	vm0 =	vmmov vm0;
	v26 =	vadd.s32 $0xC350, v15;
	v1 =	vld.idx.msk [tilespmem:v18+s10+$0x0], $0xffff;
	[tilespmem:s4+$0x0] =	vst v2;
	v2 =	vadd.s32 $0x61A8, v9  }
0x482: {  	s24 =	simm.s32 $0x50;
	s23 =	sand.u32 $0x40, s25;
	v13 =	vadd.s32 $0x124F8, v15;
	v14 =	vadd.s32 $0xC350, v9;
	vm4 =	vmmov vm4;
	v21 =	vld.idx.msk [tilespmem:v21+s10+$0x0], $0xffff  }
0x483: {  	vm6 =	vmmov vm6;
	v8 =	vadd.s32 $0x61A8, v18;
	v5 =	vld.idx.msk [tilespmem:v5+s10+$0x0], $0xffff;
	s1 =	sadd.s32 s23, s14;
	s4 =	sand.u32 $0x50, s24;
	v15 =	vnsel vm4, $0x0, v20  }
0x484: {  	s26 =	simm.s32 $0x60;
	v12 =	vadd.s32 $0xC350, v18;
	vm1 =	vmmov vm1;
	s13 =	rddreg [dreg:$0x1c];
	s28 =	sadd.s32 s4, s14;
	v20 =	vld.idx.msk [tilespmem:v0+s18+$0x20 ss:$0x1], $0xffff;
	v22 =	vnsel vm5, $0x0, v25;
	[tilespmem:s1+$0x0] =	vst v15  }
0x485: {  	s21 =	sand.u32 $0x60, s26;
	vm10 =	vmmov vm4;
	v4 =	vnsel vm3, $0x0, v4;
	v25 =	vadd.s32 $0xC350, v17;
	s8 =	sadd.s32 s12, s13;
	s13 =	sadd.s32 s19, s15;
	[tilespmem:s28+$0x0] =	vst v22;
	v7 =	vld.idx.msk [tilespmem:v7+s10+$0x0], $0xffff  }
0x486: {  	vm9 =	vgt.s32 v16, $0x0;
	s22 =	rddreg [dreg:$0x1e];
	s7 =	sadd.s32 s21, s14;
	v1 =	vnsel vm7, $0x0, v1;
	[tilespmem:s13+$0x0] =	vst v4;
	v22 =	vld.idx.msk [tilespmem:v2+s10+$0x0], $0xffff;
	v2 =	vadd.s32 $0xFFFFFFFF, v16  }
0x487: {  	v4 =	vld.idx.msk [tilespmem:v24+s10+$0x0], $0xffff;
	[tilespmem:s7+$0x0] =	vst v1;
	vm8 =	vgt.s32 v2, $0x0;
	v1 =	vnsel vm6, $0x0, v21;
	v21 =	vadd.s32 $0xFFFFFFFF, v19  }
0x488: {  	v23 =	vnsel vm0, $0x0, v23;
	s11 =	sadd.s32 s5, s8;
	v27 =	vld.idx.msk [tilespmem:v8+s10+$0x0], $0xffff;
	v15 =	vnsel vm8, $0x0, v2;
	vm8 =	vgt.s32 v21, $0x0  }
0x489: {  	s25 =	simm.s32 $0xB0;
	[tilespmem:s11+$0x0] =	vst v1;
	v1 =	vadd.s32 $0xFFFFFFFF, v3;
	v2 =	vadd.s32 $0x124F8, v9;
	v9 =	vadd.s32 $0x124F8, v17;
	v17 =	vld.idx.msk [tilespmem:v6+s10+$0x0], $0xffff  }
0x48a: {  	s11 =	sand.u32 $0x70, s25;
	s25 =	simm.s32 $0xC0;
	v8 =	vld.idx.msk [tilespmem:v25+s10+$0x0], $0xffff;
	v21 =	vnsel vm8, $0x0, v21;
	vm8 =	vgt.s32 v1, $0x0;
	v25 =	vadd.s32 $0xFFFFFFFF, v20  }
0x48b: {  	s26 =	sadd.s32 s4, s8;
	v28 =	vnsel vm8, $0x0, v1;
	v1 =	vadd.s32 $0x124F8, v18;
	v18 =	vld.idx.msk [tilespmem:v0+s25+$0x30 ss:$0x1], $0xffff;
	v22 =	vnsel vm5, $0x0, v22  }
0x48c: {  	vm11 =	vgt.s32 v19, $0x0;
	s7 =	rddreg [dreg:$0x1d];
	v31 =	vadd.s32 $0x61A8, v15;
	vm8 =	vgt.s32 v25, $0x0;
	[tilespmem:s26+$0x0] =	vst v22;
	v22 =	vld.idx.msk [tilespmem:v0+s25+$0x0 ss:$0x1], $0xffff  }
0x48d: {  	s28 =	sadd.s32 s21, s8;
	v24 =	vnsel vm8, $0x0, v25;
	v25 =	vnsel vm2, $0x0, v5;
	v27 =	vnsel vm7, $0x0, v27;
	v5 =	vld.idx.msk [tilespmem:v15+s10+$0x0], $0xffff  }
0x48e: {  	s0 =	sadd.s32 s12, s7;
	vm2 =	vgt.s32 v3, $0x0;
	vm8 =	vgt.s32 v20, $0x0;
	v20 =	vadd.s32 $0x61A8, v21;
	[tilespmem:s28+$0x0] =	vst v27;
	v27 =	vld.idx.msk [tilespmem:v0+s25+$0x10 ss:$0x1], $0xffff  }
0x48f: {  	s24 =	simm.s32 $0x200;
	s7 =	sadd.s32 s5, s0;
	v29 =	vadd.s32 $0x61A8, v28;
	v32 =	vadd.s32 $0x61A8, v24;
	v19 =	vld.idx.msk [tilespmem:v21+s10+$0x0], $0xffff;
	v3 =	vnsel vm6, $0x0, v8  }
0x490: {  	s14 =	rddreg [dreg:$0x1b];
	v6 =	vadd.s32 $0xC350, v24;
	vm2 =	vmmov vm2;
	v17 =	vnsel vm3, $0x0, v17;
	v30 =	vld.idx.msk [tilespmem:v28+s10+$0x0], $0xffff;
	[tilespmem:s7+$0x0] =	vst v3;
	s7 =	sand.u32 $0x600, s24  }
0x491: {  	s18 =	sadd.s32 s23, s8;
	vm3 =	vmmov vm8;
	v8 =	vadd.s32 $0xC350, v21;
	v3 =	vnsel vm4, $0x0, v7;
	v9 =	vld.idx.msk [tilespmem:v9+s10+$0x0], $0xffff;
	s24 =	sadd.s32 s7, s14  }
0x492: {  	s26 =	simm.s32 $0x80;
	v7 =	vadd.s32 $0xC350, v28;
	vm4 =	vmmov vm11;
	[tilespmem:s18+$0x0] =	vst v3;
	v33 =	vld.idx.msk [tilespmem:v24+s10+$0x0], $0xffff;
	s13 =	sadd.s32 s11, s24;
	v3 =	vnsel vm9, $0x0, v5  }
0x493: {  	s1 =	simm.s32 $0x90;
	vm11 =	vmmov vm0;
	vm0 =	vmmov vm5;
	vm5 =	vmmov vm1;
	s18 =	sand.u32 $0x40, s26;
	s26 =	sadd.s32 s16, s15;
	v16 =	vld.idx.msk [tilespmem:v26+s10+$0x0], $0xffff;
	[tilespmem:s13+$0x0] =	vst v3  }
0x494: {  	s9 =	sand.u32 $0x50, s1;
	v26 =	vnsel vm1, $0x0, v4;
	v4 =	vadd.s32 $0x124F8, v28;
	[tilespmem:s26+$0x0] =	vst v23;
	v5 =	vadd.s32 $0x124F8, v21;
	v21 =	vld.idx.msk [tilespmem:v31+s10+$0x0], $0xffff  }
0x495: {  	s6 =	sadd.s32 s6, s22;
	s8 =	simm.s32 $0xA0;
	s14 =	sadd.s32 s9, s24;
	v28 =	vadd.s32 $0xC350, v15;
	v63 =	vld.idx.msk [tilespmem:v11+s10+$0x0], $0xffff;
	v3 =	vadd.s32 $0x124F8, v24;
	v24 =	vnsel vm2, $0x0, v30  }
0x496: {  	s29 =	sadd.s32 s18, s24;
	vm1 =	vmmov vm7;
	vm8 =	vgt.s32 v22, $0x0;
	v19 =	vnsel vm4, $0x0, v19;
	s13 =	sand.u32 $0x60, s8;
	s28 =	rddreg [dreg:$0x1c];
	[tilespmem:s14+$0x0] =	vst v24;
	v24 =	vld.idx.msk [tilespmem:v0+s25+$0x20 ss:$0x1], $0xffff  }
0x497: {  	s2 =	sadd.s32 s2, s6;
	v22 =	vadd.s32 $0xFFFFFFFF, v22;
	s24 =	sadd.s32 s13, s24;
	[tilespmem:s29+$0x0] =	vst v19;
	v30 =	vnsel vm3, $0x0, v33;
	v19 =	vld.idx.msk [tilespmem:v29+s10+$0x0], $0xffff;
	v29 =	vnsel vm6, $0x0, v9  }
0x498: {  	s22 =	sadd.s32 s16, s6;
	s19 =	sadd.s32 s19, s6;
	v20 =	vld.idx.msk [tilespmem:v20+s10+$0x0], $0xffff;
	s25 =	sadd.s32 s7, s28;
	vm6 =	vmmov vm9;
	v9 =	vadd.s32 $0xFFFFFFFF, v18;
	[tilespmem:s24+$0x0] =	vst v30;
	v16 =	vnsel vm10, $0x0, v16  }
0x499: {  	[tilespmem:s2+$0x0] =	vst v25;
	s2 =	sadd.s32 s20, s6;
	s15 =	sadd.s32 s20, s15;
	s1 =	sadd.s32 s11, s25;
	vm9 =	vgt.s32 v22, $0x0;
	vm7 =	vgt.s32 v9, $0x0;
	v25 =	vld.idx.msk [tilespmem:v32+s10+$0x0], $0xffff;
	v21 =	vnsel vm6, $0x0, v21  }
0x49a: {  	s16 =	sadd.s32 s4, s0;
	s8 =	sadd.s32 s23, s0;
	s28 =	rddreg [dreg:$0x1e];
	v9 =	vnsel vm7, $0x0, v9;
	vm7 =	vgt.s32 v27, $0x0;
	[tilespmem:s1+$0x0] =	vst v21;
	v21 =	vld.idx.msk [tilespmem:v14+s10+$0x0], $0xffff;
	v14 =	vadd.s32 $0xFFFFFFFF, v27  }
0x49b: {  	s20 =	simm.s32 $0x0;
	s0 =	sadd.s32 s21, s0;
	s12 =	sadd.s32 s12, s28;
	[tilespmem:s8+$0x0] =	vst v16;
	v27 =	vnsel vm9, $0x0, v22;
	v22 =	vadd.s32 $0xFFFFFFFF, v24;
	v23 =	vld.idx.msk [tilespmem:v28+s10+$0x0], $0xffff;
	vm9 =	vgt.s32 v14, $0x0  }
0x49c: {  	v62 =	vadd.s32 $0x124F8, v15;
	[tilespmem:s15+$0x0] =	vst v26;
	s28 =	simm.s32 $0x300;
	s24 =	simm.s32 $0xC;
	s15 =	sadd.s32 s18, s25;
	v31 =	vld.idx.msk [tilespmem:v13+s10+$0x0], $0xffff;
	vm12 =	vgt.s32 v22, $0x0;
	v30 =	vnsel vm9, $0x0, v14  }
0x49d: {  	[tilespmem:s19+$0x0] =	vst v17;
	s30 =	sadd.s32 s5, s12;
	s26 =	sadd.s32 s23, s12;
	s6 =	sadd.s32 s4, s12;
	v26 =	vadd.s32 $0x61A8, v9;
	v11 =	vnsel vm4, $0x0, v20;
	v20 =	vld.idx.msk [tilespmem:v10+s10+$0x0], $0xffff;
	v34 =	vnsel vm12, $0x0, v22  }
0x49e: {  	s19 =	sadd.s32 s21, s12;
	s23 =	sadd.s32 s9, s25;
	v28 =	vld.idx.msk [tilespmem:v12+s10+$0x0], $0xffff;
	s14 =	rddreg [dreg:$0x1d];
	v16 =	vadd.s32 $0x61A8, v27;
	[tilespmem:s15+$0x0] =	vst v11;
	v11 =	vnsel vm2, $0x0, v19;
	v19 =	vadd.s32 $0xC350, v27  }
0x49f: {  	s8 =	sadd.s32 s13, s25;
	s4 =	simm.s32 $0x400;
	s21 =	simm.s32 $0x0;
	v13 =	vadd.s32 $0x124F8, v27;
	vm9 =	vgt.s32 v24, $0x0;
	[tilespmem:s23+$0x0] =	vst v11;
	v11 =	vnsel vm3, $0x0, v25;
	v24 =	vld.idx.msk [tilespmem:v9+s10+$0x0], $0xffff  }
0x4a0: {  	[tilespmem:s30+$0x0] =	vst v29;
	s15 =	simm.s32 $0xF0;
	s1 =	sadd.s32 s7, s14;
	s14 =	rddreg [dreg:$0x1b];
	vm12 =	vgt.s32 v18, $0x0;
	v17 =	vadd.s32 $0x61A8, v30;
	v10 =	vnsel vm6, $0x0, v23;
	v23 =	vld.idx.msk [tilespmem:v27+s10+$0x0], $0xffff  }
0x4a1: {  	s23 =	sand.u32 $0x600, s28;
	v15 =	vadd.s32 $0x61A8, v34;
	s25 =	sadd.s32 s11, s1;
	v14 =	vadd.s32 $0xC350, v30;
	v12 =	vadd.s32 $0xC350, v34;
	s29 =	sadd.s32 s18, s1;
	[tilespmem:s8+$0x0] =	vst v11;
	v22 =	vld.idx.msk [tilespmem:v30+s10+$0x0], $0xffff  }
0x4a2: {  	s5 =	sadd.s32 s9, s1;
	s12 =	sadd.s32 s13, s1;
	v11 =	vadd.s32 $0x124F8, v30;
	s30 =	sadd.s32 s23, s14;
	v29 =	vnsel vm10, $0x0, v31;
	v35 =	vnsel vm0, $0x0, v21;
	[tilespmem:s25+$0x0] =	vst v10;
	v25 =	vld.idx.msk [tilespmem:v34+s10+$0x0], $0xffff  }
0x4a3: {  	v28 =	vnsel vm1, $0x0, v28;
	[tilespmem:s16+$0x0] =	vst v35;
	v27 =	vnsel vm11, $0x0, v63;
	s16 =	simm.s32 $0x0;
	v10 =	vadd.s32 $0x124F8, v34;
	s25 =	sand.u32 $0x70, s15;
	v21 =	vld.idx.msk [tilespmem:v62+s10+$0x0], $0xffff;
	s31 =	rddreg [dreg:$0x1e]  }
.LBB2_42:
0x4a4: {  	_ = 	snop  }
0x4a5: {  	s28 =	sshra.s32 s4, $0x2;
	v30 =	vld.idx.msk [tilespmem:v8+s16+$0x0], $0xffff;
	[tilespmem:s0+$0x0] =	vst v28  }
0x4a6: {  	s14 =	sadd.s32 s25, s30;
	vm10 =	vmmov vm4;
	[tilespmem:s26+$0x0] =	vst v29;
	v18 =	vld.idx.msk [tilespmem:v0+s28+$0x30 ss:$0x1], $0xffff;
	v24 =	vnsel vm12, $0x0, v24  }
0x4a7: {  	vm4 =	vmmov vm8;
	s0 =	sadd.s32 $0xFFFFFFE0, s15;
	vm11 =	vmmov vm0;
	vm0 =	vmmov vm2;
	[tilespmem:s14+$0x0] =	vst v24;
	v24 =	vld.idx.msk [tilespmem:v0+s28+$0x0 ss:$0x1], $0xffff  }
0x4a8: {  	v8 =	vmovc v19;
	s8 =	sadd.s32 $0xFFFFFFD0, s15;
	vm2 =	vmmov vm7;
	[tilespmem:s22+$0x0] =	vst v27;
	s0 =	sand.u32 $0x50, s0;
	v19 =	vnsel vm5, $0x0, v20;
	v20 =	vnsel vm4, $0x0, v23;
	v23 =	vld.idx.msk [tilespmem:v26+s20+$0x0], $0xffff  }
0x4a9: {  	s24 =	sadd.s32 $0x4, s24;
	s14 =	sand.u32 $0x40, s8;
	s8 =	sadd.s32 s0, s30;
	v22 =	vnsel vm2, $0x0, v22;
	v26 =	vld.idx.msk [tilespmem:v0+s28+$0x10 ss:$0x1], $0xffff  }
0x4aa: {  	s1 =	sadd.s32 $0xFFFFFFF0, s15;
	s7 =	sadd.s32 s7, s31;
	v27 =	vadd.s32 $0xC350, v9;
	vm5 =	vmmov vm1;
	s22 =	sadd.s32 s14, s30;
	[tilespmem:s8+$0x0] =	vst v22;
	v22 =	vld.idx.msk [tilespmem:v0+s28+$0x20 ss:$0x1], $0xffff  }
0x4ab: {  	s31 =	rddreg [dreg:$0x1c];
	s1 =	sand.u32 $0x60, s1;
	s11 =	sadd.s32 s11, s7;
	vm1 =	vmmov vm3;
	vm3 =	vmmov vm9;
	v21 =	vnsel vm6, $0x0, v21;
	[tilespmem:s22+$0x0] =	vst v20;
	v20 =	vld.idx.msk [tilespmem:v17+s20+$0x0], $0xffff  }
0x4ac: {  	v34 =	vadd.s32 $0x124F8, v9;
	s15 =	sadd.s32 $0x40, s15;
	p0 =	slt.u32 s24, $0x18;
	v25 =	vnsel vm3, $0x0, v25;
	s28 =	sadd.s32 s1, s30;
	[tilespmem:s11+$0x0] =	vst v21;
	v21 =	vadd.s32 $0xFFFFFFFF, v18;
	v28 =	vld.idx.msk [tilespmem:v16+s20+$0x0], $0xffff  }
0x4ad: {  	vm6 =	vmmov vm12;
	s8 =	sadd.s32 s9, s7;
	s9 =	smov.u32 s0;
	s0 =	sadd.s32 s23, s31;
	v17 =	vnsel vm10, $0x0, v30;
	[tilespmem:s28+$0x0] =	vst v25;
	v29 =	vld.idx.msk [tilespmem:v7+s16+$0x0], $0xffff;
	vm7 =	vgt.s32 v21, $0x0  }
0x4ae: {  	s26 =	sadd.s32 s18, s7;
	s18 =	smov.u32 s14;
	s11 =	sadd.s32 s25, s0;
	v25 =	vld.idx.msk [tilespmem:v15+s20+$0x0], $0xffff;
	v16 =	vadd.s32 $0xFFFFFFFF, v24;
	v21 =	vnsel vm7, $0x0, v21;
	v15 =	vnsel vm6, $0x0, v23  }
0x4af: {  	s14 =	rddreg [dreg:$0x1d];
	s7 =	sadd.s32 s13, s7;
	s13 =	smov.u32 s1;
	v7 =	vmovc v14;
	v35 =	vld.idx.msk [tilespmem:v2+s21+$0x0], $0xffff;
	vm9 =	vgt.s32 v16, $0x0;
	vm7 =	vgt.s32 v26, $0x0;
	v14 =	vadd.s32 $0xFFFFFFFF, v26;
	[tilespmem:s11+$0x0] =	vst v15  }
0x4b0: {  	s22 =	smov.u32 s6;
	s6 =	smov.u32 s8;
	s8 =	smov.u32 s16;
	[tilespmem:s2+$0x0] =	vst v19;
	v15 =	vadd.s32 $0xFFFFFFFF, v22;
	v26 =	vld.idx.msk [tilespmem:v27+s20+$0x0], $0xffff;
	v27 =	vnsel vm9, $0x0, v16;
	vm9 =	vgt.s32 v14, $0x0  }
0x4b1: {  	s1 =	sadd.s32 s18, s0;
	s31 =	sadd.s32 s9, s0;
	s30 =	sadd.s32 s13, s0;
	v2 =	vmovc v4;
	[tilespmem:s29+$0x0] =	vst v17;
	vm8 =	vgt.s32 v24, $0x0;
	v30 =	vld.idx.msk [tilespmem:v6+s8+$0x0], $0xffff;
	vm12 =	vgt.s32 v15, $0x0;
	v31 =	vnsel vm9, $0x0, v14  }
0x4b2: {  	s16 =	smov.u32 s20;
	s28 =	smov.u32 s5;
	v4 =	vmovc v11;
	s2 =	smov.u32 s19;
	v6 =	vmovc v12;
	v32 =	vld.idx.msk [tilespmem:v5+s8+$0x0], $0xffff;
	v12 =	vnsel vm4, $0x0, v28;
	v11 =	vnsel vm2, $0x0, v20;
	v33 =	vnsel vm12, $0x0, v15  }
0x4b3: {  	s19 =	smov.u32 s7;
	s7 =	smov.u32 s23;
	s20 =	simm.s32 $0x0;
	v20 =	vld.idx.msk [tilespmem:v1+s21+$0x0], $0xffff;
	v36 =	vnsel vm0, $0x0, v29;
	vm9 =	vgt.s32 v22, $0x0;
	v16 =	vadd.s32 $0x61A8, v27  }
.Ltmp19:
0x4b4: {  	s0 =	smov.u32 s12;
	v5 =	vmovc v13;
	s23 =	sadd.s32 s7, s14;
	v19 =	vadd.s32 $0xC350, v27;
	[tilespmem:s1+$0x0] =	vst v12;
	v13 =	vadd.s32 $0x124F8, v27;
	vm12 =	vgt.s32 v18, $0x0;
	v24 =	vld.idx.msk [tilespmem:v21+s20+$0x0], $0xffff;
	(pc) =	sbr.rel @p0 .LBB2_42-.Ltmp19, $4  }
0x4b5: {  	v9 =	vmovc v21;
	s29 =	sadd.s32 s18, s23;
	s5 =	sadd.s32 s9, s23;
	s11 =	smov.u32 s25;
	[tilespmem:s31+$0x0] =	vst v11;
	v17 =	vadd.s32 $0x61A8, v31;
	v15 =	vadd.s32 $0x61A8, v33;
	v21 =	vnsel vm3, $0x0, v25;
	v23 =	vld.idx.msk [tilespmem:v27+s20+$0x0], $0xffff  }
0x4b6: {  	s12 =	sadd.s32 s13, s23;
	v1 =	vmovc v3;
	v3 =	vmovc v10;
	s21 =	smov.u32 s8;
	s25 =	sadd.s32 s11, s23;
	v14 =	vadd.s32 $0xC350, v31;
	v12 =	vadd.s32 $0xC350, v33;
	[tilespmem:s30+$0x0] =	vst v21;
	v10 =	vnsel vm6, $0x0, v26;
	v22 =	vld.idx.msk [tilespmem:v31+s20+$0x0], $0xffff  }
0x4b7: {  	s8 =	rddreg [dreg:$0x1b];
	s23 =	sand.u32 $0x600, s4;
	s4 =	sadd.s32 $0x100, s4;
	v28 =	vnsel vm1, $0x0, v30;
	v11 =	vadd.s32 $0x124F8, v31;
	v29 =	vnsel vm10, $0x0, v32;
	[tilespmem:s25+$0x0] =	vst v10;
	v25 =	vld.idx.msk [tilespmem:v33+s20+$0x0], $0xffff  }
0x4b8: {  	s31 =	rddreg [dreg:$0x1e];
	s30 =	sadd.s32 s23, s8;
	v26 =	vadd.s32 $0x61A8, v9;
	v27 =	vnsel vm11, $0x0, v35;
	v10 =	vadd.s32 $0x124F8, v33;
	s25 =	sand.u32 $0x70, s15;
	[tilespmem:s28+$0x0] =	vst v36;
	v21 =	vld.idx.msk [tilespmem:v34+s16+$0x0], $0xffff  }
0x4b9: {  	_ = 	snop  }
0x4ba: {  	[tilespmem:s0+$0x0] =	vst v28  }
0x4bb: {  	[tilespmem:s26+$0x0] =	vst v29  }
0x4bc: {  	v0 =	vnsel vm12, $0x0, v24;
	s1 =	sadd.s32 s25, s30;
	s14 =	sadd.s32 $0xFFFFFFD0, s15;
	[tilespmem:s22+$0x0] =	vst v27  }
0x4bd: {  	vm10 =	vmmov vm8;
	s24 =	sadd.s32 $0xFFFFFFE0, s15;
	v8 =	vld.idx.msk [tilespmem:v8+s16+$0x0], $0xffff;
	v47 =	vnsel vm5, $0x0, v20;
	[tilespmem:s1+$0x0] =	vst v0;
	s4 =	sand.u32 $0x40, s14  }
0x4be: {  	vm14 =	vmmov vm7;
	s28 =	sadd.s32 $0xFFFFFFF0, s15;
	v6 =	vld.idx.msk [tilespmem:v6+s16+$0x0], $0xffff;
	v18 =	vnsel vm10, $0x0, v23;
	s0 =	sand.u32 $0x50, s24;
	[tilespmem:s2+$0x0] =	vst v47;
	s8 =	sadd.s32 s4, s30  }
0x4bf: {  	vm9 =	vmmov vm9;
	s15 =	sand.u32 $0x60, s28;
	v0 =	vld.idx.msk [tilespmem:v26+s20+$0x0], $0xffff;
	s1 =	rddreg [dreg:$0x1c];
	v39 =	vnsel vm14, $0x0, v22;
	s14 =	sadd.s32 s0, s30;
	[tilespmem:s8+$0x0] =	vst v18  }
0x4c0: {  	s7 =	sadd.s32 s7, s31;
	s22 =	sadd.s32 s15, s30;
	[tilespmem:s14+$0x0] =	vst v39;
	v40 =	vnsel vm9, $0x0, v25;
	v16 =	vld.idx.msk [tilespmem:v16+s20+$0x0], $0xffff  }
0x4c1: {  	v38 =	vadd.s32 $0xC350, v9;
	vm4 =	vmmov vm4;
	s24 =	sadd.s32 s11, s7;
	v17 =	vld.idx.msk [tilespmem:v17+s20+$0x0], $0xffff;
	v41 =	vnsel vm6, $0x0, v21;
	[tilespmem:s22+$0x0] =	vst v40  }
0x4c2: {  	vm3 =	vmmov vm3;
	[tilespmem:s24+$0x0] =	vst v41;
	v43 =	vnsel vm4, $0x0, v8;
	v44 =	vld.idx.msk [tilespmem:v15+s20+$0x0], $0xffff  }
0x4c3: {  	vm15 =	vmmov vm12;
	v2 =	vld.idx.msk [tilespmem:v2+s21+$0x0], $0xffff;
	s1 =	sadd.s32 s23, s1;
	v6 =	vnsel vm3, $0x0, v6;
	[tilespmem:s29+$0x0] =	vst v43  }
0x4c4: {  	v1 =	vld.idx.msk [tilespmem:v1+s21+$0x0], $0xffff;
	s14 =	sadd.s32 s25, s1;
	[tilespmem:s12+$0x0] =	vst v6;
	v0 =	vnsel vm15, $0x0, v0  }
0x4c5: {  	v45 =	vld.idx.msk [tilespmem:v7+s16+$0x0], $0xffff;
	s28 =	sadd.s32 s4, s1;
	[tilespmem:s14+$0x0] =	vst v0;
	v46 =	vnsel vm10, $0x0, v16  }
0x4c6: {  	s30 =	sadd.s32 s0, s1;
	v42 =	vld.idx.msk [tilespmem:v38+s20+$0x0], $0xffff;
	s26 =	rddreg [dreg:$0x1d];
	v49 =	vnsel vm14, $0x0, v17;
	[tilespmem:s28+$0x0] =	vst v46  }
0x4c7: {  	vm0 =	vmmov vm0;
	s1 =	sadd.s32 s15, s1;
	[tilespmem:s30+$0x0] =	vst v49;
	v8 =	vnsel vm9, $0x0, v44;
	v50 =	vld.idx.msk [tilespmem:v19+s20+$0x0], $0xffff  }
0x4c8: {  	v48 =	vadd.s32 $0x124F8, v9;
	vm1 =	vmmov vm1;
	v2 =	vnsel vm0, $0x0, v2;
	[tilespmem:s1+$0x0] =	vst v8;
	v52 =	vld.idx.msk [tilespmem:v14+s20+$0x0], $0xffff  }
0x4c9: {  	vm2 =	vmmov vm2;
	[tilespmem:s6+$0x0] =	vst v2;
	v1 =	vnsel vm1, $0x0, v1;
	v53 =	vld.idx.msk [tilespmem:v12+s20+$0x0], $0xffff  }
0x4ca: {  	v5 =	vld.idx.msk [tilespmem:v5+s16+$0x0], $0xffff;
	[tilespmem:s19+$0x0] =	vst v1;
	v0 =	vnsel vm2, $0x0, v45;
	s31 =	sadd.s32 s23, s26  }
0x4cb: {  	v3 =	vld.idx.msk [tilespmem:v3+s16+$0x0], $0xffff;
	[tilespmem:s5+$0x0] =	vst v0;
	vm10 =	vmmov vm10;
	s8 =	sadd.s32 s25, s31;
	v51 =	vnsel vm15, $0x0, v42  }
0x4cc: {  	vm11 =	vmmov vm14;
	v56 =	vld.idx.msk [tilespmem:v4+s16+$0x0], $0xffff;
	s11 =	sadd.s32 s4, s31;
	[tilespmem:s8+$0x0] =	vst v51;
	v54 =	vnsel vm10, $0x0, v50  }
0x4cd: {  	vm12 =	vmmov vm9;
	s24 =	sadd.s32 s0, s31;
	v7 =	vld.idx.msk [tilespmem:v48+s20+$0x0], $0xffff;
	s14 =	rddreg [dreg:$0x1e];
	v57 =	vnsel vm11, $0x0, v52;
	[tilespmem:s11+$0x0] =	vst v54  }
0x4ce: {  	s2 =	sadd.s32 s15, s31;
	v0 =	vnsel vm12, $0x0, v53;
	[tilespmem:s24+$0x0] =	vst v57;
	v55 =	vld.idx.msk [tilespmem:v13+s20+$0x0], $0xffff  }
0x4cf: {  	s22 =	sadd.s32 s18, s7;
	vm14 =	vmmov vm3;
	v5 =	vnsel vm4, $0x0, v5;
	[tilespmem:s2+$0x0] =	vst v0;
	v59 =	vld.idx.msk [tilespmem:v11+s20+$0x0], $0xffff  }
0x4d0: {  	vm13 =	vmmov vm2;
	s30 =	sadd.s32 s13, s7;
	v62 =	vnsel vm14, $0x0, v3;
	[tilespmem:s22+$0x0] =	vst v5;
	v60 =	vld.idx.msk [tilespmem:v10+s20+$0x0], $0xffff  }
0x4d1: {  	s29 =	sadd.s32 s9, s7;
	[tilespmem:s30+$0x0] =	vst v62;
	v2 =	vnsel vm13, $0x0, v56;
	s5 =	sadd.s32 s23, s14  }
0x4d2: {  	[tilespmem:s29+$0x0] =	vst v2;
	s26 =	sadd.s32 s25, s5;
	v58 =	vnsel vm15, $0x0, v7  }
0x4d3: {  	vm0 =	vmmov vm11;
	s28 =	sadd.s32 s4, s5;
	[tilespmem:s26+$0x0] =	vst v58;
	v61 =	vnsel vm10, $0x0, v55  }
0x4d4: {  	s0 =	sadd.s32 s0, s5;
	vm15 =	vmmov vm12;
	v0 =	vnsel vm0, $0x0, v59;
	[tilespmem:s28+$0x0] =	vst v61  }
0x4d5: {  	s31 =	sadd.s32 s15, s5;
	v63 =	vnsel vm15, $0x0, v60;
	[tilespmem:s0+$0x0] =	vst v0  }
0x4d6: {  	[tilespmem:s31+$0x0] =	vst v63  }
0x4d7: {  	s4 =	sld [smem:$0x7D3];
	_ =	sdelay $0x2  }
0x4d8: {  	s0 =	simm.s32 $0x700;
	s2 =	smov.u32 s4  }
.LBB2_44:
0x4d9: {  	s1 =	sshra.s32 s20, $0x2  }
0x4da: {  	s1 =	sadd.s32 s1, s17  }
0x4db: {  	v0 =	vld [tilespmem:s1+$0x0];
	_ =	sdelay $0x4  }
0x4dc: {  	v1 =	vadd.s32 $0xFFFFFFFF, v0  }
0x4dd: {  	vm0 =	vgt.s32 v1, $0x0  }
0x4de: {  	v1 =	vnsel vm0, $0x0, v1;
	_ =	sdelay $0x4  }
0x4df: {  	v2 =	vld.idx.msk [tilespmem:v1+s3+$0x0], $0xffff;
	_ =	sdelay $0x1  }
0x4e0: {  	v3 =	vadd.s32 $0x61A8, v1;
	_ =	sdelay $0x1  }
0x4e1: {  	s31 =	sand.u32 $0x3FFFFE00, s0;
	vm15 =	vgt.s32 v0, $0x0  }
0x4e2: {  	s1 =	sadd.s32 s31, s2;
	v0 =	vnsel vm15, $0x0, v2  }
0x4e3: {  	[tilespmem:s1+$0xFFFFF000] =	vst v0  }
0x4e4: {  	v0 =	vld.idx.msk [tilespmem:v3+s3+$0x0], $0xffff;
	_ =	sdelay $0x1  }
0x4e5: {  	v63 =	vadd.s32 $0xC350, v1;
	_ =	sdelay $0x2  }
0x4e6: {  	v0 =	vnsel vm15, $0x0, v0  }
0x4e7: {  	[tilespmem:s1+$0xFFFFF800] =	vst v0  }
0x4e8: {  	v0 =	vld.idx.msk [tilespmem:v63+s3+$0x0], $0xffff;
	_ =	sdelay $0x1  }
0x4e9: {  	v1 =	vadd.s32 $0x124F8, v1;
	_ =	sdelay $0x2  }
0x4ea: {  	v0 =	vnsel vm15, $0x0, v0  }
0x4eb: {  	[tilespmem:s1+$0x0] =	vst v0  }
0x4ec: {  	v0 =	vld.idx.msk [tilespmem:v1+s3+$0x0], $0xffff  }
0x4ed: {  	p0 =	sne.s32 s20, $0x80  }
.Ltmp20:
0x4ee: {  	_ = 	snop;
	(pc) =	sbr.rel @p0 .LBB2_44-.Ltmp20, $3  }
0x4ef: {  	_ =	sdelay $0x1  }
0x4f0: {  	v0 =	vnsel vm15, $0x0, v0  }
0x4f1: {  	s0 =	sadd.s32 $0x40, s0;
	s20 =	sadd.s32 $0x40, s20;
	s2 =	sadd.s32 $0x10, s2;
	[tilespmem:s1+$0x800] =	vst v0  }
0x4f2: {  	s0 =	sld [smem:$0x7D4];
	_ =	sdelay $0x2  }
0x4f3: {  	s0 =	sadd.s32 $0x1, s0  }
0x4f4: {  	p0 =	sne.s32 s0, $0x4  }
.Ltmp21:
0x4f5: {  	_ = 	snop;
	(pc) =	sbr.rel @p0 .LBB2_41-.Ltmp21, $2  }
0x4f6: {  	s1 =	sld [smem:$0x7D5];
	_ =	sdelay $0x2  }
0x4f7: {  	s17 =	sadd.s32 $0x1F0, s17;
	s4 =	sadd.s32 $0x80, s4;
	s1 =	sadd.s32 $0x1F0, s1  }
0x4f8: {  	s6 =	sld [smem:$0x7D6]  }
0x4f9: {  	s1 =	sld [smem:$0x7F2];
	_ =	sdelay $0x1  }
0x4fa: {  	s20 =	rddreg [dreg:$0x1];
	s0 =	sshll.u32 s6, $0xC  }
0x4fb: {  	s2 =	simm.s32 $0x200;
	s4 =	simm.s32 $0x400;
	s0 =	sadd.s32 s1, s0  }
0x4fc: {  	s21 =	simm.s32 $0x19680;
	s5 =	simm.s32 $0x19E80;
	s1 =	sshrl.u32 s0, $0x3  }
0x4fd: {  	s24 =	simm.s32 $0x1A680;
	s26 =	simm.s32 $0x1AE80;
	s0 =	sadd.s32 s20, s1  }
0x4fe: {  	[hbm4b:s0+s2] =	stream.strided.scatter [tilespmem:s21], [sflag:$0x3], $0x800, s4, s2, $0x38;
	[tilespmem:$0x1D680] =	vst v63  }
0x4ff: {  	s28 =	sld [smem:$0x7F3];
	s25 =	sshll.u32 s6, $0x1;
	s22 =	sadd.s32 $0x7C00, s0  }
0x500: {  	[hbm4b:s22+s2] =	stream.strided.scatter [tilespmem:s5], [sflag:$0x3], $0x800, s4, s2, $0x38;
	[tilespmem:$0x1D680] =	vst v63  }
0x501: {  	[smem:$0x7D1] =	sst s1;
	s1 =	smin.u32 s25, $0x79;
	s23 =	sadd.s32 $0xF800, s0  }
0x502: {  	[hbm4b:s23+s2] =	stream.strided.scatter [tilespmem:s24], [sflag:$0x3], $0x800, s4, s2, $0x38;
	[tilespmem:$0x1D680] =	vst v63  }
0x503: {  	s29 =	sld [smem:$0x7F9];
	s0 =	sadd.s32 $0x17400, s0;
	s1 =	smul.u32 $0x7C0, s1  }
0x504: {  	[hbm4b:s0+s2] =	stream.strided.scatter [tilespmem:s26], [sflag:$0x3], $0x800, s4, s2, $0x38;
	[tilespmem:$0x1D680] =	vst v63  }
0x505: {  	s0 =	sadd.s32 s1, s28  }
0x506: {  	s30 =	simm.s32 $0x2;
	[smem:$0x7D2] =	sst s25;
	s0 =	sshrl.u32 s0, $0x3  }
0x507: {  	s21 =	simm.s32 $0x0;
	s1 =	simm.s32 $0x18700;
	s0 =	sadd.s32 s29, s0  }
0x508: {  	[tilespmem:s1], [sflag:$0x1] =	stream.linear.gather [hbm4b:s0+s21], $0x7C0, $0x38;
	[tilespmem:$0x1D680] =	vst v63  }
0x509: {  	_ =	swait.ge [sflag:s30], $0x7C0  }
0x50a: {  	[sflag:s30] =	ssyncset.done $0x0  }
0x50b: {  	s31 =	simm.s32 $0x4;
	[sflag:s30] =	ssyncadd.s32 $0xFFFFF840  }
0x50c: {  	_ =	swait.ge [sflag:s31], $0x2000  }
0x50d: {  	s17 =	simm.s32 $0x19080;
	[sflag:s31] =	ssyncset.done $0x0  }
0x50e: {  	s8 =	simm.s32 $0x0;
	s4 =	simm.s32 $0x1B6C0;
	[sflag:s31] =	ssyncadd.s32 $0xFFFFE000  }
.LBB2_47:
0x50f: {  	[smem:$0x7CC] =	sst s4;
	s0 =	sshll.u32 s8, $0x7  }
0x510: {  	[smem:$0x7CD] =	sst s1;
	v0 =	vmov s1;
	s2 =	sadd.s32 $0x1B680, s0  }
0x511: {  	s10 =	sadd.s32 $0x1BE80, s0;
	[dreg:$0x1f] =	wrdreg s2  }
0x512: {  	s11 =	sadd.s32 $0x1C680, s0;
	[smem:$0x7CE] =	sst s10  }
0x513: {  	s0 =	sadd.s32 $0x1CE80, s0;
	[smem:$0x7CF] =	sst s11  }
0x514: {  	s12 =	simm.s32 $0x0;
	[smem:$0x7D0] =	sst s0  }
0x515: {  	v1 =	vld.idx.msk [tilespmem:v0+s12+$0x7F0 ss:$0x1], $0xffff;
	_ =	sdelay $0x1  }
0x516: {  	v2 =	vld.idx.msk [tilespmem:v0+s12+$0x7C0 ss:$0x1], $0xffff  }
0x517: {  	v3 =	vld.idx.msk [tilespmem:v0+s12+$0x7D0 ss:$0x1], $0xffff;
	_ =	sdelay $0x1  }
0x518: {  	v4 =	vld.idx.msk [tilespmem:v0+s12+$0x7E0 ss:$0x1], $0xffff;
	v5 =	vadd.s32 $0xFFFFFFFF, v1  }
0x519: {  	vm0 =	vgt.s32 v5, $0x0  }
0x51a: {  	v6 =	vadd.s32 $0xFFFFFFFF, v2;
	v5 =	vnsel vm0, $0x0, v5  }
0x51b: {  	v7 =	vadd.s32 $0xFFFFFFFF, v3;
	vm0 =	vgt.s32 v6, $0x0  }
0x51c: {  	v6 =	vnsel vm0, $0x0, v6;
	vm0 =	vgt.s32 v7, $0x0  }
0x51d: {  	s18 =	simm.s32 $0x40;
	v8 =	vadd.s32 $0xFFFFFFFF, v4;
	v7 =	vnsel vm0, $0x0, v7  }
0x51e: {  	v13 =	vld.idx.msk [tilespmem:v0+s18+$0x7F0 ss:$0x1], $0xffff;
	vm0 =	vgt.s32 v8, $0x0  }
0x51f: {  	v8 =	vnsel vm0, $0x0, v8;
	v9 =	vld.idx.msk [tilespmem:v5+s21+$0x0], $0xffff;
	_ =	sdelay $0x1  }
0x520: {  	v10 =	vadd.s32 $0x61A8, v5;
	v11 =	vld.idx.msk [tilespmem:v6+s21+$0x0], $0xffff  }
0x521: {  	s14 =	simm.s32 $0x30;
	s6 =	sand.u32 $0x600, s21;
	s13 =	rddreg [dreg:$0x1f];
	vm2 =	vgt.s32 v1, $0x0;
	vm1 =	vgt.s32 v3, $0x0;
	v12 =	vld.idx.msk [tilespmem:v7+s21+$0x0], $0xffff  }
0x522: {  	s2 =	sand.u32 $0x70, s14;
	s15 =	sadd.s32 s6, s13;
	v16 =	vld.idx.msk [tilespmem:v0+s18+$0x7E0 ss:$0x1], $0xffff;
	vm4 =	vgt.s32 v4, $0x0;
	v17 =	vadd.s32 $0xFFFFFFFF, v13;
	v3 =	vadd.s32 $0x61A8, v6  }
0x523: {  	s19 =	simm.s32 $0x10;
	s9 =	simm.s32 $0x0;
	s5 =	sadd.s32 s2, s15;
	vm0 =	vgt.s32 v2, $0x0;
	v4 =	vadd.s32 $0x61A8, v7;
	v1 =	vld.idx.msk [tilespmem:v8+s21+$0x0], $0xffff;
	v9 =	vnsel vm2, $0x0, v9  }
0x524: {  	s16 =	sand.u32 $0x50, s19;
	s19 =	sand.u32 $0x40, s9;
	v2 =	vld.idx.msk [tilespmem:v0+s18+$0x7C0 ss:$0x1], $0xffff;
	vm3 =	vmmov vm0;
	vm0 =	vmmov vm1;
	vm1 =	vmmov vm4;
	[tilespmem:s5+$0x0] =	vst v9  }
0x525: {  	s10 =	sadd.s32 s19, s15;
	vm4 =	vgt.s32 v17, $0x0;
	v11 =	vnsel vm3, $0x0, v11;
	v9 =	vld.idx.msk [tilespmem:v10+s21+$0x0], $0xffff;
	v10 =	vadd.s32 $0x61A8, v8  }
0x526: {  	s20 =	simm.s32 $0x20;
	v14 =	vld.idx.msk [tilespmem:v0+s18+$0x7D0 ss:$0x1], $0xffff;
	v17 =	vnsel vm4, $0x0, v17;
	s5 =	sadd.s32 s16, s15;
	s7 =	sld [smem:$0x7CE];
	v12 =	vnsel vm0, $0x0, v12;
	[tilespmem:s10+$0x0] =	vst v11  }
0x527: {  	s20 =	sand.u32 $0x60, s20;
	v15 =	vadd.s32 $0xC350, v5;
	[tilespmem:s5+$0x0] =	vst v12;
	v3 =	vld.idx.msk [tilespmem:v3+s21+$0x0], $0xffff  }
0x528: {  	s4 =	sadd.s32 s20, s15;
	v1 =	vnsel vm1, $0x0, v1;
	v4 =	vld.idx.msk [tilespmem:v4+s21+$0x0], $0xffff  }
0x529: {  	vm7 =	vgt.s32 v16, $0x0;
	vm2 =	vmmov vm2;
	[tilespmem:s4+$0x0] =	vst v1;
	s22 =	sadd.s32 s6, s7  }
0x52a: {  	v23 =	vadd.s32 $0xC350, v7;
	v11 =	vadd.s32 $0xFFFFFFFF, v2;
	s23 =	sadd.s32 s2, s22;
	v9 =	vnsel vm2, $0x0, v9;
	v19 =	vld.idx.msk [tilespmem:v10+s21+$0x0], $0xffff  }
0x52b: {  	v22 =	vadd.s32 $0xC350, v6;
	vm4 =	vgt.s32 v11, $0x0;
	v12 =	vld.idx.msk [tilespmem:v17+s21+$0x0], $0xffff;
	[tilespmem:s23+$0x0] =	vst v9;
	v9 =	vadd.s32 $0xFFFFFFFF, v14  }
0x52c: {  	s13 =	simm.s32 $0x80;
	s14 =	sadd.s32 s19, s22;
	v3 =	vnsel vm3, $0x0, v3;
	v1 =	vld.idx.msk [tilespmem:v15+s21+$0x0], $0xffff;
	v15 =	vnsel vm4, $0x0, v11;
	vm4 =	vgt.s32 v9, $0x0  }
0x52d: {  	s18 =	sadd.s32 s16, s22;
	v11 =	vadd.s32 $0xFFFFFFFF, v16;
	s4 =	sld [smem:$0x7CF];
	v16 =	vld.idx.msk [tilespmem:v0+s13+$0x7F0 ss:$0x1], $0xffff;
	[tilespmem:s14+$0x0] =	vst v3;
	v3 =	vnsel vm0, $0x0, v4;
	v9 =	vnsel vm4, $0x0, v9  }
0x52e: {  	vm6 =	vgt.s32 v13, $0x0;
	vm5 =	vgt.s32 v14, $0x0;
	vm4 =	vgt.s32 v11, $0x0;
	[tilespmem:s18+$0x0] =	vst v3;
	v3 =	vld.idx.msk [tilespmem:v0+s13+$0x7D0 ss:$0x1], $0xffff  }
0x52f: {  	s25 =	simm.s32 $0x100;
	vm5 =	vmmov vm5;
	s0 =	sadd.s32 s20, s22;
	v18 =	vnsel vm4, $0x0, v11;
	v23 =	vld.idx.msk [tilespmem:v23+s21+$0x0], $0xffff;
	v4 =	vnsel vm1, $0x0, v19  }
0x530: {  	s28 =	simm.s32 $0x70;
	s24 =	rddreg [dreg:$0x1f];
	s12 =	sand.u32 $0x600, s25;
	vm7 =	vmmov vm7;
	v24 =	vadd.s32 $0xC350, v8;
	v21 =	vadd.s32 $0x61A8, v17;
	[tilespmem:s0+$0x0] =	vst v4;
	v4 =	vld.idx.msk [tilespmem:v22+s21+$0x0], $0xffff  }
0x531: {  	s1 =	sadd.s32 s12, s24;
	v5 =	vadd.s32 $0x124F8, v5;
	v6 =	vadd.s32 $0x124F8, v6;
	s5 =	sand.u32 $0x70, s28;
	v10 =	vadd.s32 $0x124F8, v8;
	v20 =	vld.idx.msk [tilespmem:v15+s21+$0x0], $0xffff  }
0x532: {  	vm3 =	vmmov vm3;
	vm4 =	vgt.s32 v2, $0x0;
	v2 =	vnsel vm6, $0x0, v12;
	s15 =	sadd.s32 s6, s4;
	s4 =	sadd.s32 s5, s1;
	v25 =	vld.idx.msk [tilespmem:v9+s21+$0x0], $0xffff  }
0x533: {  	vm0 =	vmmov vm0;
	v26 =	vadd.s32 $0xC350, v15;
	v19 =	vld.idx.msk [tilespmem:v0+s13+$0x7C0 ss:$0x1], $0xffff;
	s26 =	sadd.s32 s2, s15;
	[tilespmem:s4+$0x0] =	vst v2;
	v1 =	vnsel vm2, $0x0, v1  }
0x534: {  	v13 =	vadd.s32 $0x124F8, v15;
	v11 =	vadd.s32 $0x124F8, v7;
	v2 =	vadd.s32 $0x61A8, v9;
	[tilespmem:s26+$0x0] =	vst v1;
	v1 =	vld.idx.msk [tilespmem:v18+s21+$0x0], $0xffff  }
0x535: {  	s24 =	simm.s32 $0x60;
	s22 =	simm.s32 $0x50;
	s23 =	simm.s32 $0x40;
	v7 =	vadd.s32 $0x61A8, v15;
	v14 =	vadd.s32 $0xC350, v9;
	vm6 =	vmmov vm6;
	v21 =	vld.idx.msk [tilespmem:v21+s21+$0x0], $0xffff  }
0x536: {  	v8 =	vadd.s32 $0x61A8, v18;
	vm4 =	vmmov vm4;
	s4 =	sand.u32 $0x50, s22;
	s18 =	sadd.s32 s19, s15;
	s11 =	sld [smem:$0x7CE];
	v5 =	vld.idx.msk [tilespmem:v5+s21+$0x0], $0xffff;
	v4 =	vnsel vm3, $0x0, v4  }
0x537: {  	s25 =	sand.u32 $0x40, s23;
	v12 =	vadd.s32 $0xC350, v18;
	s26 =	sadd.s32 s4, s1;
	s10 =	sld [smem:$0x7D0];
	v15 =	vnsel vm4, $0x0, v20;
	v20 =	vld.idx.msk [tilespmem:v0+s13+$0x7E0 ss:$0x1], $0xffff;
	[tilespmem:s18+$0x0] =	vst v4;
	v22 =	vnsel vm5, $0x0, v25  }
0x538: {  	s28 =	sadd.s32 s25, s1;
	vm1 =	vmmov vm1;
	s22 =	sand.u32 $0x60, s24;
	vm10 =	vmmov vm4;
	v4 =	vld.idx.msk [tilespmem:v24+s21+$0x0], $0xffff;
	v25 =	vadd.s32 $0xC350, v17;
	[tilespmem:s26+$0x0] =	vst v22  }
0x539: {  	s7 =	sadd.s32 s22, s1;
	vm9 =	vgt.s32 v16, $0x0;
	s1 =	sadd.s32 s12, s11;
	[tilespmem:s28+$0x0] =	vst v15;
	v1 =	vnsel vm7, $0x0, v1;
	v22 =	vld.idx.msk [tilespmem:v2+s21+$0x0], $0xffff;
	v2 =	vadd.s32 $0xFFFFFFFF, v16  }
0x53a: {  	v23 =	vnsel vm0, $0x0, v23;
	s14 =	sadd.s32 s5, s1;
	v7 =	vld.idx.msk [tilespmem:v7+s21+$0x0], $0xffff;
	[tilespmem:s7+$0x0] =	vst v1;
	v1 =	vnsel vm6, $0x0, v21;
	vm8 =	vgt.s32 v2, $0x0  }
0x53b: {  	v21 =	vadd.s32 $0xFFFFFFFF, v19;
	v27 =	vld.idx.msk [tilespmem:v8+s21+$0x0], $0xffff;
	[tilespmem:s14+$0x0] =	vst v1;
	v1 =	vadd.s32 $0xFFFFFFFF, v3;
	v15 =	vnsel vm8, $0x0, v2  }
0x53c: {  	s24 =	simm.s32 $0xB0;
	vm8 =	vgt.s32 v21, $0x0;
	v2 =	vadd.s32 $0x124F8, v9;
	v9 =	vadd.s32 $0x124F8, v17;
	v17 =	vld.idx.msk [tilespmem:v6+s21+$0x0], $0xffff  }
0x53d: {  	s11 =	sand.u32 $0x70, s24;
	s24 =	simm.s32 $0xC0;
	v8 =	vld.idx.msk [tilespmem:v25+s21+$0x0], $0xffff;
	v21 =	vnsel vm8, $0x0, v21;
	vm8 =	vgt.s32 v1, $0x0;
	v25 =	vadd.s32 $0xFFFFFFFF, v20  }
0x53e: {  	s26 =	sadd.s32 s4, s1;
	s7 =	sld [smem:$0x7CF];
	v28 =	vnsel vm8, $0x0, v1;
	v1 =	vadd.s32 $0x124F8, v18;
	v18 =	vld.idx.msk [tilespmem:v0+s24+$0x7F0 ss:$0x1], $0xffff;
	v22 =	vnsel vm5, $0x0, v22  }
0x53f: {  	vm11 =	vgt.s32 v19, $0x0;
	v31 =	vadd.s32 $0x61A8, v15;
	vm8 =	vgt.s32 v25, $0x0;
	[tilespmem:s26+$0x0] =	vst v22;
	v22 =	vld.idx.msk [tilespmem:v0+s24+$0x7C0 ss:$0x1], $0xffff  }
0x540: {  	s18 =	sadd.s32 s22, s1;
	v24 =	vnsel vm8, $0x0, v25;
	v25 =	vnsel vm2, $0x0, v5;
	v27 =	vnsel vm7, $0x0, v27;
	v5 =	vld.idx.msk [tilespmem:v15+s21+$0x0], $0xffff  }
0x541: {  	s0 =	sadd.s32 s12, s7;
	vm2 =	vgt.s32 v3, $0x0;
	vm8 =	vgt.s32 v20, $0x0;
	v20 =	vadd.s32 $0x61A8, v21;
	[tilespmem:s18+$0x0] =	vst v27;
	v27 =	vld.idx.msk [tilespmem:v0+s24+$0x7D0 ss:$0x1], $0xffff  }
0x542: {  	s13 =	simm.s32 $0x200;
	v29 =	vadd.s32 $0x61A8, v28;
	s7 =	sadd.s32 s5, s0;
	v32 =	vadd.s32 $0x61A8, v24;
	v19 =	vld.idx.msk [tilespmem:v21+s21+$0x0], $0xffff;
	v3 =	vnsel vm6, $0x0, v8  }
0x543: {  	s23 =	rddreg [dreg:$0x1f];
	s14 =	sadd.s32 s25, s1;
	v6 =	vadd.s32 $0xC350, v24;
	vm2 =	vmmov vm2;
	v30 =	vld.idx.msk [tilespmem:v28+s21+$0x0], $0xffff;
	[tilespmem:s7+$0x0] =	vst v3;
	v3 =	vnsel vm4, $0x0, v7;
	s7 =	sand.u32 $0x600, s13  }
0x544: {  	v17 =	vnsel vm3, $0x0, v17;
	vm3 =	vmmov vm8;
	v8 =	vadd.s32 $0xC350, v21;
	v9 =	vld.idx.msk [tilespmem:v9+s21+$0x0], $0xffff;
	[tilespmem:s14+$0x0] =	vst v3;
	s14 =	sadd.s32 s7, s23  }
0x545: {  	s6 =	sadd.s32 s6, s10;
	s26 =	simm.s32 $0x80;
	v7 =	vadd.s32 $0xC350, v28;
	vm4 =	vmmov vm11;
	v33 =	vld.idx.msk [tilespmem:v24+s21+$0x0], $0xffff;
	s13 =	sadd.s32 s11, s14;
	v3 =	vnsel vm9, $0x0, v5  }
0x546: {  	s28 =	simm.s32 $0x90;
	s18 =	sand.u32 $0x40, s26;
	s26 =	sadd.s32 s16, s15;
	vm11 =	vmmov vm0;
	vm0 =	vmmov vm5;
	vm5 =	vmmov vm1;
	v16 =	vld.idx.msk [tilespmem:v26+s21+$0x0], $0xffff;
	[tilespmem:s13+$0x0] =	vst v3  }
0x547: {  	s2 =	sadd.s32 s2, s6;
	s9 =	sand.u32 $0x50, s28;
	[tilespmem:s26+$0x0] =	vst v23;
	v26 =	vnsel vm1, $0x0, v4;
	v4 =	vadd.s32 $0x124F8, v28;
	v5 =	vadd.s32 $0x124F8, v21;
	v21 =	vld.idx.msk [tilespmem:v31+s21+$0x0], $0xffff  }
0x548: {  	s1 =	simm.s32 $0xA0;
	[tilespmem:s2+$0x0] =	vst v25;
	v63 =	vld.idx.msk [tilespmem:v11+s21+$0x0], $0xffff;
	s23 =	sadd.s32 s9, s14;
	v28 =	vadd.s32 $0xC350, v15;
	v3 =	vadd.s32 $0x124F8, v24;
	v24 =	vnsel vm2, $0x0, v30;
	s28 =	sld [smem:$0x7CE]  }
0x549: {  	s29 =	sadd.s32 s18, s14;
	vm1 =	vmmov vm7;
	vm8 =	vgt.s32 v22, $0x0;
	v19 =	vnsel vm4, $0x0, v19;
	s13 =	sand.u32 $0x60, s1;
	[tilespmem:s23+$0x0] =	vst v24;
	v24 =	vld.idx.msk [tilespmem:v0+s24+$0x7E0 ss:$0x1], $0xffff  }
0x54a: {  	v22 =	vadd.s32 $0xFFFFFFFF, v22;
	[tilespmem:s29+$0x0] =	vst v19;
	v30 =	vnsel vm3, $0x0, v33;
	s24 =	sadd.s32 s13, s14;
	v19 =	vld.idx.msk [tilespmem:v29+s21+$0x0], $0xffff;
	v29 =	vnsel vm6, $0x0, v9  }
0x54b: {  	s19 =	sadd.s32 s19, s6;
	s2 =	sadd.s32 s20, s6;
	v20 =	vld.idx.msk [tilespmem:v20+s21+$0x0], $0xffff;
	vm6 =	vmmov vm9;
	v9 =	vadd.s32 $0xFFFFFFFF, v18;
	[tilespmem:s24+$0x0] =	vst v30;
	v16 =	vnsel vm10, $0x0, v16;
	s14 =	sadd.s32 s7, s28  }
0x54c: {  	s15 =	sadd.s32 s20, s15;
	vm9 =	vgt.s32 v22, $0x0;
	s28 =	sld [smem:$0x7D0];
	vm7 =	vgt.s32 v9, $0x0;
	v25 =	vld.idx.msk [tilespmem:v32+s21+$0x0], $0xffff;
	s1 =	sadd.s32 s11, s14;
	v21 =	vnsel vm6, $0x0, v21  }
0x54d: {  	s20 =	sadd.s32 s25, s0;
	s29 =	simm.s32 $0xC;
	s24 =	sadd.s32 s16, s6;
	v9 =	vnsel vm7, $0x0, v9;
	vm7 =	vgt.s32 v27, $0x0;
	[tilespmem:s1+$0x0] =	vst v21;
	v21 =	vld.idx.msk [tilespmem:v14+s21+$0x0], $0xffff;
	v14 =	vadd.s32 $0xFFFFFFFF, v27  }
0x54e: {  	s16 =	sadd.s32 s4, s0;
	s0 =	sadd.s32 s22, s0;
	[tilespmem:s20+$0x0] =	vst v16;
	s20 =	simm.s32 $0x0;
	v27 =	vnsel vm9, $0x0, v22;
	v22 =	vadd.s32 $0xFFFFFFFF, v24;
	v23 =	vld.idx.msk [tilespmem:v28+s21+$0x0], $0xffff;
	vm9 =	vgt.s32 v14, $0x0  }
0x54f: {  	v62 =	vadd.s32 $0x124F8, v15;
	[tilespmem:s15+$0x0] =	vst v26;
	v31 =	vld.idx.msk [tilespmem:v13+s21+$0x0], $0xffff;
	s10 =	sadd.s32 s9, s14;
	s23 =	sadd.s32 s12, s28;
	s1 =	simm.s32 $0x300;
	vm12 =	vgt.s32 v22, $0x0;
	v30 =	vnsel vm9, $0x0, v14  }
0x550: {  	[tilespmem:s19+$0x0] =	vst v17;
	v26 =	vadd.s32 $0x61A8, v9;
	v11 =	vnsel vm4, $0x0, v20;
	v20 =	vld.idx.msk [tilespmem:v10+s21+$0x0], $0xffff;
	s28 =	sld [smem:$0x7CF];
	s26 =	sadd.s32 s5, s23;
	s5 =	sadd.s32 s18, s14;
	v34 =	vnsel vm12, $0x0, v22  }
0x551: {  	v28 =	vld.idx.msk [tilespmem:v12+s21+$0x0], $0xffff;
	s30 =	sadd.s32 s25, s23;
	s6 =	sadd.s32 s4, s23;
	v16 =	vadd.s32 $0x61A8, v27;
	s19 =	sadd.s32 s22, s23;
	v13 =	vadd.s32 $0x124F8, v27;
	vm9 =	vgt.s32 v24, $0x0;
	[tilespmem:s5+$0x0] =	vst v11  }
0x552: {  	s22 =	sadd.s32 s13, s14;
	s23 =	rddreg [dreg:$0x1f];
	s25 =	sand.u32 $0x600, s1;
	v11 =	vnsel vm2, $0x0, v19;
	v19 =	vadd.s32 $0xC350, v27;
	[tilespmem:s26+$0x0] =	vst v29;
	vm12 =	vgt.s32 v18, $0x0;
	v24 =	vld.idx.msk [tilespmem:v9+s21+$0x0], $0xffff  }
0x553: {  	s4 =	simm.s32 $0x400;
	v17 =	vadd.s32 $0x61A8, v30;
	[tilespmem:s10+$0x0] =	vst v11;
	v11 =	vnsel vm3, $0x0, v25;
	s10 =	sadd.s32 s25, s23;
	s15 =	sadd.s32 s7, s28;
	v10 =	vnsel vm6, $0x0, v23;
	v23 =	vld.idx.msk [tilespmem:v27+s21+$0x0], $0xffff  }
0x554: {  	v15 =	vadd.s32 $0x61A8, v34;
	v14 =	vadd.s32 $0xC350, v30;
	v12 =	vadd.s32 $0xC350, v34;
	[tilespmem:s22+$0x0] =	vst v11;
	s22 =	simm.s32 $0x0;
	s28 =	sadd.s32 s11, s15;
	s31 =	sadd.s32 s18, s15;
	v22 =	vld.idx.msk [tilespmem:v30+s21+$0x0], $0xffff  }
0x555: {  	v29 =	vnsel vm10, $0x0, v31;
	v11 =	vadd.s32 $0x124F8, v30;
	s5 =	sadd.s32 s9, s15;
	s12 =	sadd.s32 s13, s15;
	v35 =	vnsel vm0, $0x0, v21;
	s15 =	simm.s32 $0xF0;
	[tilespmem:s28+$0x0] =	vst v10;
	v25 =	vld.idx.msk [tilespmem:v34+s21+$0x0], $0xffff  }
0x556: {  	v28 =	vnsel vm1, $0x0, v28;
	s26 =	sand.u32 $0x70, s15;
	[tilespmem:s16+$0x0] =	vst v35;
	v27 =	vnsel vm11, $0x0, v63;
	s16 =	simm.s32 $0x0;
	v10 =	vadd.s32 $0x124F8, v34;
	v21 =	vld.idx.msk [tilespmem:v62+s21+$0x0], $0xffff;
	s14 =	sld [smem:$0x7D0]  }
.LBB2_48:
0x557: {  	_ = 	snop  }
0x558: {  	s28 =	sshra.s32 s4, $0x2;
	v30 =	vld.idx.msk [tilespmem:v8+s16+$0x0], $0xffff;
	[tilespmem:s0+$0x0] =	vst v28  }
0x559: {  	s23 =	sadd.s32 s26, s10;
	vm10 =	vmmov vm4;
	[tilespmem:s30+$0x0] =	vst v29;
	v18 =	vld.idx.msk [tilespmem:v0+s28+$0x7F0 ss:$0x1], $0xffff;
	v24 =	vnsel vm12, $0x0, v24  }
0x55a: {  	vm4 =	vmmov vm8;
	s0 =	sadd.s32 $0xFFFFFFE0, s15;
	vm11 =	vmmov vm0;
	vm0 =	vmmov vm2;
	[tilespmem:s23+$0x0] =	vst v24;
	v24 =	vld.idx.msk [tilespmem:v0+s28+$0x7C0 ss:$0x1], $0xffff  }
0x55b: {  	v8 =	vmovc v19;
	vm2 =	vmmov vm7;
	[tilespmem:s24+$0x0] =	vst v27;
	s0 =	sand.u32 $0x50, s0;
	v19 =	vnsel vm5, $0x0, v20;
	s23 =	sadd.s32 $0xFFFFFFD0, s15;
	v20 =	vnsel vm4, $0x0, v23;
	v23 =	vld.idx.msk [tilespmem:v26+s20+$0x0], $0xffff  }
0x55c: {  	s1 =	sadd.s32 $0xFFFFFFF0, s15;
	s30 =	sadd.s32 s0, s10;
	s23 =	sand.u32 $0x40, s23;
	v22 =	vnsel vm2, $0x0, v22;
	v26 =	vld.idx.msk [tilespmem:v0+s28+$0x7D0 ss:$0x1], $0xffff  }
0x55d: {  	s24 =	sld [smem:$0x7CE];
	v27 =	vadd.s32 $0xC350, v9;
	vm5 =	vmmov vm1;
	s7 =	sadd.s32 s7, s14;
	s14 =	sadd.s32 s23, s10;
	[tilespmem:s30+$0x0] =	vst v22;
	v22 =	vld.idx.msk [tilespmem:v0+s28+$0x7E0 ss:$0x1], $0xffff  }
0x55e: {  	s29 =	sadd.s32 $0x4, s29;
	s1 =	sand.u32 $0x60, s1;
	vm1 =	vmmov vm3;
	vm3 =	vmmov vm9;
	s11 =	sadd.s32 s11, s7;
	v21 =	vnsel vm6, $0x0, v21;
	[tilespmem:s14+$0x0] =	vst v20;
	v20 =	vld.idx.msk [tilespmem:v17+s20+$0x0], $0xffff  }
0x55f: {  	v34 =	vadd.s32 $0x124F8, v9;
	p0 =	slt.u32 s29, $0x18;
	s15 =	sadd.s32 $0x40, s15;
	v25 =	vnsel vm3, $0x0, v25;
	s10 =	sadd.s32 s1, s10;
	[tilespmem:s11+$0x0] =	vst v21;
	v21 =	vadd.s32 $0xFFFFFFFF, v18;
	v29 =	vld.idx.msk [tilespmem:v7+s16+$0x0], $0xffff  }
0x560: {  	vm6 =	vmmov vm12;
	s28 =	sadd.s32 s9, s7;
	s9 =	smov.u32 s0;
	s0 =	sadd.s32 s25, s24;
	v17 =	vnsel vm10, $0x0, v30;
	[tilespmem:s10+$0x0] =	vst v25;
	v28 =	vld.idx.msk [tilespmem:v16+s20+$0x0], $0xffff;
	vm7 =	vgt.s32 v21, $0x0  }
0x561: {  	s30 =	sadd.s32 s18, s7;
	s7 =	sadd.s32 s13, s7;
	s11 =	sadd.s32 s26, s0;
	v25 =	vld.idx.msk [tilespmem:v15+s20+$0x0], $0xffff;
	v16 =	vadd.s32 $0xFFFFFFFF, v24;
	v21 =	vnsel vm7, $0x0, v21;
	v15 =	vnsel vm6, $0x0, v23  }
0x562: {  	s13 =	smov.u32 s1;
	s18 =	smov.u32 s23;
	s24 =	smov.u32 s6;
	v7 =	vmovc v14;
	v35 =	vld.idx.msk [tilespmem:v2+s22+$0x0], $0xffff;
	vm9 =	vgt.s32 v16, $0x0;
	vm7 =	vgt.s32 v26, $0x0;
	v14 =	vadd.s32 $0xFFFFFFFF, v26;
	[tilespmem:s11+$0x0] =	vst v15  }
0x563: {  	s23 =	smov.u32 s16;
	s1 =	sadd.s32 s18, s0;
	s14 =	sadd.s32 s9, s0;
	[tilespmem:s2+$0x0] =	vst v19;
	v15 =	vadd.s32 $0xFFFFFFFF, v22;
	v26 =	vld.idx.msk [tilespmem:v27+s20+$0x0], $0xffff;
	v27 =	vnsel vm9, $0x0, v16;
	vm9 =	vgt.s32 v14, $0x0  }
0x564: {  	s10 =	sadd.s32 s13, s0;
	s0 =	smov.u32 s12;
	s12 =	sld [smem:$0x7CF];
	[tilespmem:s31+$0x0] =	vst v17;
	vm8 =	vgt.s32 v24, $0x0;
	v30 =	vld.idx.msk [tilespmem:v6+s23+$0x0], $0xffff;
	vm12 =	vgt.s32 v15, $0x0;
	v31 =	vnsel vm9, $0x0, v14  }
0x565: {  	s6 =	smov.u32 s28;
	s16 =	smov.u32 s20;
	v2 =	vmovc v4;
	v4 =	vmovc v11;
	s2 =	smov.u32 s19;
	v32 =	vld.idx.msk [tilespmem:v5+s23+$0x0], $0xffff;
	v11 =	vnsel vm2, $0x0, v20;
	v36 =	vnsel vm0, $0x0, v29;
	v33 =	vnsel vm12, $0x0, v15  }
0x566: {  	s19 =	smov.u32 s7;
	s7 =	smov.u32 s25;
	v6 =	vmovc v12;
	s20 =	simm.s32 $0x0;
	v20 =	vld.idx.msk [tilespmem:v1+s22+$0x0], $0xffff;
	vm9 =	vgt.s32 v22, $0x0;
	v16 =	vadd.s32 $0x61A8, v27;
	v12 =	vnsel vm4, $0x0, v28  }
.Ltmp22:
0x567: {  	s28 =	smov.u32 s5;
	v5 =	vmovc v13;
	s25 =	sadd.s32 s7, s12;
	v19 =	vadd.s32 $0xC350, v27;
	v13 =	vadd.s32 $0x124F8, v27;
	vm12 =	vgt.s32 v18, $0x0;
	v24 =	vld.idx.msk [tilespmem:v21+s20+$0x0], $0xffff;
	[tilespmem:s1+$0x0] =	vst v12;
	(pc) =	sbr.rel @p0 .LBB2_48-.Ltmp22, $4  }
0x568: {  	v9 =	vmovc v21;
	s11 =	smov.u32 s26;
	s31 =	sadd.s32 s18, s25;
	s5 =	sadd.s32 s9, s25;
	[tilespmem:s14+$0x0] =	vst v11;
	v17 =	vadd.s32 $0x61A8, v31;
	v15 =	vadd.s32 $0x61A8, v33;
	v21 =	vnsel vm3, $0x0, v25;
	v23 =	vld.idx.msk [tilespmem:v27+s20+$0x0], $0xffff  }
0x569: {  	s12 =	sadd.s32 s13, s25;
	v1 =	vmovc v3;
	v3 =	vmovc v10;
	s22 =	smov.u32 s23;
	s26 =	sadd.s32 s11, s25;
	v14 =	vadd.s32 $0xC350, v31;
	v12 =	vadd.s32 $0xC350, v33;
	[tilespmem:s10+$0x0] =	vst v21;
	v10 =	vnsel vm6, $0x0, v26;
	v22 =	vld.idx.msk [tilespmem:v31+s20+$0x0], $0xffff  }
0x56a: {  	s23 =	rddreg [dreg:$0x1f];
	s25 =	sand.u32 $0x600, s4;
	s4 =	sadd.s32 $0x100, s4;
	v28 =	vnsel vm1, $0x0, v30;
	v11 =	vadd.s32 $0x124F8, v31;
	v29 =	vnsel vm10, $0x0, v32;
	[tilespmem:s26+$0x0] =	vst v10;
	v25 =	vld.idx.msk [tilespmem:v33+s20+$0x0], $0xffff  }
0x56b: {  	s14 =	sld [smem:$0x7D0];
	s10 =	sadd.s32 s25, s23;
	v26 =	vadd.s32 $0x61A8, v9;
	v27 =	vnsel vm11, $0x0, v35;
	v10 =	vadd.s32 $0x124F8, v33;
	s26 =	sand.u32 $0x70, s15;
	[tilespmem:s28+$0x0] =	vst v36;
	v21 =	vld.idx.msk [tilespmem:v34+s16+$0x0], $0xffff  }
0x56c: {  	_ = 	snop  }
0x56d: {  	[tilespmem:s0+$0x0] =	vst v28  }
0x56e: {  	[tilespmem:s30+$0x0] =	vst v29  }
0x56f: {  	v0 =	vnsel vm12, $0x0, v24;
	s1 =	sadd.s32 s26, s10;
	s23 =	sadd.s32 $0xFFFFFFD0, s15;
	[tilespmem:s24+$0x0] =	vst v27  }
0x570: {  	vm10 =	vmmov vm8;
	s28 =	sadd.s32 $0xFFFFFFE0, s15;
	v8 =	vld.idx.msk [tilespmem:v8+s16+$0x0], $0xffff;
	v47 =	vnsel vm5, $0x0, v20;
	[tilespmem:s1+$0x0] =	vst v0;
	s4 =	sand.u32 $0x40, s23  }
0x571: {  	vm14 =	vmmov vm7;
	s29 =	sadd.s32 $0xFFFFFFF0, s15;
	v6 =	vld.idx.msk [tilespmem:v6+s16+$0x0], $0xffff;
	v18 =	vnsel vm10, $0x0, v23;
	s0 =	sand.u32 $0x50, s28;
	[tilespmem:s2+$0x0] =	vst v47;
	s23 =	sadd.s32 s4, s10  }
0x572: {  	vm9 =	vmmov vm9;
	s15 =	sand.u32 $0x60, s29;
	v0 =	vld.idx.msk [tilespmem:v26+s20+$0x0], $0xffff;
	s1 =	sld [smem:$0x7CE];
	v39 =	vnsel vm14, $0x0, v22;
	s30 =	sadd.s32 s0, s10;
	[tilespmem:s23+$0x0] =	vst v18  }
0x573: {  	s7 =	sadd.s32 s7, s14;
	s28 =	sadd.s32 s15, s10;
	[tilespmem:s30+$0x0] =	vst v39;
	v40 =	vnsel vm9, $0x0, v25;
	v16 =	vld.idx.msk [tilespmem:v16+s20+$0x0], $0xffff  }
0x574: {  	v38 =	vadd.s32 $0xC350, v9;
	vm4 =	vmmov vm4;
	s11 =	sadd.s32 s11, s7;
	v17 =	vld.idx.msk [tilespmem:v17+s20+$0x0], $0xffff;
	v41 =	vnsel vm6, $0x0, v21;
	[tilespmem:s28+$0x0] =	vst v40  }
0x575: {  	vm3 =	vmmov vm3;
	[tilespmem:s11+$0x0] =	vst v41;
	v43 =	vnsel vm4, $0x0, v8;
	v44 =	vld.idx.msk [tilespmem:v15+s20+$0x0], $0xffff  }
0x576: {  	vm15 =	vmmov vm12;
	v2 =	vld.idx.msk [tilespmem:v2+s22+$0x0], $0xffff;
	s1 =	sadd.s32 s25, s1;
	v6 =	vnsel vm3, $0x0, v6;
	[tilespmem:s31+$0x0] =	vst v43  }
0x577: {  	v1 =	vld.idx.msk [tilespmem:v1+s22+$0x0], $0xffff;
	s24 =	sadd.s32 s26, s1;
	[tilespmem:s12+$0x0] =	vst v6;
	v0 =	vnsel vm15, $0x0, v0  }
0x578: {  	v45 =	vld.idx.msk [tilespmem:v7+s16+$0x0], $0xffff;
	s29 =	sadd.s32 s4, s1;
	[tilespmem:s24+$0x0] =	vst v0;
	v46 =	vnsel vm10, $0x0, v16  }
0x579: {  	s30 =	sadd.s32 s0, s1;
	v42 =	vld.idx.msk [tilespmem:v38+s20+$0x0], $0xffff;
	s10 =	sld [smem:$0x7CF];
	v49 =	vnsel vm14, $0x0, v17;
	[tilespmem:s29+$0x0] =	vst v46  }
0x57a: {  	vm0 =	vmmov vm0;
	s1 =	sadd.s32 s15, s1;
	[tilespmem:s30+$0x0] =	vst v49;
	v8 =	vnsel vm9, $0x0, v44;
	v50 =	vld.idx.msk [tilespmem:v19+s20+$0x0], $0xffff  }
0x57b: {  	v48 =	vadd.s32 $0x124F8, v9;
	vm1 =	vmmov vm1;
	v2 =	vnsel vm0, $0x0, v2;
	[tilespmem:s1+$0x0] =	vst v8;
	v52 =	vld.idx.msk [tilespmem:v14+s20+$0x0], $0xffff  }
0x57c: {  	vm2 =	vmmov vm2;
	[tilespmem:s6+$0x0] =	vst v2;
	v1 =	vnsel vm1, $0x0, v1;
	v53 =	vld.idx.msk [tilespmem:v12+s20+$0x0], $0xffff  }
0x57d: {  	v5 =	vld.idx.msk [tilespmem:v5+s16+$0x0], $0xffff;
	[tilespmem:s19+$0x0] =	vst v1;
	v0 =	vnsel vm2, $0x0, v45;
	s31 =	sadd.s32 s25, s10  }
0x57e: {  	v3 =	vld.idx.msk [tilespmem:v3+s16+$0x0], $0xffff;
	[tilespmem:s5+$0x0] =	vst v0;
	vm10 =	vmmov vm10;
	s10 =	sadd.s32 s26, s31;
	v51 =	vnsel vm15, $0x0, v42  }
0x57f: {  	vm11 =	vmmov vm14;
	v56 =	vld.idx.msk [tilespmem:v4+s16+$0x0], $0xffff;
	s11 =	sadd.s32 s4, s31;
	[tilespmem:s10+$0x0] =	vst v51;
	v54 =	vnsel vm10, $0x0, v50  }
0x580: {  	vm12 =	vmmov vm9;
	s24 =	sadd.s32 s0, s31;
	v7 =	vld.idx.msk [tilespmem:v48+s20+$0x0], $0xffff;
	s14 =	sld [smem:$0x7D0];
	v57 =	vnsel vm11, $0x0, v52;
	[tilespmem:s11+$0x0] =	vst v54  }
0x581: {  	s2 =	sadd.s32 s15, s31;
	v0 =	vnsel vm12, $0x0, v53;
	[tilespmem:s24+$0x0] =	vst v57;
	v55 =	vld.idx.msk [tilespmem:v13+s20+$0x0], $0xffff  }
0x582: {  	s23 =	sadd.s32 s18, s7;
	vm14 =	vmmov vm3;
	v5 =	vnsel vm4, $0x0, v5;
	[tilespmem:s2+$0x0] =	vst v0;
	v59 =	vld.idx.msk [tilespmem:v11+s20+$0x0], $0xffff  }
0x583: {  	vm13 =	vmmov vm2;
	s30 =	sadd.s32 s13, s7;
	v62 =	vnsel vm14, $0x0, v3;
	[tilespmem:s23+$0x0] =	vst v5;
	v60 =	vld.idx.msk [tilespmem:v10+s20+$0x0], $0xffff  }
0x584: {  	s29 =	sadd.s32 s9, s7;
	[tilespmem:s30+$0x0] =	vst v62;
	v2 =	vnsel vm13, $0x0, v56;
	s5 =	sadd.s32 s25, s14  }
0x585: {  	[tilespmem:s29+$0x0] =	vst v2;
	s26 =	sadd.s32 s26, s5;
	v58 =	vnsel vm15, $0x0, v7  }
0x586: {  	vm0 =	vmmov vm11;
	s28 =	sadd.s32 s4, s5;
	[tilespmem:s26+$0x0] =	vst v58;
	v61 =	vnsel vm10, $0x0, v55  }
0x587: {  	s0 =	sadd.s32 s0, s5;
	vm15 =	vmmov vm12;
	v0 =	vnsel vm0, $0x0, v59;
	[tilespmem:s28+$0x0] =	vst v61  }
0x588: {  	s31 =	sadd.s32 s15, s5;
	v63 =	vnsel vm15, $0x0, v60;
	[tilespmem:s0+$0x0] =	vst v0  }
0x589: {  	[tilespmem:s31+$0x0] =	vst v63  }
0x58a: {  	s4 =	sld [smem:$0x7CC];
	_ =	sdelay $0x2  }
0x58b: {  	s0 =	simm.s32 $0x700;
	s2 =	smov.u32 s4  }
.LBB2_50:
0x58c: {  	s1 =	sshra.s32 s20, $0x2  }
0x58d: {  	s1 =	sadd.s32 s1, s17  }
0x58e: {  	v0 =	vld [tilespmem:s1+$0x0];
	_ =	sdelay $0x4  }
0x58f: {  	v1 =	vadd.s32 $0xFFFFFFFF, v0  }
0x590: {  	vm0 =	vgt.s32 v1, $0x0  }
0x591: {  	v1 =	vnsel vm0, $0x0, v1;
	_ =	sdelay $0x4  }
0x592: {  	v2 =	vld.idx.msk [tilespmem:v1+s3+$0x0], $0xffff;
	_ =	sdelay $0x1  }
0x593: {  	v3 =	vadd.s32 $0x61A8, v1;
	_ =	sdelay $0x1  }
0x594: {  	s31 =	sand.u32 $0x3FFFFE00, s0;
	vm15 =	vgt.s32 v0, $0x0  }
0x595: {  	s1 =	sadd.s32 s31, s2;
	v0 =	vnsel vm15, $0x0, v2  }
0x596: {  	[tilespmem:s1+$0x0] =	vst v0  }
0x597: {  	v0 =	vld.idx.msk [tilespmem:v3+s3+$0x0], $0xffff;
	_ =	sdelay $0x1  }
0x598: {  	v63 =	vadd.s32 $0xC350, v1;
	_ =	sdelay $0x2  }
0x599: {  	v0 =	vnsel vm15, $0x0, v0  }
0x59a: {  	[tilespmem:s1+$0x800] =	vst v0  }
0x59b: {  	v0 =	vld.idx.msk [tilespmem:v63+s3+$0x0], $0xffff;
	_ =	sdelay $0x1  }
0x59c: {  	v1 =	vadd.s32 $0x124F8, v1;
	_ =	sdelay $0x2  }
0x59d: {  	v0 =	vnsel vm15, $0x0, v0  }
0x59e: {  	[tilespmem:s1+$0x1000] =	vst v0  }
0x59f: {  	v0 =	vld.idx.msk [tilespmem:v1+s3+$0x0], $0xffff  }
0x5a0: {  	p0 =	sne.s32 s20, $0x80  }
.Ltmp23:
0x5a1: {  	_ = 	snop;
	(pc) =	sbr.rel @p0 .LBB2_50-.Ltmp23, $3  }
0x5a2: {  	_ =	sdelay $0x1  }
0x5a3: {  	v0 =	vnsel vm15, $0x0, v0  }
0x5a4: {  	s0 =	sadd.s32 $0x40, s0;
	s20 =	sadd.s32 $0x40, s20;
	s2 =	sadd.s32 $0x10, s2;
	[tilespmem:s1+$0x1800] =	vst v0  }
0x5a5: {  	s8 =	sadd.s32 $0x1, s8  }
0x5a6: {  	p0 =	sne.s32 s8, $0x4  }
.Ltmp24:
0x5a7: {  	_ = 	snop;
	(pc) =	sbr.rel @p0 .LBB2_47-.Ltmp24, $2  }
0x5a8: {  	s1 =	sld [smem:$0x7CD];
	_ =	sdelay $0x2  }
0x5a9: {  	s17 =	sadd.s32 $0x1F0, s17;
	s4 =	sadd.s32 $0x80, s4;
	s1 =	sadd.s32 $0x1F0, s1  }
0x5aa: {  	s0 =	sld [smem:$0x7F7]  }
0x5ab: {  	s1 =	sld [smem:$0x7D1];
	_ =	sdelay $0x1  }
0x5ac: {  	s2 =	simm.s32 $0x200;
	s4 =	simm.s32 $0x400;
	s21 =	simm.s32 $0x1B680  }
0x5ad: {  	s5 =	simm.s32 $0x1BE80;
	s25 =	sld [smem:$0x7D2];
	s0 =	sadd.s32 s1, s0  }
0x5ae: {  	[hbm4b:s0+s2] =	stream.strided.scatter [tilespmem:s21], [sflag:$0x4], $0x800, s4, s2, $0x38;
	[tilespmem:$0x1D680] =	vst v63  }
0x5af: {  	s24 =	simm.s32 $0x1C680;
	s26 =	simm.s32 $0x1CE80;
	s22 =	sadd.s32 $0x7C00, s0  }
0x5b0: {  	[hbm4b:s22+s2] =	stream.strided.scatter [tilespmem:s5], [sflag:$0x4], $0x800, s4, s2, $0x38;
	[tilespmem:$0x1D680] =	vst v63  }
0x5b1: {  	s28 =	sld [smem:$0x7F6];
	s1 =	smin.u32 s25, $0x78;
	s23 =	sadd.s32 $0xF800, s0  }
0x5b2: {  	[hbm4b:s23+s2] =	stream.strided.scatter [tilespmem:s24], [sflag:$0x4], $0x800, s4, s2, $0x38;
	[tilespmem:$0x1D680] =	vst v63  }
0x5b3: {  	s29 =	sld [smem:$0x7F9];
	s0 =	sadd.s32 $0x17400, s0;
	s1 =	smul.u32 $0x7C0, s1  }
0x5b4: {  	[hbm4b:s0+s2] =	stream.strided.scatter [tilespmem:s26], [sflag:$0x4], $0x800, s4, s2, $0x38;
	[tilespmem:$0x1D680] =	vst v63  }
0x5b5: {  	s0 =	sadd.s32 s1, s28  }
0x5b6: {  	s31 =	sld [smem:$0x7D6];
	s0 =	sshrl.u32 s0, $0x3  }
0x5b7: {  	s30 =	simm.s32 $0x18EC0;
	s0 =	sadd.s32 s29, s0  }
0x5b8: {  	[tilespmem:s30], [sflag:$0x2] =	stream.linear.gather [hbm4b:s0+s3], $0x7C0, $0x38;
	[tilespmem:$0x1D680] =	vst v63  }
0x5b9: {  	s0 =	sadd.s32 $0x1, s31  }
0x5ba: {  	p0 =	sne.s32 s0, $0x3E  }
.Ltmp25:
0x5bb: {  	_ = 	snop;
	(pc) =	sbr.rel @p0 .LBB2_40-.Ltmp25, $2  }
0x5bc: {  	_ =	sdelay $0x2  }
0x5bd: {  	s2 =	simm.s32 $0x1;
	[smem:$0x7D6] =	sst s0  }
0x5be: {  	_ =	swait.ge [sflag:s2], $0x7C0  }
0x5bf: {  	[sflag:s2] =	ssyncset.done $0x0  }
0x5c0: {  	s0 =	simm.s32 $0x3;
	[sflag:s2] =	ssyncadd.s32 $0xFFFFF840  }
0x5c1: {  	_ =	swait.ge [sflag:s0], $0x2000  }
0x5c2: {  	[sflag:s0] =	ssyncset.done $0x0  }
0x5c3: {  	s30 =	simm.s32 $0x2;
	[sflag:s0] =	ssyncadd.s32 $0xFFFFE000  }
0x5c4: {  	_ =	swait.ge [sflag:s30], $0x7C0  }
0x5c5: {  	[sflag:s30] =	ssyncset.done $0x0  }
0x5c6: {  	s1 =	simm.s32 $0x4;
	[sflag:s30] =	ssyncadd.s32 $0xFFFFF840  }
0x5c7: {  	_ =	swait.ge [sflag:s1], $0x2000  }
0x5c8: {  	s4 =	sld [smem:$0x7E6]  }
0x5c9: {  	s31 =	sld [smem:$0x7FB];
	_ =	sdelay $0x1  }
0x5ca: {  	s4 =	sadd.s32 $0x1, s4  }
0x5cb: {  	p0 =	sne.s32 s4, s31  }
.Ltmp26:
0x5cc: {  	_ = 	snop;
	(pc) =	sbr.rel @p0 .LBB2_1-.Ltmp26, $3  }
0x5cd: {  	_ =	sdelay $0x1  }
0x5ce: {  	[sflag:s1] =	ssyncset.done $0x0  }
0x5cf: {  	[sflag:s1] =	ssyncadd.s32 $0xFFFFE000  }
0x5d0: {  	_ =	sfence.sel $0x180000  }
0x5d1: {  	[bflag:$0x0] =	sbarrier.arrive $0xFFFF  }
0x5d2: {  	_ =	strace $0x9000004A  }
0x5d3: {  	s0 =	stileid.u32;
	[bflag:$0x2] =	sbarrier.arrive $0xFFFF  }
0x5d4: {  	p0 =	sne.s32 s0, $0x0;
	s0 =	rddreg [dreg:$0x2]  }
0x5d5: {  	s0 =	sadd.s32 @!p0 $0x100000, s0  }
0x5d6: {  	[sflag:s0] =	ssyncadd.tile.s32 @!p0 $0x1;
	_ =	shalt  }
.Lfunc_end2:
_tile_overlayer_lowered:
.L_overlay_start_2:
0x5d7: {  	(tag) =	ssettag $0x2  }
0x5d8: {  	s0 =	rddreg [dreg:$0x0];
	s2 =	stileid.u32  }
0x5d9: {  	s1 =	rddreg [dreg:$0x1];
	p0 =	sne.s32 s2, $0x0  }
0x5da: {  	s3 =	rddreg [dreg:$0x2];
	[bflag:$0x3] =	sbarrier.arrive $0xFFFF;
	s2 =	simm.s32 @!p0 $0x1C05  }
0x5db: {  	[timem:s3], [sflag:s2] =	dma.local @!p0 [hbm:s0], s1  }
0x5dc: {  	s0 =	simm.s32 @!p0 $0x5  }
0x5dd: {  	_ =	swait.ge @!p0 [sflag:s0], s1  }
0x5de: {  	s1 =	ssub.s32 @!p0 $0x0, s1;
	[sflag:s0] =	ssyncset.done @!p0 $0x0  }
0x5df: {  	[sflag:s0] =	ssyncadd.s32 @!p0 s1  }
0x5e0: {  	[bflag:$0x3] =	sbarrier.arrive $0xFFFF  }
0x5e1: {  	_ =	shalt  }

</sc_bundles>
